<compile_context>
chip_gen: v7x
topology: tpu7x:2x2x1
jax: 0.10.2.dev20260603
libtpu: 0.0.44.dev20260713+nightly
codegen_flags: <defaults>
</compile_context>

<pallas_src>
import numpy as np
import jax
import jax.numpy as jnp
from jax import lax
from jax.experimental import pallas as pl
from jax.experimental.pallas import tpu as pltpu
from jax.experimental.pallas import tpu_sc as plsc

_B = 1024
_L = 200
_D = 64
_NC = 2
_NS = 16
_NW = _NC * _NS
_BPW = _B // _NW
_RPW = _B * _L // _NW
_CH = _L
_NCHUNK = _BPW
_SEGBASE = 3 * _L


def _sinusoid_pe(n, d):
    position = np.arange(n, dtype=np.float32)[:, None]
    div_term = np.exp(np.arange(0, d, 2, dtype=np.float32) * -(np.log(10000.0) / d))
    pe = np.zeros((n, d), dtype=np.float32)
    pe[:, 0::2] = np.sin(position * div_term)
    pe[:, 1::2] = np.cos(position * div_term)
    return pe


_PE = _sinusoid_pe(_L, _D)


_TOKBASE = _SEGBASE + 3
_SEQC = 4
_SEQH = _SEQC * _CH


def _body(seq_hbm, tok_hbm, seg_hbm, pe_hbm, out1_hbm, out2_hbm,
          comb_v, seq_v, st1_v, st2_v, sem1, sem2):
    sid = lax.axis_index("s")
    cid = lax.axis_index("c")
    wid = sid * _NC + cid
    base = wid * _RPW

    pltpu.sync_copy(tok_hbm, comb_v.at[pl.ds(_TOKBASE, 3)])
    pltpu.sync_copy(seg_hbm, comb_v.at[pl.ds(_SEGBASE, 3)])
    pltpu.sync_copy(seq_hbm.at[pl.ds(base, _SEQH)], seq_v.at[pl.ds(0, _SEQH)])

    for s in range(3):
        pltpu.sync_copy(pe_hbm, comb_v.at[pl.ds(s * _L, _L)])

    @plsc.parallel_loop(0, _L)
    def _build(l):
        for s in range(3):
            for j in range(_D // 16):
                comb_v[s * _L + l, pl.ds(j * 16, 16)] = (
                    comb_v[s * _L + l, pl.ds(j * 16, 16)]
                    + comb_v[_TOKBASE + s, pl.ds(j * 16, 16)]
                )

    iot = lax.iota(jnp.int32, 16)

    def rows16(st_v, g, rowvec, nrows):
        def ldrow(u):
            r1 = rowvec[u]
            return [comb_v[r1, pl.ds(j * 16, 16)] for j in range(_D // 16)]

        def strow(u, a):
            i = g * 16 + u
            for j in range(_D // 16):
                st_v[i, pl.ds(j * 16, 16)] = a[j]

        prev = ldrow(0)
        for u in range(1, nrows):
            cur = ldrow(u)
            strow(u - 1, prev)
            prev = cur
        strow(nrows - 1, prev)

    def chunk(c, _):
        @pl.when(jnp.logical_and(c % _SEQC == 0, c > 0))
        def _reload():
            pltpu.sync_copy(seq_hbm.at[pl.ds(base + (c // _SEQC) * _SEQH, _SEQH)],
                            seq_v.at[pl.ds(0, _SEQH)])

        sbase = (c % _SEQC) * _CH
        b = wid * _BPW + c

        @pl.when(c > 0)
        def _w1():
            pltpu.make_async_copy(st1_v, out1_hbm.at[0], sem1).wait()

        @plsc.parallel_loop(0, 12)
        def _grp1(g):
            sv = seq_v[pl.ds(sbase + g * 16, 16)]
            rows16(st1_v, g, sv * _L + (g * 16 + iot), 16)

        sv = seq_v[pl.ds(sbase + 192, 16)]
        rows16(st1_v, 12, sv * _L + (192 + iot), 8)
        pltpu.async_copy(st1_v, out1_hbm.at[b], sem1)

        @pl.when(c > 0)
        def _w2():
            pltpu.make_async_copy(st2_v, out2_hbm.at[0], sem2).wait()

        @plsc.parallel_loop(0, 12)
        def _grp2(g):
            sv = seq_v[pl.ds(sbase + g * 16, 16)]
            rows16(st2_v, g, sv + _SEGBASE, 16)

        sv = seq_v[pl.ds(sbase + 192, 16)]
        rows16(st2_v, 12, sv + _SEGBASE, 8)
        pltpu.async_copy(st2_v, out2_hbm.at[b], sem2)
        return 0

    lax.fori_loop(0, _NCHUNK, chunk, 0)
    pltpu.make_async_copy(st1_v, out1_hbm.at[0], sem1).wait()
    pltpu.make_async_copy(st2_v, out2_hbm.at[0], sem2).wait()


@jax.jit
def _sc_embed(seqf, token_table, segment_table, pe):
    tok3 = lax.slice(token_table, (0, 0), (3, _D))
    mesh = plsc.VectorSubcoreMesh(core_axis_name="c", subcore_axis_name="s")
    f = pl.kernel(
        _body,
        out_type=(
            jax.ShapeDtypeStruct((_B, _L, _D), jnp.float32),
            jax.ShapeDtypeStruct((_B, _L, _D), jnp.float32),
        ),
        mesh=mesh,
        scratch_types=[
            pltpu.VMEM((3 * _L + 6, _D), jnp.float32),
            pltpu.VMEM((_SEQC * _CH + 8, ), jnp.int32),
            pltpu.VMEM((_L, _D), jnp.float32),
            pltpu.VMEM((_L, _D), jnp.float32),
            pltpu.SemaphoreType.DMA,
            pltpu.SemaphoreType.DMA,
        ],
    )
    return f(seqf, tok3, segment_table, pe)


def kernel(sequence, token_table, segment_table):
    seqf = sequence.reshape(-1)
    pe = jnp.asarray(_PE)
    return _sc_embed(seqf, token_table, segment_table, pe)

# --- scband reference (transcript-rebuilt; emitter-appended) ---
"""Pipeline reference for scband-bertembedding-37890201485908 (READ-ONLY COPY).

The authoritative reference and input builder live on the scoring server;
editing this copy changes nothing except your own understanding.
"""

import jax, jax.numpy as jnp
import numpy as np

VOCAB = 1000000
D = 64
B = 1024
L = 200


def make_pe(L, d):
    position = np.arange(L, dtype=np.float32)[:, None]
    div_term = np.exp(np.arange(0, d, 2, dtype=np.float32) * -(np.log(10000.0) / d))
    pe = np.zeros((L, d), dtype=np.float32)
    pe[:, 0::2] = np.sin(position * div_term)
    pe[:, 1::2] = np.cos(position * div_term)
    return jnp.asarray(pe)


def setup_inputs(seed: int = 0) -> dict:
    key = jax.random.key(seed)
    k1, k2, k3 = jax.random.split(key, 3)
    # NOTE: the module (faithfully reproducing the original code) feeds `sequence`
    # into SegmentEmbedding, which has only 3 rows (nn.Embedding(3, d)).
    # So indices must lie in [0, 3) for the op to be valid.
    sequence = jax.random.randint(k1, (B, L), 0, 3, dtype=jnp.int32)
    token_table = jax.random.normal(k2, (VOCAB, D), dtype=jnp.float32) * 0.02
    token_table = token_table.at[0].set(0.0)  # padding_idx=0
    segment_table = jax.random.normal(k3, (3, D), dtype=jnp.float32) * 0.02
    segment_table = segment_table.at[0].set(0.0)  # padding_idx=0
    return {"sequence": sequence, "token_table": token_table, "segment_table": segment_table}


def reference(sequence, token_table, segment_table):
    # TokenEmbedding: gather from large table
    tok = jnp.take(token_table, sequence, axis=0)  # [B, L, D]
    # PositionalEmbedding: fixed sinusoidal buffer, broadcast over batch.
    # Dropout is identity in eval mode.
    pe = make_pe(sequence.shape[1], token_table.shape[1])  # [L, D]
    # SegmentEmbedding: gather from 3-row table (module passes `sequence` here)
    seg = jnp.take(segment_table, sequence, axis=0)  # [B, L, D]
    return (tok + pe[None, :, :], seg)

if __name__ == "__main__":
    import jax
    _d = setup_inputs()
    print(jax.jit(kernel)(*tuple(_d.values())))

</pallas_src>

<mosaic_0001>
#map = affine_map<(d0, d1) -> (0)>
#map1 = affine_map<(d0, d1) -> (0, 0)>
#map2 = affine_map<(d0, d1) -> (0, 0, 0)>
module attributes {stable_mosaic.version = 14 : i64} {
  func.func @_body(%arg0: i32, %arg1: i32, %arg2: memref<204800xi32, #tpu.memory_space<hbm>>, %arg3: memref<3x64xf32, #tpu.memory_space<hbm>>, %arg4: memref<3x64xf32, #tpu.memory_space<hbm>>, %arg5: memref<200x64xf32, #tpu.memory_space<hbm>>, %arg6: memref<1024x200x64xf32, #tpu.memory_space<hbm>>, %arg7: memref<1024x200x64xf32, #tpu.memory_space<hbm>>, %arg8: memref<606x64xf32, #tpu.memory_space<vmem>>, %arg9: memref<808xi32, #tpu.memory_space<vmem>>, %arg10: memref<200x64xf32, #tpu.memory_space<vmem>>, %arg11: memref<200x64xf32, #tpu.memory_space<vmem>>, %arg12: memref<!tpu.dma_semaphore, #tpu.memory_space<semaphore_mem>>, %arg13: memref<!tpu.dma_semaphore, #tpu.memory_space<semaphore_mem>>) attributes {dimension_semantics = [#tpu.dimension_semantics<core_parallel>, #tpu.dimension_semantics<subcore_parallel>], iteration_bounds = array<i64: 2, 16>, scalar_prefetch = 0 : i64, scratch_operands = 6 : i64, tpu.core_type = #tpu.core_type<sc_vector_subcore>, window_params = [{transform_indices = #map}, {transform_indices = #map1}, {transform_indices = #map1}, {transform_indices = #map1}, {transform_indices = #map2}, {transform_indices = #map2}]} {
    %mul3A = arith.constant 2 : i32
    %mul3A_0 = arith.muli %arg1, %mul3A : i32
    %add3A = arith.addi %mul3A_0, %arg0 : i32
    %mul3A_1 = arith.constant 6400 : i32
    %mul3A_2 = arith.muli %add3A, %mul3A_1 : i32
    "tpu.region"() ({
      %run_scoped3A = tpu.sem_alloc : memref<!tpu.dma_semaphore, #tpu.memory_space<semaphore_mem>>
      %dma_start3A = arith.constant 603 : i32
      %dma_start3A_28 = arith.constant 0 : i32
      %dma_start3A_29 = tpu.memref_slice %arg8[%dma_start3A, %dma_start3A_28] : memref<606x64xf32, #tpu.memory_space<vmem>> -> memref<3x64xf32, #tpu.memory_space<vmem>>
      %dma_start3A_30 = arith.constant 603 : i32
      %dma_start3A_31 = arith.constant 0 : i32
      %dma_start3A_32 = tpu.memref_slice %arg8[%dma_start3A_30, %dma_start3A_31] : memref<606x64xf32, #tpu.memory_space<vmem>> -> memref<3x64xf32, #tpu.memory_space<vmem>>
      tpu.enqueue_dma source(%arg3 : memref<3x64xf32, #tpu.memory_space<hbm>>) target(%dma_start3A_32 : memref<3x64xf32, #tpu.memory_space<vmem>>) target_semaphore(%run_scoped3A : memref<!tpu.dma_semaphore, #tpu.memory_space<semaphore_mem>>)
      %dma_wait3A_33 = arith.constant 603 : i32
      %dma_wait3A_34 = arith.constant 0 : i32
      %dma_wait3A_35 = tpu.memref_slice %arg8[%dma_wait3A_33, %dma_wait3A_34] : memref<606x64xf32, #tpu.memory_space<vmem>> -> memref<3x64xf32, #tpu.memory_space<vmem>>
      %dma_wait3A_36 = arith.constant 603 : i32
      %dma_wait3A_37 = arith.constant 0 : i32
      %dma_wait3A_38 = tpu.memref_slice %arg8[%dma_wait3A_36, %dma_wait3A_37] : memref<606x64xf32, #tpu.memory_space<vmem>> -> memref<3x64xf32, #tpu.memory_space<vmem>>
      tpu.wait_dma2 semaphore(%run_scoped3A : memref<!tpu.dma_semaphore, #tpu.memory_space<semaphore_mem>>) src(%arg3 : memref<3x64xf32, #tpu.memory_space<hbm>>) dst(%dma_wait3A_38 : memref<3x64xf32, #tpu.memory_space<vmem>>)
      tpu.yield
    }) : () -> ()
    "tpu.region"() ({
      %run_scoped3A = tpu.sem_alloc : memref<!tpu.dma_semaphore, #tpu.memory_space<semaphore_mem>>
      %dma_start3A = arith.constant 600 : i32
      %dma_start3A_28 = arith.constant 0 : i32
      %dma_start3A_29 = tpu.memref_slice %arg8[%dma_start3A, %dma_start3A_28] : memref<606x64xf32, #tpu.memory_space<vmem>> -> memref<3x64xf32, #tpu.memory_space<vmem>>
      %dma_start3A_30 = arith.constant 600 : i32
      %dma_start3A_31 = arith.constant 0 : i32
      %dma_start3A_32 = tpu.memref_slice %arg8[%dma_start3A_30, %dma_start3A_31] : memref<606x64xf32, #tpu.memory_space<vmem>> -> memref<3x64xf32, #tpu.memory_space<vmem>>
      tpu.enqueue_dma source(%arg4 : memref<3x64xf32, #tpu.memory_space<hbm>>) target(%dma_start3A_32 : memref<3x64xf32, #tpu.memory_space<vmem>>) target_semaphore(%run_scoped3A : memref<!tpu.dma_semaphore, #tpu.memory_space<semaphore_mem>>)
      %dma_wait3A_33 = arith.constant 600 : i32
      %dma_wait3A_34 = arith.constant 0 : i32
      %dma_wait3A_35 = tpu.memref_slice %arg8[%dma_wait3A_33, %dma_wait3A_34] : memref<606x64xf32, #tpu.memory_space<vmem>> -> memref<3x64xf32, #tpu.memory_space<vmem>>
      %dma_wait3A_36 = arith.constant 600 : i32
      %dma_wait3A_37 = arith.constant 0 : i32
      %dma_wait3A_38 = tpu.memref_slice %arg8[%dma_wait3A_36, %dma_wait3A_37] : memref<606x64xf32, #tpu.memory_space<vmem>> -> memref<3x64xf32, #tpu.memory_space<vmem>>
      tpu.wait_dma2 semaphore(%run_scoped3A : memref<!tpu.dma_semaphore, #tpu.memory_space<semaphore_mem>>) src(%arg4 : memref<3x64xf32, #tpu.memory_space<hbm>>) dst(%dma_wait3A_38 : memref<3x64xf32, #tpu.memory_space<vmem>>)
      tpu.yield
    }) : () -> ()
    "tpu.region"() ({
      %run_scoped3A = tpu.sem_alloc : memref<!tpu.dma_semaphore, #tpu.memory_space<semaphore_mem>>
      %dma_start3A = arith.constant 0 : i32
      %dma_start3A_28 = tpu.memref_slice %arg9[%dma_start3A] : memref<808xi32, #tpu.memory_space<vmem>> -> memref<800xi32, #tpu.memory_space<vmem>>
      %dma_start3A_29 = tpu.memref_slice %arg2[%mul3A_2] : memref<204800xi32, #tpu.memory_space<hbm>> -> memref<800xi32, #tpu.memory_space<hbm>>
      %dma_start3A_30 = arith.constant 0 : i32
      %dma_start3A_31 = tpu.memref_slice %arg9[%dma_start3A_30] : memref<808xi32, #tpu.memory_space<vmem>> -> memref<800xi32, #tpu.memory_space<vmem>>
      %dma_start3A_32 = tpu.memref_slice %arg2[%mul3A_2] : memref<204800xi32, #tpu.memory_space<hbm>> -> memref<800xi32, #tpu.memory_space<hbm>>
      tpu.enqueue_dma source(%dma_start3A_32 : memref<800xi32, #tpu.memory_space<hbm>>) target(%dma_start3A_31 : memref<800xi32, #tpu.memory_space<vmem>>) target_semaphore(%run_scoped3A : memref<!tpu.dma_semaphore, #tpu.memory_space<semaphore_mem>>)
      %dma_wait3A_33 = arith.constant 0 : i32
      %dma_wait3A_34 = tpu.memref_slice %arg9[%dma_wait3A_33] : memref<808xi32, #tpu.memory_space<vmem>> -> memref<800xi32, #tpu.memory_space<vmem>>
      %dma_wait3A_35 = tpu.memref_slice %arg2[%mul3A_2] : memref<204800xi32, #tpu.memory_space<hbm>> -> memref<800xi32, #tpu.memory_space<hbm>>
      %dma_wait3A_36 = arith.constant 0 : i32
      %dma_wait3A_37 = tpu.memref_slice %arg9[%dma_wait3A_36] : memref<808xi32, #tpu.memory_space<vmem>> -> memref<800xi32, #tpu.memory_space<vmem>>
      %dma_wait3A_38 = tpu.memref_slice %arg2[%mul3A_2] : memref<204800xi32, #tpu.memory_space<hbm>> -> memref<800xi32, #tpu.memory_space<hbm>>
      tpu.wait_dma2 semaphore(%run_scoped3A : memref<!tpu.dma_semaphore, #tpu.memory_space<semaphore_mem>>) src(%dma_wait3A_38 : memref<800xi32, #tpu.memory_space<hbm>>) dst(%dma_wait3A_37 : memref<800xi32, #tpu.memory_space<vmem>>)
      tpu.yield
    }) : () -> ()
    "tpu.region"() ({
      %run_scoped3A = tpu.sem_alloc : memref<!tpu.dma_semaphore, #tpu.memory_space<semaphore_mem>>
      %dma_start3A = arith.constant 0 : i32
      %dma_start3A_28 = arith.constant 0 : i32
      %dma_start3A_29 = tpu.memref_slice %arg8[%dma_start3A, %dma_start3A_28] : memref<606x64xf32, #tpu.memory_space<vmem>> -> memref<200x64xf32, #tpu.memory_space<vmem>>
      %dma_start3A_30 = arith.constant 0 : i32
      %dma_start3A_31 = arith.constant 0 : i32
      %dma_start3A_32 = tpu.memref_slice %arg8[%dma_start3A_30, %dma_start3A_31] : memref<606x64xf32, #tpu.memory_space<vmem>> -> memref<200x64xf32, #tpu.memory_space<vmem>>
      tpu.enqueue_dma source(%arg5 : memref<200x64xf32, #tpu.memory_space<hbm>>) target(%dma_start3A_32 : memref<200x64xf32, #tpu.memory_space<vmem>>) target_semaphore(%run_scoped3A : memref<!tpu.dma_semaphore, #tpu.memory_space<semaphore_mem>>)
      %dma_wait3A_33 = arith.constant 0 : i32
      %dma_wait3A_34 = arith.constant 0 : i32
      %dma_wait3A_35 = tpu.memref_slice %arg8[%dma_wait3A_33, %dma_wait3A_34] : memref<606x64xf32, #tpu.memory_space<vmem>> -> memref<200x64xf32, #tpu.memory_space<vmem>>
      %dma_wait3A_36 = arith.constant 0 : i32
      %dma_wait3A_37 = arith.constant 0 : i32
      %dma_wait3A_38 = tpu.memref_slice %arg8[%dma_wait3A_36, %dma_wait3A_37] : memref<606x64xf32, #tpu.memory_space<vmem>> -> memref<200x64xf32, #tpu.memory_space<vmem>>
      tpu.wait_dma2 semaphore(%run_scoped3A : memref<!tpu.dma_semaphore, #tpu.memory_space<semaphore_mem>>) src(%arg5 : memref<200x64xf32, #tpu.memory_space<hbm>>) dst(%dma_wait3A_38 : memref<200x64xf32, #tpu.memory_space<vmem>>)
      tpu.yield
    }) : () -> ()
    "tpu.region"() ({
      %run_scoped3A = tpu.sem_alloc : memref<!tpu.dma_semaphore, #tpu.memory_space<semaphore_mem>>
      %dma_start3A = arith.constant 200 : i32
      %dma_start3A_28 = arith.constant 0 : i32
      %dma_start3A_29 = tpu.memref_slice %arg8[%dma_start3A, %dma_start3A_28] : memref<606x64xf32, #tpu.memory_space<vmem>> -> memref<200x64xf32, #tpu.memory_space<vmem>>
      %dma_start3A_30 = arith.constant 200 : i32
      %dma_start3A_31 = arith.constant 0 : i32
      %dma_start3A_32 = tpu.memref_slice %arg8[%dma_start3A_30, %dma_start3A_31] : memref<606x64xf32, #tpu.memory_space<vmem>> -> memref<200x64xf32, #tpu.memory_space<vmem>>
      tpu.enqueue_dma source(%arg5 : memref<200x64xf32, #tpu.memory_space<hbm>>) target(%dma_start3A_32 : memref<200x64xf32, #tpu.memory_space<vmem>>) target_semaphore(%run_scoped3A : memref<!tpu.dma_semaphore, #tpu.memory_space<semaphore_mem>>)
      %dma_wait3A_33 = arith.constant 200 : i32
      %dma_wait3A_34 = arith.constant 0 : i32
      %dma_wait3A_35 = tpu.memref_slice %arg8[%dma_wait3A_33, %dma_wait3A_34] : memref<606x64xf32, #tpu.memory_space<vmem>> -> memref<200x64xf32, #tpu.memory_space<vmem>>
      %dma_wait3A_36 = arith.constant 200 : i32
      %dma_wait3A_37 = arith.constant 0 : i32
      %dma_wait3A_38 = tpu.memref_slice %arg8[%dma_wait3A_36, %dma_wait3A_37] : memref<606x64xf32, #tpu.memory_space<vmem>> -> memref<200x64xf32, #tpu.memory_space<vmem>>
      tpu.wait_dma2 semaphore(%run_scoped3A : memref<!tpu.dma_semaphore, #tpu.memory_space<semaphore_mem>>) src(%arg5 : memref<200x64xf32, #tpu.memory_space<hbm>>) dst(%dma_wait3A_38 : memref<200x64xf32, #tpu.memory_space<vmem>>)
      tpu.yield
    }) : () -> ()
    "tpu.region"() ({
      %run_scoped3A = tpu.sem_alloc : memref<!tpu.dma_semaphore, #tpu.memory_space<semaphore_mem>>
      %dma_start3A = arith.constant 400 : i32
      %dma_start3A_28 = arith.constant 0 : i32
      %dma_start3A_29 = tpu.memref_slice %arg8[%dma_start3A, %dma_start3A_28] : memref<606x64xf32, #tpu.memory_space<vmem>> -> memref<200x64xf32, #tpu.memory_space<vmem>>
      %dma_start3A_30 = arith.constant 400 : i32
      %dma_start3A_31 = arith.constant 0 : i32
      %dma_start3A_32 = tpu.memref_slice %arg8[%dma_start3A_30, %dma_start3A_31] : memref<606x64xf32, #tpu.memory_space<vmem>> -> memref<200x64xf32, #tpu.memory_space<vmem>>
      tpu.enqueue_dma source(%arg5 : memref<200x64xf32, #tpu.memory_space<hbm>>) target(%dma_start3A_32 : memref<200x64xf32, #tpu.memory_space<vmem>>) target_semaphore(%run_scoped3A : memref<!tpu.dma_semaphore, #tpu.memory_space<semaphore_mem>>)
      %dma_wait3A_33 = arith.constant 400 : i32
      %dma_wait3A_34 = arith.constant 0 : i32
      %dma_wait3A_35 = tpu.memref_slice %arg8[%dma_wait3A_33, %dma_wait3A_34] : memref<606x64xf32, #tpu.memory_space<vmem>> -> memref<200x64xf32, #tpu.memory_space<vmem>>
      %dma_wait3A_36 = arith.constant 400 : i32
      %dma_wait3A_37 = arith.constant 0 : i32
      %dma_wait3A_38 = tpu.memref_slice %arg8[%dma_wait3A_36, %dma_wait3A_37] : memref<606x64xf32, #tpu.memory_space<vmem>> -> memref<200x64xf32, #tpu.memory_space<vmem>>
      tpu.wait_dma2 semaphore(%run_scoped3A : memref<!tpu.dma_semaphore, #tpu.memory_space<semaphore_mem>>) src(%arg5 : memref<200x64xf32, #tpu.memory_space<hbm>>) dst(%dma_wait3A_38 : memref<200x64xf32, #tpu.memory_space<vmem>>)
      tpu.yield
    }) : () -> ()
    %parallel_loop3A = arith.constant 0 : i32
    %parallel_loop3A_3 = arith.constant 200 : i32
    %parallel_loop3A_4 = arith.constant 1 : i32
    scf.for %parallel_loop3A_28 = %parallel_loop3A to %parallel_loop3A_3 step %parallel_loop3A_4  : i32 {
      %parallel_loop3A_29 = arith.constant 0 : i32
      %parallel_loop3A_30 = arith.addi %parallel_loop3A_29, %parallel_loop3A_28 : i32
      %parallel_loop3A_31 = arith.index_cast %parallel_loop3A_30 : i32 to index
      %parallel_loop3A_32 = arith.constant 0 : index
      %parallel_loop3A_33 = tpu.vector_load %arg8[%parallel_loop3A_31, %parallel_loop3A_32] {strides = array<i32>} : memref<606x64xf32, #tpu.memory_space<vmem>>, vector<1x16xf32>,
      %parallel_loop3A_34 = vector.shape_cast %parallel_loop3A_33 : vector<1x16xf32> to vector<16xf32>
      %parallel_loop3A_35 = arith.constant 603 : i32
      %parallel_loop3A_36 = arith.index_cast %parallel_loop3A_35 : i32 to index
      %parallel_loop3A_37 = arith.constant 0 : index
      %parallel_loop3A_38 = tpu.vector_load %arg8[%parallel_loop3A_36, %parallel_loop3A_37] {strides = array<i32>} : memref<606x64xf32, #tpu.memory_space<vmem>>, vector<1x16xf32>,
      %parallel_loop3A_39 = vector.shape_cast %parallel_loop3A_38 : vector<1x16xf32> to vector<16xf32>
      %parallel_loop3A_40 = arith.addf %parallel_loop3A_34, %parallel_loop3A_39 : vector<16xf32>
      %parallel_loop3A_41 = arith.constant 0 : i32
      %parallel_loop3A_42 = arith.addi %parallel_loop3A_41, %parallel_loop3A_28 : i32
      %parallel_loop3A_43 = arith.index_cast %parallel_loop3A_42 : i32 to index
      %parallel_loop3A_44 = arith.constant 0 : index
      %parallel_loop3A_45 = tpu.vector_load %arg8[%parallel_loop3A_43, %parallel_loop3A_44] {strides = array<i32>} : memref<606x64xf32, #tpu.memory_space<vmem>>, vector<1x16xf32>,
      %parallel_loop3A_46 = vector.shape_cast %parallel_loop3A_45 : vector<1x16xf32> to vector<16xf32>
      %parallel_loop3A_47 = vector.shape_cast %parallel_loop3A_40 : vector<16xf32> to vector<1x16xf32>
      tpu.vector_store %arg8[%parallel_loop3A_43, %parallel_loop3A_44], %parallel_loop3A_47 {strides = array<i32>} : memref<606x64xf32, #tpu.memory_space<vmem>>, vector<1x16xf32>,
      %parallel_loop3A_48 = arith.constant 0 : i32
      %parallel_loop3A_49 = arith.addi %parallel_loop3A_48, %parallel_loop3A_28 : i32
      %parallel_loop3A_50 = arith.index_cast %parallel_loop3A_49 : i32 to index
      %parallel_loop3A_51 = arith.constant 16 : index
      %parallel_loop3A_52 = tpu.vector_load %arg8[%parallel_loop3A_50, %parallel_loop3A_51] {strides = array<i32>} : memref<606x64xf32, #tpu.memory_space<vmem>>, vector<1x16xf32>,
      %parallel_loop3A_53 = vector.shape_cast %parallel_loop3A_52 : vector<1x16xf32> to vector<16xf32>
      %parallel_loop3A_54 = arith.constant 603 : i32
      %parallel_loop3A_55 = arith.index_cast %parallel_loop3A_54 : i32 to index
      %parallel_loop3A_56 = arith.constant 16 : index
      %parallel_loop3A_57 = tpu.vector_load %arg8[%parallel_loop3A_55, %parallel_loop3A_56] {strides = array<i32>} : memref<606x64xf32, #tpu.memory_space<vmem>>, vector<1x16xf32>,
      %parallel_loop3A_58 = vector.shape_cast %parallel_loop3A_57 : vector<1x16xf32> to vector<16xf32>
      %parallel_loop3A_59 = arith.addf %parallel_loop3A_53, %parallel_loop3A_58 : vector<16xf32>
      %parallel_loop3A_60 = arith.constant 0 : i32
      %parallel_loop3A_61 = arith.addi %parallel_loop3A_60, %parallel_loop3A_28 : i32
      %parallel_loop3A_62 = arith.index_cast %parallel_loop3A_61 : i32 to index
      %parallel_loop3A_63 = arith.constant 16 : index
      %parallel_loop3A_64 = tpu.vector_load %arg8[%parallel_loop3A_62, %parallel_loop3A_63] {strides = array<i32>} : memref<606x64xf32, #tpu.memory_space<vmem>>, vector<1x16xf32>,
      %parallel_loop3A_65 = vector.shape_cast %parallel_loop3A_64 : vector<1x16xf32> to vector<16xf32>
      %parallel_loop3A_66 = vector.shape_cast %parallel_loop3A_59 : vector<16xf32> to vector<1x16xf32>
      tpu.vector_store %arg8[%parallel_loop3A_62, %parallel_loop3A_63], %parallel_loop3A_66 {strides = array<i32>} : memref<606x64xf32, #tpu.memory_space<vmem>>, vector<1x16xf32>,
      %parallel_loop3A_67 = arith.constant 0 : i32
      %parallel_loop3A_68 = arith.addi %parallel_loop3A_67, %parallel_loop3A_28 : i32
      %parallel_loop3A_69 = arith.index_cast %parallel_loop3A_68 : i32 to index
      %parallel_loop3A_70 = arith.constant 32 : index
      %parallel_loop3A_71 = tpu.vector_load %arg8[%parallel_loop3A_69, %parallel_loop3A_70] {strides = array<i32>} : memref<606x64xf32, #tpu.memory_space<vmem>>, vector<1x16xf32>,
      %parallel_loop3A_72 = vector.shape_cast %parallel_loop3A_71 : vector<1x16xf32> to vector<16xf32>
      %parallel_loop3A_73 = arith.constant 603 : i32
      %parallel_loop3A_74 = arith.index_cast %parallel_loop3A_73 : i32 to index
      %parallel_loop3A_75 = arith.constant 32 : index
      %parallel_loop3A_76 = tpu.vector_load %arg8[%parallel_loop3A_74, %parallel_loop3A_75] {strides = array<i32>} : memref<606x64xf32, #tpu.memory_space<vmem>>, vector<1x16xf32>,
      %parallel_loop3A_77 = vector.shape_cast %parallel_loop3A_76 : vector<1x16xf32> to vector<16xf32>
      %parallel_loop3A_78 = arith.addf %parallel_loop3A_72, %parallel_loop3A_77 : vector<16xf32>
      %parallel_loop3A_79 = arith.constant 0 : i32
      %parallel_loop3A_80 = arith.addi %parallel_loop3A_79, %parallel_loop3A_28 : i32
      %parallel_loop3A_81 = arith.index_cast %parallel_loop3A_80 : i32 to index
      %parallel_loop3A_82 = arith.constant 32 : index
      %parallel_loop3A_83 = tpu.vector_load %arg8[%parallel_loop3A_81, %parallel_loop3A_82] {strides = array<i32>} : memref<606x64xf32, #tpu.memory_space<vmem>>, vector<1x16xf32>,
      %parallel_loop3A_84 = vector.shape_cast %parallel_loop3A_83 : vector<1x16xf32> to vector<16xf32>
      %parallel_loop3A_85 = vector.shape_cast %parallel_loop3A_78 : vector<16xf32> to vector<1x16xf32>
      tpu.vector_store %arg8[%parallel_loop3A_81, %parallel_loop3A_82], %parallel_loop3A_85 {strides = array<i32>} : memref<606x64xf32, #tpu.memory_space<vmem>>, vector<1x16xf32>,
      %parallel_loop3A_86 = arith.constant 0 : i32
      %parallel_loop3A_87 = arith.addi %parallel_loop3A_86, %parallel_loop3A_28 : i32
      %parallel_loop3A_88 = arith.index_cast %parallel_loop3A_87 : i32 to index
      %parallel_loop3A_89 = arith.constant 48 : index
      %parallel_loop3A_90 = tpu.vector_load %arg8[%parallel_loop3A_88, %parallel_loop3A_89] {strides = array<i32>} : memref<606x64xf32, #tpu.memory_space<vmem>>, vector<1x16xf32>,
      %parallel_loop3A_91 = vector.shape_cast %parallel_loop3A_90 : vector<1x16xf32> to vector<16xf32>
      %parallel_loop3A_92 = arith.constant 603 : i32
      %parallel_loop3A_93 = arith.index_cast %parallel_loop3A_92 : i32 to index
      %parallel_loop3A_94 = arith.constant 48 : index
      %parallel_loop3A_95 = tpu.vector_load %arg8[%parallel_loop3A_93, %parallel_loop3A_94] {strides = array<i32>} : memref<606x64xf32, #tpu.memory_space<vmem>>, vector<1x16xf32>,
      %parallel_loop3A_96 = vector.shape_cast %parallel_loop3A_95 : vector<1x16xf32> to vector<16xf32>
      %parallel_loop3A_97 = arith.addf %parallel_loop3A_91, %parallel_loop3A_96 : vector<16xf32>
      %parallel_loop3A_98 = arith.constant 0 : i32
      %parallel_loop3A_99 = arith.addi %parallel_loop3A_98, %parallel_loop3A_28 : i32
      %parallel_loop3A_100 = arith.index_cast %parallel_loop3A_99 : i32 to index
      %parallel_loop3A_101 = arith.constant 48 : index
      %parallel_loop3A_102 = tpu.vector_load %arg8[%parallel_loop3A_100, %parallel_loop3A_101] {strides = array<i32>} : memref<606x64xf32, #tpu.memory_space<vmem>>, vector<1x16xf32>,
      %parallel_loop3A_103 = vector.shape_cast %parallel_loop3A_102 : vector<1x16xf32> to vector<16xf32>
      %parallel_loop3A_104 = vector.shape_cast %parallel_loop3A_97 : vector<16xf32> to vector<1x16xf32>
      tpu.vector_store %arg8[%parallel_loop3A_100, %parallel_loop3A_101], %parallel_loop3A_104 {strides = array<i32>} : memref<606x64xf32, #tpu.memory_space<vmem>>, vector<1x16xf32>,
      %parallel_loop3A_105 = arith.constant 200 : i32
      %parallel_loop3A_106 = arith.addi %parallel_loop3A_105, %parallel_loop3A_28 : i32
      %parallel_loop3A_107 = arith.index_cast %parallel_loop3A_106 : i32 to index
      %parallel_loop3A_108 = arith.constant 0 : index
      %parallel_loop3A_109 = tpu.vector_load %arg8[%parallel_loop3A_107, %parallel_loop3A_108] {strides = array<i32>} : memref<606x64xf32, #tpu.memory_space<vmem>>, vector<1x16xf32>,
      %parallel_loop3A_110 = vector.shape_cast %parallel_loop3A_109 : vector<1x16xf32> to vector<16xf32>
      %parallel_loop3A_111 = arith.constant 604 : i32
      %parallel_loop3A_112 = arith.index_cast %parallel_loop3A_111 : i32 to index
      %parallel_loop3A_113 = arith.constant 0 : index
      %parallel_loop3A_114 = tpu.vector_load %arg8[%parallel_loop3A_112, %parallel_loop3A_113] {strides = array<i32>} : memref<606x64xf32, #tpu.memory_space<vmem>>, vector<1x16xf32>,
      %parallel_loop3A_115 = vector.shape_cast %parallel_loop3A_114 : vector<1x16xf32> to vector<16xf32>
      %parallel_loop3A_116 = arith.addf %parallel_loop3A_110, %parallel_loop3A_115 : vector<16xf32>
      %parallel_loop3A_117 = arith.constant 200 : i32
      %parallel_loop3A_118 = arith.addi %parallel_loop3A_117, %parallel_loop3A_28 : i32
      %parallel_loop3A_119 = arith.index_cast %parallel_loop3A_118 : i32 to index
      %parallel_loop3A_120 = arith.constant 0 : index
      %parallel_loop3A_121 = tpu.vector_load %arg8[%parallel_loop3A_119, %parallel_loop3A_120] {strides = array<i32>} : memref<606x64xf32, #tpu.memory_space<vmem>>, vector<1x16xf32>,
      %parallel_loop3A_122 = vector.shape_cast %parallel_loop3A_121 : vector<1x16xf32> to vector<16xf32>
      %parallel_loop3A_123 = vector.shape_cast %parallel_loop3A_116 : vector<16xf32> to vector<1x16xf32>
      tpu.vector_store %arg8[%parallel_loop3A_119, %parallel_loop3A_120], %parallel_loop3A_123 {strides = array<i32>} : memref<606x64xf32, #tpu.memory_space<vmem>>, vector<1x16xf32>,
      %parallel_loop3A_124 = arith.constant 200 : i32
      %parallel_loop3A_125 = arith.addi %parallel_loop3A_124, %parallel_loop3A_28 : i32
      %parallel_loop3A_126 = arith.index_cast %parallel_loop3A_125 : i32 to index
      %parallel_loop3A_127 = arith.constant 16 : index
      %parallel_loop3A_128 = tpu.vector_load %arg8[%parallel_loop3A_126, %parallel_loop3A_127] {strides = array<i32>} : memref<606x64xf32, #tpu.memory_space<vmem>>, vector<1x16xf32>,
      %parallel_loop3A_129 = vector.shape_cast %parallel_loop3A_128 : vector<1x16xf32> to vector<16xf32>
      %parallel_loop3A_130 = arith.constant 604 : i32
      %parallel_loop3A_131 = arith.index_cast %parallel_loop3A_130 : i32 to index
      %parallel_loop3A_132 = arith.constant 16 : index
      %parallel_loop3A_133 = tpu.vector_load %arg8[%parallel_loop3A_131, %parallel_loop3A_132] {strides = array<i32>} : memref<606x64xf32, #tpu.memory_space<vmem>>, vector<1x16xf32>,
      %parallel_loop3A_134 = vector.shape_cast %parallel_loop3A_133 : vector<1x16xf32> to vector<16xf32>
      %parallel_loop3A_135 = arith.addf %parallel_loop3A_129, %parallel_loop3A_134 : vector<16xf32>
      %parallel_loop3A_136 = arith.constant 200 : i32
      %parallel_loop3A_137 = arith.addi %parallel_loop3A_136, %parallel_loop3A_28 : i32
      %parallel_loop3A_138 = arith.index_cast %parallel_loop3A_137 : i32 to index
      %parallel_loop3A_139 = arith.constant 16 : index
      %parallel_loop3A_140 = tpu.vector_load %arg8[%parallel_loop3A_138, %parallel_loop3A_139] {strides = array<i32>} : memref<606x64xf32, #tpu.memory_space<vmem>>, vector<1x16xf32>,
      %parallel_loop3A_141 = vector.shape_cast %parallel_loop3A_140 : vector<1x16xf32> to vector<16xf32>
      %parallel_loop3A_142 = vector.shape_cast %parallel_loop3A_135 : vector<16xf32> to vector<1x16xf32>
      tpu.vector_store %arg8[%parallel_loop3A_138, %parallel_loop3A_139], %parallel_loop3A_142 {strides = array<i32>} : memref<606x64xf32, #tpu.memory_space<vmem>>, vector<1x16xf32>,
      %parallel_loop3A_143 = arith.constant 200 : i32
      %parallel_loop3A_144 = arith.addi %parallel_loop3A_143, %parallel_loop3A_28 : i32
      %parallel_loop3A_145 = arith.index_cast %parallel_loop3A_144 : i32 to index
      %parallel_loop3A_146 = arith.constant 32 : index
      %parallel_loop3A_147 = tpu.vector_load %arg8[%parallel_loop3A_145, %parallel_loop3A_146] {strides = array<i32>} : memref<606x64xf32, #tpu.memory_space<vmem>>, vector<1x16xf32>,
      %parallel_loop3A_148 = vector.shape_cast %parallel_loop3A_147 : vector<1x16xf32> to vector<16xf32>
      %parallel_loop3A_149 = arith.constant 604 : i32
      %parallel_loop3A_150 = arith.index_cast %parallel_loop3A_149 : i32 to index
      %parallel_loop3A_151 = arith.constant 32 : index
      %parallel_loop3A_152 = tpu.vector_load %arg8[%parallel_loop3A_150, %parallel_loop3A_151] {strides = array<i32>} : memref<606x64xf32, #tpu.memory_space<vmem>>, vector<1x16xf32>,
      %parallel_loop3A_153 = vector.shape_cast %parallel_loop3A_152 : vector<1x16xf32> to vector<16xf32>
      %parallel_loop3A_154 = arith.addf %parallel_loop3A_148, %parallel_loop3A_153 : vector<16xf32>
      %parallel_loop3A_155 = arith.constant 200 : i32
      %parallel_loop3A_156 = arith.addi %parallel_loop3A_155, %parallel_loop3A_28 : i32
      %parallel_loop3A_157 = arith.index_cast %parallel_loop3A_156 : i32 to index
      %parallel_loop3A_158 = arith.constant 32 : index
      %parallel_loop3A_159 = tpu.vector_load %arg8[%parallel_loop3A_157, %parallel_loop3A_158] {strides = array<i32>} : memref<606x64xf32, #tpu.memory_space<vmem>>, vector<1x16xf32>,
      %parallel_loop3A_160 = vector.shape_cast %parallel_loop3A_159 : vector<1x16xf32> to vector<16xf32>
      %parallel_loop3A_161 = vector.shape_cast %parallel_loop3A_154 : vector<16xf32> to vector<1x16xf32>
      tpu.vector_store %arg8[%parallel_loop3A_157, %parallel_loop3A_158], %parallel_loop3A_161 {strides = array<i32>} : memref<606x64xf32, #tpu.memory_space<vmem>>, vector<1x16xf32>,
      %parallel_loop3A_162 = arith.constant 200 : i32
      %parallel_loop3A_163 = arith.addi %parallel_loop3A_162, %parallel_loop3A_28 : i32
      %parallel_loop3A_164 = arith.index_cast %parallel_loop3A_163 : i32 to index
      %parallel_loop3A_165 = arith.constant 48 : index
      %parallel_loop3A_166 = tpu.vector_load %arg8[%parallel_loop3A_164, %parallel_loop3A_165] {strides = array<i32>} : memref<606x64xf32, #tpu.memory_space<vmem>>, vector<1x16xf32>,
      %parallel_loop3A_167 = vector.shape_cast %parallel_loop3A_166 : vector<1x16xf32> to vector<16xf32>
      %parallel_loop3A_168 = arith.constant 604 : i32
      %parallel_loop3A_169 = arith.index_cast %parallel_loop3A_168 : i32 to index
      %parallel_loop3A_170 = arith.constant 48 : index
      %parallel_loop3A_171 = tpu.vector_load %arg8[%parallel_loop3A_169, %parallel_loop3A_170] {strides = array<i32>} : memref<606x64xf32, #tpu.memory_space<vmem>>, vector<1x16xf32>,
      %parallel_loop3A_172 = vector.shape_cast %parallel_loop3A_171 : vector<1x16xf32> to vector<16xf32>
      %parallel_loop3A_173 = arith.addf %parallel_loop3A_167, %parallel_loop3A_172 : vector<16xf32>
      %parallel_loop3A_174 = arith.constant 200 : i32
      %parallel_loop3A_175 = arith.addi %parallel_loop3A_174, %parallel_loop3A_28 : i32
      %parallel_loop3A_176 = arith.index_cast %parallel_loop3A_175 : i32 to index
      %parallel_loop3A_177 = arith.constant 48 : index
      %parallel_loop3A_178 = tpu.vector_load %arg8[%parallel_loop3A_176, %parallel_loop3A_177] {strides = array<i32>} : memref<606x64xf32, #tpu.memory_space<vmem>>, vector<1x16xf32>,
      %parallel_loop3A_179 = vector.shape_cast %parallel_loop3A_178 : vector<1x16xf32> to vector<16xf32>
      %parallel_loop3A_180 = vector.shape_cast %parallel_loop3A_173 : vector<16xf32> to vector<1x16xf32>
      tpu.vector_store %arg8[%parallel_loop3A_176, %parallel_loop3A_177], %parallel_loop3A_180 {strides = array<i32>} : memref<606x64xf32, #tpu.memory_space<vmem>>, vector<1x16xf32>,
      %parallel_loop3A_181 = arith.constant 400 : i32
      %parallel_loop3A_182 = arith.addi %parallel_loop3A_181, %parallel_loop3A_28 : i32
      %parallel_loop3A_183 = arith.index_cast %parallel_loop3A_182 : i32 to index
      %parallel_loop3A_184 = arith.constant 0 : index
      %parallel_loop3A_185 = tpu.vector_load %arg8[%parallel_loop3A_183, %parallel_loop3A_184] {strides = array<i32>} : memref<606x64xf32, #tpu.memory_space<vmem>>, vector<1x16xf32>,
      %parallel_loop3A_186 = vector.shape_cast %parallel_loop3A_185 : vector<1x16xf32> to vector<16xf32>
      %parallel_loop3A_187 = arith.constant 605 : i32
      %parallel_loop3A_188 = arith.index_cast %parallel_loop3A_187 : i32 to index
      %parallel_loop3A_189 = arith.constant 0 : index
      %parallel_loop3A_190 = tpu.vector_load %arg8[%parallel_loop3A_188, %parallel_loop3A_189] {strides = array<i32>} : memref<606x64xf32, #tpu.memory_space<vmem>>, vector<1x16xf32>,
      %parallel_loop3A_191 = vector.shape_cast %parallel_loop3A_190 : vector<1x16xf32> to vector<16xf32>
      %parallel_loop3A_192 = arith.addf %parallel_loop3A_186, %parallel_loop3A_191 : vector<16xf32>
      %parallel_loop3A_193 = arith.constant 400 : i32
      %parallel_loop3A_194 = arith.addi %parallel_loop3A_193, %parallel_loop3A_28 : i32
      %parallel_loop3A_195 = arith.index_cast %parallel_loop3A_194 : i32 to index
      %parallel_loop3A_196 = arith.constant 0 : index
      %parallel_loop3A_197 = tpu.vector_load %arg8[%parallel_loop3A_195, %parallel_loop3A_196] {strides = array<i32>} : memref<606x64xf32, #tpu.memory_space<vmem>>, vector<1x16xf32>,
      %parallel_loop3A_198 = vector.shape_cast %parallel_loop3A_197 : vector<1x16xf32> to vector<16xf32>
      %parallel_loop3A_199 = vector.shape_cast %parallel_loop3A_192 : vector<16xf32> to vector<1x16xf32>
      tpu.vector_store %arg8[%parallel_loop3A_195, %parallel_loop3A_196], %parallel_loop3A_199 {strides = array<i32>} : memref<606x64xf32, #tpu.memory_space<vmem>>, vector<1x16xf32>,
      %parallel_loop3A_200 = arith.constant 400 : i32
      %parallel_loop3A_201 = arith.addi %parallel_loop3A_200, %parallel_loop3A_28 : i32
      %parallel_loop3A_202 = arith.index_cast %parallel_loop3A_201 : i32 to index
      %parallel_loop3A_203 = arith.constant 16 : index
      %parallel_loop3A_204 = tpu.vector_load %arg8[%parallel_loop3A_202, %parallel_loop3A_203] {strides = array<i32>} : memref<606x64xf32, #tpu.memory_space<vmem>>, vector<1x16xf32>,
      %parallel_loop3A_205 = vector.shape_cast %parallel_loop3A_204 : vector<1x16xf32> to vector<16xf32>
      %parallel_loop3A_206 = arith.constant 605 : i32
      %parallel_loop3A_207 = arith.index_cast %parallel_loop3A_206 : i32 to index
      %parallel_loop3A_208 = arith.constant 16 : index
      %parallel_loop3A_209 = tpu.vector_load %arg8[%parallel_loop3A_207, %parallel_loop3A_208] {strides = array<i32>} : memref<606x64xf32, #tpu.memory_space<vmem>>, vector<1x16xf32>,
      %parallel_loop3A_210 = vector.shape_cast %parallel_loop3A_209 : vector<1x16xf32> to vector<16xf32>
      %parallel_loop3A_211 = arith.addf %parallel_loop3A_205, %parallel_loop3A_210 : vector<16xf32>
      %parallel_loop3A_212 = arith.constant 400 : i32
      %parallel_loop3A_213 = arith.addi %parallel_loop3A_212, %parallel_loop3A_28 : i32
      %parallel_loop3A_214 = arith.index_cast %parallel_loop3A_213 : i32 to index
      %parallel_loop3A_215 = arith.constant 16 : index
      %parallel_loop3A_216 = tpu.vector_load %arg8[%parallel_loop3A_214, %parallel_loop3A_215] {strides = array<i32>} : memref<606x64xf32, #tpu.memory_space<vmem>>, vector<1x16xf32>,
      %parallel_loop3A_217 = vector.shape_cast %parallel_loop3A_216 : vector<1x16xf32> to vector<16xf32>
      %parallel_loop3A_218 = vector.shape_cast %parallel_loop3A_211 : vector<16xf32> to vector<1x16xf32>
      tpu.vector_store %arg8[%parallel_loop3A_214, %parallel_loop3A_215], %parallel_loop3A_218 {strides = array<i32>} : memref<606x64xf32, #tpu.memory_space<vmem>>, vector<1x16xf32>,
      %parallel_loop3A_219 = arith.constant 400 : i32
      %parallel_loop3A_220 = arith.addi %parallel_loop3A_219, %parallel_loop3A_28 : i32
      %parallel_loop3A_221 = arith.index_cast %parallel_loop3A_220 : i32 to index
      %parallel_loop3A_222 = arith.constant 32 : index
      %parallel_loop3A_223 = tpu.vector_load %arg8[%parallel_loop3A_221, %parallel_loop3A_222] {strides = array<i32>} : memref<606x64xf32, #tpu.memory_space<vmem>>, vector<1x16xf32>,
      %parallel_loop3A_224 = vector.shape_cast %parallel_loop3A_223 : vector<1x16xf32> to vector<16xf32>
      %parallel_loop3A_225 = arith.constant 605 : i32
      %parallel_loop3A_226 = arith.index_cast %parallel_loop3A_225 : i32 to index
      %parallel_loop3A_227 = arith.constant 32 : index
      %parallel_loop3A_228 = tpu.vector_load %arg8[%parallel_loop3A_226, %parallel_loop3A_227] {strides = array<i32>} : memref<606x64xf32, #tpu.memory_space<vmem>>, vector<1x16xf32>,
      %parallel_loop3A_229 = vector.shape_cast %parallel_loop3A_228 : vector<1x16xf32> to vector<16xf32>
      %parallel_loop3A_230 = arith.addf %parallel_loop3A_224, %parallel_loop3A_229 : vector<16xf32>
      %parallel_loop3A_231 = arith.constant 400 : i32
      %parallel_loop3A_232 = arith.addi %parallel_loop3A_231, %parallel_loop3A_28 : i32
      %parallel_loop3A_233 = arith.index_cast %parallel_loop3A_232 : i32 to index
      %parallel_loop3A_234 = arith.constant 32 : index
      %parallel_loop3A_235 = tpu.vector_load %arg8[%parallel_loop3A_233, %parallel_loop3A_234] {strides = array<i32>} : memref<606x64xf32, #tpu.memory_space<vmem>>, vector<1x16xf32>,
      %parallel_loop3A_236 = vector.shape_cast %parallel_loop3A_235 : vector<1x16xf32> to vector<16xf32>
      %parallel_loop3A_237 = vector.shape_cast %parallel_loop3A_230 : vector<16xf32> to vector<1x16xf32>
      tpu.vector_store %arg8[%parallel_loop3A_233, %parallel_loop3A_234], %parallel_loop3A_237 {strides = array<i32>} : memref<606x64xf32, #tpu.memory_space<vmem>>, vector<1x16xf32>,
      %parallel_loop3A_238 = arith.constant 400 : i32
      %parallel_loop3A_239 = arith.addi %parallel_loop3A_238, %parallel_loop3A_28 : i32
      %parallel_loop3A_240 = arith.index_cast %parallel_loop3A_239 : i32 to index
      %parallel_loop3A_241 = arith.constant 48 : index
      %parallel_loop3A_242 = tpu.vector_load %arg8[%parallel_loop3A_240, %parallel_loop3A_241] {strides = array<i32>} : memref<606x64xf32, #tpu.memory_space<vmem>>, vector<1x16xf32>,
      %parallel_loop3A_243 = vector.shape_cast %parallel_loop3A_242 : vector<1x16xf32> to vector<16xf32>
      %parallel_loop3A_244 = arith.constant 605 : i32
      %parallel_loop3A_245 = arith.index_cast %parallel_loop3A_244 : i32 to index
      %parallel_loop3A_246 = arith.constant 48 : index
      %parallel_loop3A_247 = tpu.vector_load %arg8[%parallel_loop3A_245, %parallel_loop3A_246] {strides = array<i32>} : memref<606x64xf32, #tpu.memory_space<vmem>>, vector<1x16xf32>,
      %parallel_loop3A_248 = vector.shape_cast %parallel_loop3A_247 : vector<1x16xf32> to vector<16xf32>
      %parallel_loop3A_249 = arith.addf %parallel_loop3A_243, %parallel_loop3A_248 : vector<16xf32>
      %parallel_loop3A_250 = arith.constant 400 : i32
      %parallel_loop3A_251 = arith.addi %parallel_loop3A_250, %parallel_loop3A_28 : i32
      %parallel_loop3A_252 = arith.index_cast %parallel_loop3A_251 : i32 to index
      %parallel_loop3A_253 = arith.constant 48 : index
      %parallel_loop3A_254 = tpu.vector_load %arg8[%parallel_loop3A_252, %parallel_loop3A_253] {strides = array<i32>} : memref<606x64xf32, #tpu.memory_space<vmem>>, vector<1x16xf32>,
      %parallel_loop3A_255 = vector.shape_cast %parallel_loop3A_254 : vector<1x16xf32> to vector<16xf32>
      %parallel_loop3A_256 = vector.shape_cast %parallel_loop3A_249 : vector<16xf32> to vector<1x16xf32>
      tpu.vector_store %arg8[%parallel_loop3A_252, %parallel_loop3A_253], %parallel_loop3A_256 {strides = array<i32>} : memref<606x64xf32, #tpu.memory_space<vmem>>, vector<1x16xf32>,
    } {sc.loop_unroll_factor = 1 : i64, sc.parallel_access}
    %iota3A = tpu.iota {dimensions = array<i32: 0>} : vector<16xi32>
    %scan3A = arith.constant 0 : i32
    %scan3A_5 = arith.constant 0 : i32
    %scan3A_6 = arith.constant 32 : i32
    %scan3A_7 = arith.addi %scan3A_5, %scan3A_6 : i32
    %scan3A_8 = arith.constant 1 : i32
    %scan3A_9 = scf.for %scan3A_28 = %scan3A_5 to %scan3A_7 step %scan3A_8 iter_args(%scan3A_29 = %scan3A) -> (i32)  : i32 {
      %jit3A = arith.constant 4 : i32
      %eq3A = arith.constant 0 : i32
      %eq3A_30 = arith.cmpi eq, %jit3A, %eq3A : i32
      %jit3A_31 = arith.constant 1 : i32
      %select_n3A = arith.select %eq3A_30, %jit3A_31, %jit3A : i32
      %rem3A = arith.remsi %scan3A_28, %select_n3A : i32
      %ne3A = arith.constant 0 : i32
      %ne3A_32 = arith.cmpi ne, %rem3A, %ne3A : i32
      %lt3A = arith.constant 0 : i32
      %lt3A_33 = arith.cmpi slt, %rem3A, %lt3A : i32
      %lt3A_34 = arith.constant 0 : i32
      %lt3A_35 = arith.cmpi slt, %select_n3A, %lt3A_34 : i32
      %ne3A_36 = arith.xori %lt3A_33, %lt3A_35 : i1
      %and3A = arith.andi %ne3A_36, %ne3A_32 : i1
      %add3A_37 = arith.addi %rem3A, %select_n3A : i32
      %select_n3A_38 = arith.select %and3A, %add3A_37, %rem3A : i32
      %eq3A_39 = arith.constant 0 : i32
      %eq3A_40 = arith.cmpi eq, %select_n3A_38, %eq3A_39 : i32
      %gt3A = arith.constant 0 : i32
      %gt3A_41 = arith.cmpi sgt, %scan3A_28, %gt3A : i32
      %and3A_42 = arith.andi %eq3A_40, %gt3A_41 : i1
      %convert_element_type3A = arith.extui %and3A_42 : i1 to i32
      %cond3A = arith.constant 0 : i32
      %cond3A_43 = arith.cmpi ne, %convert_element_type3A, %cond3A : i32
      scf.if %cond3A_43 {
        %jit3A_785 = arith.constant 4 : i32
        %div3A = arith.divsi %scan3A_28, %jit3A_785 : i32
        %sign3A = arith.constant 0 : i32
        %sign3A_786 = arith.cmpi sgt, %scan3A_28, %sign3A : i32
        %sign3A_787 = arith.extui %sign3A_786 : i1 to i32
        %sign3A_788 = arith.constant 0 : i32
        %sign3A_789 = arith.cmpi slt, %scan3A_28, %sign3A_788 : i32
        %sign3A_790 = arith.extui %sign3A_789 : i1 to i32
        %sign3A_791 = arith.subi %sign3A_787, %sign3A_790 : i32
        %sign3A_792 = arith.constant 0 : i32
        %sign3A_793 = arith.cmpi sgt, %jit3A_785, %sign3A_792 : i32
        %sign3A_794 = arith.extui %sign3A_793 : i1 to i32
        %sign3A_795 = arith.constant 0 : i32
        %sign3A_796 = arith.cmpi slt, %jit3A_785, %sign3A_795 : i32
        %sign3A_797 = arith.extui %sign3A_796 : i1 to i32
        %sign3A_798 = arith.subi %sign3A_794, %sign3A_797 : i32
        %ne3A_799 = arith.cmpi ne, %sign3A_791, %sign3A_798 : i32
        %rem3A_800 = arith.remsi %scan3A_28, %jit3A_785 : i32
        %ne3A_801 = arith.constant 0 : i32
        %ne3A_802 = arith.cmpi ne, %rem3A_800, %ne3A_801 : i32
        %and3A_803 = arith.andi %ne3A_799, %ne3A_802 : i1
        %sub3A = arith.constant 1 : i32
        %sub3A_804 = arith.subi %div3A, %sub3A : i32
        %select_n3A_805 = arith.select %and3A_803, %sub3A_804, %div3A : i32
        %mul3A_806 = arith.constant 800 : i32
        %mul3A_807 = arith.muli %select_n3A_805, %mul3A_806 : i32
        %add3A_808 = arith.addi %mul3A_2, %mul3A_807 : i32
        "tpu.region"() ({
          %run_scoped3A = tpu.sem_alloc : memref<!tpu.dma_semaphore, #tpu.memory_space<semaphore_mem>>
          %dma_start3A_809 = arith.constant 0 : i32
          %dma_start3A_810 = tpu.memref_slice %arg9[%dma_start3A_809] : memref<808xi32, #tpu.memory_space<vmem>> -> memref<800xi32, #tpu.memory_space<vmem>>
          %dma_start3A_811 = tpu.memref_slice %arg2[%add3A_808] : memref<204800xi32, #tpu.memory_space<hbm>> -> memref<800xi32, #tpu.memory_space<hbm>>
          %dma_start3A_812 = arith.constant 0 : i32
          %dma_start3A_813 = tpu.memref_slice %arg9[%dma_start3A_812] : memref<808xi32, #tpu.memory_space<vmem>> -> memref<800xi32, #tpu.memory_space<vmem>>
          %dma_start3A_814 = tpu.memref_slice %arg2[%add3A_808] : memref<204800xi32, #tpu.memory_space<hbm>> -> memref<800xi32, #tpu.memory_space<hbm>>
          tpu.enqueue_dma source(%dma_start3A_814 : memref<800xi32, #tpu.memory_space<hbm>>) target(%dma_start3A_813 : memref<800xi32, #tpu.memory_space<vmem>>) target_semaphore(%run_scoped3A : memref<!tpu.dma_semaphore, #tpu.memory_space<semaphore_mem>>)
          %dma_wait3A_815 = arith.constant 0 : i32
          %dma_wait3A_816 = tpu.memref_slice %arg9[%dma_wait3A_815] : memref<808xi32, #tpu.memory_space<vmem>> -> memref<800xi32, #tpu.memory_space<vmem>>
          %dma_wait3A_817 = tpu.memref_slice %arg2[%add3A_808] : memref<204800xi32, #tpu.memory_space<hbm>> -> memref<800xi32, #tpu.memory_space<hbm>>
          %dma_wait3A_818 = arith.constant 0 : i32
          %dma_wait3A_819 = tpu.memref_slice %arg9[%dma_wait3A_818] : memref<808xi32, #tpu.memory_space<vmem>> -> memref<800xi32, #tpu.memory_space<vmem>>
          %dma_wait3A_820 = tpu.memref_slice %arg2[%add3A_808] : memref<204800xi32, #tpu.memory_space<hbm>> -> memref<800xi32, #tpu.memory_space<hbm>>
          tpu.wait_dma2 semaphore(%run_scoped3A : memref<!tpu.dma_semaphore, #tpu.memory_space<semaphore_mem>>) src(%dma_wait3A_820 : memref<800xi32, #tpu.memory_space<hbm>>) dst(%dma_wait3A_819 : memref<800xi32, #tpu.memory_space<vmem>>)
          tpu.yield
        }) : () -> ()
      } else {
      }
      %jit3A_44 = arith.constant 4 : i32
      %eq3A_45 = arith.constant 0 : i32
      %eq3A_46 = arith.cmpi eq, %jit3A_44, %eq3A_45 : i32
      %jit3A_47 = arith.constant 1 : i32
      %select_n3A_48 = arith.select %eq3A_46, %jit3A_47, %jit3A_44 : i32
      %rem3A_49 = arith.remsi %scan3A_28, %select_n3A_48 : i32
      %ne3A_50 = arith.constant 0 : i32
      %ne3A_51 = arith.cmpi ne, %rem3A_49, %ne3A_50 : i32
      %lt3A_52 = arith.constant 0 : i32
      %lt3A_53 = arith.cmpi slt, %rem3A_49, %lt3A_52 : i32
      %lt3A_54 = arith.constant 0 : i32
      %lt3A_55 = arith.cmpi slt, %select_n3A_48, %lt3A_54 : i32
      %ne3A_56 = arith.xori %lt3A_53, %lt3A_55 : i1
      %and3A_57 = arith.andi %ne3A_56, %ne3A_51 : i1
      %add3A_58 = arith.addi %rem3A_49, %select_n3A_48 : i32
      %select_n3A_59 = arith.select %and3A_57, %add3A_58, %rem3A_49 : i32
      %mul3A_60 = arith.constant 200 : i32
      %mul3A_61 = arith.muli %select_n3A_59, %mul3A_60 : i32
      %mul3A_62 = arith.constant 32 : i32
      %mul3A_63 = arith.muli %add3A, %mul3A_62 : i32
      %add3A_64 = arith.addi %mul3A_63, %scan3A_28 : i32
      %gt3A_65 = arith.constant 0 : i32
      %gt3A_66 = arith.cmpi sgt, %scan3A_28, %gt3A_65 : i32
      %convert_element_type3A_67 = arith.extui %gt3A_66 : i1 to i32
      %cond3A_68 = arith.constant 0 : i32
      %cond3A_69 = arith.cmpi ne, %convert_element_type3A_67, %cond3A_68 : i32
      scf.if %cond3A_69 {
        %dma_wait3A_785 = arith.constant 0 : i32
        %dma_wait3A_786 = arith.constant 0 : i32
        %dma_wait3A_787 = arith.constant 0 : i32
        %dma_wait3A_788 = tpu.memref_slice %arg6[%dma_wait3A_785, %dma_wait3A_786, %dma_wait3A_787] : memref<1024x200x64xf32, #tpu.memory_space<hbm>> -> memref<1x200x64xf32, #tpu.memory_space<hbm>>
        %dma_wait3A_789 = tpu.memref_squeeze %dma_wait3A_788 : memref<1x200x64xf32, #tpu.memory_space<hbm>> -> memref<200x64xf32, #tpu.memory_space<hbm>>
        %dma_wait3A_790 = arith.constant 0 : i32
        %dma_wait3A_791 = arith.constant 0 : i32
        %dma_wait3A_792 = tpu.memref_slice %arg6[%dma_wait3A_785, %dma_wait3A_790, %dma_wait3A_791] : memref<1024x200x64xf32, #tpu.memory_space<hbm>> -> memref<1x200x64xf32, #tpu.memory_space<hbm>>
        %dma_wait3A_793 = tpu.memref_squeeze %dma_wait3A_792 : memref<1x200x64xf32, #tpu.memory_space<hbm>> -> memref<200x64xf32, #tpu.memory_space<hbm>>
        tpu.wait_dma2 semaphore(%arg12 : memref<!tpu.dma_semaphore, #tpu.memory_space<semaphore_mem>>) src(%arg10 : memref<200x64xf32, #tpu.memory_space<vmem>>) dst(%dma_wait3A_793 : memref<200x64xf32, #tpu.memory_space<hbm>>)
      } else {
      }
      %parallel_loop3A_70 = arith.constant 0 : i32
      %parallel_loop3A_71 = arith.constant 12 : i32
      %parallel_loop3A_72 = arith.constant 1 : i32
      scf.for %parallel_loop3A_785 = %parallel_loop3A_70 to %parallel_loop3A_71 step %parallel_loop3A_72  : i32 {
        %parallel_loop3A_786 = arith.constant 16 : i32
        %parallel_loop3A_787 = arith.muli %parallel_loop3A_785, %parallel_loop3A_786 : i32
        %parallel_loop3A_788 = arith.addi %mul3A_61, %parallel_loop3A_787 : i32
        %parallel_loop3A_789 = arith.index_cast %parallel_loop3A_788 : i32 to index
        %parallel_loop3A_790 = tpu.vector_load %arg9[%parallel_loop3A_789] {strides = array<i32>} : memref<808xi32, #tpu.memory_space<vmem>>, vector<16xi32>,
        %parallel_loop3A_791 = vector.shape_cast %parallel_loop3A_790 : vector<16xi32> to vector<16xi32>
        %parallel_loop3A_792 = arith.constant 200 : i32
        %parallel_loop3A_793 = vector.broadcast %parallel_loop3A_792 : i32 to vector<16xi32>
        %parallel_loop3A_794 = arith.muli %parallel_loop3A_791, %parallel_loop3A_793 : vector<16xi32>
        %parallel_loop3A_795 = arith.constant 16 : i32
        %parallel_loop3A_796 = arith.muli %parallel_loop3A_785, %parallel_loop3A_795 : i32
        %parallel_loop3A_797 = vector.broadcast %parallel_loop3A_796 : i32 to vector<16xi32>
        %parallel_loop3A_798 = arith.addi %parallel_loop3A_797, %iota3A : vector<16xi32>
        %parallel_loop3A_799 = arith.addi %parallel_loop3A_794, %parallel_loop3A_798 : vector<16xi32>
        %parallel_loop3A_800 = vector.extract_strided_slice %parallel_loop3A_799 {offsets = [0], sizes = [1], strides = [1]} : vector<16xi32> to vector<1xi32>
        %parallel_loop3A_801 = vector.extract %parallel_loop3A_800[0] : i32 from vector<1xi32>
        %parallel_loop3A_802 = arith.index_cast %parallel_loop3A_801 : i32 to index
        %parallel_loop3A_803 = arith.constant 0 : index
        %parallel_loop3A_804 = tpu.vector_load %arg8[%parallel_loop3A_802, %parallel_loop3A_803] {strides = array<i32>} : memref<606x64xf32, #tpu.memory_space<vmem>>, vector<1x16xf32>,
        %parallel_loop3A_805 = vector.shape_cast %parallel_loop3A_804 : vector<1x16xf32> to vector<16xf32>
        %parallel_loop3A_806 = arith.index_cast %parallel_loop3A_801 : i32 to index
        %parallel_loop3A_807 = arith.constant 16 : index
        %parallel_loop3A_808 = tpu.vector_load %arg8[%parallel_loop3A_806, %parallel_loop3A_807] {strides = array<i32>} : memref<606x64xf32, #tpu.memory_space<vmem>>, vector<1x16xf32>,
        %parallel_loop3A_809 = vector.shape_cast %parallel_loop3A_808 : vector<1x16xf32> to vector<16xf32>
        %parallel_loop3A_810 = arith.index_cast %parallel_loop3A_801 : i32 to index
        %parallel_loop3A_811 = arith.constant 32 : index
        %parallel_loop3A_812 = tpu.vector_load %arg8[%parallel_loop3A_810, %parallel_loop3A_811] {strides = array<i32>} : memref<606x64xf32, #tpu.memory_space<vmem>>, vector<1x16xf32>,
        %parallel_loop3A_813 = vector.shape_cast %parallel_loop3A_812 : vector<1x16xf32> to vector<16xf32>
        %parallel_loop3A_814 = arith.index_cast %parallel_loop3A_801 : i32 to index
        %parallel_loop3A_815 = arith.constant 48 : index
        %parallel_loop3A_816 = tpu.vector_load %arg8[%parallel_loop3A_814, %parallel_loop3A_815] {strides = array<i32>} : memref<606x64xf32, #tpu.memory_space<vmem>>, vector<1x16xf32>,
        %parallel_loop3A_817 = vector.shape_cast %parallel_loop3A_816 : vector<1x16xf32> to vector<16xf32>
        %parallel_loop3A_818 = vector.extract_strided_slice %parallel_loop3A_799 {offsets = [1], sizes = [1], strides = [1]} : vector<16xi32> to vector<1xi32>
        %parallel_loop3A_819 = vector.extract %parallel_loop3A_818[0] : i32 from vector<1xi32>
        %parallel_loop3A_820 = arith.index_cast %parallel_loop3A_819 : i32 to index
        %parallel_loop3A_821 = arith.constant 0 : index
        %parallel_loop3A_822 = tpu.vector_load %arg8[%parallel_loop3A_820, %parallel_loop3A_821] {strides = array<i32>} : memref<606x64xf32, #tpu.memory_space<vmem>>, vector<1x16xf32>,
        %parallel_loop3A_823 = vector.shape_cast %parallel_loop3A_822 : vector<1x16xf32> to vector<16xf32>
        %parallel_loop3A_824 = arith.index_cast %parallel_loop3A_819 : i32 to index
        %parallel_loop3A_825 = arith.constant 16 : index
        %parallel_loop3A_826 = tpu.vector_load %arg8[%parallel_loop3A_824, %parallel_loop3A_825] {strides = array<i32>} : memref<606x64xf32, #tpu.memory_space<vmem>>, vector<1x16xf32>,
        %parallel_loop3A_827 = vector.shape_cast %parallel_loop3A_826 : vector<1x16xf32> to vector<16xf32>
        %parallel_loop3A_828 = arith.index_cast %parallel_loop3A_819 : i32 to index
        %parallel_loop3A_829 = arith.constant 32 : index
        %parallel_loop3A_830 = tpu.vector_load %arg8[%parallel_loop3A_828, %parallel_loop3A_829] {strides = array<i32>} : memref<606x64xf32, #tpu.memory_space<vmem>>, vector<1x16xf32>,
        %parallel_loop3A_831 = vector.shape_cast %parallel_loop3A_830 : vector<1x16xf32> to vector<16xf32>
        %parallel_loop3A_832 = arith.index_cast %parallel_loop3A_819 : i32 to index
        %parallel_loop3A_833 = arith.constant 48 : index
        %parallel_loop3A_834 = tpu.vector_load %arg8[%parallel_loop3A_832, %parallel_loop3A_833] {strides = array<i32>} : memref<606x64xf32, #tpu.memory_space<vmem>>, vector<1x16xf32>,
        %parallel_loop3A_835 = vector.shape_cast %parallel_loop3A_834 : vector<1x16xf32> to vector<16xf32>
        %parallel_loop3A_836 = arith.constant 16 : i32
        %parallel_loop3A_837 = arith.muli %parallel_loop3A_785, %parallel_loop3A_836 : i32
        %parallel_loop3A_838 = arith.constant 0 : i32
        %parallel_loop3A_839 = arith.addi %parallel_loop3A_837, %parallel_loop3A_838 : i32
        %parallel_loop3A_840 = arith.index_cast %parallel_loop3A_839 : i32 to index
        %parallel_loop3A_841 = arith.constant 0 : index
        %parallel_loop3A_842 = tpu.vector_load %arg10[%parallel_loop3A_840, %parallel_loop3A_841] {strides = array<i32>} : memref<200x64xf32, #tpu.memory_space<vmem>>, vector<1x16xf32>,
        %parallel_loop3A_843 = vector.shape_cast %parallel_loop3A_842 : vector<1x16xf32> to vector<16xf32>
        %parallel_loop3A_844 = vector.shape_cast %parallel_loop3A_805 : vector<16xf32> to vector<1x16xf32>
        tpu.vector_store %arg10[%parallel_loop3A_840, %parallel_loop3A_841], %parallel_loop3A_844 {strides = array<i32>} : memref<200x64xf32, #tpu.memory_space<vmem>>, vector<1x16xf32>,
        %parallel_loop3A_845 = arith.index_cast %parallel_loop3A_839 : i32 to index
        %parallel_loop3A_846 = arith.constant 16 : index
        %parallel_loop3A_847 = tpu.vector_load %arg10[%parallel_loop3A_845, %parallel_loop3A_846] {strides = array<i32>} : memref<200x64xf32, #tpu.memory_space<vmem>>, vector<1x16xf32>,
        %parallel_loop3A_848 = vector.shape_cast %parallel_loop3A_847 : vector<1x16xf32> to vector<16xf32>
        %parallel_loop3A_849 = vector.shape_cast %parallel_loop3A_809 : vector<16xf32> to vector<1x16xf32>
        tpu.vector_store %arg10[%parallel_loop3A_845, %parallel_loop3A_846], %parallel_loop3A_849 {strides = array<i32>} : memref<200x64xf32, #tpu.memory_space<vmem>>, vector<1x16xf32>,
        %parallel_loop3A_850 = arith.index_cast %parallel_loop3A_839 : i32 to index
        %parallel_loop3A_851 = arith.constant 32 : index
        %parallel_loop3A_852 = tpu.vector_load %arg10[%parallel_loop3A_850, %parallel_loop3A_851] {strides = array<i32>} : memref<200x64xf32, #tpu.memory_space<vmem>>, vector<1x16xf32>,
        %parallel_loop3A_853 = vector.shape_cast %parallel_loop3A_852 : vector<1x16xf32> to vector<16xf32>
        %parallel_loop3A_854 = vector.shape_cast %parallel_loop3A_813 : vector<16xf32> to vector<1x16xf32>
        tpu.vector_store %arg10[%parallel_loop3A_850, %parallel_loop3A_851], %parallel_loop3A_854 {strides = array<i32>} : memref<200x64xf32, #tpu.memory_space<vmem>>, vector<1x16xf32>,
        %parallel_loop3A_855 = arith.index_cast %parallel_loop3A_839 : i32 to index
        %parallel_loop3A_856 = arith.constant 48 : index
        %parallel_loop3A_857 = tpu.vector_load %arg10[%parallel_loop3A_855, %parallel_loop3A_856] {strides = array<i32>} : memref<200x64xf32, #tpu.memory_space<vmem>>, vector<1x16xf32>,
        %parallel_loop3A_858 = vector.shape_cast %parallel_loop3A_857 : vector<1x16xf32> to vector<16xf32>
        %parallel_loop3A_859 = vector.shape_cast %parallel_loop3A_817 : vector<16xf32> to vector<1x16xf32>
        tpu.vector_store %arg10[%parallel_loop3A_855, %parallel_loop3A_856], %parallel_loop3A_859 {strides = array<i32>} : memref<200x64xf32, #tpu.memory_space<vmem>>, vector<1x16xf32>,
        %parallel_loop3A_860 = vector.extract_strided_slice %parallel_loop3A_799 {offsets = [2], sizes = [1], strides = [1]} : vector<16xi32> to vector<1xi32>
        %parallel_loop3A_861 = vector.extract %parallel_loop3A_860[0] : i32 from vector<1xi32>
        %parallel_loop3A_862 = arith.index_cast %parallel_loop3A_861 : i32 to index
        %parallel_loop3A_863 = arith.constant 0 : index
        %parallel_loop3A_864 = tpu.vector_load %arg8[%parallel_loop3A_862, %parallel_loop3A_863] {strides = array<i32>} : memref<606x64xf32, #tpu.memory_space<vmem>>, vector<1x16xf32>,
        %parallel_loop3A_865 = vector.shape_cast %parallel_loop3A_864 : vector<1x16xf32> to vector<16xf32>
        %parallel_loop3A_866 = arith.index_cast %parallel_loop3A_861 : i32 to index
        %parallel_loop3A_867 = arith.constant 16 : index
        %parallel_loop3A_868 = tpu.vector_load %arg8[%parallel_loop3A_866, %parallel_loop3A_867] {strides = array<i32>} : memref<606x64xf32, #tpu.memory_space<vmem>>, vector<1x16xf32>,
        %parallel_loop3A_869 = vector.shape_cast %parallel_loop3A_868 : vector<1x16xf32> to vector<16xf32>
        %parallel_loop3A_870 = arith.index_cast %parallel_loop3A_861 : i32 to index
        %parallel_loop3A_871 = arith.constant 32 : index
        %parallel_loop3A_872 = tpu.vector_load %arg8[%parallel_loop3A_870, %parallel_loop3A_871] {strides = array<i32>} : memref<606x64xf32, #tpu.memory_space<vmem>>, vector<1x16xf32>,
        %parallel_loop3A_873 = vector.shape_cast %parallel_loop3A_872 : vector<1x16xf32> to vector<16xf32>
        %parallel_loop3A_874 = arith.index_cast %parallel_loop3A_861 : i32 to index
        %parallel_loop3A_875 = arith.constant 48 : index
        %parallel_loop3A_876 = tpu.vector_load %arg8[%parallel_loop3A_874, %parallel_loop3A_875] {strides = array<i32>} : memref<606x64xf32, #tpu.memory_space<vmem>>, vector<1x16xf32>,
        %parallel_loop3A_877 = vector.shape_cast %parallel_loop3A_876 : vector<1x16xf32> to vector<16xf32>
        %parallel_loop3A_878 = arith.constant 16 : i32
        %parallel_loop3A_879 = arith.muli %parallel_loop3A_785, %parallel_loop3A_878 : i32
        %parallel_loop3A_880 = arith.constant 1 : i32
        %parallel_loop3A_881 = arith.addi %parallel_loop3A_879, %parallel_loop3A_880 : i32
        %parallel_loop3A_882 = arith.index_cast %parallel_loop3A_881 : i32 to index
        %parallel_loop3A_883 = arith.constant 0 : index
        %parallel_loop3A_884 = tpu.vector_load %arg10[%parallel_loop3A_882, %parallel_loop3A_883] {strides = array<i32>} : memref<200x64xf32, #tpu.memory_space<vmem>>, vector<1x16xf32>,
        %parallel_loop3A_885 = vector.shape_cast %parallel_loop3A_884 : vector<1x16xf32> to vector<16xf32>
        %parallel_loop3A_886 = vector.shape_cast %parallel_loop3A_823 : vector<16xf32> to vector<1x16xf32>
        tpu.vector_store %arg10[%parallel_loop3A_882, %parallel_loop3A_883], %parallel_loop3A_886 {strides = array<i32>} : memref<200x64xf32, #tpu.memory_space<vmem>>, vector<1x16xf32>,
        %parallel_loop3A_887 = arith.index_cast %parallel_loop3A_881 : i32 to index
        %parallel_loop3A_888 = arith.constant 16 : index
        %parallel_loop3A_889 = tpu.vector_load %arg10[%parallel_loop3A_887, %parallel_loop3A_888] {strides = array<i32>} : memref<200x64xf32, #tpu.memory_space<vmem>>, vector<1x16xf32>,
        %parallel_loop3A_890 = vector.shape_cast %parallel_loop3A_889 : vector<1x16xf32> to vector<16xf32>
        %parallel_loop3A_891 = vector.shape_cast %parallel_loop3A_827 : vector<16xf32> to vector<1x16xf32>
        tpu.vector_store %arg10[%parallel_loop3A_887, %parallel_loop3A_888], %parallel_loop3A_891 {strides = array<i32>} : memref<200x64xf32, #tpu.memory_space<vmem>>, vector<1x16xf32>,
        %parallel_loop3A_892 = arith.index_cast %parallel_loop3A_881 : i32 to index
        %parallel_loop3A_893 = arith.constant 32 : index
        %parallel_loop3A_894 = tpu.vector_load %arg10[%parallel_loop3A_892, %parallel_loop3A_893] {strides = array<i32>} : memref<200x64xf32, #tpu.memory_space<vmem>>, vector<1x16xf32>,
        %parallel_loop3A_895 = vector.shape_cast %parallel_loop3A_894 : vector<1x16xf32> to vector<16xf32>
        %parallel_loop3A_896 = vector.shape_cast %parallel_loop3A_831 : vector<16xf32> to vector<1x16xf32>
        tpu.vector_store %arg10[%parallel_loop3A_892, %parallel_loop3A_893], %parallel_loop3A_896 {strides = array<i32>} : memref<200x64xf32, #tpu.memory_space<vmem>>, vector<1x16xf32>,
        %parallel_loop3A_897 = arith.index_cast %parallel_loop3A_881 : i32 to index
        %parallel_loop3A_898 = arith.constant 48 : index
        %parallel_loop3A_899 = tpu.vector_load %arg10[%parallel_loop3A_897, %parallel_loop3A_898] {strides = array<i32>} : memref<200x64xf32, #tpu.memory_space<vmem>>, vector<1x16xf32>,
        %parallel_loop3A_900 = vector.shape_cast %parallel_loop3A_899 : vector<1x16xf32> to vector<16xf32>
        %parallel_loop3A_901 = vector.shape_cast %parallel_loop3A_835 : vector<16xf32> to vector<1x16xf32>
        tpu.vector_store %arg10[%parallel_loop3A_897, %parallel_loop3A_898], %parallel_loop3A_901 {strides = array<i32>} : memref<200x64xf32, #tpu.memory_space<vmem>>, vector<1x16xf32>,
        %parallel_loop3A_902 = vector.extract_strided_slice %parallel_loop3A_799 {offsets = [3], sizes = [1], strides = [1]} : vector<16xi32> to vector<1xi32>
        %parallel_loop3A_903 = vector.extract %parallel_loop3A_902[0] : i32 from vector<1xi32>
        %parallel_loop3A_904 = arith.index_cast %parallel_loop3A_903 : i32 to index
        %parallel_loop3A_905 = arith.constant 0 : index
        %parallel_loop3A_906 = tpu.vector_load %arg8[%parallel_loop3A_904, %parallel_loop3A_905] {strides = array<i32>} : memref<606x64xf32, #tpu.memory_space<vmem>>, vector<1x16xf32>,
        %parallel_loop3A_907 = vector.shape_cast %parallel_loop3A_906 : vector<1x16xf32> to vector<16xf32>
        %parallel_loop3A_908 = arith.index_cast %parallel_loop3A_903 : i32 to index
        %parallel_loop3A_909 = arith.constant 16 : index
        %parallel_loop3A_910 = tpu.vector_load %arg8[%parallel_loop3A_908, %parallel_loop3A_909] {strides = array<i32>} : memref<606x64xf32, #tpu.memory_space<vmem>>, vector<1x16xf32>,
        %parallel_loop3A_911 = vector.shape_cast %parallel_loop3A_910 : vector<1x16xf32> to vector<16xf32>
        %parallel_loop3A_912 = arith.index_cast %parallel_loop3A_903 : i32 to index
        %parallel_loop3A_913 = arith.constant 32 : index
        %parallel_loop3A_914 = tpu.vector_load %arg8[%parallel_loop3A_912, %parallel_loop3A_913] {strides = array<i32>} : memref<606x64xf32, #tpu.memory_space<vmem>>, vector<1x16xf32>,
        %parallel_loop3A_915 = vector.shape_cast %parallel_loop3A_914 : vector<1x16xf32> to vector<16xf32>
        %parallel_loop3A_916 = arith.index_cast %parallel_loop3A_903 : i32 to index
        %parallel_loop3A_917 = arith.constant 48 : index
        %parallel_loop3A_918 = tpu.vector_load %arg8[%parallel_loop3A_916, %parallel_loop3A_917] {strides = array<i32>} : memref<606x64xf32, #tpu.memory_space<vmem>>, vector<1x16xf32>,
        %parallel_loop3A_919 = vector.shape_cast %parallel_loop3A_918 : vector<1x16xf32> to vector<16xf32>
        %parallel_loop3A_920 = arith.constant 16 : i32
        %parallel_loop3A_921 = arith.muli %parallel_loop3A_785, %parallel_loop3A_920 : i32
        %parallel_loop3A_922 = arith.constant 2 : i32
        %parallel_loop3A_923 = arith.addi %parallel_loop3A_921, %parallel_loop3A_922 : i32
        %parallel_loop3A_924 = arith.index_cast %parallel_loop3A_923 : i32 to index
        %parallel_loop3A_925 = arith.constant 0 : index
        %parallel_loop3A_926 = tpu.vector_load %arg10[%parallel_loop3A_924, %parallel_loop3A_925] {strides = array<i32>} : memref<200x64xf32, #tpu.memory_space<vmem>>, vector<1x16xf32>,
        %parallel_loop3A_927 = vector.shape_cast %parallel_loop3A_926 : vector<1x16xf32> to vector<16xf32>
        %parallel_loop3A_928 = vector.shape_cast %parallel_loop3A_865 : vector<16xf32> to vector<1x16xf32>
        tpu.vector_store %arg10[%parallel_loop3A_924, %parallel_loop3A_925], %parallel_loop3A_928 {strides = array<i32>} : memref<200x64xf32, #tpu.memory_space<vmem>>, vector<1x16xf32>,
        %parallel_loop3A_929 = arith.index_cast %parallel_loop3A_923 : i32 to index
        %parallel_loop3A_930 = arith.constant 16 : index
        %parallel_loop3A_931 = tpu.vector_load %arg10[%parallel_loop3A_929, %parallel_loop3A_930] {strides = array<i32>} : memref<200x64xf32, #tpu.memory_space<vmem>>, vector<1x16xf32>,
        %parallel_loop3A_932 = vector.shape_cast %parallel_loop3A_931 : vector<1x16xf32> to vector<16xf32>
        %parallel_loop3A_933 = vector.shape_cast %parallel_loop3A_869 : vector<16xf32> to vector<1x16xf32>
        tpu.vector_store %arg10[%parallel_loop3A_929, %parallel_loop3A_930], %parallel_loop3A_933 {strides = array<i32>} : memref<200x64xf32, #tpu.memory_space<vmem>>, vector<1x16xf32>,
        %parallel_loop3A_934 = arith.index_cast %parallel_loop3A_923 : i32 to index
        %parallel_loop3A_935 = arith.constant 32 : index
        %parallel_loop3A_936 = tpu.vector_load %arg10[%parallel_loop3A_934, %parallel_loop3A_935] {strides = array<i32>} : memref<200x64xf32, #tpu.memory_space<vmem>>, vector<1x16xf32>,
        %parallel_loop3A_937 = vector.shape_cast %parallel_loop3A_936 : vector<1x16xf32> to vector<16xf32>
        %parallel_loop3A_938 = vector.shape_cast %parallel_loop3A_873 : vector<16xf32> to vector<1x16xf32>
        tpu.vector_store %arg10[%parallel_loop3A_934, %parallel_loop3A_935], %parallel_loop3A_938 {strides = array<i32>} : memref<200x64xf32, #tpu.memory_space<vmem>>, vector<1x16xf32>,
        %parallel_loop3A_939 = arith.index_cast %parallel_loop3A_923 : i32 to index
        %parallel_loop3A_940 = arith.constant 48 : index
        %parallel_loop3A_941 = tpu.vector_load %arg10[%parallel_loop3A_939, %parallel_loop3A_940] {strides = array<i32>} : memref<200x64xf32, #tpu.memory_space<vmem>>, vector<1x16xf32>,
        %parallel_loop3A_942 = vector.shape_cast %parallel_loop3A_941 : vector<1x16xf32> to vector<16xf32>
        %parallel_loop3A_943 = vector.shape_cast %parallel_loop3A_877 : vector<16xf32> to vector<1x16xf32>
        tpu.vector_store %arg10[%parallel_loop3A_939, %parallel_loop3A_940], %parallel_loop3A_943 {strides = array<i32>} : memref<200x64xf32, #tpu.memory_space<vmem>>, vector<1x16xf32>,
        %parallel_loop3A_944 = vector.extract_strided_slice %parallel_loop3A_799 {offsets = [4], sizes = [1], strides = [1]} : vector<16xi32> to vector<1xi32>
        %parallel_loop3A_945 = vector.extract %parallel_loop3A_944[0] : i32 from vector<1xi32>
        %parallel_loop3A_946 = arith.index_cast %parallel_loop3A_945 : i32 to index
        %parallel_loop3A_947 = arith.constant 0 : index
        %parallel_loop3A_948 = tpu.vector_load %arg8[%parallel_loop3A_946, %parallel_loop3A_947] {strides = array<i32>} : memref<606x64xf32, #tpu.memory_space<vmem>>, vector<1x16xf32>,
        %parallel_loop3A_949 = vector.shape_cast %parallel_loop3A_948 : vector<1x16xf32> to vector<16xf32>
        %parallel_loop3A_950 = arith.index_cast %parallel_loop3A_945 : i32 to index
        %parallel_loop3A_951 = arith.constant 16 : index
        %parallel_loop3A_952 = tpu.vector_load %arg8[%parallel_loop3A_950, %parallel_loop3A_951] {strides = array<i32>} : memref<606x64xf32, #tpu.memory_space<vmem>>, vector<1x16xf32>,
        %parallel_loop3A_953 = vector.shape_cast %parallel_loop3A_952 : vector<1x16xf32> to vector<16xf32>
        %parallel_loop3A_954 = arith.index_cast %parallel_loop3A_945 : i32 to index
        %parallel_loop3A_955 = arith.constant 32 : index
        %parallel_loop3A_956 = tpu.vector_load %arg8[%parallel_loop3A_954, %parallel_loop3A_955] {strides = array<i32>} : memref<606x64xf32, #tpu.memory_space<vmem>>, vector<1x16xf32>,
        %parallel_loop3A_957 = vector.shape_cast %parallel_loop3A_956 : vector<1x16xf32> to vector<16xf32>
        %parallel_loop3A_958 = arith.index_cast %parallel_loop3A_945 : i32 to index
        %parallel_loop3A_959 = arith.constant 48 : index
        %parallel_loop3A_960 = tpu.vector_load %arg8[%parallel_loop3A_958, %parallel_loop3A_959] {strides = array<i32>} : memref<606x64xf32, #tpu.memory_space<vmem>>, vector<1x16xf32>,
        %parallel_loop3A_961 = vector.shape_cast %parallel_loop3A_960 : vector<1x16xf32> to vector<16xf32>
        %parallel_loop3A_962 = arith.constant 16 : i32
        %parallel_loop3A_963 = arith.muli %parallel_loop3A_785, %parallel_loop3A_962 : i32
        %parallel_loop3A_964 = arith.constant 3 : i32
        %parallel_loop3A_965 = arith.addi %parallel_loop3A_963, %parallel_loop3A_964 : i32
        %parallel_loop3A_966 = arith.index_cast %parallel_loop3A_965 : i32 to index
        %parallel_loop3A_967 = arith.constant 0 : index
        %parallel_loop3A_968 = tpu.vector_load %arg10[%parallel_loop3A_966, %parallel_loop3A_967] {strides = array<i32>} : memref<200x64xf32, #tpu.memory_space<vmem>>, vector<1x16xf32>,
        %parallel_loop3A_969 = vector.shape_cast %parallel_loop3A_968 : vector<1x16xf32> to vector<16xf32>
        %parallel_loop3A_970 = vector.shape_cast %parallel_loop3A_907 : vector<16xf32> to vector<1x16xf32>
        tpu.vector_store %arg10[%parallel_loop3A_966, %parallel_loop3A_967], %parallel_loop3A_970 {strides = array<i32>} : memref<200x64xf32, #tpu.memory_space<vmem>>, vector<1x16xf32>,
        %parallel_loop3A_971 = arith.index_cast %parallel_loop3A_965 : i32 to index
        %parallel_loop3A_972 = arith.constant 16 : index
        %parallel_loop3A_973 = tpu.vector_load %arg10[%parallel_loop3A_971, %parallel_loop3A_972] {strides = array<i32>} : memref<200x64xf32, #tpu.memory_space<vmem>>, vector<1x16xf32>,
        %parallel_loop3A_974 = vector.shape_cast %parallel_loop3A_973 : vector<1x16xf32> to vector<16xf32>
        %parallel_loop3A_975 = vector.shape_cast %parallel_loop3A_911 : vector<16xf32> to vector<1x16xf32>
        tpu.vector_store %arg10[%parallel_loop3A_971, %parallel_loop3A_972], %parallel_loop3A_975 {strides = array<i32>} : memref<200x64xf32, #tpu.memory_space<vmem>>, vector<1x16xf32>,
        %parallel_loop3A_976 = arith.index_cast %parallel_loop3A_965 : i32 to index
        %parallel_loop3A_977 = arith.constant 32 : index
        %parallel_loop3A_978 = tpu.vector_load %arg10[%parallel_loop3A_976, %parallel_loop3A_977] {strides = array<i32>} : memref<200x64xf32, #tpu.memory_space<vmem>>, vector<1x16xf32>,
        %parallel_loop3A_979 = vector.shape_cast %parallel_loop3A_978 : vector<1x16xf32> to vector<16xf32>
        %parallel_loop3A_980 = vector.shape_cast %parallel_loop3A_915 : vector<16xf32> to vector<1x16xf32>
        tpu.vector_store %arg10[%parallel_loop3A_976, %parallel_loop3A_977], %parallel_loop3A_980 {strides = array<i32>} : memref<200x64xf32, #tpu.memory_space<vmem>>, vector<1x16xf32>,
        %parallel_loop3A_981 = arith.index_cast %parallel_loop3A_965 : i32 to index
        %parallel_loop3A_982 = arith.constant 48 : index
        %parallel_loop3A_983 = tpu.vector_load %arg10[%parallel_loop3A_981, %parallel_loop3A_982] {strides = array<i32>} : memref<200x64xf32, #tpu.memory_space<vmem>>, vector<1x16xf32>,
        %parallel_loop3A_984 = vector.shape_cast %parallel_loop3A_983 : vector<1x16xf32> to vector<16xf32>
        %parallel_loop3A_985 = vector.shape_cast %parallel_loop3A_919 : vector<16xf32> to vector<1x16xf32>
        tpu.vector_store %arg10[%parallel_loop3A_981, %parallel_loop3A_982], %parallel_loop3A_985 {strides = array<i32>} : memref<200x64xf32, #tpu.memory_space<vmem>>, vector<1x16xf32>,
        %parallel_loop3A_986 = vector.extract_strided_slice %parallel_loop3A_799 {offsets = [5], sizes = [1], strides = [1]} : vector<16xi32> to vector<1xi32>
        %parallel_loop3A_987 = vector.extract %parallel_loop3A_986[0] : i32 from vector<1xi32>
        %parallel_loop3A_988 = arith.index_cast %parallel_loop3A_987 : i32 to index
        %parallel_loop3A_989 = arith.constant 0 : index
        %parallel_loop3A_990 = tpu.vector_load %arg8[%parallel_loop3A_988, %parallel_loop3A_989] {strides = array<i32>} : memref<606x64xf32, #tpu.memory_space<vmem>>, vector<1x16xf32>,
        %parallel_loop3A_991 = vector.shape_cast %parallel_loop3A_990 : vector<1x16xf32> to vector<16xf32>
        %parallel_loop3A_992 = arith.index_cast %parallel_loop3A_987 : i32 to index
        %parallel_loop3A_993 = arith.constant 16 : index
        %parallel_loop3A_994 = tpu.vector_load %arg8[%parallel_loop3A_992, %parallel_loop3A_993] {strides = array<i32>} : memref<606x64xf32, #tpu.memory_space<vmem>>, vector<1x16xf32>,
        %parallel_loop3A_995 = vector.shape_cast %parallel_loop3A_994 : vector<1x16xf32> to vector<16xf32>
        %parallel_loop3A_996 = arith.index_cast %parallel_loop3A_987 : i32 to index
        %parallel_loop3A_997 = arith.constant 32 : index
        %parallel_loop3A_998 = tpu.vector_load %arg8[%parallel_loop3A_996, %parallel_loop3A_997] {strides = array<i32>} : memref<606x64xf32, #tpu.memory_space<vmem>>, vector<1x16xf32>,
        %parallel_loop3A_999 = vector.shape_cast %parallel_loop3A_998 : vector<1x16xf32> to vector<16xf32>
        %parallel_loop3A_1000 = arith.index_cast %parallel_loop3A_987 : i32 to index
        %parallel_loop3A_1001 = arith.constant 48 : index
        %parallel_loop3A_1002 = tpu.vector_load %arg8[%parallel_loop3A_1000, %parallel_loop3A_1001] {strides = array<i32>} : memref<606x64xf32, #tpu.memory_space<vmem>>, vector<1x16xf32>,
        %parallel_loop3A_1003 = vector.shape_cast %parallel_loop3A_1002 : vector<1x16xf32> to vector<16xf32>
        %parallel_loop3A_1004 = arith.constant 16 : i32
        %parallel_loop3A_1005 = arith.muli %parallel_loop3A_785, %parallel_loop3A_1004 : i32
        %parallel_loop3A_1006 = arith.constant 4 : i32
        %parallel_loop3A_1007 = arith.addi %parallel_loop3A_1005, %parallel_loop3A_1006 : i32
        %parallel_loop3A_1008 = arith.index_cast %parallel_loop3A_1007 : i32 to index
        %parallel_loop3A_1009 = arith.constant 0 : index
        %parallel_loop3A_1010 = tpu.vector_load %arg10[%parallel_loop3A_1008, %parallel_loop3A_1009] {strides = array<i32>} : memref<200x64xf32, #tpu.memory_space<vmem>>, vector<1x16xf32>,
        %parallel_loop3A_1011 = vector.shape_cast %parallel_loop3A_1010 : vector<1x16xf32> to vector<16xf32>
        %parallel_loop3A_1012 = vector.shape_cast %parallel_loop3A_949 : vector<16xf32> to vector<1x16xf32>
        tpu.vector_store %arg10[%parallel_loop3A_1008, %parallel_loop3A_1009], %parallel_loop3A_1012 {strides = array<i32>} : memref<200x64xf32, #tpu.memory_space<vmem>>, vector<1x16xf32>,
        %parallel_loop3A_1013 = arith.index_cast %parallel_loop3A_1007 : i32 to index
        %parallel_loop3A_1014 = arith.constant 16 : index
        %parallel_loop3A_1015 = tpu.vector_load %arg10[%parallel_loop3A_1013, %parallel_loop3A_1014] {strides = array<i32>} : memref<200x64xf32, #tpu.memory_space<vmem>>, vector<1x16xf32>,
        %parallel_loop3A_1016 = vector.shape_cast %parallel_loop3A_1015 : vector<1x16xf32> to vector<16xf32>
        %parallel_loop3A_1017 = vector.shape_cast %parallel_loop3A_953 : vector<16xf32> to vector<1x16xf32>
        tpu.vector_store %arg10[%parallel_loop3A_1013, %parallel_loop3A_1014], %parallel_loop3A_1017 {strides = array<i32>} : memref<200x64xf32, #tpu.memory_space<vmem>>, vector<1x16xf32>,
        %parallel_loop3A_1018 = arith.index_cast %parallel_loop3A_1007 : i32 to index
        %parallel_loop3A_1019 = arith.constant 32 : index
        %parallel_loop3A_1020 = tpu.vector_load %arg10[%parallel_loop3A_1018, %parallel_loop3A_1019] {strides = array<i32>} : memref<200x64xf32, #tpu.memory_space<vmem>>, vector<1x16xf32>,
        %parallel_loop3A_1021 = vector.shape_cast %parallel_loop3A_1020 : vector<1x16xf32> to vector<16xf32>
        %parallel_loop3A_1022 = vector.shape_cast %parallel_loop3A_957 : vector<16xf32> to vector<1x16xf32>
        tpu.vector_store %arg10[%parallel_loop3A_1018, %parallel_loop3A_1019], %parallel_loop3A_1022 {strides = array<i32>} : memref<200x64xf32, #tpu.memory_space<vmem>>, vector<1x16xf32>,
        %parallel_loop3A_1023 = arith.index_cast %parallel_loop3A_1007 : i32 to index
        %parallel_loop3A_1024 = arith.constant 48 : index
        %parallel_loop3A_1025 = tpu.vector_load %arg10[%parallel_loop3A_1023, %parallel_loop3A_1024] {strides = array<i32>} : memref<200x64xf32, #tpu.memory_space<vmem>>, vector<1x16xf32>,
        %parallel_loop3A_1026 = vector.shape_cast %parallel_loop3A_1025 : vector<1x16xf32> to vector<16xf32>
        %parallel_loop3A_1027 = vector.shape_cast %parallel_loop3A_961 : vector<16xf32> to vector<1x16xf32>
        tpu.vector_store %arg10[%parallel_loop3A_1023, %parallel_loop3A_1024], %parallel_loop3A_1027 {strides = array<i32>} : memref<200x64xf32, #tpu.memory_space<vmem>>, vector<1x16xf32>,
        %parallel_loop3A_1028 = vector.extract_strided_slice %parallel_loop3A_799 {offsets = [6], sizes = [1], strides = [1]} : vector<16xi32> to vector<1xi32>
        %parallel_loop3A_1029 = vector.extract %parallel_loop3A_1028[0] : i32 from vector<1xi32>
        %parallel_loop3A_1030 = arith.index_cast %parallel_loop3A_1029 : i32 to index
        %parallel_loop3A_1031 = arith.constant 0 : index
        %parallel_loop3A_1032 = tpu.vector_load %arg8[%parallel_loop3A_1030, %parallel_loop3A_1031] {strides = array<i32>} : memref<606x64xf32, #tpu.memory_space<vmem>>, vector<1x16xf32>,
        %parallel_loop3A_1033 = vector.shape_cast %parallel_loop3A_1032 : vector<1x16xf32> to vector<16xf32>
        %parallel_loop3A_1034 = arith.index_cast %parallel_loop3A_1029 : i32 to index
        %parallel_loop3A_1035 = arith.constant 16 : index
        %parallel_loop3A_1036 = tpu.vector_load %arg8[%parallel_loop3A_1034, %parallel_loop3A_1035] {strides = array<i32>} : memref<606x64xf32, #tpu.memory_space<vmem>>, vector<1x16xf32>,
        %parallel_loop3A_1037 = vector.shape_cast %parallel_loop3A_1036 : vector<1x16xf32> to vector<16xf32>
        %parallel_loop3A_1038 = arith.index_cast %parallel_loop3A_1029 : i32 to index
        %parallel_loop3A_1039 = arith.constant 32 : index
        %parallel_loop3A_1040 = tpu.vector_load %arg8[%parallel_loop3A_1038, %parallel_loop3A_1039] {strides = array<i32>} : memref<606x64xf32, #tpu.memory_space<vmem>>, vector<1x16xf32>,
        %parallel_loop3A_1041 = vector.shape_cast %parallel_loop3A_1040 : vector<1x16xf32> to vector<16xf32>
        %parallel_loop3A_1042 = arith.index_cast %parallel_loop3A_1029 : i32 to index
        %parallel_loop3A_1043 = arith.constant 48 : index
        %parallel_loop3A_1044 = tpu.vector_load %arg8[%parallel_loop3A_1042, %parallel_loop3A_1043] {strides = array<i32>} : memref<606x64xf32, #tpu.memory_space<vmem>>, vector<1x16xf32>,
        %parallel_loop3A_1045 = vector.shape_cast %parallel_loop3A_1044 : vector<1x16xf32> to vector<16xf32>
        %parallel_loop3A_1046 = arith.constant 16 : i32
        %parallel_loop3A_1047 = arith.muli %parallel_loop3A_785, %parallel_loop3A_1046 : i32
        %parallel_loop3A_1048 = arith.constant 5 : i32
        %parallel_loop3A_1049 = arith.addi %parallel_loop3A_1047, %parallel_loop3A_1048 : i32
        %parallel_loop3A_1050 = arith.index_cast %parallel_loop3A_1049 : i32 to index
        %parallel_loop3A_1051 = arith.constant 0 : index
        %parallel_loop3A_1052 = tpu.vector_load %arg10[%parallel_loop3A_1050, %parallel_loop3A_1051] {strides = array<i32>} : memref<200x64xf32, #tpu.memory_space<vmem>>, vector<1x16xf32>,
        %parallel_loop3A_1053 = vector.shape_cast %parallel_loop3A_1052 : vector<1x16xf32> to vector<16xf32>
        %parallel_loop3A_1054 = vector.shape_cast %parallel_loop3A_991 : vector<16xf32> to vector<1x16xf32>
        tpu.vector_store %arg10[%parallel_loop3A_1050, %parallel_loop3A_1051], %parallel_loop3A_1054 {strides = array<i32>} : memref<200x64xf32, #tpu.memory_space<vmem>>, vector<1x16xf32>,
        %parallel_loop3A_1055 = arith.index_cast %parallel_loop3A_1049 : i32 to index
        %parallel_loop3A_1056 = arith.constant 16 : index
        %parallel_loop3A_1057 = tpu.vector_load %arg10[%parallel_loop3A_1055, %parallel_loop3A_1056] {strides = array<i32>} : memref<200x64xf32, #tpu.memory_space<vmem>>, vector<1x16xf32>,
        %parallel_loop3A_1058 = vector.shape_cast %parallel_loop3A_1057 : vector<1x16xf32> to vector<16xf32>
        %parallel_loop3A_1059 = vector.shape_cast %parallel_loop3A_995 : vector<16xf32> to vector<1x16xf32>
        tpu.vector_store %arg10[%parallel_loop3A_1055, %parallel_loop3A_1056], %parallel_loop3A_1059 {strides = array<i32>} : memref<200x64xf32, #tpu.memory_space<vmem>>, vector<1x16xf32>,
        %parallel_loop3A_1060 = arith.index_cast %parallel_loop3A_1049 : i32 to index
        %parallel_loop3A_1061 = arith.constant 32 : index
        %parallel_loop3A_1062 = tpu.vector_load %arg10[%parallel_loop3A_1060, %parallel_loop3A_1061] {strides = array<i32>} : memref<200x64xf32, #tpu.memory_space<vmem>>, vector<1x16xf32>,
        %parallel_loop3A_1063 = vector.shape_cast %parallel_loop3A_1062 : vector<1x16xf32> to vector<16xf32>
        %parallel_loop3A_1064 = vector.shape_cast %parallel_loop3A_999 : vector<16xf32> to vector<1x16xf32>
        tpu.vector_store %arg10[%parallel_loop3A_1060, %parallel_loop3A_1061], %parallel_loop3A_1064 {strides = array<i32>} : memref<200x64xf32, #tpu.memory_space<vmem>>, vector<1x16xf32>,
        %parallel_loop3A_1065 = arith.index_cast %parallel_loop3A_1049 : i32 to index
        %parallel_loop3A_1066 = arith.constant 48 : index
        %parallel_loop3A_1067 = tpu.vector_load %arg10[%parallel_loop3A_1065, %parallel_loop3A_1066] {strides = array<i32>} : memref<200x64xf32, #tpu.memory_space<vmem>>, vector<1x16xf32>,
        %parallel_loop3A_1068 = vector.shape_cast %parallel_loop3A_1067 : vector<1x16xf32> to vector<16xf32>
        %parallel_loop3A_1069 = vector.shape_cast %parallel_loop3A_1003 : vector<16xf32> to vector<1x16xf32>
        tpu.vector_store %arg10[%parallel_loop3A_1065, %parallel_loop3A_1066], %parallel_loop3A_1069 {strides = array<i32>} : memref<200x64xf32, #tpu.memory_space<vmem>>, vector<1x16xf32>,
        %parallel_loop3A_1070 = vector.extract_strided_slice %parallel_loop3A_799 {offsets = [7], sizes = [1], strides = [1]} : vector<16xi32> to vector<1xi32>
        %parallel_loop3A_1071 = vector.extract %parallel_loop3A_1070[0] : i32 from vector<1xi32>
        %parallel_loop3A_1072 = arith.index_cast %parallel_loop3A_1071 : i32 to index
        %parallel_loop3A_1073 = arith.constant 0 : index
        %parallel_loop3A_1074 = tpu.vector_load %arg8[%parallel_loop3A_1072, %parallel_loop3A_1073] {strides = array<i32>} : memref<606x64xf32, #tpu.memory_space<vmem>>, vector<1x16xf32>,
        %parallel_loop3A_1075 = vector.shape_cast %parallel_loop3A_1074 : vector<1x16xf32> to vector<16xf32>
        %parallel_loop3A_1076 = arith.index_cast %parallel_loop3A_1071 : i32 to index
        %parallel_loop3A_1077 = arith.constant 16 : index
        %parallel_loop3A_1078 = tpu.vector_load %arg8[%parallel_loop3A_1076, %parallel_loop3A_1077] {strides = array<i32>} : memref<606x64xf32, #tpu.memory_space<vmem>>, vector<1x16xf32>,
        %parallel_loop3A_1079 = vector.shape_cast %parallel_loop3A_1078 : vector<1x16xf32> to vector<16xf32>
        %parallel_loop3A_1080 = arith.index_cast %parallel_loop3A_1071 : i32 to index
        %parallel_loop3A_1081 = arith.constant 32 : index
        %parallel_loop3A_1082 = tpu.vector_load %arg8[%parallel_loop3A_1080, %parallel_loop3A_1081] {strides = array<i32>} : memref<606x64xf32, #tpu.memory_space<vmem>>, vector<1x16xf32>,
        %parallel_loop3A_1083 = vector.shape_cast %parallel_loop3A_1082 : vector<1x16xf32> to vector<16xf32>
        %parallel_loop3A_1084 = arith.index_cast %parallel_loop3A_1071 : i32 to index
        %parallel_loop3A_1085 = arith.constant 48 : index
        %parallel_loop3A_1086 = tpu.vector_load %arg8[%parallel_loop3A_1084, %parallel_loop3A_1085] {strides = array<i32>} : memref<606x64xf32, #tpu.memory_space<vmem>>, vector<1x16xf32>,
        %parallel_loop3A_1087 = vector.shape_cast %parallel_loop3A_1086 : vector<1x16xf32> to vector<16xf32>
        %parallel_loop3A_1088 = arith.constant 16 : i32
        %parallel_loop3A_1089 = arith.muli %parallel_loop3A_785, %parallel_loop3A_1088 : i32
        %parallel_loop3A_1090 = arith.constant 6 : i32
        %parallel_loop3A_1091 = arith.addi %parallel_loop3A_1089, %parallel_loop3A_1090 : i32
        %parallel_loop3A_1092 = arith.index_cast %parallel_loop3A_1091 : i32 to index
        %parallel_loop3A_1093 = arith.constant 0 : index
        %parallel_loop3A_1094 = tpu.vector_load %arg10[%parallel_loop3A_1092, %parallel_loop3A_1093] {strides = array<i32>} : memref<200x64xf32, #tpu.memory_space<vmem>>, vector<1x16xf32>,
        %parallel_loop3A_1095 = vector.shape_cast %parallel_loop3A_1094 : vector<1x16xf32> to vector<16xf32>
        %parallel_loop3A_1096 = vector.shape_cast %parallel_loop3A_1033 : vector<16xf32> to vector<1x16xf32>
        tpu.vector_store %arg10[%parallel_loop3A_1092, %parallel_loop3A_1093], %parallel_loop3A_1096 {strides = array<i32>} : memref<200x64xf32, #tpu.memory_space<vmem>>, vector<1x16xf32>,
        %parallel_loop3A_1097 = arith.index_cast %parallel_loop3A_1091 : i32 to index
        %parallel_loop3A_1098 = arith.constant 16 : index
        %parallel_loop3A_1099 = tpu.vector_load %arg10[%parallel_loop3A_1097, %parallel_loop3A_1098] {strides = array<i32>} : memref<200x64xf32, #tpu.memory_space<vmem>>, vector<1x16xf32>,
        %parallel_loop3A_1100 = vector.shape_cast %parallel_loop3A_1099 : vector<1x16xf32> to vector<16xf32>
        %parallel_loop3A_1101 = vector.shape_cast %parallel_loop3A_1037 : vector<16xf32> to vector<1x16xf32>
        tpu.vector_store %arg10[%parallel_loop3A_1097, %parallel_loop3A_1098], %parallel_loop3A_1101 {strides = array<i32>} : memref<200x64xf32, #tpu.memory_space<vmem>>, vector<1x16xf32>,
        %parallel_loop3A_1102 = arith.index_cast %parallel_loop3A_1091 : i32 to index
        %parallel_loop3A_1103 = arith.constant 32 : index
        %parallel_loop3A_1104 = tpu.vector_load %arg10[%parallel_loop3A_1102, %parallel_loop3A_1103] {strides = array<i32>} : memref<200x64xf32, #tpu.memory_space<vmem>>, vector<1x16xf32>,
        %parallel_loop3A_1105 = vector.shape_cast %parallel_loop3A_1104 : vector<1x16xf32> to vector<16xf32>
        %parallel_loop3A_1106 = vector.shape_cast %parallel_loop3A_1041 : vector<16xf32> to vector<1x16xf32>
        tpu.vector_store %arg10[%parallel_loop3A_1102, %parallel_loop3A_1103], %parallel_loop3A_1106 {strides = array<i32>} : memref<200x64xf32, #tpu.memory_space<vmem>>, vector<1x16xf32>,
        %parallel_loop3A_1107 = arith.index_cast %parallel_loop3A_1091 : i32 to index
        %parallel_loop3A_1108 = arith.constant 48 : index
        %parallel_loop3A_1109 = tpu.vector_load %arg10[%parallel_loop3A_1107, %parallel_loop3A_1108] {strides = array<i32>} : memref<200x64xf32, #tpu.memory_space<vmem>>, vector<1x16xf32>,
        %parallel_loop3A_1110 = vector.shape_cast %parallel_loop3A_1109 : vector<1x16xf32> to vector<16xf32>
        %parallel_loop3A_1111 = vector.shape_cast %parallel_loop3A_1045 : vector<16xf32> to vector<1x16xf32>
        tpu.vector_store %arg10[%parallel_loop3A_1107, %parallel_loop3A_1108], %parallel_loop3A_1111 {strides = array<i32>} : memref<200x64xf32, #tpu.memory_space<vmem>>, vector<1x16xf32>,
        %parallel_loop3A_1112 = vector.extract_strided_slice %parallel_loop3A_799 {offsets = [8], sizes = [1], strides = [1]} : vector<16xi32> to vector<1xi32>
        %parallel_loop3A_1113 = vector.extract %parallel_loop3A_1112[0] : i32 from vector<1xi32>
        %parallel_loop3A_1114 = arith.index_cast %parallel_loop3A_1113 : i32 to index
        %parallel_loop3A_1115 = arith.constant 0 : index
        %parallel_loop3A_1116 = tpu.vector_load %arg8[%parallel_loop3A_1114, %parallel_loop3A_1115] {strides = array<i32>} : memref<606x64xf32, #tpu.memory_space<vmem>>, vector<1x16xf32>,
        %parallel_loop3A_1117 = vector.shape_cast %parallel_loop3A_1116 : vector<1x16xf32> to vector<16xf32>
        %parallel_loop3A_1118 = arith.index_cast %parallel_loop3A_1113 : i32 to index
        %parallel_loop3A_1119 = arith.constant 16 : index
        %parallel_loop3A_1120 = tpu.vector_load %arg8[%parallel_loop3A_1118, %parallel_loop3A_1119] {strides = array<i32>} : memref<606x64xf32, #tpu.memory_space<vmem>>, vector<1x16xf32>,
        %parallel_loop3A_1121 = vector.shape_cast %parallel_loop3A_1120 : vector<1x16xf32> to vector<16xf32>
        %parallel_loop3A_1122 = arith.index_cast %parallel_loop3A_1113 : i32 to index
        %parallel_loop3A_1123 = arith.constant 32 : index
        %parallel_loop3A_1124 = tpu.vector_load %arg8[%parallel_loop3A_1122, %parallel_loop3A_1123] {strides = array<i32>} : memref<606x64xf32, #tpu.memory_space<vmem>>, vector<1x16xf32>,
        %parallel_loop3A_1125 = vector.shape_cast %parallel_loop3A_1124 : vector<1x16xf32> to vector<16xf32>
        %parallel_loop3A_1126 = arith.index_cast %parallel_loop3A_1113 : i32 to index
        %parallel_loop3A_1127 = arith.constant 48 : index
        %parallel_loop3A_1128 = tpu.vector_load %arg8[%parallel_loop3A_1126, %parallel_loop3A_1127] {strides = array<i32>} : memref<606x64xf32, #tpu.memory_space<vmem>>, vector<1x16xf32>,
        %parallel_loop3A_1129 = vector.shape_cast %parallel_loop3A_1128 : vector<1x16xf32> to vector<16xf32>
        %parallel_loop3A_1130 = arith.constant 16 : i32
        %parallel_loop3A_1131 = arith.muli %parallel_loop3A_785, %parallel_loop3A_1130 : i32
        %parallel_loop3A_1132 = arith.constant 7 : i32
        %parallel_loop3A_1133 = arith.addi %parallel_loop3A_1131, %parallel_loop3A_1132 : i32
        %parallel_loop3A_1134 = arith.index_cast %parallel_loop3A_1133 : i32 to index
        %parallel_loop3A_1135 = arith.constant 0 : index
        %parallel_loop3A_1136 = tpu.vector_load %arg10[%parallel_loop3A_1134, %parallel_loop3A_1135] {strides = array<i32>} : memref<200x64xf32, #tpu.memory_space<vmem>>, vector<1x16xf32>,
        %parallel_loop3A_1137 = vector.shape_cast %parallel_loop3A_1136 : vector<1x16xf32> to vector<16xf32>
        %parallel_loop3A_1138 = vector.shape_cast %parallel_loop3A_1075 : vector<16xf32> to vector<1x16xf32>
        tpu.vector_store %arg10[%parallel_loop3A_1134, %parallel_loop3A_1135], %parallel_loop3A_1138 {strides = array<i32>} : memref<200x64xf32, #tpu.memory_space<vmem>>, vector<1x16xf32>,
        %parallel_loop3A_1139 = arith.index_cast %parallel_loop3A_1133 : i32 to index
        %parallel_loop3A_1140 = arith.constant 16 : index
        %parallel_loop3A_1141 = tpu.vector_load %arg10[%parallel_loop3A_1139, %parallel_loop3A_1140] {strides = array<i32>} : memref<200x64xf32, #tpu.memory_space<vmem>>, vector<1x16xf32>,
        %parallel_loop3A_1142 = vector.shape_cast %parallel_loop3A_1141 : vector<1x16xf32> to vector<16xf32>
        %parallel_loop3A_1143 = vector.shape_cast %parallel_loop3A_1079 : vector<16xf32> to vector<1x16xf32>
        tpu.vector_store %arg10[%parallel_loop3A_1139, %parallel_loop3A_1140], %parallel_loop3A_1143 {strides = array<i32>} : memref<200x64xf32, #tpu.memory_space<vmem>>, vector<1x16xf32>,
        %parallel_loop3A_1144 = arith.index_cast %parallel_loop3A_1133 : i32 to index
        %parallel_loop3A_1145 = arith.constant 32 : index
        %parallel_loop3A_1146 = tpu.vector_load %arg10[%parallel_loop3A_1144, %parallel_loop3A_1145] {strides = array<i32>} : memref<200x64xf32, #tpu.memory_space<vmem>>, vector<1x16xf32>,
        %parallel_loop3A_1147 = vector.shape_cast %parallel_loop3A_1146 : vector<1x16xf32> to vector<16xf32>
        %parallel_loop3A_1148 = vector.shape_cast %parallel_loop3A_1083 : vector<16xf32> to vector<1x16xf32>
        tpu.vector_store %arg10[%parallel_loop3A_1144, %parallel_loop3A_1145], %parallel_loop3A_1148 {strides = array<i32>} : memref<200x64xf32, #tpu.memory_space<vmem>>, vector<1x16xf32>,
        %parallel_loop3A_1149 = arith.index_cast %parallel_loop3A_1133 : i32 to index
        %parallel_loop3A_1150 = arith.constant 48 : index
        %parallel_loop3A_1151 = tpu.vector_load %arg10[%parallel_loop3A_1149, %parallel_loop3A_1150] {strides = array<i32>} : memref<200x64xf32, #tpu.memory_space<vmem>>, vector<1x16xf32>,
        %parallel_loop3A_1152 = vector.shape_cast %parallel_loop3A_1151 : vector<1x16xf32> to vector<16xf32>
        %parallel_loop3A_1153 = vector.shape_cast %parallel_loop3A_1087 : vector<16xf32> to vector<1x16xf32>
        tpu.vector_store %arg10[%parallel_loop3A_1149, %parallel_loop3A_1150], %parallel_loop3A_1153 {strides = array<i32>} : memref<200x64xf32, #tpu.memory_space<vmem>>, vector<1x16xf32>,
        %parallel_loop3A_1154 = vector.extract_strided_slice %parallel_loop3A_799 {offsets = [9], sizes = [1], strides = [1]} : vector<16xi32> to vector<1xi32>
        %parallel_loop3A_1155 = vector.extract %parallel_loop3A_1154[0] : i32 from vector<1xi32>
        %parallel_loop3A_1156 = arith.index_cast %parallel_loop3A_1155 : i32 to index
        %parallel_loop3A_1157 = arith.constant 0 : index
        %parallel_loop3A_1158 = tpu.vector_load %arg8[%parallel_loop3A_1156, %parallel_loop3A_1157] {strides = array<i32>} : memref<606x64xf32, #tpu.memory_space<vmem>>, vector<1x16xf32>,
        %parallel_loop3A_1159 = vector.shape_cast %parallel_loop3A_1158 : vector<1x16xf32> to vector<16xf32>
        %parallel_loop3A_1160 = arith.index_cast %parallel_loop3A_1155 : i32 to index
        %parallel_loop3A_1161 = arith.constant 16 : index
        %parallel_loop3A_1162 = tpu.vector_load %arg8[%parallel_loop3A_1160, %parallel_loop3A_1161] {strides = array<i32>} : memref<606x64xf32, #tpu.memory_space<vmem>>, vector<1x16xf32>,
        %parallel_loop3A_1163 = vector.shape_cast %parallel_loop3A_1162 : vector<1x16xf32> to vector<16xf32>
        %parallel_loop3A_1164 = arith.index_cast %parallel_loop3A_1155 : i32 to index
        %parallel_loop3A_1165 = arith.constant 32 : index
        %parallel_loop3A_1166 = tpu.vector_load %arg8[%parallel_loop3A_1164, %parallel_loop3A_1165] {strides = array<i32>} : memref<606x64xf32, #tpu.memory_space<vmem>>, vector<1x16xf32>,
        %parallel_loop3A_1167 = vector.shape_cast %parallel_loop3A_1166 : vector<1x16xf32> to vector<16xf32>
        %parallel_loop3A_1168 = arith.index_cast %parallel_loop3A_1155 : i32 to index
        %parallel_loop3A_1169 = arith.constant 48 : index
        %parallel_loop3A_1170 = tpu.vector_load %arg8[%parallel_loop3A_1168, %parallel_loop3A_1169] {strides = array<i32>} : memref<606x64xf32, #tpu.memory_space<vmem>>, vector<1x16xf32>,
        %parallel_loop3A_1171 = vector.shape_cast %parallel_loop3A_1170 : vector<1x16xf32> to vector<16xf32>
        %parallel_loop3A_1172 = arith.constant 16 : i32
        %parallel_loop3A_1173 = arith.muli %parallel_loop3A_785, %parallel_loop3A_1172 : i32
        %parallel_loop3A_1174 = arith.constant 8 : i32
        %parallel_loop3A_1175 = arith.addi %parallel_loop3A_1173, %parallel_loop3A_1174 : i32
        %parallel_loop3A_1176 = arith.index_cast %parallel_loop3A_1175 : i32 to index
        %parallel_loop3A_1177 = arith.constant 0 : index
        %parallel_loop3A_1178 = tpu.vector_load %arg10[%parallel_loop3A_1176, %parallel_loop3A_1177] {strides = array<i32>} : memref<200x64xf32, #tpu.memory_space<vmem>>, vector<1x16xf32>,
        %parallel_loop3A_1179 = vector.shape_cast %parallel_loop3A_1178 : vector<1x16xf32> to vector<16xf32>
        %parallel_loop3A_1180 = vector.shape_cast %parallel_loop3A_1117 : vector<16xf32> to vector<1x16xf32>
        tpu.vector_store %arg10[%parallel_loop3A_1176, %parallel_loop3A_1177], %parallel_loop3A_1180 {strides = array<i32>} : memref<200x64xf32, #tpu.memory_space<vmem>>, vector<1x16xf32>,
        %parallel_loop3A_1181 = arith.index_cast %parallel_loop3A_1175 : i32 to index
        %parallel_loop3A_1182 = arith.constant 16 : index
        %parallel_loop3A_1183 = tpu.vector_load %arg10[%parallel_loop3A_1181, %parallel_loop3A_1182] {strides = array<i32>} : memref<200x64xf32, #tpu.memory_space<vmem>>, vector<1x16xf32>,
        %parallel_loop3A_1184 = vector.shape_cast %parallel_loop3A_1183 : vector<1x16xf32> to vector<16xf32>
        %parallel_loop3A_1185 = vector.shape_cast %parallel_loop3A_1121 : vector<16xf32> to vector<1x16xf32>
        tpu.vector_store %arg10[%parallel_loop3A_1181, %parallel_loop3A_1182], %parallel_loop3A_1185 {strides = array<i32>} : memref<200x64xf32, #tpu.memory_space<vmem>>, vector<1x16xf32>,
        %parallel_loop3A_1186 = arith.index_cast %parallel_loop3A_1175 : i32 to index
        %parallel_loop3A_1187 = arith.constant 32 : index
        %parallel_loop3A_1188 = tpu.vector_load %arg10[%parallel_loop3A_1186, %parallel_loop3A_1187] {strides = array<i32>} : memref<200x64xf32, #tpu.memory_space<vmem>>, vector<1x16xf32>,
        %parallel_loop3A_1189 = vector.shape_cast %parallel_loop3A_1188 : vector<1x16xf32> to vector<16xf32>
        %parallel_loop3A_1190 = vector.shape_cast %parallel_loop3A_1125 : vector<16xf32> to vector<1x16xf32>
        tpu.vector_store %arg10[%parallel_loop3A_1186, %parallel_loop3A_1187], %parallel_loop3A_1190 {strides = array<i32>} : memref<200x64xf32, #tpu.memory_space<vmem>>, vector<1x16xf32>,
        %parallel_loop3A_1191 = arith.index_cast %parallel_loop3A_1175 : i32 to index
        %parallel_loop3A_1192 = arith.constant 48 : index
        %parallel_loop3A_1193 = tpu.vector_load %arg10[%parallel_loop3A_1191, %parallel_loop3A_1192] {strides = array<i32>} : memref<200x64xf32, #tpu.memory_space<vmem>>, vector<1x16xf32>,
        %parallel_loop3A_1194 = vector.shape_cast %parallel_loop3A_1193 : vector<1x16xf32> to vector<16xf32>
        %parallel_loop3A_1195 = vector.shape_cast %parallel_loop3A_1129 : vector<16xf32> to vector<1x16xf32>
        tpu.vector_store %arg10[%parallel_loop3A_1191, %parallel_loop3A_1192], %parallel_loop3A_1195 {strides = array<i32>} : memref<200x64xf32, #tpu.memory_space<vmem>>, vector<1x16xf32>,
        %parallel_loop3A_1196 = vector.extract_strided_slice %parallel_loop3A_799 {offsets = [10], sizes = [1], strides = [1]} : vector<16xi32> to vector<1xi32>
        %parallel_loop3A_1197 = vector.extract %parallel_loop3A_1196[0] : i32 from vector<1xi32>
        %parallel_loop3A_1198 = arith.index_cast %parallel_loop3A_1197 : i32 to index
        %parallel_loop3A_1199 = arith.constant 0 : index
        %parallel_loop3A_1200 = tpu.vector_load %arg8[%parallel_loop3A_1198, %parallel_loop3A_1199] {strides = array<i32>} : memref<606x64xf32, #tpu.memory_space<vmem>>, vector<1x16xf32>,
        %parallel_loop3A_1201 = vector.shape_cast %parallel_loop3A_1200 : vector<1x16xf32> to vector<16xf32>
        %parallel_loop3A_1202 = arith.index_cast %parallel_loop3A_1197 : i32 to index
        %parallel_loop3A_1203 = arith.constant 16 : index
        %parallel_loop3A_1204 = tpu.vector_load %arg8[%parallel_loop3A_1202, %parallel_loop3A_1203] {strides = array<i32>} : memref<606x64xf32, #tpu.memory_space<vmem>>, vector<1x16xf32>,
        %parallel_loop3A_1205 = vector.shape_cast %parallel_loop3A_1204 : vector<1x16xf32> to vector<16xf32>
        %parallel_loop3A_1206 = arith.index_cast %parallel_loop3A_1197 : i32 to index
        %parallel_loop3A_1207 = arith.constant 32 : index
        %parallel_loop3A_1208 = tpu.vector_load %arg8[%parallel_loop3A_1206, %parallel_loop3A_1207] {strides = array<i32>} : memref<606x64xf32, #tpu.memory_space<vmem>>, vector<1x16xf32>,
        %parallel_loop3A_1209 = vector.shape_cast %parallel_loop3A_1208 : vector<1x16xf32> to vector<16xf32>
        %parallel_loop3A_1210 = arith.index_cast %parallel_loop3A_1197 : i32 to index
        %parallel_loop3A_1211 = arith.constant 48 : index
        %parallel_loop3A_1212 = tpu.vector_load %arg8[%parallel_loop3A_1210, %parallel_loop3A_1211] {strides = array<i32>} : memref<606x64xf32, #tpu.memory_space<vmem>>, vector<1x16xf32>,
        %parallel_loop3A_1213 = vector.shape_cast %parallel_loop3A_1212 : vector<1x16xf32> to vector<16xf32>
        %parallel_loop3A_1214 = arith.constant 16 : i32
        %parallel_loop3A_1215 = arith.muli %parallel_loop3A_785, %parallel_loop3A_1214 : i32
        %parallel_loop3A_1216 = arith.constant 9 : i32
        %parallel_loop3A_1217 = arith.addi %parallel_loop3A_1215, %parallel_loop3A_1216 : i32
        %parallel_loop3A_1218 = arith.index_cast %parallel_loop3A_1217 : i32 to index
        %parallel_loop3A_1219 = arith.constant 0 : index
        %parallel_loop3A_1220 = tpu.vector_load %arg10[%parallel_loop3A_1218, %parallel_loop3A_1219] {strides = array<i32>} : memref<200x64xf32, #tpu.memory_space<vmem>>, vector<1x16xf32>,
        %parallel_loop3A_1221 = vector.shape_cast %parallel_loop3A_1220 : vector<1x16xf32> to vector<16xf32>
        %parallel_loop3A_1222 = vector.shape_cast %parallel_loop3A_1159 : vector<16xf32> to vector<1x16xf32>
        tpu.vector_store %arg10[%parallel_loop3A_1218, %parallel_loop3A_1219], %parallel_loop3A_1222 {strides = array<i32>} : memref<200x64xf32, #tpu.memory_space<vmem>>, vector<1x16xf32>,
        %parallel_loop3A_1223 = arith.index_cast %parallel_loop3A_1217 : i32 to index
        %parallel_loop3A_1224 = arith.constant 16 : index
        %parallel_loop3A_1225 = tpu.vector_load %arg10[%parallel_loop3A_1223, %parallel_loop3A_1224] {strides = array<i32>} : memref<200x64xf32, #tpu.memory_space<vmem>>, vector<1x16xf32>,
        %parallel_loop3A_1226 = vector.shape_cast %parallel_loop3A_1225 : vector<1x16xf32> to vector<16xf32>
        %parallel_loop3A_1227 = vector.shape_cast %parallel_loop3A_1163 : vector<16xf32> to vector<1x16xf32>
        tpu.vector_store %arg10[%parallel_loop3A_1223, %parallel_loop3A_1224], %parallel_loop3A_1227 {strides = array<i32>} : memref<200x64xf32, #tpu.memory_space<vmem>>, vector<1x16xf32>,
        %parallel_loop3A_1228 = arith.index_cast %parallel_loop3A_1217 : i32 to index
        %parallel_loop3A_1229 = arith.constant 32 : index
        %parallel_loop3A_1230 = tpu.vector_load %arg10[%parallel_loop3A_1228, %parallel_loop3A_1229] {strides = array<i32>} : memref<200x64xf32, #tpu.memory_space<vmem>>, vector<1x16xf32>,
        %parallel_loop3A_1231 = vector.shape_cast %parallel_loop3A_1230 : vector<1x16xf32> to vector<16xf32>
        %parallel_loop3A_1232 = vector.shape_cast %parallel_loop3A_1167 : vector<16xf32> to vector<1x16xf32>
        tpu.vector_store %arg10[%parallel_loop3A_1228, %parallel_loop3A_1229], %parallel_loop3A_1232 {strides = array<i32>} : memref<200x64xf32, #tpu.memory_space<vmem>>, vector<1x16xf32>,
        %parallel_loop3A_1233 = arith.index_cast %parallel_loop3A_1217 : i32 to index
        %parallel_loop3A_1234 = arith.constant 48 : index
        %parallel_loop3A_1235 = tpu.vector_load %arg10[%parallel_loop3A_1233, %parallel_loop3A_1234] {strides = array<i32>} : memref<200x64xf32, #tpu.memory_space<vmem>>, vector<1x16xf32>,
        %parallel_loop3A_1236 = vector.shape_cast %parallel_loop3A_1235 : vector<1x16xf32> to vector<16xf32>
        %parallel_loop3A_1237 = vector.shape_cast %parallel_loop3A_1171 : vector<16xf32> to vector<1x16xf32>
        tpu.vector_store %arg10[%parallel_loop3A_1233, %parallel_loop3A_1234], %parallel_loop3A_1237 {strides = array<i32>} : memref<200x64xf32, #tpu.memory_space<vmem>>, vector<1x16xf32>,
        %parallel_loop3A_1238 = vector.extract_strided_slice %parallel_loop3A_799 {offsets = [11], sizes = [1], strides = [1]} : vector<16xi32> to vector<1xi32>
        %parallel_loop3A_1239 = vector.extract %parallel_loop3A_1238[0] : i32 from vector<1xi32>
        %parallel_loop3A_1240 = arith.index_cast %parallel_loop3A_1239 : i32 to index
        %parallel_loop3A_1241 = arith.constant 0 : index
        %parallel_loop3A_1242 = tpu.vector_load %arg8[%parallel_loop3A_1240, %parallel_loop3A_1241] {strides = array<i32>} : memref<606x64xf32, #tpu.memory_space<vmem>>, vector<1x16xf32>,
        %parallel_loop3A_1243 = vector.shape_cast %parallel_loop3A_1242 : vector<1x16xf32> to vector<16xf32>
        %parallel_loop3A_1244 = arith.index_cast %parallel_loop3A_1239 : i32 to index
        %parallel_loop3A_1245 = arith.constant 16 : index
        %parallel_loop3A_1246 = tpu.vector_load %arg8[%parallel_loop3A_1244, %parallel_loop3A_1245] {strides = array<i32>} : memref<606x64xf32, #tpu.memory_space<vmem>>, vector<1x16xf32>,
        %parallel_loop3A_1247 = vector.shape_cast %parallel_loop3A_1246 : vector<1x16xf32> to vector<16xf32>
        %parallel_loop3A_1248 = arith.index_cast %parallel_loop3A_1239 : i32 to index
        %parallel_loop3A_1249 = arith.constant 32 : index
        %parallel_loop3A_1250 = tpu.vector_load %arg8[%parallel_loop3A_1248, %parallel_loop3A_1249] {strides = array<i32>} : memref<606x64xf32, #tpu.memory_space<vmem>>, vector<1x16xf32>,
        %parallel_loop3A_1251 = vector.shape_cast %parallel_loop3A_1250 : vector<1x16xf32> to vector<16xf32>
        %parallel_loop3A_1252 = arith.index_cast %parallel_loop3A_1239 : i32 to index
        %parallel_loop3A_1253 = arith.constant 48 : index
        %parallel_loop3A_1254 = tpu.vector_load %arg8[%parallel_loop3A_1252, %parallel_loop3A_1253] {strides = array<i32>} : memref<606x64xf32, #tpu.memory_space<vmem>>, vector<1x16xf32>,
        %parallel_loop3A_1255 = vector.shape_cast %parallel_loop3A_1254 : vector<1x16xf32> to vector<16xf32>
        %parallel_loop3A_1256 = arith.constant 16 : i32
        %parallel_loop3A_1257 = arith.muli %parallel_loop3A_785, %parallel_loop3A_1256 : i32
        %parallel_loop3A_1258 = arith.constant 10 : i32
        %parallel_loop3A_1259 = arith.addi %parallel_loop3A_1257, %parallel_loop3A_1258 : i32
        %parallel_loop3A_1260 = arith.index_cast %parallel_loop3A_1259 : i32 to index
        %parallel_loop3A_1261 = arith.constant 0 : index
        %parallel_loop3A_1262 = tpu.vector_load %arg10[%parallel_loop3A_1260, %parallel_loop3A_1261] {strides = array<i32>} : memref<200x64xf32, #tpu.memory_space<vmem>>, vector<1x16xf32>,
        %parallel_loop3A_1263 = vector.shape_cast %parallel_loop3A_1262 : vector<1x16xf32> to vector<16xf32>
        %parallel_loop3A_1264 = vector.shape_cast %parallel_loop3A_1201 : vector<16xf32> to vector<1x16xf32>
        tpu.vector_store %arg10[%parallel_loop3A_1260, %parallel_loop3A_1261], %parallel_loop3A_1264 {strides = array<i32>} : memref<200x64xf32, #tpu.memory_space<vmem>>, vector<1x16xf32>,
        %parallel_loop3A_1265 = arith.index_cast %parallel_loop3A_1259 : i32 to index
        %parallel_loop3A_1266 = arith.constant 16 : index
        %parallel_loop3A_1267 = tpu.vector_load %arg10[%parallel_loop3A_1265, %parallel_loop3A_1266] {strides = array<i32>} : memref<200x64xf32, #tpu.memory_space<vmem>>, vector<1x16xf32>,
        %parallel_loop3A_1268 = vector.shape_cast %parallel_loop3A_1267 : vector<1x16xf32> to vector<16xf32>
        %parallel_loop3A_1269 = vector.shape_cast %parallel_loop3A_1205 : vector<16xf32> to vector<1x16xf32>
        tpu.vector_store %arg10[%parallel_loop3A_1265, %parallel_loop3A_1266], %parallel_loop3A_1269 {strides = array<i32>} : memref<200x64xf32, #tpu.memory_space<vmem>>, vector<1x16xf32>,
        %parallel_loop3A_1270 = arith.index_cast %parallel_loop3A_1259 : i32 to index
        %parallel_loop3A_1271 = arith.constant 32 : index
        %parallel_loop3A_1272 = tpu.vector_load %arg10[%parallel_loop3A_1270, %parallel_loop3A_1271] {strides = array<i32>} : memref<200x64xf32, #tpu.memory_space<vmem>>, vector<1x16xf32>,
        %parallel_loop3A_1273 = vector.shape_cast %parallel_loop3A_1272 : vector<1x16xf32> to vector<16xf32>
        %parallel_loop3A_1274 = vector.shape_cast %parallel_loop3A_1209 : vector<16xf32> to vector<1x16xf32>
        tpu.vector_store %arg10[%parallel_loop3A_1270, %parallel_loop3A_1271], %parallel_loop3A_1274 {strides = array<i32>} : memref<200x64xf32, #tpu.memory_space<vmem>>, vector<1x16xf32>,
        %parallel_loop3A_1275 = arith.index_cast %parallel_loop3A_1259 : i32 to index
        %parallel_loop3A_1276 = arith.constant 48 : index
        %parallel_loop3A_1277 = tpu.vector_load %arg10[%parallel_loop3A_1275, %parallel_loop3A_1276] {strides = array<i32>} : memref<200x64xf32, #tpu.memory_space<vmem>>, vector<1x16xf32>,
        %parallel_loop3A_1278 = vector.shape_cast %parallel_loop3A_1277 : vector<1x16xf32> to vector<16xf32>
        %parallel_loop3A_1279 = vector.shape_cast %parallel_loop3A_1213 : vector<16xf32> to vector<1x16xf32>
        tpu.vector_store %arg10[%parallel_loop3A_1275, %parallel_loop3A_1276], %parallel_loop3A_1279 {strides = array<i32>} : memref<200x64xf32, #tpu.memory_space<vmem>>, vector<1x16xf32>,
        %parallel_loop3A_1280 = vector.extract_strided_slice %parallel_loop3A_799 {offsets = [12], sizes = [1], strides = [1]} : vector<16xi32> to vector<1xi32>
        %parallel_loop3A_1281 = vector.extract %parallel_loop3A_1280[0] : i32 from vector<1xi32>
        %parallel_loop3A_1282 = arith.index_cast %parallel_loop3A_1281 : i32 to index
        %parallel_loop3A_1283 = arith.constant 0 : index
        %parallel_loop3A_1284 = tpu.vector_load %arg8[%parallel_loop3A_1282, %parallel_loop3A_1283] {strides = array<i32>} : memref<606x64xf32, #tpu.memory_space<vmem>>, vector<1x16xf32>,
        %parallel_loop3A_1285 = vector.shape_cast %parallel_loop3A_1284 : vector<1x16xf32> to vector<16xf32>
        %parallel_loop3A_1286 = arith.index_cast %parallel_loop3A_1281 : i32 to index
        %parallel_loop3A_1287 = arith.constant 16 : index
        %parallel_loop3A_1288 = tpu.vector_load %arg8[%parallel_loop3A_1286, %parallel_loop3A_1287] {strides = array<i32>} : memref<606x64xf32, #tpu.memory_space<vmem>>, vector<1x16xf32>,
        %parallel_loop3A_1289 = vector.shape_cast %parallel_loop3A_1288 : vector<1x16xf32> to vector<16xf32>
        %parallel_loop3A_1290 = arith.index_cast %parallel_loop3A_1281 : i32 to index
        %parallel_loop3A_1291 = arith.constant 32 : index
        %parallel_loop3A_1292 = tpu.vector_load %arg8[%parallel_loop3A_1290, %parallel_loop3A_1291] {strides = array<i32>} : memref<606x64xf32, #tpu.memory_space<vmem>>, vector<1x16xf32>,
        %parallel_loop3A_1293 = vector.shape_cast %parallel_loop3A_1292 : vector<1x16xf32> to vector<16xf32>
        %parallel_loop3A_1294 = arith.index_cast %parallel_loop3A_1281 : i32 to index
        %parallel_loop3A_1295 = arith.constant 48 : index
        %parallel_loop3A_1296 = tpu.vector_load %arg8[%parallel_loop3A_1294, %parallel_loop3A_1295] {strides = array<i32>} : memref<606x64xf32, #tpu.memory_space<vmem>>, vector<1x16xf32>,
        %parallel_loop3A_1297 = vector.shape_cast %parallel_loop3A_1296 : vector<1x16xf32> to vector<16xf32>
        %parallel_loop3A_1298 = arith.constant 16 : i32
        %parallel_loop3A_1299 = arith.muli %parallel_loop3A_785, %parallel_loop3A_1298 : i32
        %parallel_loop3A_1300 = arith.constant 11 : i32
        %parallel_loop3A_1301 = arith.addi %parallel_loop3A_1299, %parallel_loop3A_1300 : i32
        %parallel_loop3A_1302 = arith.index_cast %parallel_loop3A_1301 : i32 to index
        %parallel_loop3A_1303 = arith.constant 0 : index
        %parallel_loop3A_1304 = tpu.vector_load %arg10[%parallel_loop3A_1302, %parallel_loop3A_1303] {strides = array<i32>} : memref<200x64xf32, #tpu.memory_space<vmem>>, vector<1x16xf32>,
        %parallel_loop3A_1305 = vector.shape_cast %parallel_loop3A_1304 : vector<1x16xf32> to vector<16xf32>
        %parallel_loop3A_1306 = vector.shape_cast %parallel_loop3A_1243 : vector<16xf32> to vector<1x16xf32>
        tpu.vector_store %arg10[%parallel_loop3A_1302, %parallel_loop3A_1303], %parallel_loop3A_1306 {strides = array<i32>} : memref<200x64xf32, #tpu.memory_space<vmem>>, vector<1x16xf32>,
        %parallel_loop3A_1307 = arith.index_cast %parallel_loop3A_1301 : i32 to index
        %parallel_loop3A_1308 = arith.constant 16 : index
        %parallel_loop3A_1309 = tpu.vector_load %arg10[%parallel_loop3A_1307, %parallel_loop3A_1308] {strides = array<i32>} : memref<200x64xf32, #tpu.memory_space<vmem>>, vector<1x16xf32>,
        %parallel_loop3A_1310 = vector.shape_cast %parallel_loop3A_1309 : vector<1x16xf32> to vector<16xf32>
        %parallel_loop3A_1311 = vector.shape_cast %parallel_loop3A_1247 : vector<16xf32> to vector<1x16xf32>
        tpu.vector_store %arg10[%parallel_loop3A_1307, %parallel_loop3A_1308], %parallel_loop3A_1311 {strides = array<i32>} : memref<200x64xf32, #tpu.memory_space<vmem>>, vector<1x16xf32>,
        %parallel_loop3A_1312 = arith.index_cast %parallel_loop3A_1301 : i32 to index
        %parallel_loop3A_1313 = arith.constant 32 : index
        %parallel_loop3A_1314 = tpu.vector_load %arg10[%parallel_loop3A_1312, %parallel_loop3A_1313] {strides = array<i32>} : memref<200x64xf32, #tpu.memory_space<vmem>>, vector<1x16xf32>,
        %parallel_loop3A_1315 = vector.shape_cast %parallel_loop3A_1314 : vector<1x16xf32> to vector<16xf32>
        %parallel_loop3A_1316 = vector.shape_cast %parallel_loop3A_1251 : vector<16xf32> to vector<1x16xf32>
        tpu.vector_store %arg10[%parallel_loop3A_1312, %parallel_loop3A_1313], %parallel_loop3A_1316 {strides = array<i32>} : memref<200x64xf32, #tpu.memory_space<vmem>>, vector<1x16xf32>,
        %parallel_loop3A_1317 = arith.index_cast %parallel_loop3A_1301 : i32 to index
        %parallel_loop3A_1318 = arith.constant 48 : index
        %parallel_loop3A_1319 = tpu.vector_load %arg10[%parallel_loop3A_1317, %parallel_loop3A_1318] {strides = array<i32>} : memref<200x64xf32, #tpu.memory_space<vmem>>, vector<1x16xf32>,
        %parallel_loop3A_1320 = vector.shape_cast %parallel_loop3A_1319 : vector<1x16xf32> to vector<16xf32>
        %parallel_loop3A_1321 = vector.shape_cast %parallel_loop3A_1255 : vector<16xf32> to vector<1x16xf32>
        tpu.vector_store %arg10[%parallel_loop3A_1317, %parallel_loop3A_1318], %parallel_loop3A_1321 {strides = array<i32>} : memref<200x64xf32, #tpu.memory_space<vmem>>, vector<1x16xf32>,
        %parallel_loop3A_1322 = vector.extract_strided_slice %parallel_loop3A_799 {offsets = [13], sizes = [1], strides = [1]} : vector<16xi32> to vector<1xi32>
        %parallel_loop3A_1323 = vector.extract %parallel_loop3A_1322[0] : i32 from vector<1xi32>
        %parallel_loop3A_1324 = arith.index_cast %parallel_loop3A_1323 : i32 to index
        %parallel_loop3A_1325 = arith.constant 0 : index
        %parallel_loop3A_1326 = tpu.vector_load %arg8[%parallel_loop3A_1324, %parallel_loop3A_1325] {strides = array<i32>} : memref<606x64xf32, #tpu.memory_space<vmem>>, vector<1x16xf32>,
        %parallel_loop3A_1327 = vector.shape_cast %parallel_loop3A_1326 : vector<1x16xf32> to vector<16xf32>
        %parallel_loop3A_1328 = arith.index_cast %parallel_loop3A_1323 : i32 to index
        %parallel_loop3A_1329 = arith.constant 16 : index
        %parallel_loop3A_1330 = tpu.vector_load %arg8[%parallel_loop3A_1328, %parallel_loop3A_1329] {strides = array<i32>} : memref<606x64xf32, #tpu.memory_space<vmem>>, vector<1x16xf32>,
        %parallel_loop3A_1331 = vector.shape_cast %parallel_loop3A_1330 : vector<1x16xf32> to vector<16xf32>
        %parallel_loop3A_1332 = arith.index_cast %parallel_loop3A_1323 : i32 to index
        %parallel_loop3A_1333 = arith.constant 32 : index
        %parallel_loop3A_1334 = tpu.vector_load %arg8[%parallel_loop3A_1332, %parallel_loop3A_1333] {strides = array<i32>} : memref<606x64xf32, #tpu.memory_space<vmem>>, vector<1x16xf32>,
        %parallel_loop3A_1335 = vector.shape_cast %parallel_loop3A_1334 : vector<1x16xf32> to vector<16xf32>
        %parallel_loop3A_1336 = arith.index_cast %parallel_loop3A_1323 : i32 to index
        %parallel_loop3A_1337 = arith.constant 48 : index
        %parallel_loop3A_1338 = tpu.vector_load %arg8[%parallel_loop3A_1336, %parallel_loop3A_1337] {strides = array<i32>} : memref<606x64xf32, #tpu.memory_space<vmem>>, vector<1x16xf32>,
        %parallel_loop3A_1339 = vector.shape_cast %parallel_loop3A_1338 : vector<1x16xf32> to vector<16xf32>
        %parallel_loop3A_1340 = arith.constant 16 : i32
        %parallel_loop3A_1341 = arith.muli %parallel_loop3A_785, %parallel_loop3A_1340 : i32
        %parallel_loop3A_1342 = arith.constant 12 : i32
        %parallel_loop3A_1343 = arith.addi %parallel_loop3A_1341, %parallel_loop3A_1342 : i32
        %parallel_loop3A_1344 = arith.index_cast %parallel_loop3A_1343 : i32 to index
        %parallel_loop3A_1345 = arith.constant 0 : index
        %parallel_loop3A_1346 = tpu.vector_load %arg10[%parallel_loop3A_1344, %parallel_loop3A_1345] {strides = array<i32>} : memref<200x64xf32, #tpu.memory_space<vmem>>, vector<1x16xf32>,
        %parallel_loop3A_1347 = vector.shape_cast %parallel_loop3A_1346 : vector<1x16xf32> to vector<16xf32>
        %parallel_loop3A_1348 = vector.shape_cast %parallel_loop3A_1285 : vector<16xf32> to vector<1x16xf32>
        tpu.vector_store %arg10[%parallel_loop3A_1344, %parallel_loop3A_1345], %parallel_loop3A_1348 {strides = array<i32>} : memref<200x64xf32, #tpu.memory_space<vmem>>, vector<1x16xf32>,
        %parallel_loop3A_1349 = arith.index_cast %parallel_loop3A_1343 : i32 to index
        %parallel_loop3A_1350 = arith.constant 16 : index
        %parallel_loop3A_1351 = tpu.vector_load %arg10[%parallel_loop3A_1349, %parallel_loop3A_1350] {strides = array<i32>} : memref<200x64xf32, #tpu.memory_space<vmem>>, vector<1x16xf32>,
        %parallel_loop3A_1352 = vector.shape_cast %parallel_loop3A_1351 : vector<1x16xf32> to vector<16xf32>
        %parallel_loop3A_1353 = vector.shape_cast %parallel_loop3A_1289 : vector<16xf32> to vector<1x16xf32>
        tpu.vector_store %arg10[%parallel_loop3A_1349, %parallel_loop3A_1350], %parallel_loop3A_1353 {strides = array<i32>} : memref<200x64xf32, #tpu.memory_space<vmem>>, vector<1x16xf32>,
        %parallel_loop3A_1354 = arith.index_cast %parallel_loop3A_1343 : i32 to index
        %parallel_loop3A_1355 = arith.constant 32 : index
        %parallel_loop3A_1356 = tpu.vector_load %arg10[%parallel_loop3A_1354, %parallel_loop3A_1355] {strides = array<i32>} : memref<200x64xf32, #tpu.memory_space<vmem>>, vector<1x16xf32>,
        %parallel_loop3A_1357 = vector.shape_cast %parallel_loop3A_1356 : vector<1x16xf32> to vector<16xf32>
        %parallel_loop3A_1358 = vector.shape_cast %parallel_loop3A_1293 : vector<16xf32> to vector<1x16xf32>
        tpu.vector_store %arg10[%parallel_loop3A_1354, %parallel_loop3A_1355], %parallel_loop3A_1358 {strides = array<i32>} : memref<200x64xf32, #tpu.memory_space<vmem>>, vector<1x16xf32>,
        %parallel_loop3A_1359 = arith.index_cast %parallel_loop3A_1343 : i32 to index
        %parallel_loop3A_1360 = arith.constant 48 : index
        %parallel_loop3A_1361 = tpu.vector_load %arg10[%parallel_loop3A_1359, %parallel_loop3A_1360] {strides = array<i32>} : memref<200x64xf32, #tpu.memory_space<vmem>>, vector<1x16xf32>,
        %parallel_loop3A_1362 = vector.shape_cast %parallel_loop3A_1361 : vector<1x16xf32> to vector<16xf32>
        %parallel_loop3A_1363 = vector.shape_cast %parallel_loop3A_1297 : vector<16xf32> to vector<1x16xf32>
        tpu.vector_store %arg10[%parallel_loop3A_1359, %parallel_loop3A_1360], %parallel_loop3A_1363 {strides = array<i32>} : memref<200x64xf32, #tpu.memory_space<vmem>>, vector<1x16xf32>,
        %parallel_loop3A_1364 = vector.extract_strided_slice %parallel_loop3A_799 {offsets = [14], sizes = [1], strides = [1]} : vector<16xi32> to vector<1xi32>
        %parallel_loop3A_1365 = vector.extract %parallel_loop3A_1364[0] : i32 from vector<1xi32>
        %parallel_loop3A_1366 = arith.index_cast %parallel_loop3A_1365 : i32 to index
        %parallel_loop3A_1367 = arith.constant 0 : index
        %parallel_loop3A_1368 = tpu.vector_load %arg8[%parallel_loop3A_1366, %parallel_loop3A_1367] {strides = array<i32>} : memref<606x64xf32, #tpu.memory_space<vmem>>, vector<1x16xf32>,
        %parallel_loop3A_1369 = vector.shape_cast %parallel_loop3A_1368 : vector<1x16xf32> to vector<16xf32>
        %parallel_loop3A_1370 = arith.index_cast %parallel_loop3A_1365 : i32 to index
        %parallel_loop3A_1371 = arith.constant 16 : index
        %parallel_loop3A_1372 = tpu.vector_load %arg8[%parallel_loop3A_1370, %parallel_loop3A_1371] {strides = array<i32>} : memref<606x64xf32, #tpu.memory_space<vmem>>, vector<1x16xf32>,
        %parallel_loop3A_1373 = vector.shape_cast %parallel_loop3A_1372 : vector<1x16xf32> to vector<16xf32>
        %parallel_loop3A_1374 = arith.index_cast %parallel_loop3A_1365 : i32 to index
        %parallel_loop3A_1375 = arith.constant 32 : index
        %parallel_loop3A_1376 = tpu.vector_load %arg8[%parallel_loop3A_1374, %parallel_loop3A_1375] {strides = array<i32>} : memref<606x64xf32, #tpu.memory_space<vmem>>, vector<1x16xf32>,
        %parallel_loop3A_1377 = vector.shape_cast %parallel_loop3A_1376 : vector<1x16xf32> to vector<16xf32>
        %parallel_loop3A_1378 = arith.index_cast %parallel_loop3A_1365 : i32 to index
        %parallel_loop3A_1379 = arith.constant 48 : index
        %parallel_loop3A_1380 = tpu.vector_load %arg8[%parallel_loop3A_1378, %parallel_loop3A_1379] {strides = array<i32>} : memref<606x64xf32, #tpu.memory_space<vmem>>, vector<1x16xf32>,
        %parallel_loop3A_1381 = vector.shape_cast %parallel_loop3A_1380 : vector<1x16xf32> to vector<16xf32>
        %parallel_loop3A_1382 = arith.constant 16 : i32
        %parallel_loop3A_1383 = arith.muli %parallel_loop3A_785, %parallel_loop3A_1382 : i32
        %parallel_loop3A_1384 = arith.constant 13 : i32
        %parallel_loop3A_1385 = arith.addi %parallel_loop3A_1383, %parallel_loop3A_1384 : i32
        %parallel_loop3A_1386 = arith.index_cast %parallel_loop3A_1385 : i32 to index
        %parallel_loop3A_1387 = arith.constant 0 : index
        %parallel_loop3A_1388 = tpu.vector_load %arg10[%parallel_loop3A_1386, %parallel_loop3A_1387] {strides = array<i32>} : memref<200x64xf32, #tpu.memory_space<vmem>>, vector<1x16xf32>,
        %parallel_loop3A_1389 = vector.shape_cast %parallel_loop3A_1388 : vector<1x16xf32> to vector<16xf32>
        %parallel_loop3A_1390 = vector.shape_cast %parallel_loop3A_1327 : vector<16xf32> to vector<1x16xf32>
        tpu.vector_store %arg10[%parallel_loop3A_1386, %parallel_loop3A_1387], %parallel_loop3A_1390 {strides = array<i32>} : memref<200x64xf32, #tpu.memory_space<vmem>>, vector<1x16xf32>,
        %parallel_loop3A_1391 = arith.index_cast %parallel_loop3A_1385 : i32 to index
        %parallel_loop3A_1392 = arith.constant 16 : index
        %parallel_loop3A_1393 = tpu.vector_load %arg10[%parallel_loop3A_1391, %parallel_loop3A_1392] {strides = array<i32>} : memref<200x64xf32, #tpu.memory_space<vmem>>, vector<1x16xf32>,
        %parallel_loop3A_1394 = vector.shape_cast %parallel_loop3A_1393 : vector<1x16xf32> to vector<16xf32>
        %parallel_loop3A_1395 = vector.shape_cast %parallel_loop3A_1331 : vector<16xf32> to vector<1x16xf32>
        tpu.vector_store %arg10[%parallel_loop3A_1391, %parallel_loop3A_1392], %parallel_loop3A_1395 {strides = array<i32>} : memref<200x64xf32, #tpu.memory_space<vmem>>, vector<1x16xf32>,
        %parallel_loop3A_1396 = arith.index_cast %parallel_loop3A_1385 : i32 to index
        %parallel_loop3A_1397 = arith.constant 32 : index
        %parallel_loop3A_1398 = tpu.vector_load %arg10[%parallel_loop3A_1396, %parallel_loop3A_1397] {strides = array<i32>} : memref<200x64xf32, #tpu.memory_space<vmem>>, vector<1x16xf32>,
        %parallel_loop3A_1399 = vector.shape_cast %parallel_loop3A_1398 : vector<1x16xf32> to vector<16xf32>
        %parallel_loop3A_1400 = vector.shape_cast %parallel_loop3A_1335 : vector<16xf32> to vector<1x16xf32>
        tpu.vector_store %arg10[%parallel_loop3A_1396, %parallel_loop3A_1397], %parallel_loop3A_1400 {strides = array<i32>} : memref<200x64xf32, #tpu.memory_space<vmem>>, vector<1x16xf32>,
        %parallel_loop3A_1401 = arith.index_cast %parallel_loop3A_1385 : i32 to index
        %parallel_loop3A_1402 = arith.constant 48 : index
        %parallel_loop3A_1403 = tpu.vector_load %arg10[%parallel_loop3A_1401, %parallel_loop3A_1402] {strides = array<i32>} : memref<200x64xf32, #tpu.memory_space<vmem>>, vector<1x16xf32>,
        %parallel_loop3A_1404 = vector.shape_cast %parallel_loop3A_1403 : vector<1x16xf32> to vector<16xf32>
        %parallel_loop3A_1405 = vector.shape_cast %parallel_loop3A_1339 : vector<16xf32> to vector<1x16xf32>
        tpu.vector_store %arg10[%parallel_loop3A_1401, %parallel_loop3A_1402], %parallel_loop3A_1405 {strides = array<i32>} : memref<200x64xf32, #tpu.memory_space<vmem>>, vector<1x16xf32>,
        %parallel_loop3A_1406 = vector.extract_strided_slice %parallel_loop3A_799 {offsets = [15], sizes = [1], strides = [1]} : vector<16xi32> to vector<1xi32>
        %parallel_loop3A_1407 = vector.extract %parallel_loop3A_1406[0] : i32 from vector<1xi32>
        %parallel_loop3A_1408 = arith.index_cast %parallel_loop3A_1407 : i32 to index
        %parallel_loop3A_1409 = arith.constant 0 : index
        %parallel_loop3A_1410 = tpu.vector_load %arg8[%parallel_loop3A_1408, %parallel_loop3A_1409] {strides = array<i32>} : memref<606x64xf32, #tpu.memory_space<vmem>>, vector<1x16xf32>,
        %parallel_loop3A_1411 = vector.shape_cast %parallel_loop3A_1410 : vector<1x16xf32> to vector<16xf32>
        %parallel_loop3A_1412 = arith.index_cast %parallel_loop3A_1407 : i32 to index
        %parallel_loop3A_1413 = arith.constant 16 : index
        %parallel_loop3A_1414 = tpu.vector_load %arg8[%parallel_loop3A_1412, %parallel_loop3A_1413] {strides = array<i32>} : memref<606x64xf32, #tpu.memory_space<vmem>>, vector<1x16xf32>,
        %parallel_loop3A_1415 = vector.shape_cast %parallel_loop3A_1414 : vector<1x16xf32> to vector<16xf32>
        %parallel_loop3A_1416 = arith.index_cast %parallel_loop3A_1407 : i32 to index
        %parallel_loop3A_1417 = arith.constant 32 : index
        %parallel_loop3A_1418 = tpu.vector_load %arg8[%parallel_loop3A_1416, %parallel_loop3A_1417] {strides = array<i32>} : memref<606x64xf32, #tpu.memory_space<vmem>>, vector<1x16xf32>,
        %parallel_loop3A_1419 = vector.shape_cast %parallel_loop3A_1418 : vector<1x16xf32> to vector<16xf32>
        %parallel_loop3A_1420 = arith.index_cast %parallel_loop3A_1407 : i32 to index
        %parallel_loop3A_1421 = arith.constant 48 : index
        %parallel_loop3A_1422 = tpu.vector_load %arg8[%parallel_loop3A_1420, %parallel_loop3A_1421] {strides = array<i32>} : memref<606x64xf32, #tpu.memory_space<vmem>>, vector<1x16xf32>,
        %parallel_loop3A_1423 = vector.shape_cast %parallel_loop3A_1422 : vector<1x16xf32> to vector<16xf32>
        %parallel_loop3A_1424 = arith.constant 16 : i32
        %parallel_loop3A_1425 = arith.muli %parallel_loop3A_785, %parallel_loop3A_1424 : i32
        %parallel_loop3A_1426 = arith.constant 14 : i32
        %parallel_loop3A_1427 = arith.addi %parallel_loop3A_1425, %parallel_loop3A_1426 : i32
        %parallel_loop3A_1428 = arith.index_cast %parallel_loop3A_1427 : i32 to index
        %parallel_loop3A_1429 = arith.constant 0 : index
        %parallel_loop3A_1430 = tpu.vector_load %arg10[%parallel_loop3A_1428, %parallel_loop3A_1429] {strides = array<i32>} : memref<200x64xf32, #tpu.memory_space<vmem>>, vector<1x16xf32>,
        %parallel_loop3A_1431 = vector.shape_cast %parallel_loop3A_1430 : vector<1x16xf32> to vector<16xf32>
        %parallel_loop3A_1432 = vector.shape_cast %parallel_loop3A_1369 : vector<16xf32> to vector<1x16xf32>
        tpu.vector_store %arg10[%parallel_loop3A_1428, %parallel_loop3A_1429], %parallel_loop3A_1432 {strides = array<i32>} : memref<200x64xf32, #tpu.memory_space<vmem>>, vector<1x16xf32>,
        %parallel_loop3A_1433 = arith.index_cast %parallel_loop3A_1427 : i32 to index
        %parallel_loop3A_1434 = arith.constant 16 : index
        %parallel_loop3A_1435 = tpu.vector_load %arg10[%parallel_loop3A_1433, %parallel_loop3A_1434] {strides = array<i32>} : memref<200x64xf32, #tpu.memory_space<vmem>>, vector<1x16xf32>,
        %parallel_loop3A_1436 = vector.shape_cast %parallel_loop3A_1435 : vector<1x16xf32> to vector<16xf32>
        %parallel_loop3A_1437 = vector.shape_cast %parallel_loop3A_1373 : vector<16xf32> to vector<1x16xf32>
        tpu.vector_store %arg10[%parallel_loop3A_1433, %parallel_loop3A_1434], %parallel_loop3A_1437 {strides = array<i32>} : memref<200x64xf32, #tpu.memory_space<vmem>>, vector<1x16xf32>,
        %parallel_loop3A_1438 = arith.index_cast %parallel_loop3A_1427 : i32 to index
        %parallel_loop3A_1439 = arith.constant 32 : index
        %parallel_loop3A_1440 = tpu.vector_load %arg10[%parallel_loop3A_1438, %parallel_loop3A_1439] {strides = array<i32>} : memref<200x64xf32, #tpu.memory_space<vmem>>, vector<1x16xf32>,
        %parallel_loop3A_1441 = vector.shape_cast %parallel_loop3A_1440 : vector<1x16xf32> to vector<16xf32>
        %parallel_loop3A_1442 = vector.shape_cast %parallel_loop3A_1377 : vector<16xf32> to vector<1x16xf32>
        tpu.vector_store %arg10[%parallel_loop3A_1438, %parallel_loop3A_1439], %parallel_loop3A_1442 {strides = array<i32>} : memref<200x64xf32, #tpu.memory_space<vmem>>, vector<1x16xf32>,
        %parallel_loop3A_1443 = arith.index_cast %parallel_loop3A_1427 : i32 to index
        %parallel_loop3A_1444 = arith.constant 48 : index
        %parallel_loop3A_1445 = tpu.vector_load %arg10[%parallel_loop3A_1443, %parallel_loop3A_1444] {strides = array<i32>} : memref<200x64xf32, #tpu.memory_space<vmem>>, vector<1x16xf32>,
        %parallel_loop3A_1446 = vector.shape_cast %parallel_loop3A_1445 : vector<1x16xf32> to vector<16xf32>
        %parallel_loop3A_1447 = vector.shape_cast %parallel_loop3A_1381 : vector<16xf32> to vector<1x16xf32>
        tpu.vector_store %arg10[%parallel_loop3A_1443, %parallel_loop3A_1444], %parallel_loop3A_1447 {strides = array<i32>} : memref<200x64xf32, #tpu.memory_space<vmem>>, vector<1x16xf32>,
        %parallel_loop3A_1448 = arith.constant 16 : i32
        %parallel_loop3A_1449 = arith.muli %parallel_loop3A_785, %parallel_loop3A_1448 : i32
        %parallel_loop3A_1450 = arith.constant 15 : i32
        %parallel_loop3A_1451 = arith.addi %parallel_loop3A_1449, %parallel_loop3A_1450 : i32
        %parallel_loop3A_1452 = arith.index_cast %parallel_loop3A_1451 : i32 to index
        %parallel_loop3A_1453 = arith.constant 0 : index
        %parallel_loop3A_1454 = tpu.vector_load %arg10[%parallel_loop3A_1452, %parallel_loop3A_1453] {strides = array<i32>} : memref<200x64xf32, #tpu.memory_space<vmem>>, vector<1x16xf32>,
        %parallel_loop3A_1455 = vector.shape_cast %parallel_loop3A_1454 : vector<1x16xf32> to vector<16xf32>
        %parallel_loop3A_1456 = vector.shape_cast %parallel_loop3A_1411 : vector<16xf32> to vector<1x16xf32>
        tpu.vector_store %arg10[%parallel_loop3A_1452, %parallel_loop3A_1453], %parallel_loop3A_1456 {strides = array<i32>} : memref<200x64xf32, #tpu.memory_space<vmem>>, vector<1x16xf32>,
        %parallel_loop3A_1457 = arith.index_cast %parallel_loop3A_1451 : i32 to index
        %parallel_loop3A_1458 = arith.constant 16 : index
        %parallel_loop3A_1459 = tpu.vector_load %arg10[%parallel_loop3A_1457, %parallel_loop3A_1458] {strides = array<i32>} : memref<200x64xf32, #tpu.memory_space<vmem>>, vector<1x16xf32>,
        %parallel_loop3A_1460 = vector.shape_cast %parallel_loop3A_1459 : vector<1x16xf32> to vector<16xf32>
        %parallel_loop3A_1461 = vector.shape_cast %parallel_loop3A_1415 : vector<16xf32> to vector<1x16xf32>
        tpu.vector_store %arg10[%parallel_loop3A_1457, %parallel_loop3A_1458], %parallel_loop3A_1461 {strides = array<i32>} : memref<200x64xf32, #tpu.memory_space<vmem>>, vector<1x16xf32>,
        %parallel_loop3A_1462 = arith.index_cast %parallel_loop3A_1451 : i32 to index
        %parallel_loop3A_1463 = arith.constant 32 : index
        %parallel_loop3A_1464 = tpu.vector_load %arg10[%parallel_loop3A_1462, %parallel_loop3A_1463] {strides = array<i32>} : memref<200x64xf32, #tpu.memory_space<vmem>>, vector<1x16xf32>,
        %parallel_loop3A_1465 = vector.shape_cast %parallel_loop3A_1464 : vector<1x16xf32> to vector<16xf32>
        %parallel_loop3A_1466 = vector.shape_cast %parallel_loop3A_1419 : vector<16xf32> to vector<1x16xf32>
        tpu.vector_store %arg10[%parallel_loop3A_1462, %parallel_loop3A_1463], %parallel_loop3A_1466 {strides = array<i32>} : memref<200x64xf32, #tpu.memory_space<vmem>>, vector<1x16xf32>,
        %parallel_loop3A_1467 = arith.index_cast %parallel_loop3A_1451 : i32 to index
        %parallel_loop3A_1468 = arith.constant 48 : index
        %parallel_loop3A_1469 = tpu.vector_load %arg10[%parallel_loop3A_1467, %parallel_loop3A_1468] {strides = array<i32>} : memref<200x64xf32, #tpu.memory_space<vmem>>, vector<1x16xf32>,
        %parallel_loop3A_1470 = vector.shape_cast %parallel_loop3A_1469 : vector<1x16xf32> to vector<16xf32>
        %parallel_loop3A_1471 = vector.shape_cast %parallel_loop3A_1423 : vector<16xf32> to vector<1x16xf32>
        tpu.vector_store %arg10[%parallel_loop3A_1467, %parallel_loop3A_1468], %parallel_loop3A_1471 {strides = array<i32>} : memref<200x64xf32, #tpu.memory_space<vmem>>, vector<1x16xf32>,
      } {sc.loop_unroll_factor = 1 : i64, sc.parallel_access}
      %add3A_73 = arith.constant 192 : i32
      %add3A_74 = arith.addi %mul3A_61, %add3A_73 : i32
      %get3A = arith.index_cast %add3A_74 : i32 to index
      %get3A_75 = tpu.vector_load %arg9[%get3A] {strides = array<i32>} : memref<808xi32, #tpu.memory_space<vmem>>, vector<16xi32>,
      %get3A_76 = vector.shape_cast %get3A_75 : vector<16xi32> to vector<16xi32>
      %mul3A_77 = arith.constant 200 : i32
      %mul3A_78 = vector.broadcast %mul3A_77 : i32 to vector<16xi32>
      %mul3A_79 = arith.muli %get3A_76, %mul3A_78 : vector<16xi32>
      %add3A_80 = arith.constant 192 : i32
      %add3A_81 = vector.broadcast %add3A_80 : i32 to vector<16xi32>
      %add3A_82 = arith.addi %add3A_81, %iota3A : vector<16xi32>
      %add3A_83 = arith.addi %mul3A_79, %add3A_82 : vector<16xi32>
      %slice3A = vector.extract_strided_slice %add3A_83 {offsets = [0], sizes = [1], strides = [1]} : vector<16xi32> to vector<1xi32>
      %squeeze3A = vector.extract %slice3A[0] : i32 from vector<1xi32>
      %get3A_84 = arith.index_cast %squeeze3A : i32 to index
      %get3A_85 = arith.constant 0 : index
      %get3A_86 = tpu.vector_load %arg8[%get3A_84, %get3A_85] {strides = array<i32>} : memref<606x64xf32, #tpu.memory_space<vmem>>, vector<1x16xf32>,
      %get3A_87 = vector.shape_cast %get3A_86 : vector<1x16xf32> to vector<16xf32>
      %get3A_88 = arith.index_cast %squeeze3A : i32 to index
      %get3A_89 = arith.constant 16 : index
      %get3A_90 = tpu.vector_load %arg8[%get3A_88, %get3A_89] {strides = array<i32>} : memref<606x64xf32, #tpu.memory_space<vmem>>, vector<1x16xf32>,
      %get3A_91 = vector.shape_cast %get3A_90 : vector<1x16xf32> to vector<16xf32>
      %get3A_92 = arith.index_cast %squeeze3A : i32 to index
      %get3A_93 = arith.constant 32 : index
      %get3A_94 = tpu.vector_load %arg8[%get3A_92, %get3A_93] {strides = array<i32>} : memref<606x64xf32, #tpu.memory_space<vmem>>, vector<1x16xf32>,
      %get3A_95 = vector.shape_cast %get3A_94 : vector<1x16xf32> to vector<16xf32>
      %get3A_96 = arith.index_cast %squeeze3A : i32 to index
      %get3A_97 = arith.constant 48 : index
      %get3A_98 = tpu.vector_load %arg8[%get3A_96, %get3A_97] {strides = array<i32>} : memref<606x64xf32, #tpu.memory_space<vmem>>, vector<1x16xf32>,
      %get3A_99 = vector.shape_cast %get3A_98 : vector<1x16xf32> to vector<16xf32>
      %slice3A_100 = vector.extract_strided_slice %add3A_83 {offsets = [1], sizes = [1], strides = [1]} : vector<16xi32> to vector<1xi32>
      %squeeze3A_101 = vector.extract %slice3A_100[0] : i32 from vector<1xi32>
      %get3A_102 = arith.index_cast %squeeze3A_101 : i32 to index
      %get3A_103 = arith.constant 0 : index
      %get3A_104 = tpu.vector_load %arg8[%get3A_102, %get3A_103] {strides = array<i32>} : memref<606x64xf32, #tpu.memory_space<vmem>>, vector<1x16xf32>,
      %get3A_105 = vector.shape_cast %get3A_104 : vector<1x16xf32> to vector<16xf32>
      %get3A_106 = arith.index_cast %squeeze3A_101 : i32 to index
      %get3A_107 = arith.constant 16 : index
      %get3A_108 = tpu.vector_load %arg8[%get3A_106, %get3A_107] {strides = array<i32>} : memref<606x64xf32, #tpu.memory_space<vmem>>, vector<1x16xf32>,
      %get3A_109 = vector.shape_cast %get3A_108 : vector<1x16xf32> to vector<16xf32>
      %get3A_110 = arith.index_cast %squeeze3A_101 : i32 to index
      %get3A_111 = arith.constant 32 : index
      %get3A_112 = tpu.vector_load %arg8[%get3A_110, %get3A_111] {strides = array<i32>} : memref<606x64xf32, #tpu.memory_space<vmem>>, vector<1x16xf32>,
      %get3A_113 = vector.shape_cast %get3A_112 : vector<1x16xf32> to vector<16xf32>
      %get3A_114 = arith.index_cast %squeeze3A_101 : i32 to index
      %get3A_115 = arith.constant 48 : index
      %get3A_116 = tpu.vector_load %arg8[%get3A_114, %get3A_115] {strides = array<i32>} : memref<606x64xf32, #tpu.memory_space<vmem>>, vector<1x16xf32>,
      %get3A_117 = vector.shape_cast %get3A_116 : vector<1x16xf32> to vector<16xf32>
      %swap3A = arith.constant 192 : i32
      %swap3A_118 = arith.index_cast %swap3A : i32 to index
      %swap3A_119 = arith.constant 0 : index
      %swap3A_120 = tpu.vector_load %arg10[%swap3A_118, %swap3A_119] {strides = array<i32>} : memref<200x64xf32, #tpu.memory_space<vmem>>, vector<1x16xf32>,
      %swap3A_121 = vector.shape_cast %swap3A_120 : vector<1x16xf32> to vector<16xf32>
      %swap3A_122 = vector.shape_cast %get3A_87 : vector<16xf32> to vector<1x16xf32>
      tpu.vector_store %arg10[%swap3A_118, %swap3A_119], %swap3A_122 {strides = array<i32>} : memref<200x64xf32, #tpu.memory_space<vmem>>, vector<1x16xf32>,
      %swap3A_123 = arith.constant 192 : i32
      %swap3A_124 = arith.index_cast %swap3A_123 : i32 to index
      %swap3A_125 = arith.constant 16 : index
      %swap3A_126 = tpu.vector_load %arg10[%swap3A_124, %swap3A_125] {strides = array<i32>} : memref<200x64xf32, #tpu.memory_space<vmem>>, vector<1x16xf32>,
      %swap3A_127 = vector.shape_cast %swap3A_126 : vector<1x16xf32> to vector<16xf32>
      %swap3A_128 = vector.shape_cast %get3A_91 : vector<16xf32> to vector<1x16xf32>
      tpu.vector_store %arg10[%swap3A_124, %swap3A_125], %swap3A_128 {strides = array<i32>} : memref<200x64xf32, #tpu.memory_space<vmem>>, vector<1x16xf32>,
      %swap3A_129 = arith.constant 192 : i32
      %swap3A_130 = arith.index_cast %swap3A_129 : i32 to index
      %swap3A_131 = arith.constant 32 : index
      %swap3A_132 = tpu.vector_load %arg10[%swap3A_130, %swap3A_131] {strides = array<i32>} : memref<200x64xf32, #tpu.memory_space<vmem>>, vector<1x16xf32>,
      %swap3A_133 = vector.shape_cast %swap3A_132 : vector<1x16xf32> to vector<16xf32>
      %swap3A_134 = vector.shape_cast %get3A_95 : vector<16xf32> to vector<1x16xf32>
      tpu.vector_store %arg10[%swap3A_130, %swap3A_131], %swap3A_134 {strides = array<i32>} : memref<200x64xf32, #tpu.memory_space<vmem>>, vector<1x16xf32>,
      %swap3A_135 = arith.constant 192 : i32
      %swap3A_136 = arith.index_cast %swap3A_135 : i32 to index
      %swap3A_137 = arith.constant 48 : index
      %swap3A_138 = tpu.vector_load %arg10[%swap3A_136, %swap3A_137] {strides = array<i32>} : memref<200x64xf32, #tpu.memory_space<vmem>>, vector<1x16xf32>,
      %swap3A_139 = vector.shape_cast %swap3A_138 : vector<1x16xf32> to vector<16xf32>
      %swap3A_140 = vector.shape_cast %get3A_99 : vector<16xf32> to vector<1x16xf32>
      tpu.vector_store %arg10[%swap3A_136, %swap3A_137], %swap3A_140 {strides = array<i32>} : memref<200x64xf32, #tpu.memory_space<vmem>>, vector<1x16xf32>,
      %slice3A_141 = vector.extract_strided_slice %add3A_83 {offsets = [2], sizes = [1], strides = [1]} : vector<16xi32> to vector<1xi32>
      %squeeze3A_142 = vector.extract %slice3A_141[0] : i32 from vector<1xi32>
      %get3A_143 = arith.index_cast %squeeze3A_142 : i32 to index
      %get3A_144 = arith.constant 0 : index
      %get3A_145 = tpu.vector_load %arg8[%get3A_143, %get3A_144] {strides = array<i32>} : memref<606x64xf32, #tpu.memory_space<vmem>>, vector<1x16xf32>,
      %get3A_146 = vector.shape_cast %get3A_145 : vector<1x16xf32> to vector<16xf32>
      %get3A_147 = arith.index_cast %squeeze3A_142 : i32 to index
      %get3A_148 = arith.constant 16 : index
      %get3A_149 = tpu.vector_load %arg8[%get3A_147, %get3A_148] {strides = array<i32>} : memref<606x64xf32, #tpu.memory_space<vmem>>, vector<1x16xf32>,
      %get3A_150 = vector.shape_cast %get3A_149 : vector<1x16xf32> to vector<16xf32>
      %get3A_151 = arith.index_cast %squeeze3A_142 : i32 to index
      %get3A_152 = arith.constant 32 : index
      %get3A_153 = tpu.vector_load %arg8[%get3A_151, %get3A_152] {strides = array<i32>} : memref<606x64xf32, #tpu.memory_space<vmem>>, vector<1x16xf32>,
      %get3A_154 = vector.shape_cast %get3A_153 : vector<1x16xf32> to vector<16xf32>
      %get3A_155 = arith.index_cast %squeeze3A_142 : i32 to index
      %get3A_156 = arith.constant 48 : index
      %get3A_157 = tpu.vector_load %arg8[%get3A_155, %get3A_156] {strides = array<i32>} : memref<606x64xf32, #tpu.memory_space<vmem>>, vector<1x16xf32>,
      %get3A_158 = vector.shape_cast %get3A_157 : vector<1x16xf32> to vector<16xf32>
      %swap3A_159 = arith.constant 193 : i32
      %swap3A_160 = arith.index_cast %swap3A_159 : i32 to index
      %swap3A_161 = arith.constant 0 : index
      %swap3A_162 = tpu.vector_load %arg10[%swap3A_160, %swap3A_161] {strides = array<i32>} : memref<200x64xf32, #tpu.memory_space<vmem>>, vector<1x16xf32>,
      %swap3A_163 = vector.shape_cast %swap3A_162 : vector<1x16xf32> to vector<16xf32>
      %swap3A_164 = vector.shape_cast %get3A_105 : vector<16xf32> to vector<1x16xf32>
      tpu.vector_store %arg10[%swap3A_160, %swap3A_161], %swap3A_164 {strides = array<i32>} : memref<200x64xf32, #tpu.memory_space<vmem>>, vector<1x16xf32>,
      %swap3A_165 = arith.constant 193 : i32
      %swap3A_166 = arith.index_cast %swap3A_165 : i32 to index
      %swap3A_167 = arith.constant 16 : index
      %swap3A_168 = tpu.vector_load %arg10[%swap3A_166, %swap3A_167] {strides = array<i32>} : memref<200x64xf32, #tpu.memory_space<vmem>>, vector<1x16xf32>,
      %swap3A_169 = vector.shape_cast %swap3A_168 : vector<1x16xf32> to vector<16xf32>
      %swap3A_170 = vector.shape_cast %get3A_109 : vector<16xf32> to vector<1x16xf32>
      tpu.vector_store %arg10[%swap3A_166, %swap3A_167], %swap3A_170 {strides = array<i32>} : memref<200x64xf32, #tpu.memory_space<vmem>>, vector<1x16xf32>,
      %swap3A_171 = arith.constant 193 : i32
      %swap3A_172 = arith.index_cast %swap3A_171 : i32 to index
      %swap3A_173 = arith.constant 32 : index
      %swap3A_174 = tpu.vector_load %arg10[%swap3A_172, %swap3A_173] {strides = array<i32>} : memref<200x64xf32, #tpu.memory_space<vmem>>, vector<1x16xf32>,
      %swap3A_175 = vector.shape_cast %swap3A_174 : vector<1x16xf32> to vector<16xf32>
      %swap3A_176 = vector.shape_cast %get3A_113 : vector<16xf32> to vector<1x16xf32>
      tpu.vector_store %arg10[%swap3A_172, %swap3A_173], %swap3A_176 {strides = array<i32>} : memref<200x64xf32, #tpu.memory_space<vmem>>, vector<1x16xf32>,
      %swap3A_177 = arith.constant 193 : i32
      %swap3A_178 = arith.index_cast %swap3A_177 : i32 to index
      %swap3A_179 = arith.constant 48 : index
      %swap3A_180 = tpu.vector_load %arg10[%swap3A_178, %swap3A_179] {strides = array<i32>} : memref<200x64xf32, #tpu.memory_space<vmem>>, vector<1x16xf32>,
      %swap3A_181 = vector.shape_cast %swap3A_180 : vector<1x16xf32> to vector<16xf32>
      %swap3A_182 = vector.shape_cast %get3A_117 : vector<16xf32> to vector<1x16xf32>
      tpu.vector_store %arg10[%swap3A_178, %swap3A_179], %swap3A_182 {strides = array<i32>} : memref<200x64xf32, #tpu.memory_space<vmem>>, vector<1x16xf32>,
      %slice3A_183 = vector.extract_strided_slice %add3A_83 {offsets = [3], sizes = [1], strides = [1]} : vector<16xi32> to vector<1xi32>
      %squeeze3A_184 = vector.extract %slice3A_183[0] : i32 from vector<1xi32>
      %get3A_185 = arith.index_cast %squeeze3A_184 : i32 to index
      %get3A_186 = arith.constant 0 : index
      %get3A_187 = tpu.vector_load %arg8[%get3A_185, %get3A_186] {strides = array<i32>} : memref<606x64xf32, #tpu.memory_space<vmem>>, vector<1x16xf32>,
      %get3A_188 = vector.shape_cast %get3A_187 : vector<1x16xf32> to vector<16xf32>
      %get3A_189 = arith.index_cast %squeeze3A_184 : i32 to index
      %get3A_190 = arith.constant 16 : index
      %get3A_191 = tpu.vector_load %arg8[%get3A_189, %get3A_190] {strides = array<i32>} : memref<606x64xf32, #tpu.memory_space<vmem>>, vector<1x16xf32>,
      %get3A_192 = vector.shape_cast %get3A_191 : vector<1x16xf32> to vector<16xf32>
      %get3A_193 = arith.index_cast %squeeze3A_184 : i32 to index
      %get3A_194 = arith.constant 32 : index
      %get3A_195 = tpu.vector_load %arg8[%get3A_193, %get3A_194] {strides = array<i32>} : memref<606x64xf32, #tpu.memory_space<vmem>>, vector<1x16xf32>,
      %get3A_196 = vector.shape_cast %get3A_195 : vector<1x16xf32> to vector<16xf32>
      %get3A_197 = arith.index_cast %squeeze3A_184 : i32 to index
      %get3A_198 = arith.constant 48 : index
      %get3A_199 = tpu.vector_load %arg8[%get3A_197, %get3A_198] {strides = array<i32>} : memref<606x64xf32, #tpu.memory_space<vmem>>, vector<1x16xf32>,
      %get3A_200 = vector.shape_cast %get3A_199 : vector<1x16xf32> to vector<16xf32>
      %swap3A_201 = arith.constant 194 : i32
      %swap3A_202 = arith.index_cast %swap3A_201 : i32 to index
      %swap3A_203 = arith.constant 0 : index
      %swap3A_204 = tpu.vector_load %arg10[%swap3A_202, %swap3A_203] {strides = array<i32>} : memref<200x64xf32, #tpu.memory_space<vmem>>, vector<1x16xf32>,
      %swap3A_205 = vector.shape_cast %swap3A_204 : vector<1x16xf32> to vector<16xf32>
      %swap3A_206 = vector.shape_cast %get3A_146 : vector<16xf32> to vector<1x16xf32>
      tpu.vector_store %arg10[%swap3A_202, %swap3A_203], %swap3A_206 {strides = array<i32>} : memref<200x64xf32, #tpu.memory_space<vmem>>, vector<1x16xf32>,
      %swap3A_207 = arith.constant 194 : i32
      %swap3A_208 = arith.index_cast %swap3A_207 : i32 to index
      %swap3A_209 = arith.constant 16 : index
      %swap3A_210 = tpu.vector_load %arg10[%swap3A_208, %swap3A_209] {strides = array<i32>} : memref<200x64xf32, #tpu.memory_space<vmem>>, vector<1x16xf32>,
      %swap3A_211 = vector.shape_cast %swap3A_210 : vector<1x16xf32> to vector<16xf32>
      %swap3A_212 = vector.shape_cast %get3A_150 : vector<16xf32> to vector<1x16xf32>
      tpu.vector_store %arg10[%swap3A_208, %swap3A_209], %swap3A_212 {strides = array<i32>} : memref<200x64xf32, #tpu.memory_space<vmem>>, vector<1x16xf32>,
      %swap3A_213 = arith.constant 194 : i32
      %swap3A_214 = arith.index_cast %swap3A_213 : i32 to index
      %swap3A_215 = arith.constant 32 : index
      %swap3A_216 = tpu.vector_load %arg10[%swap3A_214, %swap3A_215] {strides = array<i32>} : memref<200x64xf32, #tpu.memory_space<vmem>>, vector<1x16xf32>,
      %swap3A_217 = vector.shape_cast %swap3A_216 : vector<1x16xf32> to vector<16xf32>
      %swap3A_218 = vector.shape_cast %get3A_154 : vector<16xf32> to vector<1x16xf32>
      tpu.vector_store %arg10[%swap3A_214, %swap3A_215], %swap3A_218 {strides = array<i32>} : memref<200x64xf32, #tpu.memory_space<vmem>>, vector<1x16xf32>,
      %swap3A_219 = arith.constant 194 : i32
      %swap3A_220 = arith.index_cast %swap3A_219 : i32 to index
      %swap3A_221 = arith.constant 48 : index
      %swap3A_222 = tpu.vector_load %arg10[%swap3A_220, %swap3A_221] {strides = array<i32>} : memref<200x64xf32, #tpu.memory_space<vmem>>, vector<1x16xf32>,
      %swap3A_223 = vector.shape_cast %swap3A_222 : vector<1x16xf32> to vector<16xf32>
      %swap3A_224 = vector.shape_cast %get3A_158 : vector<16xf32> to vector<1x16xf32>
      tpu.vector_store %arg10[%swap3A_220, %swap3A_221], %swap3A_224 {strides = array<i32>} : memref<200x64xf32, #tpu.memory_space<vmem>>, vector<1x16xf32>,
      %slice3A_225 = vector.extract_strided_slice %add3A_83 {offsets = [4], sizes = [1], strides = [1]} : vector<16xi32> to vector<1xi32>
      %squeeze3A_226 = vector.extract %slice3A_225[0] : i32 from vector<1xi32>
      %get3A_227 = arith.index_cast %squeeze3A_226 : i32 to index
      %get3A_228 = arith.constant 0 : index
      %get3A_229 = tpu.vector_load %arg8[%get3A_227, %get3A_228] {strides = array<i32>} : memref<606x64xf32, #tpu.memory_space<vmem>>, vector<1x16xf32>,
      %get3A_230 = vector.shape_cast %get3A_229 : vector<1x16xf32> to vector<16xf32>
      %get3A_231 = arith.index_cast %squeeze3A_226 : i32 to index
      %get3A_232 = arith.constant 16 : index
      %get3A_233 = tpu.vector_load %arg8[%get3A_231, %get3A_232] {strides = array<i32>} : memref<606x64xf32, #tpu.memory_space<vmem>>, vector<1x16xf32>,
      %get3A_234 = vector.shape_cast %get3A_233 : vector<1x16xf32> to vector<16xf32>
      %get3A_235 = arith.index_cast %squeeze3A_226 : i32 to index
      %get3A_236 = arith.constant 32 : index
      %get3A_237 = tpu.vector_load %arg8[%get3A_235, %get3A_236] {strides = array<i32>} : memref<606x64xf32, #tpu.memory_space<vmem>>, vector<1x16xf32>,
      %get3A_238 = vector.shape_cast %get3A_237 : vector<1x16xf32> to vector<16xf32>
      %get3A_239 = arith.index_cast %squeeze3A_226 : i32 to index
      %get3A_240 = arith.constant 48 : index
      %get3A_241 = tpu.vector_load %arg8[%get3A_239, %get3A_240] {strides = array<i32>} : memref<606x64xf32, #tpu.memory_space<vmem>>, vector<1x16xf32>,
      %get3A_242 = vector.shape_cast %get3A_241 : vector<1x16xf32> to vector<16xf32>
      %swap3A_243 = arith.constant 195 : i32
      %swap3A_244 = arith.index_cast %swap3A_243 : i32 to index
      %swap3A_245 = arith.constant 0 : index
      %swap3A_246 = tpu.vector_load %arg10[%swap3A_244, %swap3A_245] {strides = array<i32>} : memref<200x64xf32, #tpu.memory_space<vmem>>, vector<1x16xf32>,
      %swap3A_247 = vector.shape_cast %swap3A_246 : vector<1x16xf32> to vector<16xf32>
      %swap3A_248 = vector.shape_cast %get3A_188 : vector<16xf32> to vector<1x16xf32>
      tpu.vector_store %arg10[%swap3A_244, %swap3A_245], %swap3A_248 {strides = array<i32>} : memref<200x64xf32, #tpu.memory_space<vmem>>, vector<1x16xf32>,
      %swap3A_249 = arith.constant 195 : i32
      %swap3A_250 = arith.index_cast %swap3A_249 : i32 to index
      %swap3A_251 = arith.constant 16 : index
      %swap3A_252 = tpu.vector_load %arg10[%swap3A_250, %swap3A_251] {strides = array<i32>} : memref<200x64xf32, #tpu.memory_space<vmem>>, vector<1x16xf32>,
      %swap3A_253 = vector.shape_cast %swap3A_252 : vector<1x16xf32> to vector<16xf32>
      %swap3A_254 = vector.shape_cast %get3A_192 : vector<16xf32> to vector<1x16xf32>
      tpu.vector_store %arg10[%swap3A_250, %swap3A_251], %swap3A_254 {strides = array<i32>} : memref<200x64xf32, #tpu.memory_space<vmem>>, vector<1x16xf32>,
      %swap3A_255 = arith.constant 195 : i32
      %swap3A_256 = arith.index_cast %swap3A_255 : i32 to index
      %swap3A_257 = arith.constant 32 : index
      %swap3A_258 = tpu.vector_load %arg10[%swap3A_256, %swap3A_257] {strides = array<i32>} : memref<200x64xf32, #tpu.memory_space<vmem>>, vector<1x16xf32>,
      %swap3A_259 = vector.shape_cast %swap3A_258 : vector<1x16xf32> to vector<16xf32>
      %swap3A_260 = vector.shape_cast %get3A_196 : vector<16xf32> to vector<1x16xf32>
      tpu.vector_store %arg10[%swap3A_256, %swap3A_257], %swap3A_260 {strides = array<i32>} : memref<200x64xf32, #tpu.memory_space<vmem>>, vector<1x16xf32>,
      %swap3A_261 = arith.constant 195 : i32
      %swap3A_262 = arith.index_cast %swap3A_261 : i32 to index
      %swap3A_263 = arith.constant 48 : index
      %swap3A_264 = tpu.vector_load %arg10[%swap3A_262, %swap3A_263] {strides = array<i32>} : memref<200x64xf32, #tpu.memory_space<vmem>>, vector<1x16xf32>,
      %swap3A_265 = vector.shape_cast %swap3A_264 : vector<1x16xf32> to vector<16xf32>
      %swap3A_266 = vector.shape_cast %get3A_200 : vector<16xf32> to vector<1x16xf32>
      tpu.vector_store %arg10[%swap3A_262, %swap3A_263], %swap3A_266 {strides = array<i32>} : memref<200x64xf32, #tpu.memory_space<vmem>>, vector<1x16xf32>,
      %slice3A_267 = vector.extract_strided_slice %add3A_83 {offsets = [5], sizes = [1], strides = [1]} : vector<16xi32> to vector<1xi32>
      %squeeze3A_268 = vector.extract %slice3A_267[0] : i32 from vector<1xi32>
      %get3A_269 = arith.index_cast %squeeze3A_268 : i32 to index
      %get3A_270 = arith.constant 0 : index
      %get3A_271 = tpu.vector_load %arg8[%get3A_269, %get3A_270] {strides = array<i32>} : memref<606x64xf32, #tpu.memory_space<vmem>>, vector<1x16xf32>,
      %get3A_272 = vector.shape_cast %get3A_271 : vector<1x16xf32> to vector<16xf32>
      %get3A_273 = arith.index_cast %squeeze3A_268 : i32 to index
      %get3A_274 = arith.constant 16 : index
      %get3A_275 = tpu.vector_load %arg8[%get3A_273, %get3A_274] {strides = array<i32>} : memref<606x64xf32, #tpu.memory_space<vmem>>, vector<1x16xf32>,
      %get3A_276 = vector.shape_cast %get3A_275 : vector<1x16xf32> to vector<16xf32>
      %get3A_277 = arith.index_cast %squeeze3A_268 : i32 to index
      %get3A_278 = arith.constant 32 : index
      %get3A_279 = tpu.vector_load %arg8[%get3A_277, %get3A_278] {strides = array<i32>} : memref<606x64xf32, #tpu.memory_space<vmem>>, vector<1x16xf32>,
      %get3A_280 = vector.shape_cast %get3A_279 : vector<1x16xf32> to vector<16xf32>
      %get3A_281 = arith.index_cast %squeeze3A_268 : i32 to index
      %get3A_282 = arith.constant 48 : index
      %get3A_283 = tpu.vector_load %arg8[%get3A_281, %get3A_282] {strides = array<i32>} : memref<606x64xf32, #tpu.memory_space<vmem>>, vector<1x16xf32>,
      %get3A_284 = vector.shape_cast %get3A_283 : vector<1x16xf32> to vector<16xf32>
      %swap3A_285 = arith.constant 196 : i32
      %swap3A_286 = arith.index_cast %swap3A_285 : i32 to index
      %swap3A_287 = arith.constant 0 : index
      %swap3A_288 = tpu.vector_load %arg10[%swap3A_286, %swap3A_287] {strides = array<i32>} : memref<200x64xf32, #tpu.memory_space<vmem>>, vector<1x16xf32>,
      %swap3A_289 = vector.shape_cast %swap3A_288 : vector<1x16xf32> to vector<16xf32>
      %swap3A_290 = vector.shape_cast %get3A_230 : vector<16xf32> to vector<1x16xf32>
      tpu.vector_store %arg10[%swap3A_286, %swap3A_287], %swap3A_290 {strides = array<i32>} : memref<200x64xf32, #tpu.memory_space<vmem>>, vector<1x16xf32>,
      %swap3A_291 = arith.constant 196 : i32
      %swap3A_292 = arith.index_cast %swap3A_291 : i32 to index
      %swap3A_293 = arith.constant 16 : index
      %swap3A_294 = tpu.vector_load %arg10[%swap3A_292, %swap3A_293] {strides = array<i32>} : memref<200x64xf32, #tpu.memory_space<vmem>>, vector<1x16xf32>,
      %swap3A_295 = vector.shape_cast %swap3A_294 : vector<1x16xf32> to vector<16xf32>
      %swap3A_296 = vector.shape_cast %get3A_234 : vector<16xf32> to vector<1x16xf32>
      tpu.vector_store %arg10[%swap3A_292, %swap3A_293], %swap3A_296 {strides = array<i32>} : memref<200x64xf32, #tpu.memory_space<vmem>>, vector<1x16xf32>,
      %swap3A_297 = arith.constant 196 : i32
      %swap3A_298 = arith.index_cast %swap3A_297 : i32 to index
      %swap3A_299 = arith.constant 32 : index
      %swap3A_300 = tpu.vector_load %arg10[%swap3A_298, %swap3A_299] {strides = array<i32>} : memref<200x64xf32, #tpu.memory_space<vmem>>, vector<1x16xf32>,
      %swap3A_301 = vector.shape_cast %swap3A_300 : vector<1x16xf32> to vector<16xf32>
      %swap3A_302 = vector.shape_cast %get3A_238 : vector<16xf32> to vector<1x16xf32>
      tpu.vector_store %arg10[%swap3A_298, %swap3A_299], %swap3A_302 {strides = array<i32>} : memref<200x64xf32, #tpu.memory_space<vmem>>, vector<1x16xf32>,
      %swap3A_303 = arith.constant 196 : i32
      %swap3A_304 = arith.index_cast %swap3A_303 : i32 to index
      %swap3A_305 = arith.constant 48 : index
      %swap3A_306 = tpu.vector_load %arg10[%swap3A_304, %swap3A_305] {strides = array<i32>} : memref<200x64xf32, #tpu.memory_space<vmem>>, vector<1x16xf32>,
      %swap3A_307 = vector.shape_cast %swap3A_306 : vector<1x16xf32> to vector<16xf32>
      %swap3A_308 = vector.shape_cast %get3A_242 : vector<16xf32> to vector<1x16xf32>
      tpu.vector_store %arg10[%swap3A_304, %swap3A_305], %swap3A_308 {strides = array<i32>} : memref<200x64xf32, #tpu.memory_space<vmem>>, vector<1x16xf32>,
      %slice3A_309 = vector.extract_strided_slice %add3A_83 {offsets = [6], sizes = [1], strides = [1]} : vector<16xi32> to vector<1xi32>
      %squeeze3A_310 = vector.extract %slice3A_309[0] : i32 from vector<1xi32>
      %get3A_311 = arith.index_cast %squeeze3A_310 : i32 to index
      %get3A_312 = arith.constant 0 : index
      %get3A_313 = tpu.vector_load %arg8[%get3A_311, %get3A_312] {strides = array<i32>} : memref<606x64xf32, #tpu.memory_space<vmem>>, vector<1x16xf32>,
      %get3A_314 = vector.shape_cast %get3A_313 : vector<1x16xf32> to vector<16xf32>
      %get3A_315 = arith.index_cast %squeeze3A_310 : i32 to index
      %get3A_316 = arith.constant 16 : index
      %get3A_317 = tpu.vector_load %arg8[%get3A_315, %get3A_316] {strides = array<i32>} : memref<606x64xf32, #tpu.memory_space<vmem>>, vector<1x16xf32>,
      %get3A_318 = vector.shape_cast %get3A_317 : vector<1x16xf32> to vector<16xf32>
      %get3A_319 = arith.index_cast %squeeze3A_310 : i32 to index
      %get3A_320 = arith.constant 32 : index
      %get3A_321 = tpu.vector_load %arg8[%get3A_319, %get3A_320] {strides = array<i32>} : memref<606x64xf32, #tpu.memory_space<vmem>>, vector<1x16xf32>,
      %get3A_322 = vector.shape_cast %get3A_321 : vector<1x16xf32> to vector<16xf32>
      %get3A_323 = arith.index_cast %squeeze3A_310 : i32 to index
      %get3A_324 = arith.constant 48 : index
      %get3A_325 = tpu.vector_load %arg8[%get3A_323, %get3A_324] {strides = array<i32>} : memref<606x64xf32, #tpu.memory_space<vmem>>, vector<1x16xf32>,
      %get3A_326 = vector.shape_cast %get3A_325 : vector<1x16xf32> to vector<16xf32>
      %swap3A_327 = arith.constant 197 : i32
      %swap3A_328 = arith.index_cast %swap3A_327 : i32 to index
      %swap3A_329 = arith.constant 0 : index
      %swap3A_330 = tpu.vector_load %arg10[%swap3A_328, %swap3A_329] {strides = array<i32>} : memref<200x64xf32, #tpu.memory_space<vmem>>, vector<1x16xf32>,
      %swap3A_331 = vector.shape_cast %swap3A_330 : vector<1x16xf32> to vector<16xf32>
      %swap3A_332 = vector.shape_cast %get3A_272 : vector<16xf32> to vector<1x16xf32>
      tpu.vector_store %arg10[%swap3A_328, %swap3A_329], %swap3A_332 {strides = array<i32>} : memref<200x64xf32, #tpu.memory_space<vmem>>, vector<1x16xf32>,
      %swap3A_333 = arith.constant 197 : i32
      %swap3A_334 = arith.index_cast %swap3A_333 : i32 to index
      %swap3A_335 = arith.constant 16 : index
      %swap3A_336 = tpu.vector_load %arg10[%swap3A_334, %swap3A_335] {strides = array<i32>} : memref<200x64xf32, #tpu.memory_space<vmem>>, vector<1x16xf32>,
      %swap3A_337 = vector.shape_cast %swap3A_336 : vector<1x16xf32> to vector<16xf32>
      %swap3A_338 = vector.shape_cast %get3A_276 : vector<16xf32> to vector<1x16xf32>
      tpu.vector_store %arg10[%swap3A_334, %swap3A_335], %swap3A_338 {strides = array<i32>} : memref<200x64xf32, #tpu.memory_space<vmem>>, vector<1x16xf32>,
      %swap3A_339 = arith.constant 197 : i32
      %swap3A_340 = arith.index_cast %swap3A_339 : i32 to index
      %swap3A_341 = arith.constant 32 : index
      %swap3A_342 = tpu.vector_load %arg10[%swap3A_340, %swap3A_341] {strides = array<i32>} : memref<200x64xf32, #tpu.memory_space<vmem>>, vector<1x16xf32>,
      %swap3A_343 = vector.shape_cast %swap3A_342 : vector<1x16xf32> to vector<16xf32>
      %swap3A_344 = vector.shape_cast %get3A_280 : vector<16xf32> to vector<1x16xf32>
      tpu.vector_store %arg10[%swap3A_340, %swap3A_341], %swap3A_344 {strides = array<i32>} : memref<200x64xf32, #tpu.memory_space<vmem>>, vector<1x16xf32>,
      %swap3A_345 = arith.constant 197 : i32
      %swap3A_346 = arith.index_cast %swap3A_345 : i32 to index
      %swap3A_347 = arith.constant 48 : index
      %swap3A_348 = tpu.vector_load %arg10[%swap3A_346, %swap3A_347] {strides = array<i32>} : memref<200x64xf32, #tpu.memory_space<vmem>>, vector<1x16xf32>,
      %swap3A_349 = vector.shape_cast %swap3A_348 : vector<1x16xf32> to vector<16xf32>
      %swap3A_350 = vector.shape_cast %get3A_284 : vector<16xf32> to vector<1x16xf32>
      tpu.vector_store %arg10[%swap3A_346, %swap3A_347], %swap3A_350 {strides = array<i32>} : memref<200x64xf32, #tpu.memory_space<vmem>>, vector<1x16xf32>,
      %slice3A_351 = vector.extract_strided_slice %add3A_83 {offsets = [7], sizes = [1], strides = [1]} : vector<16xi32> to vector<1xi32>
      %squeeze3A_352 = vector.extract %slice3A_351[0] : i32 from vector<1xi32>
      %get3A_353 = arith.index_cast %squeeze3A_352 : i32 to index
      %get3A_354 = arith.constant 0 : index
      %get3A_355 = tpu.vector_load %arg8[%get3A_353, %get3A_354] {strides = array<i32>} : memref<606x64xf32, #tpu.memory_space<vmem>>, vector<1x16xf32>,
      %get3A_356 = vector.shape_cast %get3A_355 : vector<1x16xf32> to vector<16xf32>
      %get3A_357 = arith.index_cast %squeeze3A_352 : i32 to index
      %get3A_358 = arith.constant 16 : index
      %get3A_359 = tpu.vector_load %arg8[%get3A_357, %get3A_358] {strides = array<i32>} : memref<606x64xf32, #tpu.memory_space<vmem>>, vector<1x16xf32>,
      %get3A_360 = vector.shape_cast %get3A_359 : vector<1x16xf32> to vector<16xf32>
      %get3A_361 = arith.index_cast %squeeze3A_352 : i32 to index
      %get3A_362 = arith.constant 32 : index
      %get3A_363 = tpu.vector_load %arg8[%get3A_361, %get3A_362] {strides = array<i32>} : memref<606x64xf32, #tpu.memory_space<vmem>>, vector<1x16xf32>,
      %get3A_364 = vector.shape_cast %get3A_363 : vector<1x16xf32> to vector<16xf32>
      %get3A_365 = arith.index_cast %squeeze3A_352 : i32 to index
      %get3A_366 = arith.constant 48 : index
      %get3A_367 = tpu.vector_load %arg8[%get3A_365, %get3A_366] {strides = array<i32>} : memref<606x64xf32, #tpu.memory_space<vmem>>, vector<1x16xf32>,
      %get3A_368 = vector.shape_cast %get3A_367 : vector<1x16xf32> to vector<16xf32>
      %swap3A_369 = arith.constant 198 : i32
      %swap3A_370 = arith.index_cast %swap3A_369 : i32 to index
      %swap3A_371 = arith.constant 0 : index
      %swap3A_372 = tpu.vector_load %arg10[%swap3A_370, %swap3A_371] {strides = array<i32>} : memref<200x64xf32, #tpu.memory_space<vmem>>, vector<1x16xf32>,
      %swap3A_373 = vector.shape_cast %swap3A_372 : vector<1x16xf32> to vector<16xf32>
      %swap3A_374 = vector.shape_cast %get3A_314 : vector<16xf32> to vector<1x16xf32>
      tpu.vector_store %arg10[%swap3A_370, %swap3A_371], %swap3A_374 {strides = array<i32>} : memref<200x64xf32, #tpu.memory_space<vmem>>, vector<1x16xf32>,
      %swap3A_375 = arith.constant 198 : i32
      %swap3A_376 = arith.index_cast %swap3A_375 : i32 to index
      %swap3A_377 = arith.constant 16 : index
      %swap3A_378 = tpu.vector_load %arg10[%swap3A_376, %swap3A_377] {strides = array<i32>} : memref<200x64xf32, #tpu.memory_space<vmem>>, vector<1x16xf32>,
      %swap3A_379 = vector.shape_cast %swap3A_378 : vector<1x16xf32> to vector<16xf32>
      %swap3A_380 = vector.shape_cast %get3A_318 : vector<16xf32> to vector<1x16xf32>
      tpu.vector_store %arg10[%swap3A_376, %swap3A_377], %swap3A_380 {strides = array<i32>} : memref<200x64xf32, #tpu.memory_space<vmem>>, vector<1x16xf32>,
      %swap3A_381 = arith.constant 198 : i32
      %swap3A_382 = arith.index_cast %swap3A_381 : i32 to index
      %swap3A_383 = arith.constant 32 : index
      %swap3A_384 = tpu.vector_load %arg10[%swap3A_382, %swap3A_383] {strides = array<i32>} : memref<200x64xf32, #tpu.memory_space<vmem>>, vector<1x16xf32>,
      %swap3A_385 = vector.shape_cast %swap3A_384 : vector<1x16xf32> to vector<16xf32>
      %swap3A_386 = vector.shape_cast %get3A_322 : vector<16xf32> to vector<1x16xf32>
      tpu.vector_store %arg10[%swap3A_382, %swap3A_383], %swap3A_386 {strides = array<i32>} : memref<200x64xf32, #tpu.memory_space<vmem>>, vector<1x16xf32>,
      %swap3A_387 = arith.constant 198 : i32
      %swap3A_388 = arith.index_cast %swap3A_387 : i32 to index
      %swap3A_389 = arith.constant 48 : index
      %swap3A_390 = tpu.vector_load %arg10[%swap3A_388, %swap3A_389] {strides = array<i32>} : memref<200x64xf32, #tpu.memory_space<vmem>>, vector<1x16xf32>,
      %swap3A_391 = vector.shape_cast %swap3A_390 : vector<1x16xf32> to vector<16xf32>
      %swap3A_392 = vector.shape_cast %get3A_326 : vector<16xf32> to vector<1x16xf32>
      tpu.vector_store %arg10[%swap3A_388, %swap3A_389], %swap3A_392 {strides = array<i32>} : memref<200x64xf32, #tpu.memory_space<vmem>>, vector<1x16xf32>,
      %swap3A_393 = arith.constant 199 : i32
      %swap3A_394 = arith.index_cast %swap3A_393 : i32 to index
      %swap3A_395 = arith.constant 0 : index
      %swap3A_396 = tpu.vector_load %arg10[%swap3A_394, %swap3A_395] {strides = array<i32>} : memref<200x64xf32, #tpu.memory_space<vmem>>, vector<1x16xf32>,
      %swap3A_397 = vector.shape_cast %swap3A_396 : vector<1x16xf32> to vector<16xf32>
      %swap3A_398 = vector.shape_cast %get3A_356 : vector<16xf32> to vector<1x16xf32>
      tpu.vector_store %arg10[%swap3A_394, %swap3A_395], %swap3A_398 {strides = array<i32>} : memref<200x64xf32, #tpu.memory_space<vmem>>, vector<1x16xf32>,
      %swap3A_399 = arith.constant 199 : i32
      %swap3A_400 = arith.index_cast %swap3A_399 : i32 to index
      %swap3A_401 = arith.constant 16 : index
      %swap3A_402 = tpu.vector_load %arg10[%swap3A_400, %swap3A_401] {strides = array<i32>} : memref<200x64xf32, #tpu.memory_space<vmem>>, vector<1x16xf32>,
      %swap3A_403 = vector.shape_cast %swap3A_402 : vector<1x16xf32> to vector<16xf32>
      %swap3A_404 = vector.shape_cast %get3A_360 : vector<16xf32> to vector<1x16xf32>
      tpu.vector_store %arg10[%swap3A_400, %swap3A_401], %swap3A_404 {strides = array<i32>} : memref<200x64xf32, #tpu.memory_space<vmem>>, vector<1x16xf32>,
      %swap3A_405 = arith.constant 199 : i32
      %swap3A_406 = arith.index_cast %swap3A_405 : i32 to index
      %swap3A_407 = arith.constant 32 : index
      %swap3A_408 = tpu.vector_load %arg10[%swap3A_406, %swap3A_407] {strides = array<i32>} : memref<200x64xf32, #tpu.memory_space<vmem>>, vector<1x16xf32>,
      %swap3A_409 = vector.shape_cast %swap3A_408 : vector<1x16xf32> to vector<16xf32>
      %swap3A_410 = vector.shape_cast %get3A_364 : vector<16xf32> to vector<1x16xf32>
      tpu.vector_store %arg10[%swap3A_406, %swap3A_407], %swap3A_410 {strides = array<i32>} : memref<200x64xf32, #tpu.memory_space<vmem>>, vector<1x16xf32>,
      %swap3A_411 = arith.constant 199 : i32
      %swap3A_412 = arith.index_cast %swap3A_411 : i32 to index
      %swap3A_413 = arith.constant 48 : index
      %swap3A_414 = tpu.vector_load %arg10[%swap3A_412, %swap3A_413] {strides = array<i32>} : memref<200x64xf32, #tpu.memory_space<vmem>>, vector<1x16xf32>,
      %swap3A_415 = vector.shape_cast %swap3A_414 : vector<1x16xf32> to vector<16xf32>
      %swap3A_416 = vector.shape_cast %get3A_368 : vector<16xf32> to vector<1x16xf32>
      tpu.vector_store %arg10[%swap3A_412, %swap3A_413], %swap3A_416 {strides = array<i32>} : memref<200x64xf32, #tpu.memory_space<vmem>>, vector<1x16xf32>,
      %dma_start3A = arith.constant 0 : i32
      %dma_start3A_417 = arith.constant 0 : i32
      %dma_start3A_418 = tpu.memref_slice %arg6[%add3A_64, %dma_start3A, %dma_start3A_417] : memref<1024x200x64xf32, #tpu.memory_space<hbm>> -> memref<1x200x64xf32, #tpu.memory_space<hbm>>
      %dma_start3A_419 = tpu.memref_squeeze %dma_start3A_418 : memref<1x200x64xf32, #tpu.memory_space<hbm>> -> memref<200x64xf32, #tpu.memory_space<hbm>>
      %dma_start3A_420 = arith.constant 0 : i32
      %dma_start3A_421 = arith.constant 0 : i32
      %dma_start3A_422 = tpu.memref_slice %arg6[%add3A_64, %dma_start3A_420, %dma_start3A_421] : memref<1024x200x64xf32, #tpu.memory_space<hbm>> -> memref<1x200x64xf32, #tpu.memory_space<hbm>>
      %dma_start3A_423 = tpu.memref_squeeze %dma_start3A_422 : memref<1x200x64xf32, #tpu.memory_space<hbm>> -> memref<200x64xf32, #tpu.memory_space<hbm>>
      tpu.enqueue_dma source(%arg10 : memref<200x64xf32, #tpu.memory_space<vmem>>) target(%dma_start3A_423 : memref<200x64xf32, #tpu.memory_space<hbm>>) target_semaphore(%arg12 : memref<!tpu.dma_semaphore, #tpu.memory_space<semaphore_mem>>)
      %gt3A_424 = arith.constant 0 : i32
      %gt3A_425 = arith.cmpi sgt, %scan3A_28, %gt3A_424 : i32
      %convert_element_type3A_426 = arith.extui %gt3A_425 : i1 to i32
      %cond3A_427 = arith.constant 0 : i32
      %cond3A_428 = arith.cmpi ne, %convert_element_type3A_426, %cond3A_427 : i32
      scf.if %cond3A_428 {
        %dma_wait3A_785 = arith.constant 0 : i32
        %dma_wait3A_786 = arith.constant 0 : i32
        %dma_wait3A_787 = arith.constant 0 : i32
        %dma_wait3A_788 = tpu.memref_slice %arg7[%dma_wait3A_785, %dma_wait3A_786, %dma_wait3A_787] : memref<1024x200x64xf32, #tpu.memory_space<hbm>> -> memref<1x200x64xf32, #tpu.memory_space<hbm>>
        %dma_wait3A_789 = tpu.memref_squeeze %dma_wait3A_788 : memref<1x200x64xf32, #tpu.memory_space<hbm>> -> memref<200x64xf32, #tpu.memory_space<hbm>>
        %dma_wait3A_790 = arith.constant 0 : i32
        %dma_wait3A_791 = arith.constant 0 : i32
        %dma_wait3A_792 = tpu.memref_slice %arg7[%dma_wait3A_785, %dma_wait3A_790, %dma_wait3A_791] : memref<1024x200x64xf32, #tpu.memory_space<hbm>> -> memref<1x200x64xf32, #tpu.memory_space<hbm>>
        %dma_wait3A_793 = tpu.memref_squeeze %dma_wait3A_792 : memref<1x200x64xf32, #tpu.memory_space<hbm>> -> memref<200x64xf32, #tpu.memory_space<hbm>>
        tpu.wait_dma2 semaphore(%arg13 : memref<!tpu.dma_semaphore, #tpu.memory_space<semaphore_mem>>) src(%arg11 : memref<200x64xf32, #tpu.memory_space<vmem>>) dst(%dma_wait3A_793 : memref<200x64xf32, #tpu.memory_space<hbm>>)
      } else {
      }
      %parallel_loop3A_429 = arith.constant 0 : i32
      %parallel_loop3A_430 = arith.constant 12 : i32
      %parallel_loop3A_431 = arith.constant 1 : i32
      scf.for %parallel_loop3A_785 = %parallel_loop3A_429 to %parallel_loop3A_430 step %parallel_loop3A_431  : i32 {
        %parallel_loop3A_786 = arith.constant 16 : i32
        %parallel_loop3A_787 = arith.muli %parallel_loop3A_785, %parallel_loop3A_786 : i32
        %parallel_loop3A_788 = arith.addi %mul3A_61, %parallel_loop3A_787 : i32
        %parallel_loop3A_789 = arith.index_cast %parallel_loop3A_788 : i32 to index
        %parallel_loop3A_790 = tpu.vector_load %arg9[%parallel_loop3A_789] {strides = array<i32>} : memref<808xi32, #tpu.memory_space<vmem>>, vector<16xi32>,
        %parallel_loop3A_791 = vector.shape_cast %parallel_loop3A_790 : vector<16xi32> to vector<16xi32>
        %parallel_loop3A_792 = arith.constant 600 : i32
        %parallel_loop3A_793 = vector.broadcast %parallel_loop3A_792 : i32 to vector<16xi32>
        %parallel_loop3A_794 = arith.addi %parallel_loop3A_791, %parallel_loop3A_793 : vector<16xi32>
        %parallel_loop3A_795 = vector.extract_strided_slice %parallel_loop3A_794 {offsets = [0], sizes = [1], strides = [1]} : vector<16xi32> to vector<1xi32>
        %parallel_loop3A_796 = vector.extract %parallel_loop3A_795[0] : i32 from vector<1xi32>
        %parallel_loop3A_797 = arith.index_cast %parallel_loop3A_796 : i32 to index
        %parallel_loop3A_798 = arith.constant 0 : index
        %parallel_loop3A_799 = tpu.vector_load %arg8[%parallel_loop3A_797, %parallel_loop3A_798] {strides = array<i32>} : memref<606x64xf32, #tpu.memory_space<vmem>>, vector<1x16xf32>,
        %parallel_loop3A_800 = vector.shape_cast %parallel_loop3A_799 : vector<1x16xf32> to vector<16xf32>
        %parallel_loop3A_801 = arith.index_cast %parallel_loop3A_796 : i32 to index
        %parallel_loop3A_802 = arith.constant 16 : index
        %parallel_loop3A_803 = tpu.vector_load %arg8[%parallel_loop3A_801, %parallel_loop3A_802] {strides = array<i32>} : memref<606x64xf32, #tpu.memory_space<vmem>>, vector<1x16xf32>,
        %parallel_loop3A_804 = vector.shape_cast %parallel_loop3A_803 : vector<1x16xf32> to vector<16xf32>
        %parallel_loop3A_805 = arith.index_cast %parallel_loop3A_796 : i32 to index
        %parallel_loop3A_806 = arith.constant 32 : index
        %parallel_loop3A_807 = tpu.vector_load %arg8[%parallel_loop3A_805, %parallel_loop3A_806] {strides = array<i32>} : memref<606x64xf32, #tpu.memory_space<vmem>>, vector<1x16xf32>,
        %parallel_loop3A_808 = vector.shape_cast %parallel_loop3A_807 : vector<1x16xf32> to vector<16xf32>
        %parallel_loop3A_809 = arith.index_cast %parallel_loop3A_796 : i32 to index
        %parallel_loop3A_810 = arith.constant 48 : index
        %parallel_loop3A_811 = tpu.vector_load %arg8[%parallel_loop3A_809, %parallel_loop3A_810] {strides = array<i32>} : memref<606x64xf32, #tpu.memory_space<vmem>>, vector<1x16xf32>,
        %parallel_loop3A_812 = vector.shape_cast %parallel_loop3A_811 : vector<1x16xf32> to vector<16xf32>
        %parallel_loop3A_813 = vector.extract_strided_slice %parallel_loop3A_794 {offsets = [1], sizes = [1], strides = [1]} : vector<16xi32> to vector<1xi32>
        %parallel_loop3A_814 = vector.extract %parallel_loop3A_813[0] : i32 from vector<1xi32>
        %parallel_loop3A_815 = arith.index_cast %parallel_loop3A_814 : i32 to index
        %parallel_loop3A_816 = arith.constant 0 : index
        %parallel_loop3A_817 = tpu.vector_load %arg8[%parallel_loop3A_815, %parallel_loop3A_816] {strides = array<i32>} : memref<606x64xf32, #tpu.memory_space<vmem>>, vector<1x16xf32>,
        %parallel_loop3A_818 = vector.shape_cast %parallel_loop3A_817 : vector<1x16xf32> to vector<16xf32>
        %parallel_loop3A_819 = arith.index_cast %parallel_loop3A_814 : i32 to index
        %parallel_loop3A_820 = arith.constant 16 : index
        %parallel_loop3A_821 = tpu.vector_load %arg8[%parallel_loop3A_819, %parallel_loop3A_820] {strides = array<i32>} : memref<606x64xf32, #tpu.memory_space<vmem>>, vector<1x16xf32>,
        %parallel_loop3A_822 = vector.shape_cast %parallel_loop3A_821 : vector<1x16xf32> to vector<16xf32>
        %parallel_loop3A_823 = arith.index_cast %parallel_loop3A_814 : i32 to index
        %parallel_loop3A_824 = arith.constant 32 : index
        %parallel_loop3A_825 = tpu.vector_load %arg8[%parallel_loop3A_823, %parallel_loop3A_824] {strides = array<i32>} : memref<606x64xf32, #tpu.memory_space<vmem>>, vector<1x16xf32>,
        %parallel_loop3A_826 = vector.shape_cast %parallel_loop3A_825 : vector<1x16xf32> to vector<16xf32>
        %parallel_loop3A_827 = arith.index_cast %parallel_loop3A_814 : i32 to index
        %parallel_loop3A_828 = arith.constant 48 : index
        %parallel_loop3A_829 = tpu.vector_load %arg8[%parallel_loop3A_827, %parallel_loop3A_828] {strides = array<i32>} : memref<606x64xf32, #tpu.memory_space<vmem>>, vector<1x16xf32>,
        %parallel_loop3A_830 = vector.shape_cast %parallel_loop3A_829 : vector<1x16xf32> to vector<16xf32>
        %parallel_loop3A_831 = arith.constant 16 : i32
        %parallel_loop3A_832 = arith.muli %parallel_loop3A_785, %parallel_loop3A_831 : i32
        %parallel_loop3A_833 = arith.constant 0 : i32
        %parallel_loop3A_834 = arith.addi %parallel_loop3A_832, %parallel_loop3A_833 : i32
        %parallel_loop3A_835 = arith.index_cast %parallel_loop3A_834 : i32 to index
        %parallel_loop3A_836 = arith.constant 0 : index
        %parallel_loop3A_837 = tpu.vector_load %arg11[%parallel_loop3A_835, %parallel_loop3A_836] {strides = array<i32>} : memref<200x64xf32, #tpu.memory_space<vmem>>, vector<1x16xf32>,
        %parallel_loop3A_838 = vector.shape_cast %parallel_loop3A_837 : vector<1x16xf32> to vector<16xf32>
        %parallel_loop3A_839 = vector.shape_cast %parallel_loop3A_800 : vector<16xf32> to vector<1x16xf32>
        tpu.vector_store %arg11[%parallel_loop3A_835, %parallel_loop3A_836], %parallel_loop3A_839 {strides = array<i32>} : memref<200x64xf32, #tpu.memory_space<vmem>>, vector<1x16xf32>,
        %parallel_loop3A_840 = arith.index_cast %parallel_loop3A_834 : i32 to index
        %parallel_loop3A_841 = arith.constant 16 : index
        %parallel_loop3A_842 = tpu.vector_load %arg11[%parallel_loop3A_840, %parallel_loop3A_841] {strides = array<i32>} : memref<200x64xf32, #tpu.memory_space<vmem>>, vector<1x16xf32>,
        %parallel_loop3A_843 = vector.shape_cast %parallel_loop3A_842 : vector<1x16xf32> to vector<16xf32>
        %parallel_loop3A_844 = vector.shape_cast %parallel_loop3A_804 : vector<16xf32> to vector<1x16xf32>
        tpu.vector_store %arg11[%parallel_loop3A_840, %parallel_loop3A_841], %parallel_loop3A_844 {strides = array<i32>} : memref<200x64xf32, #tpu.memory_space<vmem>>, vector<1x16xf32>,
        %parallel_loop3A_845 = arith.index_cast %parallel_loop3A_834 : i32 to index
        %parallel_loop3A_846 = arith.constant 32 : index
        %parallel_loop3A_847 = tpu.vector_load %arg11[%parallel_loop3A_845, %parallel_loop3A_846] {strides = array<i32>} : memref<200x64xf32, #tpu.memory_space<vmem>>, vector<1x16xf32>,
        %parallel_loop3A_848 = vector.shape_cast %parallel_loop3A_847 : vector<1x16xf32> to vector<16xf32>
        %parallel_loop3A_849 = vector.shape_cast %parallel_loop3A_808 : vector<16xf32> to vector<1x16xf32>
        tpu.vector_store %arg11[%parallel_loop3A_845, %parallel_loop3A_846], %parallel_loop3A_849 {strides = array<i32>} : memref<200x64xf32, #tpu.memory_space<vmem>>, vector<1x16xf32>,
        %parallel_loop3A_850 = arith.index_cast %parallel_loop3A_834 : i32 to index
        %parallel_loop3A_851 = arith.constant 48 : index
        %parallel_loop3A_852 = tpu.vector_load %arg11[%parallel_loop3A_850, %parallel_loop3A_851] {strides = array<i32>} : memref<200x64xf32, #tpu.memory_space<vmem>>, vector<1x16xf32>,
        %parallel_loop3A_853 = vector.shape_cast %parallel_loop3A_852 : vector<1x16xf32> to vector<16xf32>
        %parallel_loop3A_854 = vector.shape_cast %parallel_loop3A_812 : vector<16xf32> to vector<1x16xf32>
        tpu.vector_store %arg11[%parallel_loop3A_850, %parallel_loop3A_851], %parallel_loop3A_854 {strides = array<i32>} : memref<200x64xf32, #tpu.memory_space<vmem>>, vector<1x16xf32>,
        %parallel_loop3A_855 = vector.extract_strided_slice %parallel_loop3A_794 {offsets = [2], sizes = [1], strides = [1]} : vector<16xi32> to vector<1xi32>
        %parallel_loop3A_856 = vector.extract %parallel_loop3A_855[0] : i32 from vector<1xi32>
        %parallel_loop3A_857 = arith.index_cast %parallel_loop3A_856 : i32 to index
        %parallel_loop3A_858 = arith.constant 0 : index
        %parallel_loop3A_859 = tpu.vector_load %arg8[%parallel_loop3A_857, %parallel_loop3A_858] {strides = array<i32>} : memref<606x64xf32, #tpu.memory_space<vmem>>, vector<1x16xf32>,
        %parallel_loop3A_860 = vector.shape_cast %parallel_loop3A_859 : vector<1x16xf32> to vector<16xf32>
        %parallel_loop3A_861 = arith.index_cast %parallel_loop3A_856 : i32 to index
        %parallel_loop3A_862 = arith.constant 16 : index
        %parallel_loop3A_863 = tpu.vector_load %arg8[%parallel_loop3A_861, %parallel_loop3A_862] {strides = array<i32>} : memref<606x64xf32, #tpu.memory_space<vmem>>, vector<1x16xf32>,
        %parallel_loop3A_864 = vector.shape_cast %parallel_loop3A_863 : vector<1x16xf32> to vector<16xf32>
        %parallel_loop3A_865 = arith.index_cast %parallel_loop3A_856 : i32 to index
        %parallel_loop3A_866 = arith.constant 32 : index
        %parallel_loop3A_867 = tpu.vector_load %arg8[%parallel_loop3A_865, %parallel_loop3A_866] {strides = array<i32>} : memref<606x64xf32, #tpu.memory_space<vmem>>, vector<1x16xf32>,
        %parallel_loop3A_868 = vector.shape_cast %parallel_loop3A_867 : vector<1x16xf32> to vector<16xf32>
        %parallel_loop3A_869 = arith.index_cast %parallel_loop3A_856 : i32 to index
        %parallel_loop3A_870 = arith.constant 48 : index
        %parallel_loop3A_871 = tpu.vector_load %arg8[%parallel_loop3A_869, %parallel_loop3A_870] {strides = array<i32>} : memref<606x64xf32, #tpu.memory_space<vmem>>, vector<1x16xf32>,
        %parallel_loop3A_872 = vector.shape_cast %parallel_loop3A_871 : vector<1x16xf32> to vector<16xf32>
        %parallel_loop3A_873 = arith.constant 16 : i32
        %parallel_loop3A_874 = arith.muli %parallel_loop3A_785, %parallel_loop3A_873 : i32
        %parallel_loop3A_875 = arith.constant 1 : i32
        %parallel_loop3A_876 = arith.addi %parallel_loop3A_874, %parallel_loop3A_875 : i32
        %parallel_loop3A_877 = arith.index_cast %parallel_loop3A_876 : i32 to index
        %parallel_loop3A_878 = arith.constant 0 : index
        %parallel_loop3A_879 = tpu.vector_load %arg11[%parallel_loop3A_877, %parallel_loop3A_878] {strides = array<i32>} : memref<200x64xf32, #tpu.memory_space<vmem>>, vector<1x16xf32>,
        %parallel_loop3A_880 = vector.shape_cast %parallel_loop3A_879 : vector<1x16xf32> to vector<16xf32>
        %parallel_loop3A_881 = vector.shape_cast %parallel_loop3A_818 : vector<16xf32> to vector<1x16xf32>
        tpu.vector_store %arg11[%parallel_loop3A_877, %parallel_loop3A_878], %parallel_loop3A_881 {strides = array<i32>} : memref<200x64xf32, #tpu.memory_space<vmem>>, vector<1x16xf32>,
        %parallel_loop3A_882 = arith.index_cast %parallel_loop3A_876 : i32 to index
        %parallel_loop3A_883 = arith.constant 16 : index
        %parallel_loop3A_884 = tpu.vector_load %arg11[%parallel_loop3A_882, %parallel_loop3A_883] {strides = array<i32>} : memref<200x64xf32, #tpu.memory_space<vmem>>, vector<1x16xf32>,
        %parallel_loop3A_885 = vector.shape_cast %parallel_loop3A_884 : vector<1x16xf32> to vector<16xf32>
        %parallel_loop3A_886 = vector.shape_cast %parallel_loop3A_822 : vector<16xf32> to vector<1x16xf32>
        tpu.vector_store %arg11[%parallel_loop3A_882, %parallel_loop3A_883], %parallel_loop3A_886 {strides = array<i32>} : memref<200x64xf32, #tpu.memory_space<vmem>>, vector<1x16xf32>,
        %parallel_loop3A_887 = arith.index_cast %parallel_loop3A_876 : i32 to index
        %parallel_loop3A_888 = arith.constant 32 : index
        %parallel_loop3A_889 = tpu.vector_load %arg11[%parallel_loop3A_887, %parallel_loop3A_888] {strides = array<i32>} : memref<200x64xf32, #tpu.memory_space<vmem>>, vector<1x16xf32>,
        %parallel_loop3A_890 = vector.shape_cast %parallel_loop3A_889 : vector<1x16xf32> to vector<16xf32>
        %parallel_loop3A_891 = vector.shape_cast %parallel_loop3A_826 : vector<16xf32> to vector<1x16xf32>
        tpu.vector_store %arg11[%parallel_loop3A_887, %parallel_loop3A_888], %parallel_loop3A_891 {strides = array<i32>} : memref<200x64xf32, #tpu.memory_space<vmem>>, vector<1x16xf32>,
        %parallel_loop3A_892 = arith.index_cast %parallel_loop3A_876 : i32 to index
        %parallel_loop3A_893 = arith.constant 48 : index
        %parallel_loop3A_894 = tpu.vector_load %arg11[%parallel_loop3A_892, %parallel_loop3A_893] {strides = array<i32>} : memref<200x64xf32, #tpu.memory_space<vmem>>, vector<1x16xf32>,
        %parallel_loop3A_895 = vector.shape_cast %parallel_loop3A_894 : vector<1x16xf32> to vector<16xf32>
        %parallel_loop3A_896 = vector.shape_cast %parallel_loop3A_830 : vector<16xf32> to vector<1x16xf32>
        tpu.vector_store %arg11[%parallel_loop3A_892, %parallel_loop3A_893], %parallel_loop3A_896 {strides = array<i32>} : memref<200x64xf32, #tpu.memory_space<vmem>>, vector<1x16xf32>,
        %parallel_loop3A_897 = vector.extract_strided_slice %parallel_loop3A_794 {offsets = [3], sizes = [1], strides = [1]} : vector<16xi32> to vector<1xi32>
        %parallel_loop3A_898 = vector.extract %parallel_loop3A_897[0] : i32 from vector<1xi32>
        %parallel_loop3A_899 = arith.index_cast %parallel_loop3A_898 : i32 to index
        %parallel_loop3A_900 = arith.constant 0 : index
        %parallel_loop3A_901 = tpu.vector_load %arg8[%parallel_loop3A_899, %parallel_loop3A_900] {strides = array<i32>} : memref<606x64xf32, #tpu.memory_space<vmem>>, vector<1x16xf32>,
        %parallel_loop3A_902 = vector.shape_cast %parallel_loop3A_901 : vector<1x16xf32> to vector<16xf32>
        %parallel_loop3A_903 = arith.index_cast %parallel_loop3A_898 : i32 to index
        %parallel_loop3A_904 = arith.constant 16 : index
        %parallel_loop3A_905 = tpu.vector_load %arg8[%parallel_loop3A_903, %parallel_loop3A_904] {strides = array<i32>} : memref<606x64xf32, #tpu.memory_space<vmem>>, vector<1x16xf32>,
        %parallel_loop3A_906 = vector.shape_cast %parallel_loop3A_905 : vector<1x16xf32> to vector<16xf32>
        %parallel_loop3A_907 = arith.index_cast %parallel_loop3A_898 : i32 to index
        %parallel_loop3A_908 = arith.constant 32 : index
        %parallel_loop3A_909 = tpu.vector_load %arg8[%parallel_loop3A_907, %parallel_loop3A_908] {strides = array<i32>} : memref<606x64xf32, #tpu.memory_space<vmem>>, vector<1x16xf32>,
        %parallel_loop3A_910 = vector.shape_cast %parallel_loop3A_909 : vector<1x16xf32> to vector<16xf32>
        %parallel_loop3A_911 = arith.index_cast %parallel_loop3A_898 : i32 to index
        %parallel_loop3A_912 = arith.constant 48 : index
        %parallel_loop3A_913 = tpu.vector_load %arg8[%parallel_loop3A_911, %parallel_loop3A_912] {strides = array<i32>} : memref<606x64xf32, #tpu.memory_space<vmem>>, vector<1x16xf32>,
        %parallel_loop3A_914 = vector.shape_cast %parallel_loop3A_913 : vector<1x16xf32> to vector<16xf32>
        %parallel_loop3A_915 = arith.constant 16 : i32
        %parallel_loop3A_916 = arith.muli %parallel_loop3A_785, %parallel_loop3A_915 : i32
        %parallel_loop3A_917 = arith.constant 2 : i32
        %parallel_loop3A_918 = arith.addi %parallel_loop3A_916, %parallel_loop3A_917 : i32
        %parallel_loop3A_919 = arith.index_cast %parallel_loop3A_918 : i32 to index
        %parallel_loop3A_920 = arith.constant 0 : index
        %parallel_loop3A_921 = tpu.vector_load %arg11[%parallel_loop3A_919, %parallel_loop3A_920] {strides = array<i32>} : memref<200x64xf32, #tpu.memory_space<vmem>>, vector<1x16xf32>,
        %parallel_loop3A_922 = vector.shape_cast %parallel_loop3A_921 : vector<1x16xf32> to vector<16xf32>
        %parallel_loop3A_923 = vector.shape_cast %parallel_loop3A_860 : vector<16xf32> to vector<1x16xf32>
        tpu.vector_store %arg11[%parallel_loop3A_919, %parallel_loop3A_920], %parallel_loop3A_923 {strides = array<i32>} : memref<200x64xf32, #tpu.memory_space<vmem>>, vector<1x16xf32>,
        %parallel_loop3A_924 = arith.index_cast %parallel_loop3A_918 : i32 to index
        %parallel_loop3A_925 = arith.constant 16 : index
        %parallel_loop3A_926 = tpu.vector_load %arg11[%parallel_loop3A_924, %parallel_loop3A_925] {strides = array<i32>} : memref<200x64xf32, #tpu.memory_space<vmem>>, vector<1x16xf32>,
        %parallel_loop3A_927 = vector.shape_cast %parallel_loop3A_926 : vector<1x16xf32> to vector<16xf32>
        %parallel_loop3A_928 = vector.shape_cast %parallel_loop3A_864 : vector<16xf32> to vector<1x16xf32>
        tpu.vector_store %arg11[%parallel_loop3A_924, %parallel_loop3A_925], %parallel_loop3A_928 {strides = array<i32>} : memref<200x64xf32, #tpu.memory_space<vmem>>, vector<1x16xf32>,
        %parallel_loop3A_929 = arith.index_cast %parallel_loop3A_918 : i32 to index
        %parallel_loop3A_930 = arith.constant 32 : index
        %parallel_loop3A_931 = tpu.vector_load %arg11[%parallel_loop3A_929, %parallel_loop3A_930] {strides = array<i32>} : memref<200x64xf32, #tpu.memory_space<vmem>>, vector<1x16xf32>,
        %parallel_loop3A_932 = vector.shape_cast %parallel_loop3A_931 : vector<1x16xf32> to vector<16xf32>
        %parallel_loop3A_933 = vector.shape_cast %parallel_loop3A_868 : vector<16xf32> to vector<1x16xf32>
        tpu.vector_store %arg11[%parallel_loop3A_929, %parallel_loop3A_930], %parallel_loop3A_933 {strides = array<i32>} : memref<200x64xf32, #tpu.memory_space<vmem>>, vector<1x16xf32>,
        %parallel_loop3A_934 = arith.index_cast %parallel_loop3A_918 : i32 to index
        %parallel_loop3A_935 = arith.constant 48 : index
        %parallel_loop3A_936 = tpu.vector_load %arg11[%parallel_loop3A_934, %parallel_loop3A_935] {strides = array<i32>} : memref<200x64xf32, #tpu.memory_space<vmem>>, vector<1x16xf32>,
        %parallel_loop3A_937 = vector.shape_cast %parallel_loop3A_936 : vector<1x16xf32> to vector<16xf32>
        %parallel_loop3A_938 = vector.shape_cast %parallel_loop3A_872 : vector<16xf32> to vector<1x16xf32>
        tpu.vector_store %arg11[%parallel_loop3A_934, %parallel_loop3A_935], %parallel_loop3A_938 {strides = array<i32>} : memref<200x64xf32, #tpu.memory_space<vmem>>, vector<1x16xf32>,
        %parallel_loop3A_939 = vector.extract_strided_slice %parallel_loop3A_794 {offsets = [4], sizes = [1], strides = [1]} : vector<16xi32> to vector<1xi32>
        %parallel_loop3A_940 = vector.extract %parallel_loop3A_939[0] : i32 from vector<1xi32>
        %parallel_loop3A_941 = arith.index_cast %parallel_loop3A_940 : i32 to index
        %parallel_loop3A_942 = arith.constant 0 : index
        %parallel_loop3A_943 = tpu.vector_load %arg8[%parallel_loop3A_941, %parallel_loop3A_942] {strides = array<i32>} : memref<606x64xf32, #tpu.memory_space<vmem>>, vector<1x16xf32>,
        %parallel_loop3A_944 = vector.shape_cast %parallel_loop3A_943 : vector<1x16xf32> to vector<16xf32>
        %parallel_loop3A_945 = arith.index_cast %parallel_loop3A_940 : i32 to index
        %parallel_loop3A_946 = arith.constant 16 : index
        %parallel_loop3A_947 = tpu.vector_load %arg8[%parallel_loop3A_945, %parallel_loop3A_946] {strides = array<i32>} : memref<606x64xf32, #tpu.memory_space<vmem>>, vector<1x16xf32>,
        %parallel_loop3A_948 = vector.shape_cast %parallel_loop3A_947 : vector<1x16xf32> to vector<16xf32>
        %parallel_loop3A_949 = arith.index_cast %parallel_loop3A_940 : i32 to index
        %parallel_loop3A_950 = arith.constant 32 : index
        %parallel_loop3A_951 = tpu.vector_load %arg8[%parallel_loop3A_949, %parallel_loop3A_950] {strides = array<i32>} : memref<606x64xf32, #tpu.memory_space<vmem>>, vector<1x16xf32>,
        %parallel_loop3A_952 = vector.shape_cast %parallel_loop3A_951 : vector<1x16xf32> to vector<16xf32>
        %parallel_loop3A_953 = arith.index_cast %parallel_loop3A_940 : i32 to index
        %parallel_loop3A_954 = arith.constant 48 : index
        %parallel_loop3A_955 = tpu.vector_load %arg8[%parallel_loop3A_953, %parallel_loop3A_954] {strides = array<i32>} : memref<606x64xf32, #tpu.memory_space<vmem>>, vector<1x16xf32>,
        %parallel_loop3A_956 = vector.shape_cast %parallel_loop3A_955 : vector<1x16xf32> to vector<16xf32>
        %parallel_loop3A_957 = arith.constant 16 : i32
        %parallel_loop3A_958 = arith.muli %parallel_loop3A_785, %parallel_loop3A_957 : i32
        %parallel_loop3A_959 = arith.constant 3 : i32
        %parallel_loop3A_960 = arith.addi %parallel_loop3A_958, %parallel_loop3A_959 : i32
        %parallel_loop3A_961 = arith.index_cast %parallel_loop3A_960 : i32 to index
        %parallel_loop3A_962 = arith.constant 0 : index
        %parallel_loop3A_963 = tpu.vector_load %arg11[%parallel_loop3A_961, %parallel_loop3A_962] {strides = array<i32>} : memref<200x64xf32, #tpu.memory_space<vmem>>, vector<1x16xf32>,
        %parallel_loop3A_964 = vector.shape_cast %parallel_loop3A_963 : vector<1x16xf32> to vector<16xf32>
        %parallel_loop3A_965 = vector.shape_cast %parallel_loop3A_902 : vector<16xf32> to vector<1x16xf32>
        tpu.vector_store %arg11[%parallel_loop3A_961, %parallel_loop3A_962], %parallel_loop3A_965 {strides = array<i32>} : memref<200x64xf32, #tpu.memory_space<vmem>>, vector<1x16xf32>,
        %parallel_loop3A_966 = arith.index_cast %parallel_loop3A_960 : i32 to index
        %parallel_loop3A_967 = arith.constant 16 : index
        %parallel_loop3A_968 = tpu.vector_load %arg11[%parallel_loop3A_966, %parallel_loop3A_967] {strides = array<i32>} : memref<200x64xf32, #tpu.memory_space<vmem>>, vector<1x16xf32>,
        %parallel_loop3A_969 = vector.shape_cast %parallel_loop3A_968 : vector<1x16xf32> to vector<16xf32>
        %parallel_loop3A_970 = vector.shape_cast %parallel_loop3A_906 : vector<16xf32> to vector<1x16xf32>
        tpu.vector_store %arg11[%parallel_loop3A_966, %parallel_loop3A_967], %parallel_loop3A_970 {strides = array<i32>} : memref<200x64xf32, #tpu.memory_space<vmem>>, vector<1x16xf32>,
        %parallel_loop3A_971 = arith.index_cast %parallel_loop3A_960 : i32 to index
        %parallel_loop3A_972 = arith.constant 32 : index
        %parallel_loop3A_973 = tpu.vector_load %arg11[%parallel_loop3A_971, %parallel_loop3A_972] {strides = array<i32>} : memref<200x64xf32, #tpu.memory_space<vmem>>, vector<1x16xf32>,
        %parallel_loop3A_974 = vector.shape_cast %parallel_loop3A_973 : vector<1x16xf32> to vector<16xf32>
        %parallel_loop3A_975 = vector.shape_cast %parallel_loop3A_910 : vector<16xf32> to vector<1x16xf32>
        tpu.vector_store %arg11[%parallel_loop3A_971, %parallel_loop3A_972], %parallel_loop3A_975 {strides = array<i32>} : memref<200x64xf32, #tpu.memory_space<vmem>>, vector<1x16xf32>,
        %parallel_loop3A_976 = arith.index_cast %parallel_loop3A_960 : i32 to index
        %parallel_loop3A_977 = arith.constant 48 : index
        %parallel_loop3A_978 = tpu.vector_load %arg11[%parallel_loop3A_976, %parallel_loop3A_977] {strides = array<i32>} : memref<200x64xf32, #tpu.memory_space<vmem>>, vector<1x16xf32>,
        %parallel_loop3A_979 = vector.shape_cast %parallel_loop3A_978 : vector<1x16xf32> to vector<16xf32>
        %parallel_loop3A_980 = vector.shape_cast %parallel_loop3A_914 : vector<16xf32> to vector<1x16xf32>
        tpu.vector_store %arg11[%parallel_loop3A_976, %parallel_loop3A_977], %parallel_loop3A_980 {strides = array<i32>} : memref<200x64xf32, #tpu.memory_space<vmem>>, vector<1x16xf32>,
        %parallel_loop3A_981 = vector.extract_strided_slice %parallel_loop3A_794 {offsets = [5], sizes = [1], strides = [1]} : vector<16xi32> to vector<1xi32>
        %parallel_loop3A_982 = vector.extract %parallel_loop3A_981[0] : i32 from vector<1xi32>
        %parallel_loop3A_983 = arith.index_cast %parallel_loop3A_982 : i32 to index
        %parallel_loop3A_984 = arith.constant 0 : index
        %parallel_loop3A_985 = tpu.vector_load %arg8[%parallel_loop3A_983, %parallel_loop3A_984] {strides = array<i32>} : memref<606x64xf32, #tpu.memory_space<vmem>>, vector<1x16xf32>,
        %parallel_loop3A_986 = vector.shape_cast %parallel_loop3A_985 : vector<1x16xf32> to vector<16xf32>
        %parallel_loop3A_987 = arith.index_cast %parallel_loop3A_982 : i32 to index
        %parallel_loop3A_988 = arith.constant 16 : index
        %parallel_loop3A_989 = tpu.vector_load %arg8[%parallel_loop3A_987, %parallel_loop3A_988] {strides = array<i32>} : memref<606x64xf32, #tpu.memory_space<vmem>>, vector<1x16xf32>,
        %parallel_loop3A_990 = vector.shape_cast %parallel_loop3A_989 : vector<1x16xf32> to vector<16xf32>
        %parallel_loop3A_991 = arith.index_cast %parallel_loop3A_982 : i32 to index
        %parallel_loop3A_992 = arith.constant 32 : index
        %parallel_loop3A_993 = tpu.vector_load %arg8[%parallel_loop3A_991, %parallel_loop3A_992] {strides = array<i32>} : memref<606x64xf32, #tpu.memory_space<vmem>>, vector<1x16xf32>,
        %parallel_loop3A_994 = vector.shape_cast %parallel_loop3A_993 : vector<1x16xf32> to vector<16xf32>
        %parallel_loop3A_995 = arith.index_cast %parallel_loop3A_982 : i32 to index
        %parallel_loop3A_996 = arith.constant 48 : index
        %parallel_loop3A_997 = tpu.vector_load %arg8[%parallel_loop3A_995, %parallel_loop3A_996] {strides = array<i32>} : memref<606x64xf32, #tpu.memory_space<vmem>>, vector<1x16xf32>,
        %parallel_loop3A_998 = vector.shape_cast %parallel_loop3A_997 : vector<1x16xf32> to vector<16xf32>
        %parallel_loop3A_999 = arith.constant 16 : i32
        %parallel_loop3A_1000 = arith.muli %parallel_loop3A_785, %parallel_loop3A_999 : i32
        %parallel_loop3A_1001 = arith.constant 4 : i32
        %parallel_loop3A_1002 = arith.addi %parallel_loop3A_1000, %parallel_loop3A_1001 : i32
        %parallel_loop3A_1003 = arith.index_cast %parallel_loop3A_1002 : i32 to index
        %parallel_loop3A_1004 = arith.constant 0 : index
        %parallel_loop3A_1005 = tpu.vector_load %arg11[%parallel_loop3A_1003, %parallel_loop3A_1004] {strides = array<i32>} : memref<200x64xf32, #tpu.memory_space<vmem>>, vector<1x16xf32>,
        %parallel_loop3A_1006 = vector.shape_cast %parallel_loop3A_1005 : vector<1x16xf32> to vector<16xf32>
        %parallel_loop3A_1007 = vector.shape_cast %parallel_loop3A_944 : vector<16xf32> to vector<1x16xf32>
        tpu.vector_store %arg11[%parallel_loop3A_1003, %parallel_loop3A_1004], %parallel_loop3A_1007 {strides = array<i32>} : memref<200x64xf32, #tpu.memory_space<vmem>>, vector<1x16xf32>,
        %parallel_loop3A_1008 = arith.index_cast %parallel_loop3A_1002 : i32 to index
        %parallel_loop3A_1009 = arith.constant 16 : index
        %parallel_loop3A_1010 = tpu.vector_load %arg11[%parallel_loop3A_1008, %parallel_loop3A_1009] {strides = array<i32>} : memref<200x64xf32, #tpu.memory_space<vmem>>, vector<1x16xf32>,
        %parallel_loop3A_1011 = vector.shape_cast %parallel_loop3A_1010 : vector<1x16xf32> to vector<16xf32>
        %parallel_loop3A_1012 = vector.shape_cast %parallel_loop3A_948 : vector<16xf32> to vector<1x16xf32>
        tpu.vector_store %arg11[%parallel_loop3A_1008, %parallel_loop3A_1009], %parallel_loop3A_1012 {strides = array<i32>} : memref<200x64xf32, #tpu.memory_space<vmem>>, vector<1x16xf32>,
        %parallel_loop3A_1013 = arith.index_cast %parallel_loop3A_1002 : i32 to index
        %parallel_loop3A_1014 = arith.constant 32 : index
        %parallel_loop3A_1015 = tpu.vector_load %arg11[%parallel_loop3A_1013, %parallel_loop3A_1014] {strides = array<i32>} : memref<200x64xf32, #tpu.memory_space<vmem>>, vector<1x16xf32>,
        %parallel_loop3A_1016 = vector.shape_cast %parallel_loop3A_1015 : vector<1x16xf32> to vector<16xf32>
        %parallel_loop3A_1017 = vector.shape_cast %parallel_loop3A_952 : vector<16xf32> to vector<1x16xf32>
        tpu.vector_store %arg11[%parallel_loop3A_1013, %parallel_loop3A_1014], %parallel_loop3A_1017 {strides = array<i32>} : memref<200x64xf32, #tpu.memory_space<vmem>>, vector<1x16xf32>,
        %parallel_loop3A_1018 = arith.index_cast %parallel_loop3A_1002 : i32 to index
        %parallel_loop3A_1019 = arith.constant 48 : index
        %parallel_loop3A_1020 = tpu.vector_load %arg11[%parallel_loop3A_1018, %parallel_loop3A_1019] {strides = array<i32>} : memref<200x64xf32, #tpu.memory_space<vmem>>, vector<1x16xf32>,
        %parallel_loop3A_1021 = vector.shape_cast %parallel_loop3A_1020 : vector<1x16xf32> to vector<16xf32>
        %parallel_loop3A_1022 = vector.shape_cast %parallel_loop3A_956 : vector<16xf32> to vector<1x16xf32>
        tpu.vector_store %arg11[%parallel_loop3A_1018, %parallel_loop3A_1019], %parallel_loop3A_1022 {strides = array<i32>} : memref<200x64xf32, #tpu.memory_space<vmem>>, vector<1x16xf32>,
        %parallel_loop3A_1023 = vector.extract_strided_slice %parallel_loop3A_794 {offsets = [6], sizes = [1], strides = [1]} : vector<16xi32> to vector<1xi32>
        %parallel_loop3A_1024 = vector.extract %parallel_loop3A_1023[0] : i32 from vector<1xi32>
        %parallel_loop3A_1025 = arith.index_cast %parallel_loop3A_1024 : i32 to index
        %parallel_loop3A_1026 = arith.constant 0 : index
        %parallel_loop3A_1027 = tpu.vector_load %arg8[%parallel_loop3A_1025, %parallel_loop3A_1026] {strides = array<i32>} : memref<606x64xf32, #tpu.memory_space<vmem>>, vector<1x16xf32>,
        %parallel_loop3A_1028 = vector.shape_cast %parallel_loop3A_1027 : vector<1x16xf32> to vector<16xf32>
        %parallel_loop3A_1029 = arith.index_cast %parallel_loop3A_1024 : i32 to index
        %parallel_loop3A_1030 = arith.constant 16 : index
        %parallel_loop3A_1031 = tpu.vector_load %arg8[%parallel_loop3A_1029, %parallel_loop3A_1030] {strides = array<i32>} : memref<606x64xf32, #tpu.memory_space<vmem>>, vector<1x16xf32>,
        %parallel_loop3A_1032 = vector.shape_cast %parallel_loop3A_1031 : vector<1x16xf32> to vector<16xf32>
        %parallel_loop3A_1033 = arith.index_cast %parallel_loop3A_1024 : i32 to index
        %parallel_loop3A_1034 = arith.constant 32 : index
        %parallel_loop3A_1035 = tpu.vector_load %arg8[%parallel_loop3A_1033, %parallel_loop3A_1034] {strides = array<i32>} : memref<606x64xf32, #tpu.memory_space<vmem>>, vector<1x16xf32>,
        %parallel_loop3A_1036 = vector.shape_cast %parallel_loop3A_1035 : vector<1x16xf32> to vector<16xf32>
        %parallel_loop3A_1037 = arith.index_cast %parallel_loop3A_1024 : i32 to index
        %parallel_loop3A_1038 = arith.constant 48 : index
        %parallel_loop3A_1039 = tpu.vector_load %arg8[%parallel_loop3A_1037, %parallel_loop3A_1038] {strides = array<i32>} : memref<606x64xf32, #tpu.memory_space<vmem>>, vector<1x16xf32>,
        %parallel_loop3A_1040 = vector.shape_cast %parallel_loop3A_1039 : vector<1x16xf32> to vector<16xf32>
        %parallel_loop3A_1041 = arith.constant 16 : i32
        %parallel_loop3A_1042 = arith.muli %parallel_loop3A_785, %parallel_loop3A_1041 : i32
        %parallel_loop3A_1043 = arith.constant 5 : i32
        %parallel_loop3A_1044 = arith.addi %parallel_loop3A_1042, %parallel_loop3A_1043 : i32
        %parallel_loop3A_1045 = arith.index_cast %parallel_loop3A_1044 : i32 to index
        %parallel_loop3A_1046 = arith.constant 0 : index
        %parallel_loop3A_1047 = tpu.vector_load %arg11[%parallel_loop3A_1045, %parallel_loop3A_1046] {strides = array<i32>} : memref<200x64xf32, #tpu.memory_space<vmem>>, vector<1x16xf32>,
        %parallel_loop3A_1048 = vector.shape_cast %parallel_loop3A_1047 : vector<1x16xf32> to vector<16xf32>
        %parallel_loop3A_1049 = vector.shape_cast %parallel_loop3A_986 : vector<16xf32> to vector<1x16xf32>
        tpu.vector_store %arg11[%parallel_loop3A_1045, %parallel_loop3A_1046], %parallel_loop3A_1049 {strides = array<i32>} : memref<200x64xf32, #tpu.memory_space<vmem>>, vector<1x16xf32>,
        %parallel_loop3A_1050 = arith.index_cast %parallel_loop3A_1044 : i32 to index
        %parallel_loop3A_1051 = arith.constant 16 : index
        %parallel_loop3A_1052 = tpu.vector_load %arg11[%parallel_loop3A_1050, %parallel_loop3A_1051] {strides = array<i32>} : memref<200x64xf32, #tpu.memory_space<vmem>>, vector<1x16xf32>,
        %parallel_loop3A_1053 = vector.shape_cast %parallel_loop3A_1052 : vector<1x16xf32> to vector<16xf32>
        %parallel_loop3A_1054 = vector.shape_cast %parallel_loop3A_990 : vector<16xf32> to vector<1x16xf32>
        tpu.vector_store %arg11[%parallel_loop3A_1050, %parallel_loop3A_1051], %parallel_loop3A_1054 {strides = array<i32>} : memref<200x64xf32, #tpu.memory_space<vmem>>, vector<1x16xf32>,
        %parallel_loop3A_1055 = arith.index_cast %parallel_loop3A_1044 : i32 to index
        %parallel_loop3A_1056 = arith.constant 32 : index
        %parallel_loop3A_1057 = tpu.vector_load %arg11[%parallel_loop3A_1055, %parallel_loop3A_1056] {strides = array<i32>} : memref<200x64xf32, #tpu.memory_space<vmem>>, vector<1x16xf32>,
        %parallel_loop3A_1058 = vector.shape_cast %parallel_loop3A_1057 : vector<1x16xf32> to vector<16xf32>
        %parallel_loop3A_1059 = vector.shape_cast %parallel_loop3A_994 : vector<16xf32> to vector<1x16xf32>
        tpu.vector_store %arg11[%parallel_loop3A_1055, %parallel_loop3A_1056], %parallel_loop3A_1059 {strides = array<i32>} : memref<200x64xf32, #tpu.memory_space<vmem>>, vector<1x16xf32>,
        %parallel_loop3A_1060 = arith.index_cast %parallel_loop3A_1044 : i32 to index
        %parallel_loop3A_1061 = arith.constant 48 : index
        %parallel_loop3A_1062 = tpu.vector_load %arg11[%parallel_loop3A_1060, %parallel_loop3A_1061] {strides = array<i32>} : memref<200x64xf32, #tpu.memory_space<vmem>>, vector<1x16xf32>,
        %parallel_loop3A_1063 = vector.shape_cast %parallel_loop3A_1062 : vector<1x16xf32> to vector<16xf32>
        %parallel_loop3A_1064 = vector.shape_cast %parallel_loop3A_998 : vector<16xf32> to vector<1x16xf32>
        tpu.vector_store %arg11[%parallel_loop3A_1060, %parallel_loop3A_1061], %parallel_loop3A_1064 {strides = array<i32>} : memref<200x64xf32, #tpu.memory_space<vmem>>, vector<1x16xf32>,
        %parallel_loop3A_1065 = vector.extract_strided_slice %parallel_loop3A_794 {offsets = [7], sizes = [1], strides = [1]} : vector<16xi32> to vector<1xi32>
        %parallel_loop3A_1066 = vector.extract %parallel_loop3A_1065[0] : i32 from vector<1xi32>
        %parallel_loop3A_1067 = arith.index_cast %parallel_loop3A_1066 : i32 to index
        %parallel_loop3A_1068 = arith.constant 0 : index
        %parallel_loop3A_1069 = tpu.vector_load %arg8[%parallel_loop3A_1067, %parallel_loop3A_1068] {strides = array<i32>} : memref<606x64xf32, #tpu.memory_space<vmem>>, vector<1x16xf32>,
        %parallel_loop3A_1070 = vector.shape_cast %parallel_loop3A_1069 : vector<1x16xf32> to vector<16xf32>
        %parallel_loop3A_1071 = arith.index_cast %parallel_loop3A_1066 : i32 to index
        %parallel_loop3A_1072 = arith.constant 16 : index
        %parallel_loop3A_1073 = tpu.vector_load %arg8[%parallel_loop3A_1071, %parallel_loop3A_1072] {strides = array<i32>} : memref<606x64xf32, #tpu.memory_space<vmem>>, vector<1x16xf32>,
        %parallel_loop3A_1074 = vector.shape_cast %parallel_loop3A_1073 : vector<1x16xf32> to vector<16xf32>
        %parallel_loop3A_1075 = arith.index_cast %parallel_loop3A_1066 : i32 to index
        %parallel_loop3A_1076 = arith.constant 32 : index
        %parallel_loop3A_1077 = tpu.vector_load %arg8[%parallel_loop3A_1075, %parallel_loop3A_1076] {strides = array<i32>} : memref<606x64xf32, #tpu.memory_space<vmem>>, vector<1x16xf32>,
        %parallel_loop3A_1078 = vector.shape_cast %parallel_loop3A_1077 : vector<1x16xf32> to vector<16xf32>
        %parallel_loop3A_1079 = arith.index_cast %parallel_loop3A_1066 : i32 to index
        %parallel_loop3A_1080 = arith.constant 48 : index
        %parallel_loop3A_1081 = tpu.vector_load %arg8[%parallel_loop3A_1079, %parallel_loop3A_1080] {strides = array<i32>} : memref<606x64xf32, #tpu.memory_space<vmem>>, vector<1x16xf32>,
        %parallel_loop3A_1082 = vector.shape_cast %parallel_loop3A_1081 : vector<1x16xf32> to vector<16xf32>
        %parallel_loop3A_1083 = arith.constant 16 : i32
        %parallel_loop3A_1084 = arith.muli %parallel_loop3A_785, %parallel_loop3A_1083 : i32
        %parallel_loop3A_1085 = arith.constant 6 : i32
        %parallel_loop3A_1086 = arith.addi %parallel_loop3A_1084, %parallel_loop3A_1085 : i32
        %parallel_loop3A_1087 = arith.index_cast %parallel_loop3A_1086 : i32 to index
        %parallel_loop3A_1088 = arith.constant 0 : index
        %parallel_loop3A_1089 = tpu.vector_load %arg11[%parallel_loop3A_1087, %parallel_loop3A_1088] {strides = array<i32>} : memref<200x64xf32, #tpu.memory_space<vmem>>, vector<1x16xf32>,
        %parallel_loop3A_1090 = vector.shape_cast %parallel_loop3A_1089 : vector<1x16xf32> to vector<16xf32>
        %parallel_loop3A_1091 = vector.shape_cast %parallel_loop3A_1028 : vector<16xf32> to vector<1x16xf32>
        tpu.vector_store %arg11[%parallel_loop3A_1087, %parallel_loop3A_1088], %parallel_loop3A_1091 {strides = array<i32>} : memref<200x64xf32, #tpu.memory_space<vmem>>, vector<1x16xf32>,
        %parallel_loop3A_1092 = arith.index_cast %parallel_loop3A_1086 : i32 to index
        %parallel_loop3A_1093 = arith.constant 16 : index
        %parallel_loop3A_1094 = tpu.vector_load %arg11[%parallel_loop3A_1092, %parallel_loop3A_1093] {strides = array<i32>} : memref<200x64xf32, #tpu.memory_space<vmem>>, vector<1x16xf32>,
        %parallel_loop3A_1095 = vector.shape_cast %parallel_loop3A_1094 : vector<1x16xf32> to vector<16xf32>
        %parallel_loop3A_1096 = vector.shape_cast %parallel_loop3A_1032 : vector<16xf32> to vector<1x16xf32>
        tpu.vector_store %arg11[%parallel_loop3A_1092, %parallel_loop3A_1093], %parallel_loop3A_1096 {strides = array<i32>} : memref<200x64xf32, #tpu.memory_space<vmem>>, vector<1x16xf32>,
        %parallel_loop3A_1097 = arith.index_cast %parallel_loop3A_1086 : i32 to index
        %parallel_loop3A_1098 = arith.constant 32 : index
        %parallel_loop3A_1099 = tpu.vector_load %arg11[%parallel_loop3A_1097, %parallel_loop3A_1098] {strides = array<i32>} : memref<200x64xf32, #tpu.memory_space<vmem>>, vector<1x16xf32>,
        %parallel_loop3A_1100 = vector.shape_cast %parallel_loop3A_1099 : vector<1x16xf32> to vector<16xf32>
        %parallel_loop3A_1101 = vector.shape_cast %parallel_loop3A_1036 : vector<16xf32> to vector<1x16xf32>
        tpu.vector_store %arg11[%parallel_loop3A_1097, %parallel_loop3A_1098], %parallel_loop3A_1101 {strides = array<i32>} : memref<200x64xf32, #tpu.memory_space<vmem>>, vector<1x16xf32>,
        %parallel_loop3A_1102 = arith.index_cast %parallel_loop3A_1086 : i32 to index
        %parallel_loop3A_1103 = arith.constant 48 : index
        %parallel_loop3A_1104 = tpu.vector_load %arg11[%parallel_loop3A_1102, %parallel_loop3A_1103] {strides = array<i32>} : memref<200x64xf32, #tpu.memory_space<vmem>>, vector<1x16xf32>,
        %parallel_loop3A_1105 = vector.shape_cast %parallel_loop3A_1104 : vector<1x16xf32> to vector<16xf32>
        %parallel_loop3A_1106 = vector.shape_cast %parallel_loop3A_1040 : vector<16xf32> to vector<1x16xf32>
        tpu.vector_store %arg11[%parallel_loop3A_1102, %parallel_loop3A_1103], %parallel_loop3A_1106 {strides = array<i32>} : memref<200x64xf32, #tpu.memory_space<vmem>>, vector<1x16xf32>,
        %parallel_loop3A_1107 = vector.extract_strided_slice %parallel_loop3A_794 {offsets = [8], sizes = [1], strides = [1]} : vector<16xi32> to vector<1xi32>
        %parallel_loop3A_1108 = vector.extract %parallel_loop3A_1107[0] : i32 from vector<1xi32>
        %parallel_loop3A_1109 = arith.index_cast %parallel_loop3A_1108 : i32 to index
        %parallel_loop3A_1110 = arith.constant 0 : index
        %parallel_loop3A_1111 = tpu.vector_load %arg8[%parallel_loop3A_1109, %parallel_loop3A_1110] {strides = array<i32>} : memref<606x64xf32, #tpu.memory_space<vmem>>, vector<1x16xf32>,
        %parallel_loop3A_1112 = vector.shape_cast %parallel_loop3A_1111 : vector<1x16xf32> to vector<16xf32>
        %parallel_loop3A_1113 = arith.index_cast %parallel_loop3A_1108 : i32 to index
        %parallel_loop3A_1114 = arith.constant 16 : index
        %parallel_loop3A_1115 = tpu.vector_load %arg8[%parallel_loop3A_1113, %parallel_loop3A_1114] {strides = array<i32>} : memref<606x64xf32, #tpu.memory_space<vmem>>, vector<1x16xf32>,
        %parallel_loop3A_1116 = vector.shape_cast %parallel_loop3A_1115 : vector<1x16xf32> to vector<16xf32>
        %parallel_loop3A_1117 = arith.index_cast %parallel_loop3A_1108 : i32 to index
        %parallel_loop3A_1118 = arith.constant 32 : index
        %parallel_loop3A_1119 = tpu.vector_load %arg8[%parallel_loop3A_1117, %parallel_loop3A_1118] {strides = array<i32>} : memref<606x64xf32, #tpu.memory_space<vmem>>, vector<1x16xf32>,
        %parallel_loop3A_1120 = vector.shape_cast %parallel_loop3A_1119 : vector<1x16xf32> to vector<16xf32>
        %parallel_loop3A_1121 = arith.index_cast %parallel_loop3A_1108 : i32 to index
        %parallel_loop3A_1122 = arith.constant 48 : index
        %parallel_loop3A_1123 = tpu.vector_load %arg8[%parallel_loop3A_1121, %parallel_loop3A_1122] {strides = array<i32>} : memref<606x64xf32, #tpu.memory_space<vmem>>, vector<1x16xf32>,
        %parallel_loop3A_1124 = vector.shape_cast %parallel_loop3A_1123 : vector<1x16xf32> to vector<16xf32>
        %parallel_loop3A_1125 = arith.constant 16 : i32
        %parallel_loop3A_1126 = arith.muli %parallel_loop3A_785, %parallel_loop3A_1125 : i32
        %parallel_loop3A_1127 = arith.constant 7 : i32
        %parallel_loop3A_1128 = arith.addi %parallel_loop3A_1126, %parallel_loop3A_1127 : i32
        %parallel_loop3A_1129 = arith.index_cast %parallel_loop3A_1128 : i32 to index
        %parallel_loop3A_1130 = arith.constant 0 : index
        %parallel_loop3A_1131 = tpu.vector_load %arg11[%parallel_loop3A_1129, %parallel_loop3A_1130] {strides = array<i32>} : memref<200x64xf32, #tpu.memory_space<vmem>>, vector<1x16xf32>,
        %parallel_loop3A_1132 = vector.shape_cast %parallel_loop3A_1131 : vector<1x16xf32> to vector<16xf32>
        %parallel_loop3A_1133 = vector.shape_cast %parallel_loop3A_1070 : vector<16xf32> to vector<1x16xf32>
        tpu.vector_store %arg11[%parallel_loop3A_1129, %parallel_loop3A_1130], %parallel_loop3A_1133 {strides = array<i32>} : memref<200x64xf32, #tpu.memory_space<vmem>>, vector<1x16xf32>,
        %parallel_loop3A_1134 = arith.index_cast %parallel_loop3A_1128 : i32 to index
        %parallel_loop3A_1135 = arith.constant 16 : index
        %parallel_loop3A_1136 = tpu.vector_load %arg11[%parallel_loop3A_1134, %parallel_loop3A_1135] {strides = array<i32>} : memref<200x64xf32, #tpu.memory_space<vmem>>, vector<1x16xf32>,
        %parallel_loop3A_1137 = vector.shape_cast %parallel_loop3A_1136 : vector<1x16xf32> to vector<16xf32>
        %parallel_loop3A_1138 = vector.shape_cast %parallel_loop3A_1074 : vector<16xf32> to vector<1x16xf32>
        tpu.vector_store %arg11[%parallel_loop3A_1134, %parallel_loop3A_1135], %parallel_loop3A_1138 {strides = array<i32>} : memref<200x64xf32, #tpu.memory_space<vmem>>, vector<1x16xf32>,
        %parallel_loop3A_1139 = arith.index_cast %parallel_loop3A_1128 : i32 to index
        %parallel_loop3A_1140 = arith.constant 32 : index
        %parallel_loop3A_1141 = tpu.vector_load %arg11[%parallel_loop3A_1139, %parallel_loop3A_1140] {strides = array<i32>} : memref<200x64xf32, #tpu.memory_space<vmem>>, vector<1x16xf32>,
        %parallel_loop3A_1142 = vector.shape_cast %parallel_loop3A_1141 : vector<1x16xf32> to vector<16xf32>
        %parallel_loop3A_1143 = vector.shape_cast %parallel_loop3A_1078 : vector<16xf32> to vector<1x16xf32>
        tpu.vector_store %arg11[%parallel_loop3A_1139, %parallel_loop3A_1140], %parallel_loop3A_1143 {strides = array<i32>} : memref<200x64xf32, #tpu.memory_space<vmem>>, vector<1x16xf32>,
        %parallel_loop3A_1144 = arith.index_cast %parallel_loop3A_1128 : i32 to index
        %parallel_loop3A_1145 = arith.constant 48 : index
        %parallel_loop3A_1146 = tpu.vector_load %arg11[%parallel_loop3A_1144, %parallel_loop3A_1145] {strides = array<i32>} : memref<200x64xf32, #tpu.memory_space<vmem>>, vector<1x16xf32>,
        %parallel_loop3A_1147 = vector.shape_cast %parallel_loop3A_1146 : vector<1x16xf32> to vector<16xf32>
        %parallel_loop3A_1148 = vector.shape_cast %parallel_loop3A_1082 : vector<16xf32> to vector<1x16xf32>
        tpu.vector_store %arg11[%parallel_loop3A_1144, %parallel_loop3A_1145], %parallel_loop3A_1148 {strides = array<i32>} : memref<200x64xf32, #tpu.memory_space<vmem>>, vector<1x16xf32>,
        %parallel_loop3A_1149 = vector.extract_strided_slice %parallel_loop3A_794 {offsets = [9], sizes = [1], strides = [1]} : vector<16xi32> to vector<1xi32>
        %parallel_loop3A_1150 = vector.extract %parallel_loop3A_1149[0] : i32 from vector<1xi32>
        %parallel_loop3A_1151 = arith.index_cast %parallel_loop3A_1150 : i32 to index
        %parallel_loop3A_1152 = arith.constant 0 : index
        %parallel_loop3A_1153 = tpu.vector_load %arg8[%parallel_loop3A_1151, %parallel_loop3A_1152] {strides = array<i32>} : memref<606x64xf32, #tpu.memory_space<vmem>>, vector<1x16xf32>,
        %parallel_loop3A_1154 = vector.shape_cast %parallel_loop3A_1153 : vector<1x16xf32> to vector<16xf32>
        %parallel_loop3A_1155 = arith.index_cast %parallel_loop3A_1150 : i32 to index
        %parallel_loop3A_1156 = arith.constant 16 : index
        %parallel_loop3A_1157 = tpu.vector_load %arg8[%parallel_loop3A_1155, %parallel_loop3A_1156] {strides = array<i32>} : memref<606x64xf32, #tpu.memory_space<vmem>>, vector<1x16xf32>,
        %parallel_loop3A_1158 = vector.shape_cast %parallel_loop3A_1157 : vector<1x16xf32> to vector<16xf32>
        %parallel_loop3A_1159 = arith.index_cast %parallel_loop3A_1150 : i32 to index
        %parallel_loop3A_1160 = arith.constant 32 : index
        %parallel_loop3A_1161 = tpu.vector_load %arg8[%parallel_loop3A_1159, %parallel_loop3A_1160] {strides = array<i32>} : memref<606x64xf32, #tpu.memory_space<vmem>>, vector<1x16xf32>,
        %parallel_loop3A_1162 = vector.shape_cast %parallel_loop3A_1161 : vector<1x16xf32> to vector<16xf32>
        %parallel_loop3A_1163 = arith.index_cast %parallel_loop3A_1150 : i32 to index
        %parallel_loop3A_1164 = arith.constant 48 : index
        %parallel_loop3A_1165 = tpu.vector_load %arg8[%parallel_loop3A_1163, %parallel_loop3A_1164] {strides = array<i32>} : memref<606x64xf32, #tpu.memory_space<vmem>>, vector<1x16xf32>,
        %parallel_loop3A_1166 = vector.shape_cast %parallel_loop3A_1165 : vector<1x16xf32> to vector<16xf32>
        %parallel_loop3A_1167 = arith.constant 16 : i32
        %parallel_loop3A_1168 = arith.muli %parallel_loop3A_785, %parallel_loop3A_1167 : i32
        %parallel_loop3A_1169 = arith.constant 8 : i32
        %parallel_loop3A_1170 = arith.addi %parallel_loop3A_1168, %parallel_loop3A_1169 : i32
        %parallel_loop3A_1171 = arith.index_cast %parallel_loop3A_1170 : i32 to index
        %parallel_loop3A_1172 = arith.constant 0 : index
        %parallel_loop3A_1173 = tpu.vector_load %arg11[%parallel_loop3A_1171, %parallel_loop3A_1172] {strides = array<i32>} : memref<200x64xf32, #tpu.memory_space<vmem>>, vector<1x16xf32>,
        %parallel_loop3A_1174 = vector.shape_cast %parallel_loop3A_1173 : vector<1x16xf32> to vector<16xf32>
        %parallel_loop3A_1175 = vector.shape_cast %parallel_loop3A_1112 : vector<16xf32> to vector<1x16xf32>
        tpu.vector_store %arg11[%parallel_loop3A_1171, %parallel_loop3A_1172], %parallel_loop3A_1175 {strides = array<i32>} : memref<200x64xf32, #tpu.memory_space<vmem>>, vector<1x16xf32>,
        %parallel_loop3A_1176 = arith.index_cast %parallel_loop3A_1170 : i32 to index
        %parallel_loop3A_1177 = arith.constant 16 : index
        %parallel_loop3A_1178 = tpu.vector_load %arg11[%parallel_loop3A_1176, %parallel_loop3A_1177] {strides = array<i32>} : memref<200x64xf32, #tpu.memory_space<vmem>>, vector<1x16xf32>,
        %parallel_loop3A_1179 = vector.shape_cast %parallel_loop3A_1178 : vector<1x16xf32> to vector<16xf32>
        %parallel_loop3A_1180 = vector.shape_cast %parallel_loop3A_1116 : vector<16xf32> to vector<1x16xf32>
        tpu.vector_store %arg11[%parallel_loop3A_1176, %parallel_loop3A_1177], %parallel_loop3A_1180 {strides = array<i32>} : memref<200x64xf32, #tpu.memory_space<vmem>>, vector<1x16xf32>,
        %parallel_loop3A_1181 = arith.index_cast %parallel_loop3A_1170 : i32 to index
        %parallel_loop3A_1182 = arith.constant 32 : index
        %parallel_loop3A_1183 = tpu.vector_load %arg11[%parallel_loop3A_1181, %parallel_loop3A_1182] {strides = array<i32>} : memref<200x64xf32, #tpu.memory_space<vmem>>, vector<1x16xf32>,
        %parallel_loop3A_1184 = vector.shape_cast %parallel_loop3A_1183 : vector<1x16xf32> to vector<16xf32>
        %parallel_loop3A_1185 = vector.shape_cast %parallel_loop3A_1120 : vector<16xf32> to vector<1x16xf32>
        tpu.vector_store %arg11[%parallel_loop3A_1181, %parallel_loop3A_1182], %parallel_loop3A_1185 {strides = array<i32>} : memref<200x64xf32, #tpu.memory_space<vmem>>, vector<1x16xf32>,
        %parallel_loop3A_1186 = arith.index_cast %parallel_loop3A_1170 : i32 to index
        %parallel_loop3A_1187 = arith.constant 48 : index
        %parallel_loop3A_1188 = tpu.vector_load %arg11[%parallel_loop3A_1186, %parallel_loop3A_1187] {strides = array<i32>} : memref<200x64xf32, #tpu.memory_space<vmem>>, vector<1x16xf32>,
        %parallel_loop3A_1189 = vector.shape_cast %parallel_loop3A_1188 : vector<1x16xf32> to vector<16xf32>
        %parallel_loop3A_1190 = vector.shape_cast %parallel_loop3A_1124 : vector<16xf32> to vector<1x16xf32>
        tpu.vector_store %arg11[%parallel_loop3A_1186, %parallel_loop3A_1187], %parallel_loop3A_1190 {strides = array<i32>} : memref<200x64xf32, #tpu.memory_space<vmem>>, vector<1x16xf32>,
        %parallel_loop3A_1191 = vector.extract_strided_slice %parallel_loop3A_794 {offsets = [10], sizes = [1], strides = [1]} : vector<16xi32> to vector<1xi32>
        %parallel_loop3A_1192 = vector.extract %parallel_loop3A_1191[0] : i32 from vector<1xi32>
        %parallel_loop3A_1193 = arith.index_cast %parallel_loop3A_1192 : i32 to index
        %parallel_loop3A_1194 = arith.constant 0 : index
        %parallel_loop3A_1195 = tpu.vector_load %arg8[%parallel_loop3A_1193, %parallel_loop3A_1194] {strides = array<i32>} : memref<606x64xf32, #tpu.memory_space<vmem>>, vector<1x16xf32>,
        %parallel_loop3A_1196 = vector.shape_cast %parallel_loop3A_1195 : vector<1x16xf32> to vector<16xf32>
        %parallel_loop3A_1197 = arith.index_cast %parallel_loop3A_1192 : i32 to index
        %parallel_loop3A_1198 = arith.constant 16 : index
        %parallel_loop3A_1199 = tpu.vector_load %arg8[%parallel_loop3A_1197, %parallel_loop3A_1198] {strides = array<i32>} : memref<606x64xf32, #tpu.memory_space<vmem>>, vector<1x16xf32>,
        %parallel_loop3A_1200 = vector.shape_cast %parallel_loop3A_1199 : vector<1x16xf32> to vector<16xf32>
        %parallel_loop3A_1201 = arith.index_cast %parallel_loop3A_1192 : i32 to index
        %parallel_loop3A_1202 = arith.constant 32 : index
        %parallel_loop3A_1203 = tpu.vector_load %arg8[%parallel_loop3A_1201, %parallel_loop3A_1202] {strides = array<i32>} : memref<606x64xf32, #tpu.memory_space<vmem>>, vector<1x16xf32>,
        %parallel_loop3A_1204 = vector.shape_cast %parallel_loop3A_1203 : vector<1x16xf32> to vector<16xf32>
        %parallel_loop3A_1205 = arith.index_cast %parallel_loop3A_1192 : i32 to index
        %parallel_loop3A_1206 = arith.constant 48 : index
        %parallel_loop3A_1207 = tpu.vector_load %arg8[%parallel_loop3A_1205, %parallel_loop3A_1206] {strides = array<i32>} : memref<606x64xf32, #tpu.memory_space<vmem>>, vector<1x16xf32>,
        %parallel_loop3A_1208 = vector.shape_cast %parallel_loop3A_1207 : vector<1x16xf32> to vector<16xf32>
        %parallel_loop3A_1209 = arith.constant 16 : i32
        %parallel_loop3A_1210 = arith.muli %parallel_loop3A_785, %parallel_loop3A_1209 : i32
        %parallel_loop3A_1211 = arith.constant 9 : i32
        %parallel_loop3A_1212 = arith.addi %parallel_loop3A_1210, %parallel_loop3A_1211 : i32
        %parallel_loop3A_1213 = arith.index_cast %parallel_loop3A_1212 : i32 to index
        %parallel_loop3A_1214 = arith.constant 0 : index
        %parallel_loop3A_1215 = tpu.vector_load %arg11[%parallel_loop3A_1213, %parallel_loop3A_1214] {strides = array<i32>} : memref<200x64xf32, #tpu.memory_space<vmem>>, vector<1x16xf32>,
        %parallel_loop3A_1216 = vector.shape_cast %parallel_loop3A_1215 : vector<1x16xf32> to vector<16xf32>
        %parallel_loop3A_1217 = vector.shape_cast %parallel_loop3A_1154 : vector<16xf32> to vector<1x16xf32>
        tpu.vector_store %arg11[%parallel_loop3A_1213, %parallel_loop3A_1214], %parallel_loop3A_1217 {strides = array<i32>} : memref<200x64xf32, #tpu.memory_space<vmem>>, vector<1x16xf32>,
        %parallel_loop3A_1218 = arith.index_cast %parallel_loop3A_1212 : i32 to index
        %parallel_loop3A_1219 = arith.constant 16 : index
        %parallel_loop3A_1220 = tpu.vector_load %arg11[%parallel_loop3A_1218, %parallel_loop3A_1219] {strides = array<i32>} : memref<200x64xf32, #tpu.memory_space<vmem>>, vector<1x16xf32>,
        %parallel_loop3A_1221 = vector.shape_cast %parallel_loop3A_1220 : vector<1x16xf32> to vector<16xf32>
        %parallel_loop3A_1222 = vector.shape_cast %parallel_loop3A_1158 : vector<16xf32> to vector<1x16xf32>
        tpu.vector_store %arg11[%parallel_loop3A_1218, %parallel_loop3A_1219], %parallel_loop3A_1222 {strides = array<i32>} : memref<200x64xf32, #tpu.memory_space<vmem>>, vector<1x16xf32>,
        %parallel_loop3A_1223 = arith.index_cast %parallel_loop3A_1212 : i32 to index
        %parallel_loop3A_1224 = arith.constant 32 : index
        %parallel_loop3A_1225 = tpu.vector_load %arg11[%parallel_loop3A_1223, %parallel_loop3A_1224] {strides = array<i32>} : memref<200x64xf32, #tpu.memory_space<vmem>>, vector<1x16xf32>,
        %parallel_loop3A_1226 = vector.shape_cast %parallel_loop3A_1225 : vector<1x16xf32> to vector<16xf32>
        %parallel_loop3A_1227 = vector.shape_cast %parallel_loop3A_1162 : vector<16xf32> to vector<1x16xf32>
        tpu.vector_store %arg11[%parallel_loop3A_1223, %parallel_loop3A_1224], %parallel_loop3A_1227 {strides = array<i32>} : memref<200x64xf32, #tpu.memory_space<vmem>>, vector<1x16xf32>,
        %parallel_loop3A_1228 = arith.index_cast %parallel_loop3A_1212 : i32 to index
        %parallel_loop3A_1229 = arith.constant 48 : index
        %parallel_loop3A_1230 = tpu.vector_load %arg11[%parallel_loop3A_1228, %parallel_loop3A_1229] {strides = array<i32>} : memref<200x64xf32, #tpu.memory_space<vmem>>, vector<1x16xf32>,
        %parallel_loop3A_1231 = vector.shape_cast %parallel_loop3A_1230 : vector<1x16xf32> to vector<16xf32>
        %parallel_loop3A_1232 = vector.shape_cast %parallel_loop3A_1166 : vector<16xf32> to vector<1x16xf32>
        tpu.vector_store %arg11[%parallel_loop3A_1228, %parallel_loop3A_1229], %parallel_loop3A_1232 {strides = array<i32>} : memref<200x64xf32, #tpu.memory_space<vmem>>, vector<1x16xf32>,
        %parallel_loop3A_1233 = vector.extract_strided_slice %parallel_loop3A_794 {offsets = [11], sizes = [1], strides = [1]} : vector<16xi32> to vector<1xi32>
        %parallel_loop3A_1234 = vector.extract %parallel_loop3A_1233[0] : i32 from vector<1xi32>
        %parallel_loop3A_1235 = arith.index_cast %parallel_loop3A_1234 : i32 to index
        %parallel_loop3A_1236 = arith.constant 0 : index
        %parallel_loop3A_1237 = tpu.vector_load %arg8[%parallel_loop3A_1235, %parallel_loop3A_1236] {strides = array<i32>} : memref<606x64xf32, #tpu.memory_space<vmem>>, vector<1x16xf32>,
        %parallel_loop3A_1238 = vector.shape_cast %parallel_loop3A_1237 : vector<1x16xf32> to vector<16xf32>
        %parallel_loop3A_1239 = arith.index_cast %parallel_loop3A_1234 : i32 to index
        %parallel_loop3A_1240 = arith.constant 16 : index
        %parallel_loop3A_1241 = tpu.vector_load %arg8[%parallel_loop3A_1239, %parallel_loop3A_1240] {strides = array<i32>} : memref<606x64xf32, #tpu.memory_space<vmem>>, vector<1x16xf32>,
        %parallel_loop3A_1242 = vector.shape_cast %parallel_loop3A_1241 : vector<1x16xf32> to vector<16xf32>
        %parallel_loop3A_1243 = arith.index_cast %parallel_loop3A_1234 : i32 to index
        %parallel_loop3A_1244 = arith.constant 32 : index
        %parallel_loop3A_1245 = tpu.vector_load %arg8[%parallel_loop3A_1243, %parallel_loop3A_1244] {strides = array<i32>} : memref<606x64xf32, #tpu.memory_space<vmem>>, vector<1x16xf32>,
        %parallel_loop3A_1246 = vector.shape_cast %parallel_loop3A_1245 : vector<1x16xf32> to vector<16xf32>
        %parallel_loop3A_1247 = arith.index_cast %parallel_loop3A_1234 : i32 to index
        %parallel_loop3A_1248 = arith.constant 48 : index
        %parallel_loop3A_1249 = tpu.vector_load %arg8[%parallel_loop3A_1247, %parallel_loop3A_1248] {strides = array<i32>} : memref<606x64xf32, #tpu.memory_space<vmem>>, vector<1x16xf32>,
        %parallel_loop3A_1250 = vector.shape_cast %parallel_loop3A_1249 : vector<1x16xf32> to vector<16xf32>
        %parallel_loop3A_1251 = arith.constant 16 : i32
        %parallel_loop3A_1252 = arith.muli %parallel_loop3A_785, %parallel_loop3A_1251 : i32
        %parallel_loop3A_1253 = arith.constant 10 : i32
        %parallel_loop3A_1254 = arith.addi %parallel_loop3A_1252, %parallel_loop3A_1253 : i32
        %parallel_loop3A_1255 = arith.index_cast %parallel_loop3A_1254 : i32 to index
        %parallel_loop3A_1256 = arith.constant 0 : index
        %parallel_loop3A_1257 = tpu.vector_load %arg11[%parallel_loop3A_1255, %parallel_loop3A_1256] {strides = array<i32>} : memref<200x64xf32, #tpu.memory_space<vmem>>, vector<1x16xf32>,
        %parallel_loop3A_1258 = vector.shape_cast %parallel_loop3A_1257 : vector<1x16xf32> to vector<16xf32>
        %parallel_loop3A_1259 = vector.shape_cast %parallel_loop3A_1196 : vector<16xf32> to vector<1x16xf32>
        tpu.vector_store %arg11[%parallel_loop3A_1255, %parallel_loop3A_1256], %parallel_loop3A_1259 {strides = array<i32>} : memref<200x64xf32, #tpu.memory_space<vmem>>, vector<1x16xf32>,
        %parallel_loop3A_1260 = arith.index_cast %parallel_loop3A_1254 : i32 to index
        %parallel_loop3A_1261 = arith.constant 16 : index
        %parallel_loop3A_1262 = tpu.vector_load %arg11[%parallel_loop3A_1260, %parallel_loop3A_1261] {strides = array<i32>} : memref<200x64xf32, #tpu.memory_space<vmem>>, vector<1x16xf32>,
        %parallel_loop3A_1263 = vector.shape_cast %parallel_loop3A_1262 : vector<1x16xf32> to vector<16xf32>
        %parallel_loop3A_1264 = vector.shape_cast %parallel_loop3A_1200 : vector<16xf32> to vector<1x16xf32>
        tpu.vector_store %arg11[%parallel_loop3A_1260, %parallel_loop3A_1261], %parallel_loop3A_1264 {strides = array<i32>} : memref<200x64xf32, #tpu.memory_space<vmem>>, vector<1x16xf32>,
        %parallel_loop3A_1265 = arith.index_cast %parallel_loop3A_1254 : i32 to index
        %parallel_loop3A_1266 = arith.constant 32 : index
        %parallel_loop3A_1267 = tpu.vector_load %arg11[%parallel_loop3A_1265, %parallel_loop3A_1266] {strides = array<i32>} : memref<200x64xf32, #tpu.memory_space<vmem>>, vector<1x16xf32>,
        %parallel_loop3A_1268 = vector.shape_cast %parallel_loop3A_1267 : vector<1x16xf32> to vector<16xf32>
        %parallel_loop3A_1269 = vector.shape_cast %parallel_loop3A_1204 : vector<16xf32> to vector<1x16xf32>
        tpu.vector_store %arg11[%parallel_loop3A_1265, %parallel_loop3A_1266], %parallel_loop3A_1269 {strides = array<i32>} : memref<200x64xf32, #tpu.memory_space<vmem>>, vector<1x16xf32>,
        %parallel_loop3A_1270 = arith.index_cast %parallel_loop3A_1254 : i32 to index
        %parallel_loop3A_1271 = arith.constant 48 : index
        %parallel_loop3A_1272 = tpu.vector_load %arg11[%parallel_loop3A_1270, %parallel_loop3A_1271] {strides = array<i32>} : memref<200x64xf32, #tpu.memory_space<vmem>>, vector<1x16xf32>,
        %parallel_loop3A_1273 = vector.shape_cast %parallel_loop3A_1272 : vector<1x16xf32> to vector<16xf32>
        %parallel_loop3A_1274 = vector.shape_cast %parallel_loop3A_1208 : vector<16xf32> to vector<1x16xf32>
        tpu.vector_store %arg11[%parallel_loop3A_1270, %parallel_loop3A_1271], %parallel_loop3A_1274 {strides = array<i32>} : memref<200x64xf32, #tpu.memory_space<vmem>>, vector<1x16xf32>,
        %parallel_loop3A_1275 = vector.extract_strided_slice %parallel_loop3A_794 {offsets = [12], sizes = [1], strides = [1]} : vector<16xi32> to vector<1xi32>
        %parallel_loop3A_1276 = vector.extract %parallel_loop3A_1275[0] : i32 from vector<1xi32>
        %parallel_loop3A_1277 = arith.index_cast %parallel_loop3A_1276 : i32 to index
        %parallel_loop3A_1278 = arith.constant 0 : index
        %parallel_loop3A_1279 = tpu.vector_load %arg8[%parallel_loop3A_1277, %parallel_loop3A_1278] {strides = array<i32>} : memref<606x64xf32, #tpu.memory_space<vmem>>, vector<1x16xf32>,
        %parallel_loop3A_1280 = vector.shape_cast %parallel_loop3A_1279 : vector<1x16xf32> to vector<16xf32>
        %parallel_loop3A_1281 = arith.index_cast %parallel_loop3A_1276 : i32 to index
        %parallel_loop3A_1282 = arith.constant 16 : index
        %parallel_loop3A_1283 = tpu.vector_load %arg8[%parallel_loop3A_1281, %parallel_loop3A_1282] {strides = array<i32>} : memref<606x64xf32, #tpu.memory_space<vmem>>, vector<1x16xf32>,
        %parallel_loop3A_1284 = vector.shape_cast %parallel_loop3A_1283 : vector<1x16xf32> to vector<16xf32>
        %parallel_loop3A_1285 = arith.index_cast %parallel_loop3A_1276 : i32 to index
        %parallel_loop3A_1286 = arith.constant 32 : index
        %parallel_loop3A_1287 = tpu.vector_load %arg8[%parallel_loop3A_1285, %parallel_loop3A_1286] {strides = array<i32>} : memref<606x64xf32, #tpu.memory_space<vmem>>, vector<1x16xf32>,
        %parallel_loop3A_1288 = vector.shape_cast %parallel_loop3A_1287 : vector<1x16xf32> to vector<16xf32>
        %parallel_loop3A_1289 = arith.index_cast %parallel_loop3A_1276 : i32 to index
        %parallel_loop3A_1290 = arith.constant 48 : index
        %parallel_loop3A_1291 = tpu.vector_load %arg8[%parallel_loop3A_1289, %parallel_loop3A_1290] {strides = array<i32>} : memref<606x64xf32, #tpu.memory_space<vmem>>, vector<1x16xf32>,
        %parallel_loop3A_1292 = vector.shape_cast %parallel_loop3A_1291 : vector<1x16xf32> to vector<16xf32>
        %parallel_loop3A_1293 = arith.constant 16 : i32
        %parallel_loop3A_1294 = arith.muli %parallel_loop3A_785, %parallel_loop3A_1293 : i32
        %parallel_loop3A_1295 = arith.constant 11 : i32
        %parallel_loop3A_1296 = arith.addi %parallel_loop3A_1294, %parallel_loop3A_1295 : i32
        %parallel_loop3A_1297 = arith.index_cast %parallel_loop3A_1296 : i32 to index
        %parallel_loop3A_1298 = arith.constant 0 : index
        %parallel_loop3A_1299 = tpu.vector_load %arg11[%parallel_loop3A_1297, %parallel_loop3A_1298] {strides = array<i32>} : memref<200x64xf32, #tpu.memory_space<vmem>>, vector<1x16xf32>,
        %parallel_loop3A_1300 = vector.shape_cast %parallel_loop3A_1299 : vector<1x16xf32> to vector<16xf32>
        %parallel_loop3A_1301 = vector.shape_cast %parallel_loop3A_1238 : vector<16xf32> to vector<1x16xf32>
        tpu.vector_store %arg11[%parallel_loop3A_1297, %parallel_loop3A_1298], %parallel_loop3A_1301 {strides = array<i32>} : memref<200x64xf32, #tpu.memory_space<vmem>>, vector<1x16xf32>,
        %parallel_loop3A_1302 = arith.index_cast %parallel_loop3A_1296 : i32 to index
        %parallel_loop3A_1303 = arith.constant 16 : index
        %parallel_loop3A_1304 = tpu.vector_load %arg11[%parallel_loop3A_1302, %parallel_loop3A_1303] {strides = array<i32>} : memref<200x64xf32, #tpu.memory_space<vmem>>, vector<1x16xf32>,
        %parallel_loop3A_1305 = vector.shape_cast %parallel_loop3A_1304 : vector<1x16xf32> to vector<16xf32>
        %parallel_loop3A_1306 = vector.shape_cast %parallel_loop3A_1242 : vector<16xf32> to vector<1x16xf32>
        tpu.vector_store %arg11[%parallel_loop3A_1302, %parallel_loop3A_1303], %parallel_loop3A_1306 {strides = array<i32>} : memref<200x64xf32, #tpu.memory_space<vmem>>, vector<1x16xf32>,
        %parallel_loop3A_1307 = arith.index_cast %parallel_loop3A_1296 : i32 to index
        %parallel_loop3A_1308 = arith.constant 32 : index
        %parallel_loop3A_1309 = tpu.vector_load %arg11[%parallel_loop3A_1307, %parallel_loop3A_1308] {strides = array<i32>} : memref<200x64xf32, #tpu.memory_space<vmem>>, vector<1x16xf32>,
        %parallel_loop3A_1310 = vector.shape_cast %parallel_loop3A_1309 : vector<1x16xf32> to vector<16xf32>
        %parallel_loop3A_1311 = vector.shape_cast %parallel_loop3A_1246 : vector<16xf32> to vector<1x16xf32>
        tpu.vector_store %arg11[%parallel_loop3A_1307, %parallel_loop3A_1308], %parallel_loop3A_1311 {strides = array<i32>} : memref<200x64xf32, #tpu.memory_space<vmem>>, vector<1x16xf32>,
        %parallel_loop3A_1312 = arith.index_cast %parallel_loop3A_1296 : i32 to index
        %parallel_loop3A_1313 = arith.constant 48 : index
        %parallel_loop3A_1314 = tpu.vector_load %arg11[%parallel_loop3A_1312, %parallel_loop3A_1313] {strides = array<i32>} : memref<200x64xf32, #tpu.memory_space<vmem>>, vector<1x16xf32>,
        %parallel_loop3A_1315 = vector.shape_cast %parallel_loop3A_1314 : vector<1x16xf32> to vector<16xf32>
        %parallel_loop3A_1316 = vector.shape_cast %parallel_loop3A_1250 : vector<16xf32> to vector<1x16xf32>
        tpu.vector_store %arg11[%parallel_loop3A_1312, %parallel_loop3A_1313], %parallel_loop3A_1316 {strides = array<i32>} : memref<200x64xf32, #tpu.memory_space<vmem>>, vector<1x16xf32>,
        %parallel_loop3A_1317 = vector.extract_strided_slice %parallel_loop3A_794 {offsets = [13], sizes = [1], strides = [1]} : vector<16xi32> to vector<1xi32>
        %parallel_loop3A_1318 = vector.extract %parallel_loop3A_1317[0] : i32 from vector<1xi32>
        %parallel_loop3A_1319 = arith.index_cast %parallel_loop3A_1318 : i32 to index
        %parallel_loop3A_1320 = arith.constant 0 : index
        %parallel_loop3A_1321 = tpu.vector_load %arg8[%parallel_loop3A_1319, %parallel_loop3A_1320] {strides = array<i32>} : memref<606x64xf32, #tpu.memory_space<vmem>>, vector<1x16xf32>,
        %parallel_loop3A_1322 = vector.shape_cast %parallel_loop3A_1321 : vector<1x16xf32> to vector<16xf32>
        %parallel_loop3A_1323 = arith.index_cast %parallel_loop3A_1318 : i32 to index
        %parallel_loop3A_1324 = arith.constant 16 : index
        %parallel_loop3A_1325 = tpu.vector_load %arg8[%parallel_loop3A_1323, %parallel_loop3A_1324] {strides = array<i32>} : memref<606x64xf32, #tpu.memory_space<vmem>>, vector<1x16xf32>,
        %parallel_loop3A_1326 = vector.shape_cast %parallel_loop3A_1325 : vector<1x16xf32> to vector<16xf32>
        %parallel_loop3A_1327 = arith.index_cast %parallel_loop3A_1318 : i32 to index
        %parallel_loop3A_1328 = arith.constant 32 : index
        %parallel_loop3A_1329 = tpu.vector_load %arg8[%parallel_loop3A_1327, %parallel_loop3A_1328] {strides = array<i32>} : memref<606x64xf32, #tpu.memory_space<vmem>>, vector<1x16xf32>,
        %parallel_loop3A_1330 = vector.shape_cast %parallel_loop3A_1329 : vector<1x16xf32> to vector<16xf32>
        %parallel_loop3A_1331 = arith.index_cast %parallel_loop3A_1318 : i32 to index
        %parallel_loop3A_1332 = arith.constant 48 : index
        %parallel_loop3A_1333 = tpu.vector_load %arg8[%parallel_loop3A_1331, %parallel_loop3A_1332] {strides = array<i32>} : memref<606x64xf32, #tpu.memory_space<vmem>>, vector<1x16xf32>,
        %parallel_loop3A_1334 = vector.shape_cast %parallel_loop3A_1333 : vector<1x16xf32> to vector<16xf32>
        %parallel_loop3A_1335 = arith.constant 16 : i32
        %parallel_loop3A_1336 = arith.muli %parallel_loop3A_785, %parallel_loop3A_1335 : i32
        %parallel_loop3A_1337 = arith.constant 12 : i32
        %parallel_loop3A_1338 = arith.addi %parallel_loop3A_1336, %parallel_loop3A_1337 : i32
        %parallel_loop3A_1339 = arith.index_cast %parallel_loop3A_1338 : i32 to index
        %parallel_loop3A_1340 = arith.constant 0 : index
        %parallel_loop3A_1341 = tpu.vector_load %arg11[%parallel_loop3A_1339, %parallel_loop3A_1340] {strides = array<i32>} : memref<200x64xf32, #tpu.memory_space<vmem>>, vector<1x16xf32>,
        %parallel_loop3A_1342 = vector.shape_cast %parallel_loop3A_1341 : vector<1x16xf32> to vector<16xf32>
        %parallel_loop3A_1343 = vector.shape_cast %parallel_loop3A_1280 : vector<16xf32> to vector<1x16xf32>
        tpu.vector_store %arg11[%parallel_loop3A_1339, %parallel_loop3A_1340], %parallel_loop3A_1343 {strides = array<i32>} : memref<200x64xf32, #tpu.memory_space<vmem>>, vector<1x16xf32>,
        %parallel_loop3A_1344 = arith.index_cast %parallel_loop3A_1338 : i32 to index
        %parallel_loop3A_1345 = arith.constant 16 : index
        %parallel_loop3A_1346 = tpu.vector_load %arg11[%parallel_loop3A_1344, %parallel_loop3A_1345] {strides = array<i32>} : memref<200x64xf32, #tpu.memory_space<vmem>>, vector<1x16xf32>,
        %parallel_loop3A_1347 = vector.shape_cast %parallel_loop3A_1346 : vector<1x16xf32> to vector<16xf32>
        %parallel_loop3A_1348 = vector.shape_cast %parallel_loop3A_1284 : vector<16xf32> to vector<1x16xf32>
        tpu.vector_store %arg11[%parallel_loop3A_1344, %parallel_loop3A_1345], %parallel_loop3A_1348 {strides = array<i32>} : memref<200x64xf32, #tpu.memory_space<vmem>>, vector<1x16xf32>,
        %parallel_loop3A_1349 = arith.index_cast %parallel_loop3A_1338 : i32 to index
        %parallel_loop3A_1350 = arith.constant 32 : index
        %parallel_loop3A_1351 = tpu.vector_load %arg11[%parallel_loop3A_1349, %parallel_loop3A_1350] {strides = array<i32>} : memref<200x64xf32, #tpu.memory_space<vmem>>, vector<1x16xf32>,
        %parallel_loop3A_1352 = vector.shape_cast %parallel_loop3A_1351 : vector<1x16xf32> to vector<16xf32>
        %parallel_loop3A_1353 = vector.shape_cast %parallel_loop3A_1288 : vector<16xf32> to vector<1x16xf32>
        tpu.vector_store %arg11[%parallel_loop3A_1349, %parallel_loop3A_1350], %parallel_loop3A_1353 {strides = array<i32>} : memref<200x64xf32, #tpu.memory_space<vmem>>, vector<1x16xf32>,
        %parallel_loop3A_1354 = arith.index_cast %parallel_loop3A_1338 : i32 to index
        %parallel_loop3A_1355 = arith.constant 48 : index
        %parallel_loop3A_1356 = tpu.vector_load %arg11[%parallel_loop3A_1354, %parallel_loop3A_1355] {strides = array<i32>} : memref<200x64xf32, #tpu.memory_space<vmem>>, vector<1x16xf32>,
        %parallel_loop3A_1357 = vector.shape_cast %parallel_loop3A_1356 : vector<1x16xf32> to vector<16xf32>
        %parallel_loop3A_1358 = vector.shape_cast %parallel_loop3A_1292 : vector<16xf32> to vector<1x16xf32>
        tpu.vector_store %arg11[%parallel_loop3A_1354, %parallel_loop3A_1355], %parallel_loop3A_1358 {strides = array<i32>} : memref<200x64xf32, #tpu.memory_space<vmem>>, vector<1x16xf32>,
        %parallel_loop3A_1359 = vector.extract_strided_slice %parallel_loop3A_794 {offsets = [14], sizes = [1], strides = [1]} : vector<16xi32> to vector<1xi32>
        %parallel_loop3A_1360 = vector.extract %parallel_loop3A_1359[0] : i32 from vector<1xi32>
        %parallel_loop3A_1361 = arith.index_cast %parallel_loop3A_1360 : i32 to index
        %parallel_loop3A_1362 = arith.constant 0 : index
        %parallel_loop3A_1363 = tpu.vector_load %arg8[%parallel_loop3A_1361, %parallel_loop3A_1362] {strides = array<i32>} : memref<606x64xf32, #tpu.memory_space<vmem>>, vector<1x16xf32>,
        %parallel_loop3A_1364 = vector.shape_cast %parallel_loop3A_1363 : vector<1x16xf32> to vector<16xf32>
        %parallel_loop3A_1365 = arith.index_cast %parallel_loop3A_1360 : i32 to index
        %parallel_loop3A_1366 = arith.constant 16 : index
        %parallel_loop3A_1367 = tpu.vector_load %arg8[%parallel_loop3A_1365, %parallel_loop3A_1366] {strides = array<i32>} : memref<606x64xf32, #tpu.memory_space<vmem>>, vector<1x16xf32>,
        %parallel_loop3A_1368 = vector.shape_cast %parallel_loop3A_1367 : vector<1x16xf32> to vector<16xf32>
        %parallel_loop3A_1369 = arith.index_cast %parallel_loop3A_1360 : i32 to index
        %parallel_loop3A_1370 = arith.constant 32 : index
        %parallel_loop3A_1371 = tpu.vector_load %arg8[%parallel_loop3A_1369, %parallel_loop3A_1370] {strides = array<i32>} : memref<606x64xf32, #tpu.memory_space<vmem>>, vector<1x16xf32>,
        %parallel_loop3A_1372 = vector.shape_cast %parallel_loop3A_1371 : vector<1x16xf32> to vector<16xf32>
        %parallel_loop3A_1373 = arith.index_cast %parallel_loop3A_1360 : i32 to index
        %parallel_loop3A_1374 = arith.constant 48 : index
        %parallel_loop3A_1375 = tpu.vector_load %arg8[%parallel_loop3A_1373, %parallel_loop3A_1374] {strides = array<i32>} : memref<606x64xf32, #tpu.memory_space<vmem>>, vector<1x16xf32>,
        %parallel_loop3A_1376 = vector.shape_cast %parallel_loop3A_1375 : vector<1x16xf32> to vector<16xf32>
        %parallel_loop3A_1377 = arith.constant 16 : i32
        %parallel_loop3A_1378 = arith.muli %parallel_loop3A_785, %parallel_loop3A_1377 : i32
        %parallel_loop3A_1379 = arith.constant 13 : i32
        %parallel_loop3A_1380 = arith.addi %parallel_loop3A_1378, %parallel_loop3A_1379 : i32
        %parallel_loop3A_1381 = arith.index_cast %parallel_loop3A_1380 : i32 to index
        %parallel_loop3A_1382 = arith.constant 0 : index
        %parallel_loop3A_1383 = tpu.vector_load %arg11[%parallel_loop3A_1381, %parallel_loop3A_1382] {strides = array<i32>} : memref<200x64xf32, #tpu.memory_space<vmem>>, vector<1x16xf32>,
        %parallel_loop3A_1384 = vector.shape_cast %parallel_loop3A_1383 : vector<1x16xf32> to vector<16xf32>
        %parallel_loop3A_1385 = vector.shape_cast %parallel_loop3A_1322 : vector<16xf32> to vector<1x16xf32>
        tpu.vector_store %arg11[%parallel_loop3A_1381, %parallel_loop3A_1382], %parallel_loop3A_1385 {strides = array<i32>} : memref<200x64xf32, #tpu.memory_space<vmem>>, vector<1x16xf32>,
        %parallel_loop3A_1386 = arith.index_cast %parallel_loop3A_1380 : i32 to index
        %parallel_loop3A_1387 = arith.constant 16 : index
        %parallel_loop3A_1388 = tpu.vector_load %arg11[%parallel_loop3A_1386, %parallel_loop3A_1387] {strides = array<i32>} : memref<200x64xf32, #tpu.memory_space<vmem>>, vector<1x16xf32>,
        %parallel_loop3A_1389 = vector.shape_cast %parallel_loop3A_1388 : vector<1x16xf32> to vector<16xf32>
        %parallel_loop3A_1390 = vector.shape_cast %parallel_loop3A_1326 : vector<16xf32> to vector<1x16xf32>
        tpu.vector_store %arg11[%parallel_loop3A_1386, %parallel_loop3A_1387], %parallel_loop3A_1390 {strides = array<i32>} : memref<200x64xf32, #tpu.memory_space<vmem>>, vector<1x16xf32>,
        %parallel_loop3A_1391 = arith.index_cast %parallel_loop3A_1380 : i32 to index
        %parallel_loop3A_1392 = arith.constant 32 : index
        %parallel_loop3A_1393 = tpu.vector_load %arg11[%parallel_loop3A_1391, %parallel_loop3A_1392] {strides = array<i32>} : memref<200x64xf32, #tpu.memory_space<vmem>>, vector<1x16xf32>,
        %parallel_loop3A_1394 = vector.shape_cast %parallel_loop3A_1393 : vector<1x16xf32> to vector<16xf32>
        %parallel_loop3A_1395 = vector.shape_cast %parallel_loop3A_1330 : vector<16xf32> to vector<1x16xf32>
        tpu.vector_store %arg11[%parallel_loop3A_1391, %parallel_loop3A_1392], %parallel_loop3A_1395 {strides = array<i32>} : memref<200x64xf32, #tpu.memory_space<vmem>>, vector<1x16xf32>,
        %parallel_loop3A_1396 = arith.index_cast %parallel_loop3A_1380 : i32 to index
        %parallel_loop3A_1397 = arith.constant 48 : index
        %parallel_loop3A_1398 = tpu.vector_load %arg11[%parallel_loop3A_1396, %parallel_loop3A_1397] {strides = array<i32>} : memref<200x64xf32, #tpu.memory_space<vmem>>, vector<1x16xf32>,
        %parallel_loop3A_1399 = vector.shape_cast %parallel_loop3A_1398 : vector<1x16xf32> to vector<16xf32>
        %parallel_loop3A_1400 = vector.shape_cast %parallel_loop3A_1334 : vector<16xf32> to vector<1x16xf32>
        tpu.vector_store %arg11[%parallel_loop3A_1396, %parallel_loop3A_1397], %parallel_loop3A_1400 {strides = array<i32>} : memref<200x64xf32, #tpu.memory_space<vmem>>, vector<1x16xf32>,
        %parallel_loop3A_1401 = vector.extract_strided_slice %parallel_loop3A_794 {offsets = [15], sizes = [1], strides = [1]} : vector<16xi32> to vector<1xi32>
        %parallel_loop3A_1402 = vector.extract %parallel_loop3A_1401[0] : i32 from vector<1xi32>
        %parallel_loop3A_1403 = arith.index_cast %parallel_loop3A_1402 : i32 to index
        %parallel_loop3A_1404 = arith.constant 0 : index
        %parallel_loop3A_1405 = tpu.vector_load %arg8[%parallel_loop3A_1403, %parallel_loop3A_1404] {strides = array<i32>} : memref<606x64xf32, #tpu.memory_space<vmem>>, vector<1x16xf32>,
        %parallel_loop3A_1406 = vector.shape_cast %parallel_loop3A_1405 : vector<1x16xf32> to vector<16xf32>
        %parallel_loop3A_1407 = arith.index_cast %parallel_loop3A_1402 : i32 to index
        %parallel_loop3A_1408 = arith.constant 16 : index
        %parallel_loop3A_1409 = tpu.vector_load %arg8[%parallel_loop3A_1407, %parallel_loop3A_1408] {strides = array<i32>} : memref<606x64xf32, #tpu.memory_space<vmem>>, vector<1x16xf32>,
        %parallel_loop3A_1410 = vector.shape_cast %parallel_loop3A_1409 : vector<1x16xf32> to vector<16xf32>
        %parallel_loop3A_1411 = arith.index_cast %parallel_loop3A_1402 : i32 to index
        %parallel_loop3A_1412 = arith.constant 32 : index
        %parallel_loop3A_1413 = tpu.vector_load %arg8[%parallel_loop3A_1411, %parallel_loop3A_1412] {strides = array<i32>} : memref<606x64xf32, #tpu.memory_space<vmem>>, vector<1x16xf32>,
        %parallel_loop3A_1414 = vector.shape_cast %parallel_loop3A_1413 : vector<1x16xf32> to vector<16xf32>
        %parallel_loop3A_1415 = arith.index_cast %parallel_loop3A_1402 : i32 to index
        %parallel_loop3A_1416 = arith.constant 48 : index
        %parallel_loop3A_1417 = tpu.vector_load %arg8[%parallel_loop3A_1415, %parallel_loop3A_1416] {strides = array<i32>} : memref<606x64xf32, #tpu.memory_space<vmem>>, vector<1x16xf32>,
        %parallel_loop3A_1418 = vector.shape_cast %parallel_loop3A_1417 : vector<1x16xf32> to vector<16xf32>
        %parallel_loop3A_1419 = arith.constant 16 : i32
        %parallel_loop3A_1420 = arith.muli %parallel_loop3A_785, %parallel_loop3A_1419 : i32
        %parallel_loop3A_1421 = arith.constant 14 : i32
        %parallel_loop3A_1422 = arith.addi %parallel_loop3A_1420, %parallel_loop3A_1421 : i32
        %parallel_loop3A_1423 = arith.index_cast %parallel_loop3A_1422 : i32 to index
        %parallel_loop3A_1424 = arith.constant 0 : index
        %parallel_loop3A_1425 = tpu.vector_load %arg11[%parallel_loop3A_1423, %parallel_loop3A_1424] {strides = array<i32>} : memref<200x64xf32, #tpu.memory_space<vmem>>, vector<1x16xf32>,
        %parallel_loop3A_1426 = vector.shape_cast %parallel_loop3A_1425 : vector<1x16xf32> to vector<16xf32>
        %parallel_loop3A_1427 = vector.shape_cast %parallel_loop3A_1364 : vector<16xf32> to vector<1x16xf32>
        tpu.vector_store %arg11[%parallel_loop3A_1423, %parallel_loop3A_1424], %parallel_loop3A_1427 {strides = array<i32>} : memref<200x64xf32, #tpu.memory_space<vmem>>, vector<1x16xf32>,
        %parallel_loop3A_1428 = arith.index_cast %parallel_loop3A_1422 : i32 to index
        %parallel_loop3A_1429 = arith.constant 16 : index
        %parallel_loop3A_1430 = tpu.vector_load %arg11[%parallel_loop3A_1428, %parallel_loop3A_1429] {strides = array<i32>} : memref<200x64xf32, #tpu.memory_space<vmem>>, vector<1x16xf32>,
        %parallel_loop3A_1431 = vector.shape_cast %parallel_loop3A_1430 : vector<1x16xf32> to vector<16xf32>
        %parallel_loop3A_1432 = vector.shape_cast %parallel_loop3A_1368 : vector<16xf32> to vector<1x16xf32>
        tpu.vector_store %arg11[%parallel_loop3A_1428, %parallel_loop3A_1429], %parallel_loop3A_1432 {strides = array<i32>} : memref<200x64xf32, #tpu.memory_space<vmem>>, vector<1x16xf32>,
        %parallel_loop3A_1433 = arith.index_cast %parallel_loop3A_1422 : i32 to index
        %parallel_loop3A_1434 = arith.constant 32 : index
        %parallel_loop3A_1435 = tpu.vector_load %arg11[%parallel_loop3A_1433, %parallel_loop3A_1434] {strides = array<i32>} : memref<200x64xf32, #tpu.memory_space<vmem>>, vector<1x16xf32>,
        %parallel_loop3A_1436 = vector.shape_cast %parallel_loop3A_1435 : vector<1x16xf32> to vector<16xf32>
        %parallel_loop3A_1437 = vector.shape_cast %parallel_loop3A_1372 : vector<16xf32> to vector<1x16xf32>
        tpu.vector_store %arg11[%parallel_loop3A_1433, %parallel_loop3A_1434], %parallel_loop3A_1437 {strides = array<i32>} : memref<200x64xf32, #tpu.memory_space<vmem>>, vector<1x16xf32>,
        %parallel_loop3A_1438 = arith.index_cast %parallel_loop3A_1422 : i32 to index
        %parallel_loop3A_1439 = arith.constant 48 : index
        %parallel_loop3A_1440 = tpu.vector_load %arg11[%parallel_loop3A_1438, %parallel_loop3A_1439] {strides = array<i32>} : memref<200x64xf32, #tpu.memory_space<vmem>>, vector<1x16xf32>,
        %parallel_loop3A_1441 = vector.shape_cast %parallel_loop3A_1440 : vector<1x16xf32> to vector<16xf32>
        %parallel_loop3A_1442 = vector.shape_cast %parallel_loop3A_1376 : vector<16xf32> to vector<1x16xf32>
        tpu.vector_store %arg11[%parallel_loop3A_1438, %parallel_loop3A_1439], %parallel_loop3A_1442 {strides = array<i32>} : memref<200x64xf32, #tpu.memory_space<vmem>>, vector<1x16xf32>,
        %parallel_loop3A_1443 = arith.constant 16 : i32
        %parallel_loop3A_1444 = arith.muli %parallel_loop3A_785, %parallel_loop3A_1443 : i32
        %parallel_loop3A_1445 = arith.constant 15 : i32
        %parallel_loop3A_1446 = arith.addi %parallel_loop3A_1444, %parallel_loop3A_1445 : i32
        %parallel_loop3A_1447 = arith.index_cast %parallel_loop3A_1446 : i32 to index
        %parallel_loop3A_1448 = arith.constant 0 : index
        %parallel_loop3A_1449 = tpu.vector_load %arg11[%parallel_loop3A_1447, %parallel_loop3A_1448] {strides = array<i32>} : memref<200x64xf32, #tpu.memory_space<vmem>>, vector<1x16xf32>,
        %parallel_loop3A_1450 = vector.shape_cast %parallel_loop3A_1449 : vector<1x16xf32> to vector<16xf32>
        %parallel_loop3A_1451 = vector.shape_cast %parallel_loop3A_1406 : vector<16xf32> to vector<1x16xf32>
        tpu.vector_store %arg11[%parallel_loop3A_1447, %parallel_loop3A_1448], %parallel_loop3A_1451 {strides = array<i32>} : memref<200x64xf32, #tpu.memory_space<vmem>>, vector<1x16xf32>,
        %parallel_loop3A_1452 = arith.index_cast %parallel_loop3A_1446 : i32 to index
        %parallel_loop3A_1453 = arith.constant 16 : index
        %parallel_loop3A_1454 = tpu.vector_load %arg11[%parallel_loop3A_1452, %parallel_loop3A_1453] {strides = array<i32>} : memref<200x64xf32, #tpu.memory_space<vmem>>, vector<1x16xf32>,
        %parallel_loop3A_1455 = vector.shape_cast %parallel_loop3A_1454 : vector<1x16xf32> to vector<16xf32>
        %parallel_loop3A_1456 = vector.shape_cast %parallel_loop3A_1410 : vector<16xf32> to vector<1x16xf32>
        tpu.vector_store %arg11[%parallel_loop3A_1452, %parallel_loop3A_1453], %parallel_loop3A_1456 {strides = array<i32>} : memref<200x64xf32, #tpu.memory_space<vmem>>, vector<1x16xf32>,
        %parallel_loop3A_1457 = arith.index_cast %parallel_loop3A_1446 : i32 to index
        %parallel_loop3A_1458 = arith.constant 32 : index
        %parallel_loop3A_1459 = tpu.vector_load %arg11[%parallel_loop3A_1457, %parallel_loop3A_1458] {strides = array<i32>} : memref<200x64xf32, #tpu.memory_space<vmem>>, vector<1x16xf32>,
        %parallel_loop3A_1460 = vector.shape_cast %parallel_loop3A_1459 : vector<1x16xf32> to vector<16xf32>
        %parallel_loop3A_1461 = vector.shape_cast %parallel_loop3A_1414 : vector<16xf32> to vector<1x16xf32>
        tpu.vector_store %arg11[%parallel_loop3A_1457, %parallel_loop3A_1458], %parallel_loop3A_1461 {strides = array<i32>} : memref<200x64xf32, #tpu.memory_space<vmem>>, vector<1x16xf32>,
        %parallel_loop3A_1462 = arith.index_cast %parallel_loop3A_1446 : i32 to index
        %parallel_loop3A_1463 = arith.constant 48 : index
        %parallel_loop3A_1464 = tpu.vector_load %arg11[%parallel_loop3A_1462, %parallel_loop3A_1463] {strides = array<i32>} : memref<200x64xf32, #tpu.memory_space<vmem>>, vector<1x16xf32>,
        %parallel_loop3A_1465 = vector.shape_cast %parallel_loop3A_1464 : vector<1x16xf32> to vector<16xf32>
        %parallel_loop3A_1466 = vector.shape_cast %parallel_loop3A_1418 : vector<16xf32> to vector<1x16xf32>
        tpu.vector_store %arg11[%parallel_loop3A_1462, %parallel_loop3A_1463], %parallel_loop3A_1466 {strides = array<i32>} : memref<200x64xf32, #tpu.memory_space<vmem>>, vector<1x16xf32>,
      } {sc.loop_unroll_factor = 1 : i64, sc.parallel_access}
      %add3A_432 = arith.constant 192 : i32
      %add3A_433 = arith.addi %mul3A_61, %add3A_432 : i32
      %get3A_434 = arith.index_cast %add3A_433 : i32 to index
      %get3A_435 = tpu.vector_load %arg9[%get3A_434] {strides = array<i32>} : memref<808xi32, #tpu.memory_space<vmem>>, vector<16xi32>,
      %get3A_436 = vector.shape_cast %get3A_435 : vector<16xi32> to vector<16xi32>
      %add3A_437 = arith.constant 600 : i32
      %add3A_438 = vector.broadcast %add3A_437 : i32 to vector<16xi32>
      %add3A_439 = arith.addi %get3A_436, %add3A_438 : vector<16xi32>
      %slice3A_440 = vector.extract_strided_slice %add3A_439 {offsets = [0], sizes = [1], strides = [1]} : vector<16xi32> to vector<1xi32>
      %squeeze3A_441 = vector.extract %slice3A_440[0] : i32 from vector<1xi32>
      %get3A_442 = arith.index_cast %squeeze3A_441 : i32 to index
      %get3A_443 = arith.constant 0 : index
      %get3A_444 = tpu.vector_load %arg8[%get3A_442, %get3A_443] {strides = array<i32>} : memref<606x64xf32, #tpu.memory_space<vmem>>, vector<1x16xf32>,
      %get3A_445 = vector.shape_cast %get3A_444 : vector<1x16xf32> to vector<16xf32>
      %get3A_446 = arith.index_cast %squeeze3A_441 : i32 to index
      %get3A_447 = arith.constant 16 : index
      %get3A_448 = tpu.vector_load %arg8[%get3A_446, %get3A_447] {strides = array<i32>} : memref<606x64xf32, #tpu.memory_space<vmem>>, vector<1x16xf32>,
      %get3A_449 = vector.shape_cast %get3A_448 : vector<1x16xf32> to vector<16xf32>
      %get3A_450 = arith.index_cast %squeeze3A_441 : i32 to index
      %get3A_451 = arith.constant 32 : index
      %get3A_452 = tpu.vector_load %arg8[%get3A_450, %get3A_451] {strides = array<i32>} : memref<606x64xf32, #tpu.memory_space<vmem>>, vector<1x16xf32>,
      %get3A_453 = vector.shape_cast %get3A_452 : vector<1x16xf32> to vector<16xf32>
      %get3A_454 = arith.index_cast %squeeze3A_441 : i32 to index
      %get3A_455 = arith.constant 48 : index
      %get3A_456 = tpu.vector_load %arg8[%get3A_454, %get3A_455] {strides = array<i32>} : memref<606x64xf32, #tpu.memory_space<vmem>>, vector<1x16xf32>,
      %get3A_457 = vector.shape_cast %get3A_456 : vector<1x16xf32> to vector<16xf32>
      %slice3A_458 = vector.extract_strided_slice %add3A_439 {offsets = [1], sizes = [1], strides = [1]} : vector<16xi32> to vector<1xi32>
      %squeeze3A_459 = vector.extract %slice3A_458[0] : i32 from vector<1xi32>
      %get3A_460 = arith.index_cast %squeeze3A_459 : i32 to index
      %get3A_461 = arith.constant 0 : index
      %get3A_462 = tpu.vector_load %arg8[%get3A_460, %get3A_461] {strides = array<i32>} : memref<606x64xf32, #tpu.memory_space<vmem>>, vector<1x16xf32>,
      %get3A_463 = vector.shape_cast %get3A_462 : vector<1x16xf32> to vector<16xf32>
      %get3A_464 = arith.index_cast %squeeze3A_459 : i32 to index
      %get3A_465 = arith.constant 16 : index
      %get3A_466 = tpu.vector_load %arg8[%get3A_464, %get3A_465] {strides = array<i32>} : memref<606x64xf32, #tpu.memory_space<vmem>>, vector<1x16xf32>,
      %get3A_467 = vector.shape_cast %get3A_466 : vector<1x16xf32> to vector<16xf32>
      %get3A_468 = arith.index_cast %squeeze3A_459 : i32 to index
      %get3A_469 = arith.constant 32 : index
      %get3A_470 = tpu.vector_load %arg8[%get3A_468, %get3A_469] {strides = array<i32>} : memref<606x64xf32, #tpu.memory_space<vmem>>, vector<1x16xf32>,
      %get3A_471 = vector.shape_cast %get3A_470 : vector<1x16xf32> to vector<16xf32>
      %get3A_472 = arith.index_cast %squeeze3A_459 : i32 to index
      %get3A_473 = arith.constant 48 : index
      %get3A_474 = tpu.vector_load %arg8[%get3A_472, %get3A_473] {strides = array<i32>} : memref<606x64xf32, #tpu.memory_space<vmem>>, vector<1x16xf32>,
      %get3A_475 = vector.shape_cast %get3A_474 : vector<1x16xf32> to vector<16xf32>
      %swap3A_476 = arith.constant 192 : i32
      %swap3A_477 = arith.index_cast %swap3A_476 : i32 to index
      %swap3A_478 = arith.constant 0 : index
      %swap3A_479 = tpu.vector_load %arg11[%swap3A_477, %swap3A_478] {strides = array<i32>} : memref<200x64xf32, #tpu.memory_space<vmem>>, vector<1x16xf32>,
      %swap3A_480 = vector.shape_cast %swap3A_479 : vector<1x16xf32> to vector<16xf32>
      %swap3A_481 = vector.shape_cast %get3A_445 : vector<16xf32> to vector<1x16xf32>
      tpu.vector_store %arg11[%swap3A_477, %swap3A_478], %swap3A_481 {strides = array<i32>} : memref<200x64xf32, #tpu.memory_space<vmem>>, vector<1x16xf32>,
      %swap3A_482 = arith.constant 192 : i32
      %swap3A_483 = arith.index_cast %swap3A_482 : i32 to index
      %swap3A_484 = arith.constant 16 : index
      %swap3A_485 = tpu.vector_load %arg11[%swap3A_483, %swap3A_484] {strides = array<i32>} : memref<200x64xf32, #tpu.memory_space<vmem>>, vector<1x16xf32>,
      %swap3A_486 = vector.shape_cast %swap3A_485 : vector<1x16xf32> to vector<16xf32>
      %swap3A_487 = vector.shape_cast %get3A_449 : vector<16xf32> to vector<1x16xf32>
      tpu.vector_store %arg11[%swap3A_483, %swap3A_484], %swap3A_487 {strides = array<i32>} : memref<200x64xf32, #tpu.memory_space<vmem>>, vector<1x16xf32>,
      %swap3A_488 = arith.constant 192 : i32
      %swap3A_489 = arith.index_cast %swap3A_488 : i32 to index
      %swap3A_490 = arith.constant 32 : index
      %swap3A_491 = tpu.vector_load %arg11[%swap3A_489, %swap3A_490] {strides = array<i32>} : memref<200x64xf32, #tpu.memory_space<vmem>>, vector<1x16xf32>,
      %swap3A_492 = vector.shape_cast %swap3A_491 : vector<1x16xf32> to vector<16xf32>
      %swap3A_493 = vector.shape_cast %get3A_453 : vector<16xf32> to vector<1x16xf32>
      tpu.vector_store %arg11[%swap3A_489, %swap3A_490], %swap3A_493 {strides = array<i32>} : memref<200x64xf32, #tpu.memory_space<vmem>>, vector<1x16xf32>,
      %swap3A_494 = arith.constant 192 : i32
      %swap3A_495 = arith.index_cast %swap3A_494 : i32 to index
      %swap3A_496 = arith.constant 48 : index
      %swap3A_497 = tpu.vector_load %arg11[%swap3A_495, %swap3A_496] {strides = array<i32>} : memref<200x64xf32, #tpu.memory_space<vmem>>, vector<1x16xf32>,
      %swap3A_498 = vector.shape_cast %swap3A_497 : vector<1x16xf32> to vector<16xf32>
      %swap3A_499 = vector.shape_cast %get3A_457 : vector<16xf32> to vector<1x16xf32>
      tpu.vector_store %arg11[%swap3A_495, %swap3A_496], %swap3A_499 {strides = array<i32>} : memref<200x64xf32, #tpu.memory_space<vmem>>, vector<1x16xf32>,
      %slice3A_500 = vector.extract_strided_slice %add3A_439 {offsets = [2], sizes = [1], strides = [1]} : vector<16xi32> to vector<1xi32>
      %squeeze3A_501 = vector.extract %slice3A_500[0] : i32 from vector<1xi32>
      %get3A_502 = arith.index_cast %squeeze3A_501 : i32 to index
      %get3A_503 = arith.constant 0 : index
      %get3A_504 = tpu.vector_load %arg8[%get3A_502, %get3A_503] {strides = array<i32>} : memref<606x64xf32, #tpu.memory_space<vmem>>, vector<1x16xf32>,
      %get3A_505 = vector.shape_cast %get3A_504 : vector<1x16xf32> to vector<16xf32>
      %get3A_506 = arith.index_cast %squeeze3A_501 : i32 to index
      %get3A_507 = arith.constant 16 : index
      %get3A_508 = tpu.vector_load %arg8[%get3A_506, %get3A_507] {strides = array<i32>} : memref<606x64xf32, #tpu.memory_space<vmem>>, vector<1x16xf32>,
      %get3A_509 = vector.shape_cast %get3A_508 : vector<1x16xf32> to vector<16xf32>
      %get3A_510 = arith.index_cast %squeeze3A_501 : i32 to index
      %get3A_511 = arith.constant 32 : index
      %get3A_512 = tpu.vector_load %arg8[%get3A_510, %get3A_511] {strides = array<i32>} : memref<606x64xf32, #tpu.memory_space<vmem>>, vector<1x16xf32>,
      %get3A_513 = vector.shape_cast %get3A_512 : vector<1x16xf32> to vector<16xf32>
      %get3A_514 = arith.index_cast %squeeze3A_501 : i32 to index
      %get3A_515 = arith.constant 48 : index
      %get3A_516 = tpu.vector_load %arg8[%get3A_514, %get3A_515] {strides = array<i32>} : memref<606x64xf32, #tpu.memory_space<vmem>>, vector<1x16xf32>,
      %get3A_517 = vector.shape_cast %get3A_516 : vector<1x16xf32> to vector<16xf32>
      %swap3A_518 = arith.constant 193 : i32
      %swap3A_519 = arith.index_cast %swap3A_518 : i32 to index
      %swap3A_520 = arith.constant 0 : index
      %swap3A_521 = tpu.vector_load %arg11[%swap3A_519, %swap3A_520] {strides = array<i32>} : memref<200x64xf32, #tpu.memory_space<vmem>>, vector<1x16xf32>,
      %swap3A_522 = vector.shape_cast %swap3A_521 : vector<1x16xf32> to vector<16xf32>
      %swap3A_523 = vector.shape_cast %get3A_463 : vector<16xf32> to vector<1x16xf32>
      tpu.vector_store %arg11[%swap3A_519, %swap3A_520], %swap3A_523 {strides = array<i32>} : memref<200x64xf32, #tpu.memory_space<vmem>>, vector<1x16xf32>,
      %swap3A_524 = arith.constant 193 : i32
      %swap3A_525 = arith.index_cast %swap3A_524 : i32 to index
      %swap3A_526 = arith.constant 16 : index
      %swap3A_527 = tpu.vector_load %arg11[%swap3A_525, %swap3A_526] {strides = array<i32>} : memref<200x64xf32, #tpu.memory_space<vmem>>, vector<1x16xf32>,
      %swap3A_528 = vector.shape_cast %swap3A_527 : vector<1x16xf32> to vector<16xf32>
      %swap3A_529 = vector.shape_cast %get3A_467 : vector<16xf32> to vector<1x16xf32>
      tpu.vector_store %arg11[%swap3A_525, %swap3A_526], %swap3A_529 {strides = array<i32>} : memref<200x64xf32, #tpu.memory_space<vmem>>, vector<1x16xf32>,
      %swap3A_530 = arith.constant 193 : i32
      %swap3A_531 = arith.index_cast %swap3A_530 : i32 to index
      %swap3A_532 = arith.constant 32 : index
      %swap3A_533 = tpu.vector_load %arg11[%swap3A_531, %swap3A_532] {strides = array<i32>} : memref<200x64xf32, #tpu.memory_space<vmem>>, vector<1x16xf32>,
      %swap3A_534 = vector.shape_cast %swap3A_533 : vector<1x16xf32> to vector<16xf32>
      %swap3A_535 = vector.shape_cast %get3A_471 : vector<16xf32> to vector<1x16xf32>
      tpu.vector_store %arg11[%swap3A_531, %swap3A_532], %swap3A_535 {strides = array<i32>} : memref<200x64xf32, #tpu.memory_space<vmem>>, vector<1x16xf32>,
      %swap3A_536 = arith.constant 193 : i32
      %swap3A_537 = arith.index_cast %swap3A_536 : i32 to index
      %swap3A_538 = arith.constant 48 : index
      %swap3A_539 = tpu.vector_load %arg11[%swap3A_537, %swap3A_538] {strides = array<i32>} : memref<200x64xf32, #tpu.memory_space<vmem>>, vector<1x16xf32>,
      %swap3A_540 = vector.shape_cast %swap3A_539 : vector<1x16xf32> to vector<16xf32>
      %swap3A_541 = vector.shape_cast %get3A_475 : vector<16xf32> to vector<1x16xf32>
      tpu.vector_store %arg11[%swap3A_537, %swap3A_538], %swap3A_541 {strides = array<i32>} : memref<200x64xf32, #tpu.memory_space<vmem>>, vector<1x16xf32>,
      %slice3A_542 = vector.extract_strided_slice %add3A_439 {offsets = [3], sizes = [1], strides = [1]} : vector<16xi32> to vector<1xi32>
      %squeeze3A_543 = vector.extract %slice3A_542[0] : i32 from vector<1xi32>
      %get3A_544 = arith.index_cast %squeeze3A_543 : i32 to index
      %get3A_545 = arith.constant 0 : index
      %get3A_546 = tpu.vector_load %arg8[%get3A_544, %get3A_545] {strides = array<i32>} : memref<606x64xf32, #tpu.memory_space<vmem>>, vector<1x16xf32>,
      %get3A_547 = vector.shape_cast %get3A_546 : vector<1x16xf32> to vector<16xf32>
      %get3A_548 = arith.index_cast %squeeze3A_543 : i32 to index
      %get3A_549 = arith.constant 16 : index
      %get3A_550 = tpu.vector_load %arg8[%get3A_548, %get3A_549] {strides = array<i32>} : memref<606x64xf32, #tpu.memory_space<vmem>>, vector<1x16xf32>,
      %get3A_551 = vector.shape_cast %get3A_550 : vector<1x16xf32> to vector<16xf32>
      %get3A_552 = arith.index_cast %squeeze3A_543 : i32 to index
      %get3A_553 = arith.constant 32 : index
      %get3A_554 = tpu.vector_load %arg8[%get3A_552, %get3A_553] {strides = array<i32>} : memref<606x64xf32, #tpu.memory_space<vmem>>, vector<1x16xf32>,
      %get3A_555 = vector.shape_cast %get3A_554 : vector<1x16xf32> to vector<16xf32>
      %get3A_556 = arith.index_cast %squeeze3A_543 : i32 to index
      %get3A_557 = arith.constant 48 : index
      %get3A_558 = tpu.vector_load %arg8[%get3A_556, %get3A_557] {strides = array<i32>} : memref<606x64xf32, #tpu.memory_space<vmem>>, vector<1x16xf32>,
      %get3A_559 = vector.shape_cast %get3A_558 : vector<1x16xf32> to vector<16xf32>
      %swap3A_560 = arith.constant 194 : i32
      %swap3A_561 = arith.index_cast %swap3A_560 : i32 to index
      %swap3A_562 = arith.constant 0 : index
      %swap3A_563 = tpu.vector_load %arg11[%swap3A_561, %swap3A_562] {strides = array<i32>} : memref<200x64xf32, #tpu.memory_space<vmem>>, vector<1x16xf32>,
      %swap3A_564 = vector.shape_cast %swap3A_563 : vector<1x16xf32> to vector<16xf32>
      %swap3A_565 = vector.shape_cast %get3A_505 : vector<16xf32> to vector<1x16xf32>
      tpu.vector_store %arg11[%swap3A_561, %swap3A_562], %swap3A_565 {strides = array<i32>} : memref<200x64xf32, #tpu.memory_space<vmem>>, vector<1x16xf32>,
      %swap3A_566 = arith.constant 194 : i32
      %swap3A_567 = arith.index_cast %swap3A_566 : i32 to index
      %swap3A_568 = arith.constant 16 : index
      %swap3A_569 = tpu.vector_load %arg11[%swap3A_567, %swap3A_568] {strides = array<i32>} : memref<200x64xf32, #tpu.memory_space<vmem>>, vector<1x16xf32>,
      %swap3A_570 = vector.shape_cast %swap3A_569 : vector<1x16xf32> to vector<16xf32>
      %swap3A_571 = vector.shape_cast %get3A_509 : vector<16xf32> to vector<1x16xf32>
      tpu.vector_store %arg11[%swap3A_567, %swap3A_568], %swap3A_571 {strides = array<i32>} : memref<200x64xf32, #tpu.memory_space<vmem>>, vector<1x16xf32>,
      %swap3A_572 = arith.constant 194 : i32
      %swap3A_573 = arith.index_cast %swap3A_572 : i32 to index
      %swap3A_574 = arith.constant 32 : index
      %swap3A_575 = tpu.vector_load %arg11[%swap3A_573, %swap3A_574] {strides = array<i32>} : memref<200x64xf32, #tpu.memory_space<vmem>>, vector<1x16xf32>,
      %swap3A_576 = vector.shape_cast %swap3A_575 : vector<1x16xf32> to vector<16xf32>
      %swap3A_577 = vector.shape_cast %get3A_513 : vector<16xf32> to vector<1x16xf32>
      tpu.vector_store %arg11[%swap3A_573, %swap3A_574], %swap3A_577 {strides = array<i32>} : memref<200x64xf32, #tpu.memory_space<vmem>>, vector<1x16xf32>,
      %swap3A_578 = arith.constant 194 : i32
      %swap3A_579 = arith.index_cast %swap3A_578 : i32 to index
      %swap3A_580 = arith.constant 48 : index
      %swap3A_581 = tpu.vector_load %arg11[%swap3A_579, %swap3A_580] {strides = array<i32>} : memref<200x64xf32, #tpu.memory_space<vmem>>, vector<1x16xf32>,
      %swap3A_582 = vector.shape_cast %swap3A_581 : vector<1x16xf32> to vector<16xf32>
      %swap3A_583 = vector.shape_cast %get3A_517 : vector<16xf32> to vector<1x16xf32>
      tpu.vector_store %arg11[%swap3A_579, %swap3A_580], %swap3A_583 {strides = array<i32>} : memref<200x64xf32, #tpu.memory_space<vmem>>, vector<1x16xf32>,
      %slice3A_584 = vector.extract_strided_slice %add3A_439 {offsets = [4], sizes = [1], strides = [1]} : vector<16xi32> to vector<1xi32>
      %squeeze3A_585 = vector.extract %slice3A_584[0] : i32 from vector<1xi32>
      %get3A_586 = arith.index_cast %squeeze3A_585 : i32 to index
      %get3A_587 = arith.constant 0 : index
      %get3A_588 = tpu.vector_load %arg8[%get3A_586, %get3A_587] {strides = array<i32>} : memref<606x64xf32, #tpu.memory_space<vmem>>, vector<1x16xf32>,
      %get3A_589 = vector.shape_cast %get3A_588 : vector<1x16xf32> to vector<16xf32>
      %get3A_590 = arith.index_cast %squeeze3A_585 : i32 to index
      %get3A_591 = arith.constant 16 : index
      %get3A_592 = tpu.vector_load %arg8[%get3A_590, %get3A_591] {strides = array<i32>} : memref<606x64xf32, #tpu.memory_space<vmem>>, vector<1x16xf32>,
      %get3A_593 = vector.shape_cast %get3A_592 : vector<1x16xf32> to vector<16xf32>
      %get3A_594 = arith.index_cast %squeeze3A_585 : i32 to index
      %get3A_595 = arith.constant 32 : index
      %get3A_596 = tpu.vector_load %arg8[%get3A_594, %get3A_595] {strides = array<i32>} : memref<606x64xf32, #tpu.memory_space<vmem>>, vector<1x16xf32>,
      %get3A_597 = vector.shape_cast %get3A_596 : vector<1x16xf32> to vector<16xf32>
      %get3A_598 = arith.index_cast %squeeze3A_585 : i32 to index
      %get3A_599 = arith.constant 48 : index
      %get3A_600 = tpu.vector_load %arg8[%get3A_598, %get3A_599] {strides = array<i32>} : memref<606x64xf32, #tpu.memory_space<vmem>>, vector<1x16xf32>,
      %get3A_601 = vector.shape_cast %get3A_600 : vector<1x16xf32> to vector<16xf32>
      %swap3A_602 = arith.constant 195 : i32
      %swap3A_603 = arith.index_cast %swap3A_602 : i32 to index
      %swap3A_604 = arith.constant 0 : index
      %swap3A_605 = tpu.vector_load %arg11[%swap3A_603, %swap3A_604] {strides = array<i32>} : memref<200x64xf32, #tpu.memory_space<vmem>>, vector<1x16xf32>,
      %swap3A_606 = vector.shape_cast %swap3A_605 : vector<1x16xf32> to vector<16xf32>
      %swap3A_607 = vector.shape_cast %get3A_547 : vector<16xf32> to vector<1x16xf32>
      tpu.vector_store %arg11[%swap3A_603, %swap3A_604], %swap3A_607 {strides = array<i32>} : memref<200x64xf32, #tpu.memory_space<vmem>>, vector<1x16xf32>,
      %swap3A_608 = arith.constant 195 : i32
      %swap3A_609 = arith.index_cast %swap3A_608 : i32 to index
      %swap3A_610 = arith.constant 16 : index
      %swap3A_611 = tpu.vector_load %arg11[%swap3A_609, %swap3A_610] {strides = array<i32>} : memref<200x64xf32, #tpu.memory_space<vmem>>, vector<1x16xf32>,
      %swap3A_612 = vector.shape_cast %swap3A_611 : vector<1x16xf32> to vector<16xf32>
      %swap3A_613 = vector.shape_cast %get3A_551 : vector<16xf32> to vector<1x16xf32>
      tpu.vector_store %arg11[%swap3A_609, %swap3A_610], %swap3A_613 {strides = array<i32>} : memref<200x64xf32, #tpu.memory_space<vmem>>, vector<1x16xf32>,
      %swap3A_614 = arith.constant 195 : i32
      %swap3A_615 = arith.index_cast %swap3A_614 : i32 to index
      %swap3A_616 = arith.constant 32 : index
      %swap3A_617 = tpu.vector_load %arg11[%swap3A_615, %swap3A_616] {strides = array<i32>} : memref<200x64xf32, #tpu.memory_space<vmem>>, vector<1x16xf32>,
      %swap3A_618 = vector.shape_cast %swap3A_617 : vector<1x16xf32> to vector<16xf32>
      %swap3A_619 = vector.shape_cast %get3A_555 : vector<16xf32> to vector<1x16xf32>
      tpu.vector_store %arg11[%swap3A_615, %swap3A_616], %swap3A_619 {strides = array<i32>} : memref<200x64xf32, #tpu.memory_space<vmem>>, vector<1x16xf32>,
      %swap3A_620 = arith.constant 195 : i32
      %swap3A_621 = arith.index_cast %swap3A_620 : i32 to index
      %swap3A_622 = arith.constant 48 : index
      %swap3A_623 = tpu.vector_load %arg11[%swap3A_621, %swap3A_622] {strides = array<i32>} : memref<200x64xf32, #tpu.memory_space<vmem>>, vector<1x16xf32>,
      %swap3A_624 = vector.shape_cast %swap3A_623 : vector<1x16xf32> to vector<16xf32>
      %swap3A_625 = vector.shape_cast %get3A_559 : vector<16xf32> to vector<1x16xf32>
      tpu.vector_store %arg11[%swap3A_621, %swap3A_622], %swap3A_625 {strides = array<i32>} : memref<200x64xf32, #tpu.memory_space<vmem>>, vector<1x16xf32>,
      %slice3A_626 = vector.extract_strided_slice %add3A_439 {offsets = [5], sizes = [1], strides = [1]} : vector<16xi32> to vector<1xi32>
      %squeeze3A_627 = vector.extract %slice3A_626[0] : i32 from vector<1xi32>
      %get3A_628 = arith.index_cast %squeeze3A_627 : i32 to index
      %get3A_629 = arith.constant 0 : index
      %get3A_630 = tpu.vector_load %arg8[%get3A_628, %get3A_629] {strides = array<i32>} : memref<606x64xf32, #tpu.memory_space<vmem>>, vector<1x16xf32>,
      %get3A_631 = vector.shape_cast %get3A_630 : vector<1x16xf32> to vector<16xf32>
      %get3A_632 = arith.index_cast %squeeze3A_627 : i32 to index
      %get3A_633 = arith.constant 16 : index
      %get3A_634 = tpu.vector_load %arg8[%get3A_632, %get3A_633] {strides = array<i32>} : memref<606x64xf32, #tpu.memory_space<vmem>>, vector<1x16xf32>,
      %get3A_635 = vector.shape_cast %get3A_634 : vector<1x16xf32> to vector<16xf32>
      %get3A_636 = arith.index_cast %squeeze3A_627 : i32 to index
      %get3A_637 = arith.constant 32 : index
      %get3A_638 = tpu.vector_load %arg8[%get3A_636, %get3A_637] {strides = array<i32>} : memref<606x64xf32, #tpu.memory_space<vmem>>, vector<1x16xf32>,
      %get3A_639 = vector.shape_cast %get3A_638 : vector<1x16xf32> to vector<16xf32>
      %get3A_640 = arith.index_cast %squeeze3A_627 : i32 to index
      %get3A_641 = arith.constant 48 : index
      %get3A_642 = tpu.vector_load %arg8[%get3A_640, %get3A_641] {strides = array<i32>} : memref<606x64xf32, #tpu.memory_space<vmem>>, vector<1x16xf32>,
      %get3A_643 = vector.shape_cast %get3A_642 : vector<1x16xf32> to vector<16xf32>
      %swap3A_644 = arith.constant 196 : i32
      %swap3A_645 = arith.index_cast %swap3A_644 : i32 to index
      %swap3A_646 = arith.constant 0 : index
      %swap3A_647 = tpu.vector_load %arg11[%swap3A_645, %swap3A_646] {strides = array<i32>} : memref<200x64xf32, #tpu.memory_space<vmem>>, vector<1x16xf32>,
      %swap3A_648 = vector.shape_cast %swap3A_647 : vector<1x16xf32> to vector<16xf32>
      %swap3A_649 = vector.shape_cast %get3A_589 : vector<16xf32> to vector<1x16xf32>
      tpu.vector_store %arg11[%swap3A_645, %swap3A_646], %swap3A_649 {strides = array<i32>} : memref<200x64xf32, #tpu.memory_space<vmem>>, vector<1x16xf32>,
      %swap3A_650 = arith.constant 196 : i32
      %swap3A_651 = arith.index_cast %swap3A_650 : i32 to index
      %swap3A_652 = arith.constant 16 : index
      %swap3A_653 = tpu.vector_load %arg11[%swap3A_651, %swap3A_652] {strides = array<i32>} : memref<200x64xf32, #tpu.memory_space<vmem>>, vector<1x16xf32>,
      %swap3A_654 = vector.shape_cast %swap3A_653 : vector<1x16xf32> to vector<16xf32>
      %swap3A_655 = vector.shape_cast %get3A_593 : vector<16xf32> to vector<1x16xf32>
      tpu.vector_store %arg11[%swap3A_651, %swap3A_652], %swap3A_655 {strides = array<i32>} : memref<200x64xf32, #tpu.memory_space<vmem>>, vector<1x16xf32>,
      %swap3A_656 = arith.constant 196 : i32
      %swap3A_657 = arith.index_cast %swap3A_656 : i32 to index
      %swap3A_658 = arith.constant 32 : index
      %swap3A_659 = tpu.vector_load %arg11[%swap3A_657, %swap3A_658] {strides = array<i32>} : memref<200x64xf32, #tpu.memory_space<vmem>>, vector<1x16xf32>,
      %swap3A_660 = vector.shape_cast %swap3A_659 : vector<1x16xf32> to vector<16xf32>
      %swap3A_661 = vector.shape_cast %get3A_597 : vector<16xf32> to vector<1x16xf32>
      tpu.vector_store %arg11[%swap3A_657, %swap3A_658], %swap3A_661 {strides = array<i32>} : memref<200x64xf32, #tpu.memory_space<vmem>>, vector<1x16xf32>,
      %swap3A_662 = arith.constant 196 : i32
      %swap3A_663 = arith.index_cast %swap3A_662 : i32 to index
      %swap3A_664 = arith.constant 48 : index
      %swap3A_665 = tpu.vector_load %arg11[%swap3A_663, %swap3A_664] {strides = array<i32>} : memref<200x64xf32, #tpu.memory_space<vmem>>, vector<1x16xf32>,
      %swap3A_666 = vector.shape_cast %swap3A_665 : vector<1x16xf32> to vector<16xf32>
      %swap3A_667 = vector.shape_cast %get3A_601 : vector<16xf32> to vector<1x16xf32>
      tpu.vector_store %arg11[%swap3A_663, %swap3A_664], %swap3A_667 {strides = array<i32>} : memref<200x64xf32, #tpu.memory_space<vmem>>, vector<1x16xf32>,
      %slice3A_668 = vector.extract_strided_slice %add3A_439 {offsets = [6], sizes = [1], strides = [1]} : vector<16xi32> to vector<1xi32>
      %squeeze3A_669 = vector.extract %slice3A_668[0] : i32 from vector<1xi32>
      %get3A_670 = arith.index_cast %squeeze3A_669 : i32 to index
      %get3A_671 = arith.constant 0 : index
      %get3A_672 = tpu.vector_load %arg8[%get3A_670, %get3A_671] {strides = array<i32>} : memref<606x64xf32, #tpu.memory_space<vmem>>, vector<1x16xf32>,
      %get3A_673 = vector.shape_cast %get3A_672 : vector<1x16xf32> to vector<16xf32>
      %get3A_674 = arith.index_cast %squeeze3A_669 : i32 to index
      %get3A_675 = arith.constant 16 : index
      %get3A_676 = tpu.vector_load %arg8[%get3A_674, %get3A_675] {strides = array<i32>} : memref<606x64xf32, #tpu.memory_space<vmem>>, vector<1x16xf32>,
      %get3A_677 = vector.shape_cast %get3A_676 : vector<1x16xf32> to vector<16xf32>
      %get3A_678 = arith.index_cast %squeeze3A_669 : i32 to index
      %get3A_679 = arith.constant 32 : index
      %get3A_680 = tpu.vector_load %arg8[%get3A_678, %get3A_679] {strides = array<i32>} : memref<606x64xf32, #tpu.memory_space<vmem>>, vector<1x16xf32>,
      %get3A_681 = vector.shape_cast %get3A_680 : vector<1x16xf32> to vector<16xf32>
      %get3A_682 = arith.index_cast %squeeze3A_669 : i32 to index
      %get3A_683 = arith.constant 48 : index
      %get3A_684 = tpu.vector_load %arg8[%get3A_682, %get3A_683] {strides = array<i32>} : memref<606x64xf32, #tpu.memory_space<vmem>>, vector<1x16xf32>,
      %get3A_685 = vector.shape_cast %get3A_684 : vector<1x16xf32> to vector<16xf32>
      %swap3A_686 = arith.constant 197 : i32
      %swap3A_687 = arith.index_cast %swap3A_686 : i32 to index
      %swap3A_688 = arith.constant 0 : index
      %swap3A_689 = tpu.vector_load %arg11[%swap3A_687, %swap3A_688] {strides = array<i32>} : memref<200x64xf32, #tpu.memory_space<vmem>>, vector<1x16xf32>,
      %swap3A_690 = vector.shape_cast %swap3A_689 : vector<1x16xf32> to vector<16xf32>
      %swap3A_691 = vector.shape_cast %get3A_631 : vector<16xf32> to vector<1x16xf32>
      tpu.vector_store %arg11[%swap3A_687, %swap3A_688], %swap3A_691 {strides = array<i32>} : memref<200x64xf32, #tpu.memory_space<vmem>>, vector<1x16xf32>,
      %swap3A_692 = arith.constant 197 : i32
      %swap3A_693 = arith.index_cast %swap3A_692 : i32 to index
      %swap3A_694 = arith.constant 16 : index
      %swap3A_695 = tpu.vector_load %arg11[%swap3A_693, %swap3A_694] {strides = array<i32>} : memref<200x64xf32, #tpu.memory_space<vmem>>, vector<1x16xf32>,
      %swap3A_696 = vector.shape_cast %swap3A_695 : vector<1x16xf32> to vector<16xf32>
      %swap3A_697 = vector.shape_cast %get3A_635 : vector<16xf32> to vector<1x16xf32>
      tpu.vector_store %arg11[%swap3A_693, %swap3A_694], %swap3A_697 {strides = array<i32>} : memref<200x64xf32, #tpu.memory_space<vmem>>, vector<1x16xf32>,
      %swap3A_698 = arith.constant 197 : i32
      %swap3A_699 = arith.index_cast %swap3A_698 : i32 to index
      %swap3A_700 = arith.constant 32 : index
      %swap3A_701 = tpu.vector_load %arg11[%swap3A_699, %swap3A_700] {strides = array<i32>} : memref<200x64xf32, #tpu.memory_space<vmem>>, vector<1x16xf32>,
      %swap3A_702 = vector.shape_cast %swap3A_701 : vector<1x16xf32> to vector<16xf32>
      %swap3A_703 = vector.shape_cast %get3A_639 : vector<16xf32> to vector<1x16xf32>
      tpu.vector_store %arg11[%swap3A_699, %swap3A_700], %swap3A_703 {strides = array<i32>} : memref<200x64xf32, #tpu.memory_space<vmem>>, vector<1x16xf32>,
      %swap3A_704 = arith.constant 197 : i32
      %swap3A_705 = arith.index_cast %swap3A_704 : i32 to index
      %swap3A_706 = arith.constant 48 : index
      %swap3A_707 = tpu.vector_load %arg11[%swap3A_705, %swap3A_706] {strides = array<i32>} : memref<200x64xf32, #tpu.memory_space<vmem>>, vector<1x16xf32>,
      %swap3A_708 = vector.shape_cast %swap3A_707 : vector<1x16xf32> to vector<16xf32>
      %swap3A_709 = vector.shape_cast %get3A_643 : vector<16xf32> to vector<1x16xf32>
      tpu.vector_store %arg11[%swap3A_705, %swap3A_706], %swap3A_709 {strides = array<i32>} : memref<200x64xf32, #tpu.memory_space<vmem>>, vector<1x16xf32>,
      %slice3A_710 = vector.extract_strided_slice %add3A_439 {offsets = [7], sizes = [1], strides = [1]} : vector<16xi32> to vector<1xi32>
      %squeeze3A_711 = vector.extract %slice3A_710[0] : i32 from vector<1xi32>
      %get3A_712 = arith.index_cast %squeeze3A_711 : i32 to index
      %get3A_713 = arith.constant 0 : index
      %get3A_714 = tpu.vector_load %arg8[%get3A_712, %get3A_713] {strides = array<i32>} : memref<606x64xf32, #tpu.memory_space<vmem>>, vector<1x16xf32>,
      %get3A_715 = vector.shape_cast %get3A_714 : vector<1x16xf32> to vector<16xf32>
      %get3A_716 = arith.index_cast %squeeze3A_711 : i32 to index
      %get3A_717 = arith.constant 16 : index
      %get3A_718 = tpu.vector_load %arg8[%get3A_716, %get3A_717] {strides = array<i32>} : memref<606x64xf32, #tpu.memory_space<vmem>>, vector<1x16xf32>,
      %get3A_719 = vector.shape_cast %get3A_718 : vector<1x16xf32> to vector<16xf32>
      %get3A_720 = arith.index_cast %squeeze3A_711 : i32 to index
      %get3A_721 = arith.constant 32 : index
      %get3A_722 = tpu.vector_load %arg8[%get3A_720, %get3A_721] {strides = array<i32>} : memref<606x64xf32, #tpu.memory_space<vmem>>, vector<1x16xf32>,
      %get3A_723 = vector.shape_cast %get3A_722 : vector<1x16xf32> to vector<16xf32>
      %get3A_724 = arith.index_cast %squeeze3A_711 : i32 to index
      %get3A_725 = arith.constant 48 : index
      %get3A_726 = tpu.vector_load %arg8[%get3A_724, %get3A_725] {strides = array<i32>} : memref<606x64xf32, #tpu.memory_space<vmem>>, vector<1x16xf32>,
      %get3A_727 = vector.shape_cast %get3A_726 : vector<1x16xf32> to vector<16xf32>
      %swap3A_728 = arith.constant 198 : i32
      %swap3A_729 = arith.index_cast %swap3A_728 : i32 to index
      %swap3A_730 = arith.constant 0 : index
      %swap3A_731 = tpu.vector_load %arg11[%swap3A_729, %swap3A_730] {strides = array<i32>} : memref<200x64xf32, #tpu.memory_space<vmem>>, vector<1x16xf32>,
      %swap3A_732 = vector.shape_cast %swap3A_731 : vector<1x16xf32> to vector<16xf32>
      %swap3A_733 = vector.shape_cast %get3A_673 : vector<16xf32> to vector<1x16xf32>
      tpu.vector_store %arg11[%swap3A_729, %swap3A_730], %swap3A_733 {strides = array<i32>} : memref<200x64xf32, #tpu.memory_space<vmem>>, vector<1x16xf32>,
      %swap3A_734 = arith.constant 198 : i32
      %swap3A_735 = arith.index_cast %swap3A_734 : i32 to index
      %swap3A_736 = arith.constant 16 : index
      %swap3A_737 = tpu.vector_load %arg11[%swap3A_735, %swap3A_736] {strides = array<i32>} : memref<200x64xf32, #tpu.memory_space<vmem>>, vector<1x16xf32>,
      %swap3A_738 = vector.shape_cast %swap3A_737 : vector<1x16xf32> to vector<16xf32>
      %swap3A_739 = vector.shape_cast %get3A_677 : vector<16xf32> to vector<1x16xf32>
      tpu.vector_store %arg11[%swap3A_735, %swap3A_736], %swap3A_739 {strides = array<i32>} : memref<200x64xf32, #tpu.memory_space<vmem>>, vector<1x16xf32>,
      %swap3A_740 = arith.constant 198 : i32
      %swap3A_741 = arith.index_cast %swap3A_740 : i32 to index
      %swap3A_742 = arith.constant 32 : index
      %swap3A_743 = tpu.vector_load %arg11[%swap3A_741, %swap3A_742] {strides = array<i32>} : memref<200x64xf32, #tpu.memory_space<vmem>>, vector<1x16xf32>,
      %swap3A_744 = vector.shape_cast %swap3A_743 : vector<1x16xf32> to vector<16xf32>
      %swap3A_745 = vector.shape_cast %get3A_681 : vector<16xf32> to vector<1x16xf32>
      tpu.vector_store %arg11[%swap3A_741, %swap3A_742], %swap3A_745 {strides = array<i32>} : memref<200x64xf32, #tpu.memory_space<vmem>>, vector<1x16xf32>,
      %swap3A_746 = arith.constant 198 : i32
      %swap3A_747 = arith.index_cast %swap3A_746 : i32 to index
      %swap3A_748 = arith.constant 48 : index
      %swap3A_749 = tpu.vector_load %arg11[%swap3A_747, %swap3A_748] {strides = array<i32>} : memref<200x64xf32, #tpu.memory_space<vmem>>, vector<1x16xf32>,
      %swap3A_750 = vector.shape_cast %swap3A_749 : vector<1x16xf32> to vector<16xf32>
      %swap3A_751 = vector.shape_cast %get3A_685 : vector<16xf32> to vector<1x16xf32>
      tpu.vector_store %arg11[%swap3A_747, %swap3A_748], %swap3A_751 {strides = array<i32>} : memref<200x64xf32, #tpu.memory_space<vmem>>, vector<1x16xf32>,
      %swap3A_752 = arith.constant 199 : i32
      %swap3A_753 = arith.index_cast %swap3A_752 : i32 to index
      %swap3A_754 = arith.constant 0 : index
      %swap3A_755 = tpu.vector_load %arg11[%swap3A_753, %swap3A_754] {strides = array<i32>} : memref<200x64xf32, #tpu.memory_space<vmem>>, vector<1x16xf32>,
      %swap3A_756 = vector.shape_cast %swap3A_755 : vector<1x16xf32> to vector<16xf32>
      %swap3A_757 = vector.shape_cast %get3A_715 : vector<16xf32> to vector<1x16xf32>
      tpu.vector_store %arg11[%swap3A_753, %swap3A_754], %swap3A_757 {strides = array<i32>} : memref<200x64xf32, #tpu.memory_space<vmem>>, vector<1x16xf32>,
      %swap3A_758 = arith.constant 199 : i32
      %swap3A_759 = arith.index_cast %swap3A_758 : i32 to index
      %swap3A_760 = arith.constant 16 : index
      %swap3A_761 = tpu.vector_load %arg11[%swap3A_759, %swap3A_760] {strides = array<i32>} : memref<200x64xf32, #tpu.memory_space<vmem>>, vector<1x16xf32>,
      %swap3A_762 = vector.shape_cast %swap3A_761 : vector<1x16xf32> to vector<16xf32>
      %swap3A_763 = vector.shape_cast %get3A_719 : vector<16xf32> to vector<1x16xf32>
      tpu.vector_store %arg11[%swap3A_759, %swap3A_760], %swap3A_763 {strides = array<i32>} : memref<200x64xf32, #tpu.memory_space<vmem>>, vector<1x16xf32>,
      %swap3A_764 = arith.constant 199 : i32
      %swap3A_765 = arith.index_cast %swap3A_764 : i32 to index
      %swap3A_766 = arith.constant 32 : index
      %swap3A_767 = tpu.vector_load %arg11[%swap3A_765, %swap3A_766] {strides = array<i32>} : memref<200x64xf32, #tpu.memory_space<vmem>>, vector<1x16xf32>,
      %swap3A_768 = vector.shape_cast %swap3A_767 : vector<1x16xf32> to vector<16xf32>
      %swap3A_769 = vector.shape_cast %get3A_723 : vector<16xf32> to vector<1x16xf32>
      tpu.vector_store %arg11[%swap3A_765, %swap3A_766], %swap3A_769 {strides = array<i32>} : memref<200x64xf32, #tpu.memory_space<vmem>>, vector<1x16xf32>,
      %swap3A_770 = arith.constant 199 : i32
      %swap3A_771 = arith.index_cast %swap3A_770 : i32 to index
      %swap3A_772 = arith.constant 48 : index
      %swap3A_773 = tpu.vector_load %arg11[%swap3A_771, %swap3A_772] {strides = array<i32>} : memref<200x64xf32, #tpu.memory_space<vmem>>, vector<1x16xf32>,
      %swap3A_774 = vector.shape_cast %swap3A_773 : vector<1x16xf32> to vector<16xf32>
      %swap3A_775 = vector.shape_cast %get3A_727 : vector<16xf32> to vector<1x16xf32>
      tpu.vector_store %arg11[%swap3A_771, %swap3A_772], %swap3A_775 {strides = array<i32>} : memref<200x64xf32, #tpu.memory_space<vmem>>, vector<1x16xf32>,
      %dma_start3A_776 = arith.constant 0 : i32
      %dma_start3A_777 = arith.constant 0 : i32
      %dma_start3A_778 = tpu.memref_slice %arg7[%add3A_64, %dma_start3A_776, %dma_start3A_777] : memref<1024x200x64xf32, #tpu.memory_space<hbm>> -> memref<1x200x64xf32, #tpu.memory_space<hbm>>
      %dma_start3A_779 = tpu.memref_squeeze %dma_start3A_778 : memref<1x200x64xf32, #tpu.memory_space<hbm>> -> memref<200x64xf32, #tpu.memory_space<hbm>>
      %dma_start3A_780 = arith.constant 0 : i32
      %dma_start3A_781 = arith.constant 0 : i32
      %dma_start3A_782 = tpu.memref_slice %arg7[%add3A_64, %dma_start3A_780, %dma_start3A_781] : memref<1024x200x64xf32, #tpu.memory_space<hbm>> -> memref<1x200x64xf32, #tpu.memory_space<hbm>>
      %dma_start3A_783 = tpu.memref_squeeze %dma_start3A_782 : memref<1x200x64xf32, #tpu.memory_space<hbm>> -> memref<200x64xf32, #tpu.memory_space<hbm>>
      tpu.enqueue_dma source(%arg11 : memref<200x64xf32, #tpu.memory_space<vmem>>) target(%dma_start3A_783 : memref<200x64xf32, #tpu.memory_space<hbm>>) target_semaphore(%arg13 : memref<!tpu.dma_semaphore, #tpu.memory_space<semaphore_mem>>)
      %scan3A_784 = arith.constant 0 : i32
      scf.yield %scan3A_784 : i32
    }
    %scan3A_10 = arith.constant 32 : i32
    %dma_wait3A = arith.constant 0 : i32
    %dma_wait3A_11 = arith.constant 0 : i32
    %dma_wait3A_12 = arith.constant 0 : i32
    %dma_wait3A_13 = tpu.memref_slice %arg6[%dma_wait3A, %dma_wait3A_11, %dma_wait3A_12] : memref<1024x200x64xf32, #tpu.memory_space<hbm>> -> memref<1x200x64xf32, #tpu.memory_space<hbm>>
    %dma_wait3A_14 = tpu.memref_squeeze %dma_wait3A_13 : memref<1x200x64xf32, #tpu.memory_space<hbm>> -> memref<200x64xf32, #tpu.memory_space<hbm>>
    %dma_wait3A_15 = arith.constant 0 : i32
    %dma_wait3A_16 = arith.constant 0 : i32
    %dma_wait3A_17 = tpu.memref_slice %arg6[%dma_wait3A, %dma_wait3A_15, %dma_wait3A_16] : memref<1024x200x64xf32, #tpu.memory_space<hbm>> -> memref<1x200x64xf32, #tpu.memory_space<hbm>>
    %dma_wait3A_18 = tpu.memref_squeeze %dma_wait3A_17 : memref<1x200x64xf32, #tpu.memory_space<hbm>> -> memref<200x64xf32, #tpu.memory_space<hbm>>
    tpu.wait_dma2 semaphore(%arg12 : memref<!tpu.dma_semaphore, #tpu.memory_space<semaphore_mem>>) src(%arg10 : memref<200x64xf32, #tpu.memory_space<vmem>>) dst(%dma_wait3A_18 : memref<200x64xf32, #tpu.memory_space<hbm>>)
    %dma_wait3A_19 = arith.constant 0 : i32
    %dma_wait3A_20 = arith.constant 0 : i32
    %dma_wait3A_21 = arith.constant 0 : i32
    %dma_wait3A_22 = tpu.memref_slice %arg7[%dma_wait3A_19, %dma_wait3A_20, %dma_wait3A_21] : memref<1024x200x64xf32, #tpu.memory_space<hbm>> -> memref<1x200x64xf32, #tpu.memory_space<hbm>>
    %dma_wait3A_23 = tpu.memref_squeeze %dma_wait3A_22 : memref<1x200x64xf32, #tpu.memory_space<hbm>> -> memref<200x64xf32, #tpu.memory_space<hbm>>
    %dma_wait3A_24 = arith.constant 0 : i32
    %dma_wait3A_25 = arith.constant 0 : i32
    %dma_wait3A_26 = tpu.memref_slice %arg7[%dma_wait3A_19, %dma_wait3A_24, %dma_wait3A_25] : memref<1024x200x64xf32, #tpu.memory_space<hbm>> -> memref<1x200x64xf32, #tpu.memory_space<hbm>>
    %dma_wait3A_27 = tpu.memref_squeeze %dma_wait3A_26 : memref<1x200x64xf32, #tpu.memory_space<hbm>> -> memref<200x64xf32, #tpu.memory_space<hbm>>
    tpu.wait_dma2 semaphore(%arg13 : memref<!tpu.dma_semaphore, #tpu.memory_space<semaphore_mem>>) src(%arg11 : memref<200x64xf32, #tpu.memory_space<vmem>>) dst(%dma_wait3A_27 : memref<200x64xf32, #tpu.memory_space<hbm>>)
    return
  }
}

</mosaic_0001>

<sc_bundles>
// kernel: _sc_embed.3.cloned.1.call-start
scs
__scs_entry_jumppad:
0x0: {  	(pc) =	sbr.rel $0x88, $3  }
0x1: {  	(tag) =	ssettag $0x0;
	lr =	simm.s32 $0x1  }
0x2: {  	[smem:$0x3F9D] =	sst lr;
	_ =	strace $0xD0000000  }
0x3: {  	_ = 	snop  }
0x4: {  	_ = 	snop  }
0x5: {  	_ = 	snop  }
0x6: {  	_ = 	snop  }
0x7: {  	_ = 	snop  }
__scs_overlays_trampoline_lowered:
0x8: {  	[smem:$0x3FAC] =	sst s0  }
0x9: {  	[smem:$0x3FAD] =	sst s1  }
0xa: {  	[smem:$0x3FAE] =	sst s2  }
0xb: {  	[smem:$0x3FAF] =	sst s3  }
0xc: {  	[smem:$0x3FB0] =	sst s4  }
0xd: {  	[smem:$0x3FB1] =	sst s5  }
0xe: {  	[smem:$0x3FB2] =	sst s6  }
0xf: {  	[smem:$0x3FB3] =	sst s7  }
0x10: {  	[smem:$0x3FB4] =	sst s8  }
0x11: {  	[smem:$0x3FB5] =	sst s9;
	s0 =	simm.s32 @!p0 $0x0  }
0x12: {  	s1 =	sld [smem:$0x3F9B];
	s0 =	simm.s32 @p0 $0x1  }
0x13: {  	[smem:$0x3FB6] =	sst s0;
	s0 =	simm.s32 @!p1 $0x0  }
0x14: {  	s2 =	sld [smem:$0x3F9A];
	s0 =	simm.s32 @p1 $0x1  }
0x15: {  	[smem:$0x3FB7] =	sst s0;
	s0 =	simm.s32 @!p2 $0x0  }
0x16: {  	s3 =	sld [smem:$0x3FDB];
	s0 =	simm.s32 @p2 $0x1  }
0x17: {  	s4 =	simm.s32 $0x1BF5;
	[smem:$0x3FB9] =	sst s0  }
0x18: {  	s0 =	sld [smem:$0x3F9C];
	_ =	swait.ge [sflag:s4], $0x0  }
0x19: {  	s7 =	sld [smem:$0x3F9D]  }
0x1a: {  	s8 =	sadd.s32 $0xFFFFE003, lr  }
0x1b: {  	s9 =	sadd.s32 $0xFFFFFEF7, lr;
	s5 =	simm.s32 $0xFFFFFFFF;
	p2 =	slt.u32 s8, $0xFFFFF086  }
0x1c: {  	p1 =	slt.u32 s9, $0xF7A;
	s5 =	simm.s32 @!p2 $0x0  }
0x1d: {  	s5 =	simm.s32 @p1 $0x1;
	p0 =	seq.s32 s7, s2  }
0x1e: {  	s7 =	smul.u32 @!p0 $0xF7A, s2;
	p2 =	seq.s32 @!p0 s5, $0x0  }
0x1f: {  	s9 =	smul.u32 $0xF7A, s1;
	s8 =	simm.s32 @!p0 $0x1BF5;
	p2 =	por !p2, p0  }
0x20: {  	[sflag:s8] =	ssyncset.s32 @!p0 $0xFFFFF086;
	s6 =	sadd.s32 @!p0 s3, s7;
	s7 =	simm.s32 @!p0 $0x108  }
0x21: {  	s3 =	sadd.s32 s3, s9;
	s6 =	sadd.s32 @!p0 $0x88, s6;
	s7 =	simm.s32 @p2 $0x1082  }
0x22: {  	[simem:s7], [sflag:s8] =	dma.local @!p0 [hbm:s6], $0xF7A  }
0x23: {  	s9 =	sor.u32 $0xD0000000, s2;
	s6 =	simm.s32 $0x108;
	_ =	swait.ge @!p0 [sflag:s8], $0x0  }
0x24: {  	s3 =	sadd.s32 $0x88, s3;
	s6 =	simm.s32 @!p1 $0x1082;
	[sflag:s4] =	ssyncset.s32 $0xFFFFF086  }
0x25: {  	[simem:s6], [sflag:s4] =	dma.local [hbm:s3], $0xF7A  }
0x26: {  	[smem:$0x3F9D] =	sst s1;
	(tag) =	ssettag s2;
	_ =	strace s9  }
0x27: {  	s1 =	sld [smem:$0x3FAD]  }
0x28: {  	s2 =	sld [smem:$0x3FAE]  }
0x29: {  	s4 =	sld [smem:$0x3FB0]  }
0x2a: {  	p0 =	seq.s32 s5, $0x0;
	s5 =	sld [smem:$0x3FB1]  }
0x2b: {  	s6 =	sld [smem:$0x3FB2]  }
0x2c: {  	s7 =	sld [smem:$0x3FB3]  }
0x2d: {  	s3 =	simm.s32 $0x108;
	s8 =	sld [smem:$0x3FB4]  }
0x2e: {  	s3 =	simm.s32 @!p0 $0x1082;
	s9 =	sld [smem:$0x3FB5]  }
0x2f: {  	lr =	sadd.s32 s0, s3;
	s0 =	sld [smem:$0x3FAC]  }
0x30: {  	s3 =	sld [smem:$0x3FAF]  }
0x31: {  	[smem:$0x3FB8] =	sst s10  }
0x32: {  	s10 =	sld [smem:$0x3FB6];
	_ =	sdelay $0x3  }
0x33: {  	p0 =	seq.s32 s10, $0x1;
	s10 =	sld [smem:$0x3FB8];
	_ =	sdelay $0x3  }
0x34: {  	[smem:$0x3FB8] =	sst s10  }
0x35: {  	s10 =	sld [smem:$0x3FB7];
	_ =	sdelay $0x3  }
0x36: {  	p1 =	seq.s32 s10, $0x1;
	s10 =	sld [smem:$0x3FB8];
	_ =	sdelay $0x3  }
0x37: {  	[smem:$0x3FB8] =	sst s10  }
0x38: {  	s10 =	sld [smem:$0x3FB9]  }
0x39: {  	_ = 	snop;
	(pc) =	sbr.ind lr, $3  }
0x3a: {  	_ = 	snop  }
0x3b: {  	_ = 	snop  }
0x3c: {  	p2 =	seq.s32 s10, $0x1;
	s10 =	sld [smem:$0x3FB8]  }
0x3d: {  	_ =	shalt  }
0x3e: {  	_ =	shalt  }
0x3f: {  	_ =	shalt  }
0x40: {  	_ =	shalt  }
0x41: {  	_ =	shalt  }
0x42: {  	_ =	shalt  }
0x43: {  	_ =	shalt  }
0x44: {  	_ =	shalt  }
0x45: {  	_ =	shalt  }
0x46: {  	_ =	shalt  }
0x47: {  	_ =	shalt  }
0x48: {  	_ =	shalt  }
0x49: {  	_ =	shalt  }
0x4a: {  	_ =	shalt  }
0x4b: {  	_ =	shalt  }
0x4c: {  	_ =	shalt  }
0x4d: {  	_ =	shalt  }
0x4e: {  	_ =	shalt  }
0x4f: {  	_ =	shalt  }
0x50: {  	_ =	shalt  }
0x51: {  	_ =	shalt  }
0x52: {  	_ =	shalt  }
0x53: {  	_ =	shalt  }
0x54: {  	_ =	shalt  }
0x55: {  	_ =	shalt  }
0x56: {  	_ =	shalt  }
0x57: {  	_ =	shalt  }
0x58: {  	_ =	shalt  }
0x59: {  	_ =	shalt  }
0x5a: {  	_ =	shalt  }
0x5b: {  	_ =	shalt  }
0x5c: {  	_ =	shalt  }
0x5d: {  	_ =	shalt  }
0x5e: {  	_ =	shalt  }
0x5f: {  	_ =	shalt  }
0x60: {  	_ =	shalt  }
0x61: {  	_ =	shalt  }
0x62: {  	_ =	shalt  }
0x63: {  	_ =	shalt  }
0x64: {  	_ =	shalt  }
0x65: {  	_ =	shalt  }
0x66: {  	_ =	shalt  }
0x67: {  	_ =	shalt  }
0x68: {  	_ =	shalt  }
0x69: {  	_ =	shalt  }
0x6a: {  	_ =	shalt  }
0x6b: {  	_ =	shalt  }
0x6c: {  	_ =	shalt  }
0x6d: {  	_ =	shalt  }
0x6e: {  	_ =	shalt  }
0x6f: {  	_ =	shalt  }
0x70: {  	_ =	shalt  }
0x71: {  	_ =	shalt  }
0x72: {  	_ =	shalt  }
0x73: {  	_ =	shalt  }
0x74: {  	_ =	shalt  }
0x75: {  	_ =	shalt  }
0x76: {  	_ =	shalt  }
0x77: {  	_ =	shalt  }
0x78: {  	_ =	shalt  }
0x79: {  	_ =	shalt  }
0x7a: {  	_ =	shalt  }
0x7b: {  	_ =	shalt  }
0x7c: {  	_ =	shalt  }
0x7d: {  	_ =	shalt  }
0x7e: {  	_ =	shalt  }
0x7f: {  	_ =	shalt  }
0x80: {  	_ =	shalt  }
0x81: {  	_ =	shalt  }
0x82: {  	_ =	shalt  }
0x83: {  	_ =	shalt  }
0x84: {  	_ =	shalt  }
0x85: {  	_ =	shalt  }
0x86: {  	_ =	shalt  }
0x87: {  	_ =	shalt  }
.Lfunc_end0:
.L_simem_size_0:
called_computation_lowered:
.L_overlay_start_0:
0x88: {  	s2 =	sld [smem:$0x3FD9]  }
0x89: {  	s3 =	sld [smem:$0x3FFE];
	_ =	sdelay $0x1  }
0x8a: {  	s1 =	srdreg.scid  }
0x8b: {  	s0 =	sand.u32 $0x1, s1  }
0x8c: {  	s14 =	sshll.u32 s0, $0xA;
	s2 =	sadd.s32 s3, s2  }
0x8d: {  	s2 =	sadd.s32 s2, s14  }
0x8e: {  	[smem:$0x3FC4] =	sst s2  }
0x8f: {  	_ = 	snop  }
0x90: {  	s2 =	sld [smem:$0x3FD0];
	_ =	sdelay $0x1  }
0x91: {  	s15 =	sld [smem:$0x3FC9]  }
0x92: {  	s5 =	simm.s32 $0xA;
	s6 =	simm.s32 $0x10;
	s4 =	sld [smem:$0x3FC7]  }
0x93: {  	[smem:s6], [sflag:s5] =	dma.local [hbm:s2], $0x1  }
0x94: {  	_ =	swait.eq [sflag:s5], $0x1  }
0x95: {  	[sflag:s5] =	ssyncset.done $0x0  }
0x96: {  	s16 =	sld [smem:$0x10];
	[sflag:s5] =	ssyncadd.s32 $0xFFFFFFFF  }
0x97: {  	s17 =	sld [smem:$0x11];
	(tm) =	ssettm $0x1  }
0x98: {  	s18 =	sld [smem:$0x3FFB];
	_ =	sdelay $0x3  }
0x99: {  	_ =	strace s18  }
0x9a: {  	s6 =	sld [smem:$0x3FFC];
	_ =	sdelay $0x3  }
0x9b: {  	_ =	strace s6  }
0x9c: {  	s6 =	sld [smem:$0x3FFD];
	_ =	sdelay $0x3  }
0x9d: {  	_ =	strace s6  }
0x9e: {  	_ =	strace $0x8FFFFFFF  }
0x9f: {  	s19 =	sld [smem:$0x3FDB];
	_ =	sdelay $0x1  }
0xa0: {  	s7 =	simm.s32 $_scs_section_size  }
0xa1: {  	s8 =	simm.s32 $_size__tile_overlayer_lowered;
	s9 =	simm.s32 $_tile_overlayer_lowered  }
0xa2: {  	s22 =	simm.s32 $0x1BFF;
	s21 =	sshll.u32 s9, $0x1;
	s6 =	sadd.s32 s7, s19  }
0xa3: {  	s10 =	simm.s32 $0x0;
	s20 =	sshll.u32 s8, $0x1;
	s8 =	sadd.s32 s21, s6  }
0xa4: {  	[timem:s10], [sflag:s22] =	dma.local [hbm:s8], s20  }
0xa5: {  	_ =	swait.ge [sflag:s22], s20  }
0xa6: {  	s7 =	ssub.s32 $0x0, s20;
	[sflag:s22] =	ssyncset.done $0x0  }
0xa7: {  	[sflag:s22] =	ssyncadd.s32 s7;
	_ =	sdelay $0x1  }
0xa8: {  	s23 =	simm.s32 $0x1B8B  }
0xa9: {  	_ =	swait.ge [sflag:s23], $0x1  }
0xaa: {  	[sflag:s23] =	ssyncset.done $0x0  }
0xab: {  	s25 =	simm.s32 $0x1B8E;
	s24 =	sld [smem:$0x3FFE];
	[sflag:s23] =	ssyncadd.s32 $0xFFFFFFFF  }
0xac: {  	s26 =	simm.s32 $execute0_lowered;
	[smem:$0x3FD2] =	sst s25  }
0xad: {  	s8 =	sshll.u32 s26, $0x1;
	_ =	strace $0x80000046;
	[dreg:$0x1] =	wrdreg $0xFFFFFFFF  }
0xae: {  	s28 =	simm.s32 $_size_execute0_lowered;
	s6 =	sadd.s32 s6, s8;
	[dreg:$0x0] =	wrdreg $0x0  }
0xaf: {  	s8 =	sshll.u32 s28, $0x1;
	[dreg:$0x2] =	wrdreg s6  }
0xb0: {  	[dreg:$0x3] =	wrdreg s8  }
0xb1: {  	[dreg:$0x4] =	wrdreg $0xC0  }
0xb2: {  	_ =	task [dreg:s10], $0x5FFFF  }
0xb3: {  	[dreg:$0x1] =	wrdreg $0xFFFFFFFF  }
0xb4: {  	[dreg:$0x0] =	wrdreg $0x60  }
0xb5: {  	[dreg:$0x2] =	wrdreg s15  }
0xb6: {  	[dreg:$0x3] =	wrdreg s16  }
0xb7: {  	[dreg:$0x4] =	wrdreg s4  }
0xb8: {  	[dreg:$0x5] =	wrdreg s17  }
0xb9: {  	[dreg:$0x6] =	wrdreg s24  }
0xba: {  	[dreg:$0x7] =	wrdreg $0x9  }
0xbb: {  	_ =	task.clear_ibuf [dreg:s10], $0x8FFFF;
	_ =	strace $0x90000046  }
0xbc: {  	s29 =	simm.s32 $0x9;
	_ =	strace $0x80000048  }
0xbd: {  	_ =	swait.ge [sflag:s29], $0x1  }
0xbe: {  	[sflag:s29] =	ssyncadd.s32 $0xFFFFFFFF  }
0xbf: {  	_ =	strace $0x90000048  }
0xc0: {  	_ =	sfence  }
0xc1: {  	s30 =	sld [smem:$0x0];
	_ =	sdelay $0x2  }
0xc2: {  	s31 =	sshll.u32 s1, $0xD;
	s1 =	sshrl.u32 s1, $0x2  }
0xc3: {  	s3 =	sand.u32 $0x4000, s31;
	s1 =	sadd.s32 s1, s30  }
0xc4: {  	s0 =	sor.u32 s3, s0;
	s1 =	sshll.u32 s1, $0x11  }
0xc5: {  	s0 =	sor.u32 s1, s0  }
0xc6: {  	s0 =	sadd.s32 $0x8F2B, s0  }
0xc7: {  	[sflag:s0] =	ssyncadd.remote.s32 $0x1  }
0xc8: {  	_ =	sfence.sel $0xFFFF  }
0xc9: {  	[dreg:$0x0] =	wrdreg $0xFFFFFFFF;
	(pc) =	sbr.abs _section_cstart, $3  }
0xca: {  	[dreg:$0x1] =	wrdreg $0xFFFFFFFF  }
0xcb: {  	_ =	task.clear_ibuf [dreg:s10], $0x2FFFF;
	_ =	strace $0x9FFFFFFF  }
0xcc: {  	(tm) =	ssettm $0x7FFFFFFF  }
0xcd: {  	_ =	shalt  }
tec
execute0_lowered:
.L_overlay_start_1:
0x0: {  	(tag) =	ssettag $0x1  }
0x1: {  	s0 =	rddreg [dreg:$0x0]  }
0x2: {  	s3 =	rddreg [dreg:$0x2]  }
0x3: {  	s5 =	rddreg [dreg:$0x3];
	s1 =	srdreg.scid  }
0x4: {  	s2 =	stileid.u32;
	s4 =	rddreg [dreg:$0x4]  }
0x5: {  	s6 =	simm.s32 $0x0;
	s13 =	simm.s32 $0x12D80;
	s14 =	simm.s32 $0x3  }
0x6: {  	s15 =	simm.s32 $0x12C00;
	s16 =	simm.s32 $0x13000;
	s17 =	simm.s32 $0x6400  }
0x7: {  	s18 =	simm.s32 $0xC800;
	s19 =	simm.s32 $0x1;
	s20 =	simm.s32 $0x13380  }
0x8: {  	s21 =	simm.s32 $0x19780;
	s1 =	sand.u32 $0x1, s1;
	s7 =	sshll.u32 s2, $0x1  }
0x9: {  	s22 =	simm.s32 $0x2;
	s23 =	simm.s32 $0x0;
	s11 =	sor.u32 s1, s7  }
0xa: {  	[smem:$0x7FF] =	sst s6;
	s1 =	ssub.s32 $0x2, s1;
	s7 =	smul.u32 $0x1900, s11  }
0xb: {  	s8 =	sadd.s32 $0x800, s4;
	s9 =	sadd.s32 $0x320800, s4;
	s31 =	sshrl.u32 s1, $0x1  }
0xc: {  	v0 =	vlaneseq.u32;
	_ =	strace $0x80000047;
	s1 =	ssub.s32 s1, s31;
	s10 =	sshrl.u32 s7, $0x3  }
0xd: {  	v1 =	vor.u32 $0xC0, v0;
	s11 =	sshll.u32 s11, $0x5;
	s12 =	smax.u32 s1, $0x1;
	s10 =	sadd.s32 s0, s10  }
.LBB2_1:
0xe: {  	s1 =	rddreg [dreg:$0x1]  }
0xf: {  	[tilespmem:s13], [sflag:$0x3] =	stream.linear.gather [hbm4b:s1+s6], $0x180, $0x38;
	[tilespmem:$0x1FB80] =	vst v63  }
0x10: {  	_ =	swait.ge [sflag:s14], $0x180  }
0x11: {  	[sflag:s14] =	ssyncset.done $0x0  }
0x12: {  	[sflag:s14] =	ssyncadd.s32 $0xFFFFFE80  }
0x13: {  	[tilespmem:s15], [sflag:$0x3] =	stream.linear.gather [hbm4b:s3+s6], $0x180, $0x38;
	[tilespmem:$0x1FB80] =	vst v63  }
0x14: {  	_ =	swait.ge [sflag:s14], $0x180  }
0x15: {  	[sflag:s14] =	ssyncset.done $0x0  }
0x16: {  	[sflag:s14] =	ssyncadd.s32 $0xFFFFFE80  }
0x17: {  	[tilespmem:s16], [sflag:$0x3] =	stream.linear.gather [hbm4b:s10+s6], $0x320, $0x38;
	[tilespmem:$0x1FB80] =	vst v63  }
0x18: {  	_ =	swait.ge [sflag:s14], $0x320  }
0x19: {  	[sflag:s14] =	ssyncset.done $0x0  }
0x1a: {  	[sflag:s14] =	ssyncadd.s32 $0xFFFFFCE0  }
0x1b: {  	[tilespmem:s6], [sflag:$0x3] =	stream.linear.gather [hbm4b:s5+s6], $0x6400, $0x38;
	[tilespmem:$0x1FB80] =	vst v63  }
0x1c: {  	_ =	swait.ge [sflag:s14], $0x6400  }
0x1d: {  	[sflag:s14] =	ssyncset.done $0x0  }
0x1e: {  	[sflag:s14] =	ssyncadd.s32 $0xFFFF9C00  }
0x1f: {  	[tilespmem:s17], [sflag:$0x3] =	stream.linear.gather [hbm4b:s5+s6], $0x6400, $0x38;
	[tilespmem:$0x1FB80] =	vst v63  }
0x20: {  	_ =	swait.ge [sflag:s14], $0x6400  }
0x21: {  	[sflag:s14] =	ssyncset.done $0x0  }
0x22: {  	[sflag:s14] =	ssyncadd.s32 $0xFFFF9C00  }
0x23: {  	[tilespmem:s18], [sflag:$0x3] =	stream.linear.gather [hbm4b:s5+s6], $0x6400, $0x38;
	[tilespmem:$0x1FB80] =	vst v63  }
0x24: {  	_ =	swait.ge [sflag:s14], $0x6400  }
0x25: {  	[sflag:s14] =	ssyncset.done $0x0  }
0x26: {  	[sflag:s14] =	ssyncadd.s32 $0xFFFF9C00  }
0x27: {  	s24 =	simm.s32 $0x0;
	v2 =	vld [tilespmem:$0x12D80]  }
0x28: {  	v3 =	vld [tilespmem:s24+$0x0];
	_ =	sdelay $0x4  }
0x29: {  	v2 =	vadd.f32 v2, v3;
	_ =	sdelay $0x1  }
0x2a: {  	[tilespmem:s24+$0x0] =	vst v2;
	v2 =	vld [tilespmem:s24+$0x10]  }
0x2b: {  	v3 =	vld [tilespmem:$0x12D90];
	_ =	sdelay $0x4  }
0x2c: {  	v2 =	vadd.f32 v3, v2;
	_ =	sdelay $0x1  }
0x2d: {  	[tilespmem:s24+$0x10] =	vst v2;
	v2 =	vld [tilespmem:s24+$0x20]  }
0x2e: {  	v3 =	vld [tilespmem:$0x12DA0];
	_ =	sdelay $0x4  }
0x2f: {  	s4 =	simm.s32 $0x80;
	v4 =	vld [tilespmem:$0x12D80];
	v2 =	vadd.f32 v3, v2  }
0x30: {  	v3 =	vld [tilespmem:s4+$0x0]  }
0x31: {  	[tilespmem:s24+$0x20] =	vst v2;
	v2 =	vld [tilespmem:s24+$0x30]  }
0x32: {  	v5 =	vld [tilespmem:$0x12DB0];
	_ =	sdelay $0x2  }
0x33: {  	v3 =	vadd.f32 v4, v3;
	_ =	sdelay $0x1  }
0x34: {  	[tilespmem:s4+$0x0] =	vst v3;
	v3 =	vld [tilespmem:s4+$0x10];
	v2 =	vadd.f32 v5, v2  }
0x35: {  	v4 =	vld [tilespmem:$0x12D90]  }
0x36: {  	v5 =	vld [tilespmem:s24+$0x6400];
	[tilespmem:s24+$0x30] =	vst v2  }
0x37: {  	v2 =	vld [tilespmem:$0x12E00];
	_ =	sdelay $0x2  }
0x38: {  	v3 =	vadd.f32 v4, v3;
	_ =	sdelay $0x1  }
0x39: {  	[tilespmem:s4+$0x10] =	vst v3;
	v3 =	vld [tilespmem:s4+$0x20];
	v2 =	vadd.f32 v2, v5  }
0x3a: {  	v5 =	vld [tilespmem:$0x12DA0]  }
0x3b: {  	v4 =	vld [tilespmem:s24+$0x6410];
	[tilespmem:s24+$0x6400] =	vst v2  }
0x3c: {  	v2 =	vld [tilespmem:$0x12E10];
	_ =	sdelay $0x1  }
0x3d: {  	s25 =	simm.s32 $0x100;
	v6 =	vld [tilespmem:$0x12D80]  }
0x3e: {  	v7 =	vld [tilespmem:s25+$0x0];
	v3 =	vadd.f32 v5, v3;
	_ =	sdelay $0x1  }
0x3f: {  	[tilespmem:s4+$0x20] =	vst v3;
	v3 =	vld [tilespmem:s4+$0x30];
	v2 =	vadd.f32 v2, v4  }
0x40: {  	v4 =	vld [tilespmem:s24+$0x6420]  }
0x41: {  	[tilespmem:s24+$0x6410] =	vst v2;
	v2 =	vld [tilespmem:$0x12DB0]  }
0x42: {  	v5 =	vadd.f32 v6, v7;
	v6 =	vld [tilespmem:$0x12E20];
	_ =	sdelay $0x2  }
0x43: {  	[tilespmem:s25+$0x0] =	vst v5;
	v5 =	vld [tilespmem:s25+$0x10]  }
0x44: {  	v7 =	vld [tilespmem:$0x12D90];
	v2 =	vadd.f32 v2, v3  }
0x45: {  	v3 =	vld [tilespmem:s4+$0x6400];
	v4 =	vadd.f32 v6, v4  }
0x46: {  	v6 =	vld [tilespmem:s24+$0x6430];
	[tilespmem:s4+$0x30] =	vst v2  }
0x47: {  	v2 =	vld [tilespmem:$0x12E00];
	[tilespmem:s24+$0x6420] =	vst v4  }
0x48: {  	v4 =	vld [tilespmem:$0x12E30]  }
0x49: {  	v5 =	vadd.f32 v7, v5;
	_ =	sdelay $0x1  }
0x4a: {  	v7 =	vld [tilespmem:s25+$0x20];
	[tilespmem:s25+$0x10] =	vst v5  }
0x4b: {  	v2 =	vadd.f32 v2, v3;
	v3 =	vld [tilespmem:$0x12DA0]  }
0x4c: {  	v8 =	vld [tilespmem:s4+$0x6410];
	v4 =	vadd.f32 v4, v6  }
0x4d: {  	v9 =	vld [tilespmem:s24+$0xC800];
	[tilespmem:s4+$0x6400] =	vst v2  }
0x4e: {  	v6 =	vld [tilespmem:$0x12E10];
	[tilespmem:s24+$0x6430] =	vst v4  }
0x4f: {  	v4 =	vld [tilespmem:$0x12E80]  }
0x50: {  	v5 =	vld [tilespmem:$0x12D80];
	v3 =	vadd.f32 v3, v7  }
0x51: {  	v2 =	vld [tilespmem:s24+$0xC810]  }
0x52: {  	[tilespmem:s25+$0x20] =	vst v3;
	v3 =	vld [tilespmem:s4+$0x6420]  }
0x53: {  	s26 =	simm.s32 $0x180;
	v7 =	vadd.f32 v6, v8;
	v6 =	vld [tilespmem:s25+$0x30]  }
0x54: {  	v8 =	vld [tilespmem:s26+$0x0];
	v4 =	vadd.f32 v4, v9  }
0x55: {  	[tilespmem:s4+$0x6410] =	vst v7;
	v7 =	vld [tilespmem:$0x12DB0]  }
0x56: {  	s28 =	simm.s32 $0x800;
	[tilespmem:s24+$0xC800] =	vst v4;
	v4 =	vld [tilespmem:$0x12E20]  }
.LBB2_2:
0x57: {  	p0 =	sne.s32 s28, $0x18E00;
	v9 =	vld [tilespmem:$0x12E90];
	s29 =	smov.u32 s25;
	s25 =	smov.u32 s26  }
0x58: {  	v10 =	vld [tilespmem:s24+$0xC820]  }
0x59: {  	v5 =	vadd.f32 v5, v8;
	v8 =	vld [tilespmem:s4+$0x6430]  }
0x5a: {  	v6 =	vadd.f32 v7, v6;
	v7 =	vld [tilespmem:s29+$0x6400]  }
0x5b: {  	[tilespmem:s25+$0x0] =	vst v5;
	v5 =	vld [tilespmem:s25+$0x10];
	v3 =	vadd.f32 v4, v3  }
0x5c: {  	v4 =	vld [tilespmem:$0x12D90];
	[tilespmem:s29+$0x30] =	vst v6;
	v2 =	vadd.f32 v9, v2  }
0x5d: {  	v6 =	vld [tilespmem:$0x12E00];
	[tilespmem:s4+$0x6420] =	vst v3  }
0x5e: {  	v3 =	vld [tilespmem:$0x12E30];
	[tilespmem:s24+$0xC810] =	vst v2  }
0x5f: {  	v2 =	vld [tilespmem:$0x12EA0]  }
0x60: {  	v9 =	vld [tilespmem:s24+$0xC830]  }
0x61: {  	v4 =	vadd.f32 v4, v5;
	v11 =	vld [tilespmem:s4+$0xC800]  }
0x62: {  	v5 =	vadd.f32 v6, v7;
	v6 =	vld [tilespmem:s29+$0x6410]  }
0x63: {  	[tilespmem:s25+$0x10] =	vst v4;
	v4 =	vld [tilespmem:s25+$0x20];
	v3 =	vadd.f32 v3, v8  }
0x64: {  	v7 =	vld [tilespmem:$0x12DA0];
	[tilespmem:s29+$0x6400] =	vst v5;
	v2 =	vadd.f32 v2, v10  }
0x65: {  	v8 =	vld [tilespmem:$0x12E10];
	[tilespmem:s4+$0x6430] =	vst v3  }
0x66: {  	v10 =	vld [tilespmem:$0x12E80];
	[tilespmem:s24+$0xC820] =	vst v2  }
0x67: {  	v12 =	vld [tilespmem:$0x12EB0]  }
0x68: {  	v5 =	vld [tilespmem:$0x12D80]  }
0x69: {  	v4 =	vadd.f32 v7, v4;
	v2 =	vld [tilespmem:s4+$0xC810]  }
.Ltmp0:
0x6a: {  	v7 =	vadd.f32 v8, v6;
	v3 =	vld [tilespmem:s29+$0x6420];
	(pc) =	sbr.rel @p0 .LBB2_2-.Ltmp0, $4  }
0x6b: {  	s26 =	sshra.s32 s28, $0x2;
	[tilespmem:s25+$0x20] =	vst v4;
	v6 =	vld [tilespmem:s25+$0x30];
	v4 =	vadd.f32 v10, v11  }
0x6c: {  	v8 =	vld [tilespmem:s26+$0x0];
	[tilespmem:s29+$0x6410] =	vst v7;
	v9 =	vadd.f32 v12, v9  }
0x6d: {  	v7 =	vld [tilespmem:$0x12DB0];
	[tilespmem:s4+$0xC800] =	vst v4  }
0x6e: {  	s28 =	sadd.s32 $0x200, s28;
	v4 =	vld [tilespmem:$0x12E20];
	[tilespmem:s24+$0xC830] =	vst v9;
	s24 =	smov.u32 s4;
	s4 =	smov.u32 s29  }
0x6f: {  	_ =	sdelay $0x1  }
0x70: {  	v5 =	vadd.f32 v5, v8;
	_ =	sdelay $0x1  }
0x71: {  	v35 =	vld [tilespmem:s26+$0x10];
	[tilespmem:s26+$0x0] =	vst v5  }
0x72: {  	v36 =	vld [tilespmem:$0x12D90];
	_ =	sdelay $0x4  }
0x73: {  	v5 =	vadd.f32 v36, v35;
	_ =	sdelay $0x1  }
0x74: {  	v37 =	vld [tilespmem:s26+$0x20];
	[tilespmem:s26+$0x10] =	vst v5  }
0x75: {  	v38 =	vld [tilespmem:$0x12DA0];
	_ =	sdelay $0x4  }
0x76: {  	v5 =	vadd.f32 v38, v37;
	_ =	sdelay $0x1  }
0x77: {  	v39 =	vld [tilespmem:s26+$0x30];
	[tilespmem:s26+$0x20] =	vst v5  }
0x78: {  	v40 =	vld [tilespmem:$0x12DB0];
	_ =	sdelay $0x3  }
0x79: {  	v6 =	vadd.f32 v7, v6  }
0x7a: {  	v41 =	vld [tilespmem:s25+$0x6400];
	v5 =	vadd.f32 v40, v39  }
0x7b: {  	v42 =	vld [tilespmem:s26+$0x6400];
	[tilespmem:s25+$0x30] =	vst v6  }
0x7c: {  	v43 =	vld [tilespmem:$0x12E00];
	[tilespmem:s26+$0x30] =	vst v5  }
0x7d: {  	v5 =	vld [tilespmem:$0x12E00];
	_ =	sdelay $0x3  }
0x7e: {  	v7 =	vadd.f32 v43, v41  }
0x7f: {  	v44 =	vld [tilespmem:s25+$0x6410];
	v5 =	vadd.f32 v5, v42  }
0x80: {  	v45 =	vld [tilespmem:s26+$0x6410];
	[tilespmem:s25+$0x6400] =	vst v7  }
0x81: {  	v7 =	vld [tilespmem:$0x12E10];
	[tilespmem:s26+$0x6400] =	vst v5  }
0x82: {  	v5 =	vld [tilespmem:$0x12E10];
	_ =	sdelay $0x3  }
0x83: {  	v7 =	vadd.f32 v7, v44  }
0x84: {  	v46 =	vld [tilespmem:s25+$0x6420];
	v5 =	vadd.f32 v5, v45  }
0x85: {  	v47 =	vld [tilespmem:s26+$0x6420];
	[tilespmem:s25+$0x6410] =	vst v7  }
0x86: {  	v7 =	vld [tilespmem:$0x12E20];
	[tilespmem:s26+$0x6410] =	vst v5  }
0x87: {  	v5 =	vld [tilespmem:$0x12E20];
	_ =	sdelay $0x2  }
0x88: {  	v48 =	vld [tilespmem:s4+$0x6430];
	v3 =	vadd.f32 v4, v3  }
0x89: {  	v49 =	vld [tilespmem:s25+$0x6430];
	v7 =	vadd.f32 v7, v46  }
0x8a: {  	v50 =	vld [tilespmem:s26+$0x6430];
	[tilespmem:s4+$0x6420] =	vst v3;
	v5 =	vadd.f32 v5, v47  }
0x8b: {  	v3 =	vld [tilespmem:$0x12E30];
	[tilespmem:s25+$0x6420] =	vst v7  }
0x8c: {  	v7 =	vld [tilespmem:$0x12E30];
	[tilespmem:s26+$0x6420] =	vst v5  }
0x8d: {  	v5 =	vld [tilespmem:$0x12E30];
	_ =	sdelay $0x2  }
0x8e: {  	v51 =	vld [tilespmem:s4+$0xC800];
	v3 =	vadd.f32 v3, v48  }
0x8f: {  	v52 =	vld [tilespmem:s25+$0xC800];
	v7 =	vadd.f32 v7, v49  }
0x90: {  	v53 =	vld [tilespmem:s26+$0xC800];
	[tilespmem:s4+$0x6430] =	vst v3;
	v5 =	vadd.f32 v5, v50  }
0x91: {  	v3 =	vld [tilespmem:$0x12E80];
	[tilespmem:s25+$0x6430] =	vst v7  }
0x92: {  	v7 =	vld [tilespmem:$0x12E80];
	[tilespmem:s26+$0x6430] =	vst v5  }
0x93: {  	v5 =	vld [tilespmem:$0x12E80];
	_ =	sdelay $0x1  }
0x94: {  	v54 =	vld [tilespmem:s4+$0xC810]  }
0x95: {  	v9 =	vld [tilespmem:$0x12E90];
	v3 =	vadd.f32 v3, v51  }
0x96: {  	v55 =	vld [tilespmem:s25+$0xC810];
	v7 =	vadd.f32 v7, v52  }
0x97: {  	v56 =	vld [tilespmem:s26+$0xC810];
	[tilespmem:s4+$0xC800] =	vst v3;
	v5 =	vadd.f32 v5, v53  }
0x98: {  	v3 =	vld [tilespmem:$0x12E90];
	[tilespmem:s25+$0xC800] =	vst v7  }
0x99: {  	v7 =	vld [tilespmem:$0x12E90];
	[tilespmem:s26+$0xC800] =	vst v5  }
0x9a: {  	v5 =	vld [tilespmem:$0x12E90]  }
0x9b: {  	v57 =	vld [tilespmem:s24+$0xC820];
	v2 =	vadd.f32 v9, v2  }
0x9c: {  	v59 =	vld [tilespmem:s25+$0xC820]  }
0x9d: {  	v60 =	vld [tilespmem:s26+$0xC820];
	[tilespmem:s24+$0xC810] =	vst v2;
	v3 =	vadd.f32 v3, v54  }
0x9e: {  	v58 =	vld [tilespmem:$0x12EA0];
	v7 =	vadd.f32 v7, v55  }
0x9f: {  	v2 =	vld [tilespmem:s4+$0xC820];
	[tilespmem:s4+$0xC810] =	vst v3;
	v5 =	vadd.f32 v5, v56  }
0xa0: {  	v3 =	vld [tilespmem:$0x12EA0];
	[tilespmem:s25+$0xC810] =	vst v7  }
0xa1: {  	v7 =	vld [tilespmem:$0x12EA0];
	[tilespmem:s26+$0xC810] =	vst v5  }
0xa2: {  	v5 =	vld [tilespmem:$0x12EA0]  }
0xa3: {  	v61 =	vld [tilespmem:s24+$0xC830];
	v4 =	vadd.f32 v58, v57  }
0xa4: {  	v62 =	vld [tilespmem:s25+$0xC830]  }
0xa5: {  	v63 =	vld [tilespmem:s26+$0xC830];
	[tilespmem:s24+$0xC820] =	vst v4;
	v2 =	vadd.f32 v3, v2  }
0xa6: {  	v4 =	vld [tilespmem:$0x12EB0];
	v7 =	vadd.f32 v7, v59  }
0xa7: {  	v3 =	vld [tilespmem:s4+$0xC830];
	[tilespmem:s4+$0xC820] =	vst v2;
	v5 =	vadd.f32 v5, v60  }
0xa8: {  	v2 =	vld [tilespmem:$0x12EB0];
	[tilespmem:s25+$0xC820] =	vst v7  }
0xa9: {  	v7 =	vld [tilespmem:$0x12EB0];
	[tilespmem:s26+$0xC820] =	vst v5  }
0xaa: {  	v5 =	vld [tilespmem:$0x12EB0];
	_ =	sdelay $0x1  }
0xab: {  	v4 =	vadd.f32 v4, v61  }
0xac: {  	v2 =	vadd.f32 v2, v3  }
0xad: {  	[tilespmem:s24+$0xC830] =	vst v4;
	v3 =	vadd.f32 v7, v62  }
0xae: {  	[tilespmem:s4+$0xC830] =	vst v2;
	v2 =	vadd.f32 v5, v63  }
0xaf: {  	[tilespmem:s25+$0xC830] =	vst v3  }
0xb0: {  	s24 =	simm.s32 $0x0;
	[tilespmem:s26+$0xC830] =	vst v2  }
.LBB2_4:
0xb1: {  	s1 =	sand.u32 $0x3, s24;
	p0 =	seq.s32 s24, $0x0  }
0xb2: {  	p1 =	sne.s32 @!p0 s1, $0x0  }
0xb3: {  	p1 =	por p0, p1  }
.Ltmp1:
0xb4: {  	_ = 	snop;
	(pc) =	sbr.rel @p1 .LBB2_6-.Ltmp1, $1  }
0xb5: {  	_ =	sdelay $0x3  }
0xb6: {  	s1 =	sshrl.u32 s24, $0x2  }
0xb7: {  	s1 =	smul.u32 $0x320, s1;
	_ =	sdelay $0x1  }
0xb8: {  	s1 =	sadd.s32 s7, s1  }
0xb9: {  	s1 =	sshrl.u32 s1, $0x3  }
.Ltmp2:
0xba: {  	s25 =	simm.s32 $0x0;
	s1 =	sadd.s32 s0, s1;
	(pc) =	sbr.rel .LBB2_7-.Ltmp2, $4  }
0xbb: {  	[tilespmem:s16], [sflag:$0x3] =	stream.linear.gather [hbm4b:s1+s25], $0x320, $0x38;
	[tilespmem:$0x1FB80] =	vst v63  }
0xbc: {  	_ =	swait.ge [sflag:s14], $0x320  }
0xbd: {  	[sflag:s14] =	ssyncset.done $0x0  }
0xbe: {  	s26 =	sadd.s32 s11, s24;
	[sflag:s14] =	ssyncadd.s32 $0xFFFFFCE0  }
.LBB2_6:
.Ltmp3:
0xbf: {  	(pc) =	sbr.rel @p0 .LBB2_8-.Ltmp3, $2  }
0xc0: {  	_ =	sdelay $0x2  }
0xc1: {  	s25 =	smul.u32 $0xC8, s1;
	s26 =	sadd.s32 s11, s24  }
.LBB2_7:
0xc2: {  	_ =	swait.ge [sflag:s19], $0x6400  }
0xc3: {  	[sflag:s19] =	ssyncset.done $0x0  }
0xc4: {  	[sflag:s19] =	ssyncadd.s32 $0xFFFF9C00  }
.LBB2_8:
0xc5: {  	_ = 	snop  }
0xc6: {  	s4 =	sor.u32 $0x13000, s25  }
0xc7: {  	v2 =	vld [tilespmem:s4+$0x0];
	_ =	sdelay $0x4  }
0xc8: {  	v2 =	vmul.u32 $0xC8, v2  }
0xc9: {  	s1 =	simm.s32 $0x0  }
0xca: {  	v2 =	vadd.s32 s1, v2  }
0xcb: {  	v2 =	vadd.s32 v0, v2  }
0xcc: {  	v2 =	vshll.u32 v2, $0x9  }
0xcd: {  	v2 =	vshra.s32 v2, $0x2  }
0xce: {  	(v2sf) =	vpush v2, $0x1;
	_ =	sdelay $0x1  }
0xcf: {  	(v2sf) =	vpush v2, $0x0;
	_ =	sdelay $0x8  }
0xd0: {  	(v2sf) =	vpush v2, $0x2;
	_ =	sdelay $0x3  }
0xd1: {  	s2 =	spop (v2sf)  }
0xd2: {  	(v2sf) =	vpush v2, $0x3;
	v3 =	vld [tilespmem:s2+$0x0]  }
0xd3: {  	v4 =	vld [tilespmem:s2+$0x10];
	s28 =	spop (v2sf)  }
0xd4: {  	v6 =	vld [tilespmem:s28+$0x0]  }
0xd5: {  	v7 =	vld [tilespmem:s28+$0x10]  }
0xd6: {  	v8 =	vld [tilespmem:s28+$0x20]  }
0xd7: {  	v9 =	vld [tilespmem:s28+$0x30]  }
0xd8: {  	s29 =	simm.s32 $0x13780;
	v5 =	vld [tilespmem:s2+$0x20]  }
0xd9: {  	v10 =	vld [tilespmem:s2+$0x30];
	[tilespmem:s29+$0xFFFFFC00] =	vst v6  }
0xda: {  	(v2sf) =	vpush v2, $0x4;
	[tilespmem:s29+$0xFFFFFC10] =	vst v7  }
0xdb: {  	[tilespmem:s29+$0xFFFFFC20] =	vst v8  }
0xdc: {  	s2 =	spop (v2sf);
	[tilespmem:s29+$0xFFFFFC30] =	vst v9  }
0xdd: {  	v6 =	vld [tilespmem:s2+$0x0]  }
0xde: {  	v7 =	vld [tilespmem:s2+$0x10]  }
0xdf: {  	v8 =	vld [tilespmem:s2+$0x20]  }
0xe0: {  	v9 =	vld [tilespmem:s2+$0x30];
	[tilespmem:s29+$0xFFFFFC80] =	vst v3  }
0xe1: {  	[tilespmem:s29+$0xFFFFFC90] =	vst v4;
	s2 =	spop (v2sf);
	(v2sf) =	vpush v2, $0x5  }
0xe2: {  	[tilespmem:s29+$0xFFFFFCA0] =	vst v5  }
0xe3: {  	[tilespmem:s29+$0xFFFFFCB0] =	vst v10  }
0xe4: {  	v10 =	vld [tilespmem:s2+$0x0]  }
0xe5: {  	v11 =	vld [tilespmem:s2+$0x10]  }
0xe6: {  	v12 =	vld [tilespmem:s2+$0x20]  }
0xe7: {  	v13 =	vld [tilespmem:s2+$0x30];
	[tilespmem:s29+$0xFFFFFD00] =	vst v6  }
0xe8: {  	[tilespmem:s29+$0xFFFFFD10] =	vst v7  }
0xe9: {  	[tilespmem:s29+$0xFFFFFD20] =	vst v8;
	s2 =	spop (v2sf);
	(v2sf) =	vpush v2, $0x6  }
0xea: {  	[tilespmem:s29+$0xFFFFFD30] =	vst v9  }
0xeb: {  	v3 =	vld [tilespmem:s2+$0x0]  }
0xec: {  	v4 =	vld [tilespmem:s2+$0x10]  }
0xed: {  	v5 =	vld [tilespmem:s2+$0x20]  }
0xee: {  	v6 =	vld [tilespmem:s2+$0x30];
	[tilespmem:s29+$0xFFFFFD80] =	vst v10  }
0xef: {  	[tilespmem:s29+$0xFFFFFD90] =	vst v11  }
0xf0: {  	[tilespmem:s29+$0xFFFFFDA0] =	vst v12;
	s1 =	spop (v2sf);
	(v2sf) =	vpush v2, $0x7  }
0xf1: {  	[tilespmem:s29+$0xFFFFFDB0] =	vst v13  }
0xf2: {  	s31 =	simm.s32 $0x10;
	s30 =	simm.s32 $0x13780;
	s28 =	smov.u32 s4;
	v7 =	vld [tilespmem:s1+$0x0]  }
.LBB2_9:
0xf3: {  	p1 =	sne.s32 s31, $0xB0;
	v8 =	vld [tilespmem:s1+$0x10]  }
0xf4: {  	v9 =	vld [tilespmem:s1+$0x20]  }
0xf5: {  	v10 =	vld [tilespmem:s1+$0x30];
	[tilespmem:s29+$0xFFFFFE00] =	vst v3  }
0xf6: {  	[tilespmem:s29+$0xFFFFFE10] =	vst v4  }
0xf7: {  	[tilespmem:s29+$0xFFFFFE20] =	vst v5;
	(v2sf) =	vpush v2, $0x8  }
0xf8: {  	[tilespmem:s29+$0xFFFFFE30] =	vst v6;
	s1 =	spop (v2sf)  }
0xf9: {  	v3 =	vld [tilespmem:s1+$0x0]  }
0xfa: {  	v4 =	vld [tilespmem:s1+$0x10]  }
0xfb: {  	v5 =	vld [tilespmem:s1+$0x20]  }
0xfc: {  	v6 =	vld [tilespmem:s1+$0x30];
	[tilespmem:s29+$0xFFFFFE80] =	vst v7  }
0xfd: {  	[tilespmem:s29+$0xFFFFFE90] =	vst v8  }
0xfe: {  	s28 =	sadd.s32 $0x10, s28;
	[tilespmem:s29+$0xFFFFFEA0] =	vst v9;
	(v2sf) =	vpush v2, $0x9  }
0xff: {  	v7 =	vld [tilespmem:s28+$0x0];
	[tilespmem:s29+$0xFFFFFEB0] =	vst v10;
	s1 =	spop (v2sf)  }
0x100: {  	v8 =	vld [tilespmem:s1+$0x0]  }
0x101: {  	v9 =	vld [tilespmem:s1+$0x10]  }
0x102: {  	v10 =	vld [tilespmem:s1+$0x20]  }
0x103: {  	v11 =	vld [tilespmem:s1+$0x30];
	[tilespmem:s29+$0xFFFFFF00] =	vst v3  }
0x104: {  	v3 =	vmul.u32 $0xC8, v7;
	[tilespmem:s29+$0xFFFFFF10] =	vst v4  }
0x105: {  	[tilespmem:s29+$0xFFFFFF20] =	vst v5;
	(v2sf) =	vpush v2, $0xA  }
0x106: {  	v3 =	vadd.s32 s31, v3;
	[tilespmem:s29+$0xFFFFFF30] =	vst v6;
	s1 =	spop (v2sf)  }
0x107: {  	v3 =	vadd.s32 v0, v3;
	v4 =	vld [tilespmem:s1+$0x0]  }
0x108: {  	v3 =	vshll.u32 v3, $0x9;
	v5 =	vld [tilespmem:s1+$0x10]  }
0x109: {  	v3 =	vshra.s32 v3, $0x2;
	v6 =	vld [tilespmem:s1+$0x20]  }
0x10a: {  	(v2sf) =	vpush v3, $0x1;
	v7 =	vld [tilespmem:s1+$0x30];
	[tilespmem:s29+$0xFFFFFF80] =	vst v8  }
0x10b: {  	[tilespmem:s29+$0xFFFFFF90] =	vst v9  }
0x10c: {  	[tilespmem:s29+$0xFFFFFFA0] =	vst v10;
	(v2sf) =	vpush v2, $0xB  }
0x10d: {  	[tilespmem:s29+$0xFFFFFFB0] =	vst v11;
	s1 =	spop (v2sf)  }
0x10e: {  	v8 =	vld [tilespmem:s1+$0x0]  }
0x10f: {  	v9 =	vld [tilespmem:s1+$0x10]  }
0x110: {  	v10 =	vld [tilespmem:s1+$0x20]  }
0x111: {  	v11 =	vld [tilespmem:s1+$0x30];
	[tilespmem:s29+$0x0] =	vst v4  }
0x112: {  	(v2sf) =	vpush v3, $0x0;
	[tilespmem:s29+$0x10] =	vst v5  }
0x113: {  	[tilespmem:s29+$0x20] =	vst v6;
	(v2sf) =	vpush v2, $0xC  }
0x114: {  	[tilespmem:s29+$0x30] =	vst v7;
	s1 =	spop (v2sf)  }
0x115: {  	v4 =	vld [tilespmem:s1+$0x0]  }
0x116: {  	v5 =	vld [tilespmem:s1+$0x10]  }
0x117: {  	v6 =	vld [tilespmem:s1+$0x20]  }
0x118: {  	v7 =	vld [tilespmem:s1+$0x30];
	[tilespmem:s29+$0x80] =	vst v8  }
0x119: {  	s1 =	spop (v2sf);
	[tilespmem:s29+$0x90] =	vst v9  }
0x11a: {  	v8 =	vld [tilespmem:s1+$0x0];
	[tilespmem:s29+$0xA0] =	vst v10;
	(v2sf) =	vpush v2, $0xD  }
0x11b: {  	v9 =	vld [tilespmem:s1+$0x10];
	[tilespmem:s29+$0xB0] =	vst v11;
	s2 =	spop (v2sf)  }
0x11c: {  	v10 =	vld [tilespmem:s2+$0x0]  }
0x11d: {  	v11 =	vld [tilespmem:s2+$0x10]  }
0x11e: {  	v12 =	vld [tilespmem:s2+$0x20]  }
0x11f: {  	v13 =	vld [tilespmem:s2+$0x30];
	[tilespmem:s29+$0x100] =	vst v4  }
0x120: {  	v4 =	vld [tilespmem:s1+$0x20];
	[tilespmem:s29+$0x110] =	vst v5  }
0x121: {  	v5 =	vld [tilespmem:s1+$0x30];
	s1 =	spop (v2sf);
	[tilespmem:s29+$0x120] =	vst v6;
	(v2sf) =	vpush v2, $0xE  }
0x122: {  	v6 =	vld [tilespmem:s1+$0x0];
	[tilespmem:s29+$0x130] =	vst v7;
	s2 =	spop (v2sf)  }
0x123: {  	v7 =	vld [tilespmem:s2+$0x0]  }
0x124: {  	v14 =	vld [tilespmem:s2+$0x10]  }
0x125: {  	(v2sf) =	vpush v3, $0x2;
	v15 =	vld [tilespmem:s2+$0x20]  }
0x126: {  	v16 =	vld [tilespmem:s2+$0x30];
	[tilespmem:s29+$0x180] =	vst v10  }
0x127: {  	v10 =	vld [tilespmem:s1+$0x10];
	[tilespmem:s29+$0x190] =	vst v11  }
0x128: {  	v11 =	vld [tilespmem:s1+$0x20];
	[tilespmem:s29+$0x1A0] =	vst v12;
	(v2sf) =	vpush v2, $0xF;
	v2 =	vmov v3  }
0x129: {  	v3 =	vld [tilespmem:s1+$0x30];
	[tilespmem:s29+$0x1B0] =	vst v13;
	s1 =	spop (v2sf)  }
0x12a: {  	v12 =	vld [tilespmem:s1+$0x0]  }
0x12b: {  	s29 =	sadd.s32 $0x800, s29;
	v13 =	vld [tilespmem:s1+$0x10]  }
0x12c: {  	[tilespmem:s29+$0xFFFFFC00] =	vst v6;
	v6 =	vld [tilespmem:s1+$0x20]  }
0x12d: {  	v17 =	vld [tilespmem:s1+$0x30];
	[tilespmem:s30+$0x200] =	vst v7  }
0x12e: {  	(v2sf) =	vpush v2, $0x3;
	[tilespmem:s30+$0x210] =	vst v14  }
0x12f: {  	[tilespmem:s30+$0x220] =	vst v15  }
0x130: {  	[tilespmem:s30+$0x230] =	vst v16;
	s1 =	spop (v2sf)  }
0x131: {  	[tilespmem:s29+$0xFFFFFC10] =	vst v10;
	v7 =	vld [tilespmem:s1+$0x0]  }
0x132: {  	[tilespmem:s29+$0xFFFFFC20] =	vst v11;
	v10 =	vld [tilespmem:s1+$0x10]  }
0x133: {  	[tilespmem:s29+$0xFFFFFC30] =	vst v3;
	v11 =	vld [tilespmem:s1+$0x20]  }
0x134: {  	s2 =	spop (v2sf);
	v14 =	vld [tilespmem:s1+$0x30];
	[tilespmem:s30+$0x280] =	vst v12  }
0x135: {  	v3 =	vld [tilespmem:s2+$0x0];
	(v2sf) =	vpush v2, $0x4;
	[tilespmem:s30+$0x290] =	vst v13  }
0x136: {  	v12 =	vld [tilespmem:s2+$0x10];
	[tilespmem:s30+$0x2A0] =	vst v6  }
0x137: {  	v6 =	vld [tilespmem:s2+$0x20];
	[tilespmem:s30+$0x2B0] =	vst v17;
	s1 =	spop (v2sf)  }
0x138: {  	v13 =	vld [tilespmem:s1+$0x30]  }
0x139: {  	v15 =	vld [tilespmem:s2+$0x30];
	[tilespmem:s29+$0xFFFFFC80] =	vst v8  }
0x13a: {  	[tilespmem:s29+$0xFFFFFC90] =	vst v9  }
0x13b: {  	[tilespmem:s29+$0xFFFFFCA0] =	vst v4;
	v4 =	vld [tilespmem:s1+$0x0]  }
0x13c: {  	[tilespmem:s29+$0xFFFFFCB0] =	vst v5;
	(v2sf) =	vpush v2, $0x5;
	v5 =	vld [tilespmem:s1+$0x10]  }
0x13d: {  	s2 =	spop (v2sf);
	v8 =	vld [tilespmem:s1+$0x20];
	[tilespmem:s30+$0x3B0] =	vst v13  }
0x13e: {  	v9 =	vld [tilespmem:s2+$0x0];
	[tilespmem:s30+$0x300] =	vst v7  }
0x13f: {  	v7 =	vld [tilespmem:s2+$0x10];
	[tilespmem:s30+$0x310] =	vst v10  }
0x140: {  	v10 =	vld [tilespmem:s2+$0x20];
	[tilespmem:s30+$0x380] =	vst v4  }
0x141: {  	v13 =	vld [tilespmem:s2+$0x30];
	[tilespmem:s29+$0xFFFFFD00] =	vst v3  }
0x142: {  	[tilespmem:s29+$0xFFFFFD10] =	vst v12  }
0x143: {  	[tilespmem:s29+$0xFFFFFD20] =	vst v6;
	(v2sf) =	vpush v2, $0x6  }
0x144: {  	[tilespmem:s29+$0xFFFFFD30] =	vst v15;
	s1 =	spop (v2sf)  }
0x145: {  	v3 =	vld [tilespmem:s1+$0x0];
	[tilespmem:s30+$0x390] =	vst v5  }
0x146: {  	v4 =	vld [tilespmem:s1+$0x10];
	[tilespmem:s30+$0x3A0] =	vst v8  }
0x147: {  	v5 =	vld [tilespmem:s1+$0x20];
	[tilespmem:s30+$0x320] =	vst v11  }
.Ltmp4:
0x148: {  	v6 =	vld [tilespmem:s1+$0x30];
	[tilespmem:s29+$0xFFFFFD80] =	vst v9;
	(pc) =	sbr.rel @p1 .LBB2_9-.Ltmp4, $4  }
0x149: {  	[tilespmem:s29+$0xFFFFFD90] =	vst v7  }
0x14a: {  	[tilespmem:s29+$0xFFFFFDA0] =	vst v10;
	(v2sf) =	vpush v2, $0x7  }
0x14b: {  	[tilespmem:s29+$0xFFFFFDB0] =	vst v13;
	s1 =	spop (v2sf)  }
0x14c: {  	s31 =	sadd.s32 $0x10, s31;
	v7 =	vld [tilespmem:s1+$0x0];
	[tilespmem:s30+$0x330] =	vst v14;
	s30 =	smov.u32 s29  }
0x14d: {  	_ =	sdelay $0x3  }
0x14e: {  	v8 =	vld [tilespmem:s1+$0x10]  }
0x14f: {  	v9 =	vld [tilespmem:s1+$0x20];
	s31 =	spop (v2sf);
	(v2sf) =	vpush v2, $0x8  }
0x150: {  	v10 =	vld [tilespmem:s1+$0x30];
	[tilespmem:s29+$0xFFFFFE00] =	vst v3  }
0x151: {  	[tilespmem:s29+$0xFFFFFE10] =	vst v4  }
0x152: {  	[tilespmem:s29+$0xFFFFFE20] =	vst v5  }
0x153: {  	[tilespmem:s29+$0xFFFFFE30] =	vst v6  }
0x154: {  	v3 =	vld [tilespmem:s31+$0x0]  }
0x155: {  	v4 =	vld [tilespmem:s31+$0x10]  }
0x156: {  	v5 =	vld [tilespmem:s31+$0x20];
	(v2sf) =	vpush v2, $0x9  }
0x157: {  	v6 =	vld [tilespmem:s31+$0x30];
	[tilespmem:s29+$0xFFFFFE80] =	vst v7  }
0x158: {  	[tilespmem:s29+$0xFFFFFE90] =	vst v8  }
0x159: {  	[tilespmem:s29+$0xFFFFFEA0] =	vst v9  }
0x15a: {  	[tilespmem:s29+$0xFFFFFEB0] =	vst v10;
	s2 =	spop (v2sf)  }
0x15b: {  	v7 =	vld [tilespmem:s2+$0x0]  }
0x15c: {  	v8 =	vld [tilespmem:s2+$0x10]  }
0x15d: {  	v9 =	vld [tilespmem:s2+$0x20]  }
0x15e: {  	v10 =	vld [tilespmem:s2+$0x30];
	[tilespmem:s29+$0xFFFFFF00] =	vst v3;
	s31 =	spop (v2sf);
	(v2sf) =	vpush v2, $0xA  }
0x15f: {  	[tilespmem:s29+$0xFFFFFF10] =	vst v4  }
0x160: {  	[tilespmem:s29+$0xFFFFFF20] =	vst v5  }
0x161: {  	[tilespmem:s29+$0xFFFFFF30] =	vst v6  }
0x162: {  	v3 =	vld [tilespmem:s31+$0x0]  }
0x163: {  	v4 =	vld [tilespmem:s31+$0x10]  }
0x164: {  	v5 =	vld [tilespmem:s31+$0x20]  }
0x165: {  	v6 =	vld [tilespmem:s31+$0x30];
	[tilespmem:s29+$0xFFFFFF80] =	vst v7;
	s2 =	spop (v2sf);
	(v2sf) =	vpush v2, $0xB  }
0x166: {  	[tilespmem:s29+$0xFFFFFF90] =	vst v8  }
0x167: {  	[tilespmem:s29+$0xFFFFFFA0] =	vst v9  }
0x168: {  	[tilespmem:s29+$0xFFFFFFB0] =	vst v10  }
0x169: {  	v7 =	vld [tilespmem:s2+$0x0]  }
0x16a: {  	v8 =	vld [tilespmem:s2+$0x10]  }
0x16b: {  	v9 =	vld [tilespmem:s2+$0x20]  }
0x16c: {  	v10 =	vld [tilespmem:s2+$0x30];
	[tilespmem:s29+$0x0] =	vst v3  }
0x16d: {  	[tilespmem:s29+$0x10] =	vst v4;
	s31 =	spop (v2sf);
	(v2sf) =	vpush v2, $0xC  }
0x16e: {  	[tilespmem:s29+$0x20] =	vst v5  }
0x16f: {  	[tilespmem:s29+$0x30] =	vst v6  }
0x170: {  	v3 =	vld [tilespmem:s31+$0x0]  }
0x171: {  	v4 =	vld [tilespmem:s31+$0x10]  }
0x172: {  	v5 =	vld [tilespmem:s31+$0x20]  }
0x173: {  	v6 =	vld [tilespmem:s31+$0x30];
	[tilespmem:s29+$0x80] =	vst v7  }
0x174: {  	[tilespmem:s29+$0x90] =	vst v8;
	s2 =	spop (v2sf);
	(v2sf) =	vpush v2, $0xD  }
0x175: {  	[tilespmem:s29+$0xA0] =	vst v9  }
0x176: {  	[tilespmem:s29+$0xB0] =	vst v10  }
0x177: {  	v7 =	vld [tilespmem:s2+$0x0]  }
0x178: {  	v8 =	vld [tilespmem:s2+$0x10]  }
0x179: {  	v9 =	vld [tilespmem:s2+$0x20]  }
0x17a: {  	v10 =	vld [tilespmem:s2+$0x30];
	[tilespmem:s29+$0x100] =	vst v3  }
0x17b: {  	[tilespmem:s29+$0x110] =	vst v4  }
0x17c: {  	[tilespmem:s29+$0x120] =	vst v5;
	s31 =	spop (v2sf);
	(v2sf) =	vpush v2, $0xE  }
0x17d: {  	[tilespmem:s29+$0x130] =	vst v6  }
0x17e: {  	v3 =	vld [tilespmem:s31+$0x0]  }
0x17f: {  	v4 =	vld [tilespmem:s31+$0x10]  }
0x180: {  	v5 =	vld [tilespmem:s31+$0x20]  }
0x181: {  	v6 =	vld [tilespmem:s31+$0x30];
	[tilespmem:s29+$0x180] =	vst v7  }
0x182: {  	[tilespmem:s29+$0x190] =	vst v8  }
0x183: {  	[tilespmem:s29+$0x1A0] =	vst v9;
	s2 =	spop (v2sf);
	(v2sf) =	vpush v2, $0xF  }
0x184: {  	[tilespmem:s29+$0x1B0] =	vst v10  }
0x185: {  	v2 =	vld [tilespmem:s2+$0x0]  }
0x186: {  	v7 =	vld [tilespmem:s2+$0x10]  }
0x187: {  	v8 =	vld [tilespmem:s2+$0x20]  }
0x188: {  	v9 =	vld [tilespmem:s2+$0x30];
	[tilespmem:s30+$0x200] =	vst v3  }
0x189: {  	[tilespmem:s30+$0x210] =	vst v4  }
0x18a: {  	[tilespmem:s30+$0x220] =	vst v5  }
0x18b: {  	[tilespmem:s30+$0x230] =	vst v6;
	s31 =	spop (v2sf)  }
0x18c: {  	v3 =	vld [tilespmem:s31+$0x0]  }
0x18d: {  	v4 =	vld [tilespmem:s31+$0x10]  }
0x18e: {  	v5 =	vld [tilespmem:s31+$0x20]  }
0x18f: {  	v6 =	vld [tilespmem:s31+$0x30];
	[tilespmem:s30+$0x280] =	vst v2  }
0x190: {  	[tilespmem:s30+$0x290] =	vst v7  }
0x191: {  	[tilespmem:s30+$0x2A0] =	vst v8  }
0x192: {  	[tilespmem:s30+$0x2B0] =	vst v9;
	s2 =	spop (v2sf)  }
0x193: {  	v2 =	vld [tilespmem:s2+$0x30]  }
0x194: {  	v7 =	vld [tilespmem:s2+$0x0]  }
0x195: {  	v8 =	vld [tilespmem:s2+$0x10]  }
0x196: {  	v9 =	vld [tilespmem:s2+$0x20];
	[tilespmem:s30+$0x300] =	vst v3  }
0x197: {  	[tilespmem:s30+$0x310] =	vst v4  }
0x198: {  	[tilespmem:s30+$0x320] =	vst v5  }
0x199: {  	[tilespmem:s30+$0x330] =	vst v6  }
0x19a: {  	[tilespmem:s30+$0x3B0] =	vst v2  }
0x19b: {  	[tilespmem:s30+$0x380] =	vst v7  }
0x19c: {  	[tilespmem:s30+$0x390] =	vst v8  }
0x19d: {  	[tilespmem:s30+$0x3A0] =	vst v9  }
0x19e: {  	v2 =	vld [tilespmem:s25+$0x130C0];
	_ =	sdelay $0x4  }
0x19f: {  	v2 =	vmul.u32 $0xC8, v2;
	_ =	sdelay $0x1  }
0x1a0: {  	v2 =	vadd.s32 v1, v2  }
0x1a1: {  	v2 =	vshll.u32 v2, $0x9  }
0x1a2: {  	v2 =	vshra.s32 v2, $0x2  }
0x1a3: {  	(v2sf) =	vpush v2, $0x0;
	_ =	sdelay $0x3  }
0x1a4: {  	(v2sf) =	vpush v2, $0x1;
	_ =	sdelay $0x6  }
0x1a5: {  	(v2sf) =	vpush v2, $0x2;
	_ =	sdelay $0x3  }
0x1a6: {  	s30 =	spop (v2sf)  }
0x1a7: {  	v3 =	vld [tilespmem:s30+$0x0]  }
0x1a8: {  	v4 =	vld [tilespmem:s30+$0x10]  }
0x1a9: {  	(v2sf) =	vpush v2, $0x3;
	v5 =	vld [tilespmem:s30+$0x20]  }
0x1aa: {  	v6 =	vld [tilespmem:s30+$0x30];
	s31 =	spop (v2sf)  }
0x1ab: {  	v7 =	vld [tilespmem:s31+$0x0]  }
0x1ac: {  	v8 =	vld [tilespmem:s31+$0x10]  }
0x1ad: {  	v9 =	vld [tilespmem:s31+$0x20]  }
0x1ae: {  	v10 =	vld [tilespmem:s31+$0x30];
	[tilespmem:$0x19380] =	vst v3  }
0x1af: {  	(v2sf) =	vpush v2, $0x4;
	[tilespmem:$0x19390] =	vst v4  }
0x1b0: {  	[tilespmem:$0x193A0] =	vst v5  }
0x1b1: {  	s2 =	spop (v2sf);
	[tilespmem:$0x193B0] =	vst v6  }
0x1b2: {  	v3 =	vld [tilespmem:s2+$0x0]  }
0x1b3: {  	v4 =	vld [tilespmem:s2+$0x10]  }
0x1b4: {  	v5 =	vld [tilespmem:s2+$0x20]  }
0x1b5: {  	v6 =	vld [tilespmem:s2+$0x30];
	[tilespmem:$0x19400] =	vst v7  }
0x1b6: {  	(v2sf) =	vpush v2, $0x5;
	[tilespmem:$0x19410] =	vst v8  }
0x1b7: {  	[tilespmem:$0x19420] =	vst v9  }
0x1b8: {  	[tilespmem:$0x19430] =	vst v10;
	s30 =	spop (v2sf)  }
0x1b9: {  	v7 =	vld [tilespmem:s30+$0x0]  }
0x1ba: {  	v8 =	vld [tilespmem:s30+$0x10]  }
0x1bb: {  	v9 =	vld [tilespmem:s30+$0x20]  }
0x1bc: {  	v10 =	vld [tilespmem:s30+$0x30];
	[tilespmem:$0x19480] =	vst v3  }
0x1bd: {  	[tilespmem:$0x19490] =	vst v4  }
0x1be: {  	[tilespmem:$0x194A0] =	vst v5;
	s31 =	spop (v2sf);
	(v2sf) =	vpush v2, $0x6  }
0x1bf: {  	[tilespmem:$0x194B0] =	vst v6  }
0x1c0: {  	v3 =	vld [tilespmem:s31+$0x0]  }
0x1c1: {  	v4 =	vld [tilespmem:s31+$0x10]  }
0x1c2: {  	v5 =	vld [tilespmem:s31+$0x20]  }
0x1c3: {  	v6 =	vld [tilespmem:s31+$0x30];
	[tilespmem:$0x19500] =	vst v7  }
0x1c4: {  	[tilespmem:$0x19510] =	vst v8  }
0x1c5: {  	s2 =	spop (v2sf);
	(v2sf) =	vpush v2, $0x7;
	[tilespmem:$0x19520] =	vst v9  }
0x1c6: {  	[tilespmem:$0x19530] =	vst v10  }
0x1c7: {  	v7 =	vld [tilespmem:s2+$0x0]  }
0x1c8: {  	v2 =	vld [tilespmem:s2+$0x10]  }
0x1c9: {  	v8 =	vld [tilespmem:s2+$0x20]  }
0x1ca: {  	v9 =	vld [tilespmem:s2+$0x30];
	[tilespmem:$0x19580] =	vst v3  }
0x1cb: {  	[tilespmem:$0x19590] =	vst v4  }
0x1cc: {  	[tilespmem:$0x195A0] =	vst v5  }
0x1cd: {  	[tilespmem:$0x195B0] =	vst v6;
	s30 =	spop (v2sf)  }
0x1ce: {  	v3 =	vld [tilespmem:s30+$0x0]  }
0x1cf: {  	v4 =	vld [tilespmem:s30+$0x10]  }
0x1d0: {  	v5 =	vld [tilespmem:s30+$0x20]  }
0x1d1: {  	v6 =	vld [tilespmem:s30+$0x30];
	[tilespmem:$0x19600] =	vst v7  }
0x1d2: {  	[tilespmem:$0x19610] =	vst v2  }
0x1d3: {  	[tilespmem:$0x19620] =	vst v8  }
0x1d4: {  	[tilespmem:$0x19630] =	vst v9;
	s31 =	spop (v2sf)  }
0x1d5: {  	v2 =	vld [tilespmem:s31+$0x0]  }
0x1d6: {  	v7 =	vld [tilespmem:s31+$0x10]  }
0x1d7: {  	v8 =	vld [tilespmem:s31+$0x20]  }
0x1d8: {  	v9 =	vld [tilespmem:s31+$0x30];
	[tilespmem:$0x19680] =	vst v3  }
0x1d9: {  	[tilespmem:$0x19690] =	vst v4  }
0x1da: {  	[tilespmem:$0x196A0] =	vst v5  }
0x1db: {  	[tilespmem:$0x196B0] =	vst v6  }
0x1dc: {  	[tilespmem:$0x19700] =	vst v2  }
0x1dd: {  	s26 =	smul.u32 $0xC80, s26;
	[tilespmem:$0x19710] =	vst v7  }
0x1de: {  	[tilespmem:$0x19720] =	vst v8  }
0x1df: {  	s1 =	simm.s32 @!p0 $0x2;
	s2 =	sadd.s32 s8, s26;
	v3 =	vmov s4;
	[tilespmem:$0x19730] =	vst v9  }
0x1e0: {  	[hbm4b:s2+s6] =	stream.linear.scatter [tilespmem:s20], [sflag:$0x1], $0x6400, $0x38;
	[tilespmem:$0x1FB80] =	vst v63  }
0x1e1: {  	_ =	swait.ge @!p0 [sflag:s1], $0x6400  }
0x1e2: {  	[sflag:s1] =	ssyncset.done @!p0 $0x0  }
0x1e3: {  	s30 =	simm.s32 $0x0;
	[sflag:s1] =	ssyncadd.s32 @!p0 $0xFFFF9C00  }
0x1e4: {  	v2 =	vld.idx.msk [tilespmem:v3+s30+$0x0 ss:$0x1], $0xffff;
	_ =	sdelay $0x4  }
0x1e5: {  	v2 =	vadd.s32 $0x258, v2  }
0x1e6: {  	v2 =	vshll.u32 v2, $0x9  }
0x1e7: {  	v2 =	vshra.s32 v2, $0x2  }
0x1e8: {  	(v2sf) =	vpush v2, $0x1;
	_ =	sdelay $0x1  }
0x1e9: {  	(v2sf) =	vpush v2, $0x0;
	_ =	sdelay $0x8  }
0x1ea: {  	(v2sf) =	vpush v2, $0x2;
	_ =	sdelay $0x3  }
0x1eb: {  	s31 =	spop (v2sf)  }
0x1ec: {  	(v2sf) =	vpush v2, $0x3;
	v4 =	vld [tilespmem:s31+$0x0]  }
0x1ed: {  	v5 =	vld [tilespmem:s31+$0x10];
	s2 =	spop (v2sf)  }
0x1ee: {  	v7 =	vld [tilespmem:s2+$0x0]  }
0x1ef: {  	v8 =	vld [tilespmem:s2+$0x10]  }
0x1f0: {  	v9 =	vld [tilespmem:s2+$0x20]  }
0x1f1: {  	v10 =	vld [tilespmem:s2+$0x30]  }
0x1f2: {  	s28 =	simm.s32 $0x19B80;
	v6 =	vld [tilespmem:s31+$0x20]  }
0x1f3: {  	v11 =	vld [tilespmem:s31+$0x30];
	[tilespmem:s28+$0xFFFFFC00] =	vst v7  }
0x1f4: {  	(v2sf) =	vpush v2, $0x4;
	[tilespmem:s28+$0xFFFFFC10] =	vst v8  }
0x1f5: {  	[tilespmem:s28+$0xFFFFFC20] =	vst v9  }
0x1f6: {  	s4 =	spop (v2sf);
	[tilespmem:s28+$0xFFFFFC30] =	vst v10  }
0x1f7: {  	v7 =	vld [tilespmem:s4+$0x0]  }
0x1f8: {  	v8 =	vld [tilespmem:s4+$0x10]  }
0x1f9: {  	v9 =	vld [tilespmem:s4+$0x20]  }
0x1fa: {  	v10 =	vld [tilespmem:s4+$0x30];
	[tilespmem:s28+$0xFFFFFC80] =	vst v4  }
0x1fb: {  	[tilespmem:s28+$0xFFFFFC90] =	vst v5;
	s30 =	spop (v2sf);
	(v2sf) =	vpush v2, $0x5  }
0x1fc: {  	[tilespmem:s28+$0xFFFFFCA0] =	vst v6  }
0x1fd: {  	[tilespmem:s28+$0xFFFFFCB0] =	vst v11  }
0x1fe: {  	v11 =	vld [tilespmem:s30+$0x0]  }
0x1ff: {  	v12 =	vld [tilespmem:s30+$0x10]  }
0x200: {  	v13 =	vld [tilespmem:s30+$0x20]  }
0x201: {  	v14 =	vld [tilespmem:s30+$0x30];
	[tilespmem:s28+$0xFFFFFD00] =	vst v7  }
0x202: {  	[tilespmem:s28+$0xFFFFFD10] =	vst v8  }
0x203: {  	[tilespmem:s28+$0xFFFFFD20] =	vst v9;
	s31 =	spop (v2sf);
	(v2sf) =	vpush v2, $0x6  }
0x204: {  	[tilespmem:s28+$0xFFFFFD30] =	vst v10  }
0x205: {  	v4 =	vld [tilespmem:s31+$0x0]  }
0x206: {  	v5 =	vld [tilespmem:s31+$0x10]  }
0x207: {  	v6 =	vld [tilespmem:s31+$0x20]  }
0x208: {  	v7 =	vld [tilespmem:s31+$0x30];
	[tilespmem:s28+$0xFFFFFD80] =	vst v11  }
0x209: {  	[tilespmem:s28+$0xFFFFFD90] =	vst v12  }
0x20a: {  	[tilespmem:s28+$0xFFFFFDA0] =	vst v13;
	s1 =	spop (v2sf);
	(v2sf) =	vpush v2, $0x7  }
0x20b: {  	[tilespmem:s28+$0xFFFFFDB0] =	vst v14  }
0x20c: {  	v8 =	vld [tilespmem:s1+$0x0]  }
0x20d: {  	s29 =	simm.s32 $0x19B80;
	s4 =	simm.s32 $0x40;
	v9 =	vld [tilespmem:s1+$0x10]  }
.LBB2_11:
0x20e: {  	p0 =	sne.s32 s4, $0x2C0;
	v10 =	vld [tilespmem:s1+$0x20]  }
0x20f: {  	v11 =	vld [tilespmem:s1+$0x30];
	[tilespmem:s28+$0xFFFFFE00] =	vst v4  }
0x210: {  	[tilespmem:s28+$0xFFFFFE10] =	vst v5  }
0x211: {  	[tilespmem:s28+$0xFFFFFE20] =	vst v6;
	(v2sf) =	vpush v2, $0x8  }
0x212: {  	[tilespmem:s28+$0xFFFFFE30] =	vst v7;
	s1 =	spop (v2sf)  }
0x213: {  	v4 =	vld [tilespmem:s1+$0x0]  }
0x214: {  	v5 =	vld [tilespmem:s1+$0x10]  }
0x215: {  	v6 =	vld [tilespmem:s1+$0x20]  }
0x216: {  	v7 =	vld [tilespmem:s1+$0x30];
	[tilespmem:s28+$0xFFFFFE80] =	vst v8  }
0x217: {  	[tilespmem:s28+$0xFFFFFE90] =	vst v9  }
0x218: {  	s1 =	sshra.s32 s4, $0x2;
	[tilespmem:s28+$0xFFFFFEA0] =	vst v10;
	(v2sf) =	vpush v2, $0x9  }
0x219: {  	v8 =	vld.idx.msk [tilespmem:v3+s1+$0x0 ss:$0x1], $0xffff;
	[tilespmem:s28+$0xFFFFFEB0] =	vst v11;
	s1 =	spop (v2sf)  }
0x21a: {  	v9 =	vld [tilespmem:s1+$0x0]  }
0x21b: {  	v10 =	vld [tilespmem:s1+$0x10]  }
0x21c: {  	v11 =	vld [tilespmem:s1+$0x20]  }
0x21d: {  	v12 =	vld [tilespmem:s1+$0x30];
	[tilespmem:s28+$0xFFFFFF00] =	vst v4  }
0x21e: {  	[tilespmem:s28+$0xFFFFFF10] =	vst v5  }
0x21f: {  	[tilespmem:s28+$0xFFFFFF20] =	vst v6;
	(v2sf) =	vpush v2, $0xA  }
0x220: {  	[tilespmem:s28+$0xFFFFFF30] =	vst v7;
	s1 =	spop (v2sf)  }
0x221: {  	v4 =	vadd.s32 $0x258, v8;
	v5 =	vld [tilespmem:s1+$0x0]  }
0x222: {  	v4 =	vshll.u32 v4, $0x9;
	v6 =	vld [tilespmem:s1+$0x10]  }
0x223: {  	v4 =	vshra.s32 v4, $0x2;
	v7 =	vld [tilespmem:s1+$0x20]  }
0x224: {  	(v2sf) =	vpush v4, $0x1;
	v8 =	vld [tilespmem:s1+$0x30];
	[tilespmem:s28+$0xFFFFFF80] =	vst v9  }
0x225: {  	[tilespmem:s28+$0xFFFFFF90] =	vst v10  }
0x226: {  	[tilespmem:s28+$0xFFFFFFA0] =	vst v11;
	(v2sf) =	vpush v2, $0xB  }
0x227: {  	[tilespmem:s28+$0xFFFFFFB0] =	vst v12;
	s1 =	spop (v2sf)  }
0x228: {  	v9 =	vld [tilespmem:s1+$0x0]  }
0x229: {  	v10 =	vld [tilespmem:s1+$0x10]  }
0x22a: {  	v11 =	vld [tilespmem:s1+$0x20]  }
0x22b: {  	v12 =	vld [tilespmem:s1+$0x30];
	[tilespmem:s28+$0x0] =	vst v5  }
0x22c: {  	(v2sf) =	vpush v4, $0x0;
	[tilespmem:s28+$0x10] =	vst v6  }
0x22d: {  	[tilespmem:s28+$0x20] =	vst v7;
	(v2sf) =	vpush v2, $0xC  }
0x22e: {  	[tilespmem:s28+$0x30] =	vst v8;
	s1 =	spop (v2sf)  }
0x22f: {  	v5 =	vld [tilespmem:s1+$0x0]  }
0x230: {  	v6 =	vld [tilespmem:s1+$0x10]  }
0x231: {  	v7 =	vld [tilespmem:s1+$0x20]  }
0x232: {  	v8 =	vld [tilespmem:s1+$0x30];
	[tilespmem:s28+$0x80] =	vst v9  }
0x233: {  	s1 =	spop (v2sf);
	[tilespmem:s28+$0x90] =	vst v10  }
0x234: {  	v9 =	vld [tilespmem:s1+$0x0];
	[tilespmem:s28+$0xA0] =	vst v11;
	(v2sf) =	vpush v2, $0xD  }
0x235: {  	v10 =	vld [tilespmem:s1+$0x10];
	[tilespmem:s28+$0xB0] =	vst v12;
	s2 =	spop (v2sf)  }
0x236: {  	v11 =	vld [tilespmem:s2+$0x0]  }
0x237: {  	v12 =	vld [tilespmem:s2+$0x10]  }
0x238: {  	v13 =	vld [tilespmem:s2+$0x20]  }
0x239: {  	v14 =	vld [tilespmem:s2+$0x30];
	[tilespmem:s28+$0x100] =	vst v5  }
0x23a: {  	v5 =	vld [tilespmem:s1+$0x20];
	[tilespmem:s28+$0x110] =	vst v6  }
0x23b: {  	v6 =	vld [tilespmem:s1+$0x30];
	s1 =	spop (v2sf);
	[tilespmem:s28+$0x120] =	vst v7;
	(v2sf) =	vpush v2, $0xE  }
0x23c: {  	v7 =	vld [tilespmem:s1+$0x0];
	[tilespmem:s28+$0x130] =	vst v8;
	s2 =	spop (v2sf)  }
0x23d: {  	v8 =	vld [tilespmem:s2+$0x0]  }
0x23e: {  	v15 =	vld [tilespmem:s2+$0x10]  }
0x23f: {  	(v2sf) =	vpush v4, $0x2;
	v16 =	vld [tilespmem:s2+$0x20]  }
0x240: {  	v17 =	vld [tilespmem:s2+$0x30];
	[tilespmem:s28+$0x180] =	vst v11  }
0x241: {  	v11 =	vld [tilespmem:s1+$0x10];
	[tilespmem:s28+$0x190] =	vst v12  }
0x242: {  	v12 =	vld [tilespmem:s1+$0x20];
	[tilespmem:s28+$0x1A0] =	vst v13;
	(v2sf) =	vpush v2, $0xF;
	v2 =	vmov v4  }
0x243: {  	v4 =	vld [tilespmem:s1+$0x30];
	[tilespmem:s28+$0x1B0] =	vst v14;
	s1 =	spop (v2sf)  }
0x244: {  	v13 =	vld [tilespmem:s1+$0x0]  }
0x245: {  	s28 =	sadd.s32 $0x800, s28;
	v14 =	vld [tilespmem:s1+$0x10]  }
0x246: {  	[tilespmem:s28+$0xFFFFFC00] =	vst v7;
	v7 =	vld [tilespmem:s1+$0x20]  }
0x247: {  	v18 =	vld [tilespmem:s1+$0x30];
	[tilespmem:s29+$0x200] =	vst v8  }
0x248: {  	(v2sf) =	vpush v2, $0x3;
	[tilespmem:s29+$0x210] =	vst v15  }
0x249: {  	[tilespmem:s29+$0x220] =	vst v16  }
0x24a: {  	[tilespmem:s29+$0x230] =	vst v17;
	s1 =	spop (v2sf)  }
0x24b: {  	[tilespmem:s28+$0xFFFFFC10] =	vst v11;
	v8 =	vld [tilespmem:s1+$0x0]  }
0x24c: {  	[tilespmem:s28+$0xFFFFFC20] =	vst v12;
	v11 =	vld [tilespmem:s1+$0x10]  }
0x24d: {  	[tilespmem:s28+$0xFFFFFC30] =	vst v4;
	v12 =	vld [tilespmem:s1+$0x20]  }
0x24e: {  	s2 =	spop (v2sf);
	v15 =	vld [tilespmem:s1+$0x30];
	[tilespmem:s29+$0x280] =	vst v13  }
0x24f: {  	v4 =	vld [tilespmem:s2+$0x0];
	(v2sf) =	vpush v2, $0x4;
	[tilespmem:s29+$0x290] =	vst v14  }
0x250: {  	v13 =	vld [tilespmem:s2+$0x10];
	[tilespmem:s29+$0x2A0] =	vst v7  }
0x251: {  	v7 =	vld [tilespmem:s2+$0x20];
	[tilespmem:s29+$0x2B0] =	vst v18;
	s1 =	spop (v2sf)  }
0x252: {  	v14 =	vld [tilespmem:s1+$0x30]  }
0x253: {  	v16 =	vld [tilespmem:s2+$0x30];
	[tilespmem:s28+$0xFFFFFC80] =	vst v9  }
0x254: {  	[tilespmem:s28+$0xFFFFFC90] =	vst v10  }
0x255: {  	[tilespmem:s28+$0xFFFFFCA0] =	vst v5;
	v5 =	vld [tilespmem:s1+$0x0]  }
0x256: {  	[tilespmem:s28+$0xFFFFFCB0] =	vst v6;
	(v2sf) =	vpush v2, $0x5;
	v6 =	vld [tilespmem:s1+$0x10]  }
0x257: {  	s2 =	spop (v2sf);
	v9 =	vld [tilespmem:s1+$0x20];
	[tilespmem:s29+$0x3B0] =	vst v14  }
0x258: {  	v10 =	vld [tilespmem:s2+$0x0];
	[tilespmem:s29+$0x300] =	vst v8  }
0x259: {  	v8 =	vld [tilespmem:s2+$0x10];
	[tilespmem:s29+$0x310] =	vst v11  }
0x25a: {  	v11 =	vld [tilespmem:s2+$0x20];
	[tilespmem:s29+$0x380] =	vst v5  }
0x25b: {  	v14 =	vld [tilespmem:s2+$0x30];
	[tilespmem:s28+$0xFFFFFD00] =	vst v4  }
0x25c: {  	[tilespmem:s28+$0xFFFFFD10] =	vst v13  }
0x25d: {  	[tilespmem:s28+$0xFFFFFD20] =	vst v7;
	(v2sf) =	vpush v2, $0x6  }
0x25e: {  	[tilespmem:s28+$0xFFFFFD30] =	vst v16;
	s1 =	spop (v2sf)  }
0x25f: {  	v4 =	vld [tilespmem:s1+$0x0];
	[tilespmem:s29+$0x390] =	vst v6  }
0x260: {  	v5 =	vld [tilespmem:s1+$0x10];
	[tilespmem:s29+$0x3A0] =	vst v9  }
0x261: {  	v6 =	vld [tilespmem:s1+$0x20];
	[tilespmem:s29+$0x320] =	vst v12  }
0x262: {  	v7 =	vld [tilespmem:s1+$0x30];
	[tilespmem:s28+$0xFFFFFD80] =	vst v10  }
.Ltmp5:
0x263: {  	[tilespmem:s28+$0xFFFFFD90] =	vst v8;
	(pc) =	sbr.rel @p0 .LBB2_11-.Ltmp5, $4  }
0x264: {  	[tilespmem:s28+$0xFFFFFDA0] =	vst v11;
	(v2sf) =	vpush v2, $0x7  }
0x265: {  	[tilespmem:s28+$0xFFFFFDB0] =	vst v14;
	s1 =	spop (v2sf)  }
0x266: {  	v8 =	vld [tilespmem:s1+$0x0];
	[tilespmem:s29+$0x330] =	vst v15;
	s29 =	smov.u32 s28  }
0x267: {  	s4 =	sadd.s32 $0x40, s4;
	v9 =	vld [tilespmem:s1+$0x10]  }
0x268: {  	_ =	sdelay $0x3  }
0x269: {  	v3 =	vld [tilespmem:s1+$0x20];
	s4 =	spop (v2sf);
	(v2sf) =	vpush v2, $0x8  }
0x26a: {  	v10 =	vld [tilespmem:s1+$0x30];
	[tilespmem:s28+$0xFFFFFE00] =	vst v4  }
0x26b: {  	[tilespmem:s28+$0xFFFFFE10] =	vst v5  }
0x26c: {  	[tilespmem:s28+$0xFFFFFE20] =	vst v6  }
0x26d: {  	[tilespmem:s28+$0xFFFFFE30] =	vst v7  }
0x26e: {  	v4 =	vld [tilespmem:s4+$0x0]  }
0x26f: {  	v5 =	vld [tilespmem:s4+$0x10]  }
0x270: {  	v6 =	vld [tilespmem:s4+$0x20];
	(v2sf) =	vpush v2, $0x9  }
0x271: {  	v7 =	vld [tilespmem:s4+$0x30];
	[tilespmem:s28+$0xFFFFFE80] =	vst v8  }
0x272: {  	[tilespmem:s28+$0xFFFFFE90] =	vst v9  }
0x273: {  	[tilespmem:s28+$0xFFFFFEA0] =	vst v3  }
0x274: {  	[tilespmem:s28+$0xFFFFFEB0] =	vst v10;
	s30 =	spop (v2sf)  }
0x275: {  	v3 =	vld [tilespmem:s30+$0x0]  }
0x276: {  	v8 =	vld [tilespmem:s30+$0x10]  }
0x277: {  	v9 =	vld [tilespmem:s30+$0x20]  }
0x278: {  	v10 =	vld [tilespmem:s30+$0x30];
	[tilespmem:s28+$0xFFFFFF00] =	vst v4;
	s31 =	spop (v2sf);
	(v2sf) =	vpush v2, $0xA  }
0x279: {  	[tilespmem:s28+$0xFFFFFF10] =	vst v5  }
0x27a: {  	[tilespmem:s28+$0xFFFFFF20] =	vst v6  }
0x27b: {  	[tilespmem:s28+$0xFFFFFF30] =	vst v7  }
0x27c: {  	v4 =	vld [tilespmem:s31+$0x0]  }
0x27d: {  	v5 =	vld [tilespmem:s31+$0x10]  }
0x27e: {  	v6 =	vld [tilespmem:s31+$0x20]  }
0x27f: {  	v7 =	vld [tilespmem:s31+$0x30];
	[tilespmem:s28+$0xFFFFFF80] =	vst v3;
	s2 =	spop (v2sf);
	(v2sf) =	vpush v2, $0xB  }
0x280: {  	[tilespmem:s28+$0xFFFFFF90] =	vst v8  }
0x281: {  	[tilespmem:s28+$0xFFFFFFA0] =	vst v9  }
0x282: {  	[tilespmem:s28+$0xFFFFFFB0] =	vst v10  }
0x283: {  	v3 =	vld [tilespmem:s2+$0x0]  }
0x284: {  	v8 =	vld [tilespmem:s2+$0x10]  }
0x285: {  	v9 =	vld [tilespmem:s2+$0x20]  }
0x286: {  	v10 =	vld [tilespmem:s2+$0x30];
	[tilespmem:s28+$0x0] =	vst v4  }
0x287: {  	[tilespmem:s28+$0x10] =	vst v5;
	s4 =	spop (v2sf);
	(v2sf) =	vpush v2, $0xC  }
0x288: {  	[tilespmem:s28+$0x20] =	vst v6  }
0x289: {  	[tilespmem:s28+$0x30] =	vst v7  }
0x28a: {  	v4 =	vld [tilespmem:s4+$0x0]  }
0x28b: {  	v5 =	vld [tilespmem:s4+$0x10]  }
0x28c: {  	v6 =	vld [tilespmem:s4+$0x20]  }
0x28d: {  	v7 =	vld [tilespmem:s4+$0x30];
	[tilespmem:s28+$0x80] =	vst v3  }
0x28e: {  	[tilespmem:s28+$0x90] =	vst v8;
	s30 =	spop (v2sf);
	(v2sf) =	vpush v2, $0xD  }
0x28f: {  	[tilespmem:s28+$0xA0] =	vst v9  }
0x290: {  	[tilespmem:s28+$0xB0] =	vst v10  }
0x291: {  	v3 =	vld [tilespmem:s30+$0x0]  }
0x292: {  	v8 =	vld [tilespmem:s30+$0x10]  }
0x293: {  	v9 =	vld [tilespmem:s30+$0x20]  }
0x294: {  	v10 =	vld [tilespmem:s30+$0x30];
	[tilespmem:s28+$0x100] =	vst v4  }
0x295: {  	[tilespmem:s28+$0x110] =	vst v5  }
0x296: {  	[tilespmem:s28+$0x120] =	vst v6;
	s31 =	spop (v2sf);
	(v2sf) =	vpush v2, $0xE  }
0x297: {  	[tilespmem:s28+$0x130] =	vst v7  }
0x298: {  	v4 =	vld [tilespmem:s31+$0x0]  }
0x299: {  	v5 =	vld [tilespmem:s31+$0x10]  }
0x29a: {  	v6 =	vld [tilespmem:s31+$0x20]  }
0x29b: {  	v7 =	vld [tilespmem:s31+$0x30];
	[tilespmem:s28+$0x180] =	vst v3  }
0x29c: {  	[tilespmem:s28+$0x190] =	vst v8  }
0x29d: {  	[tilespmem:s28+$0x1A0] =	vst v9;
	s2 =	spop (v2sf);
	(v2sf) =	vpush v2, $0xF  }
0x29e: {  	[tilespmem:s28+$0x1B0] =	vst v10  }
0x29f: {  	v2 =	vld [tilespmem:s2+$0x0]  }
0x2a0: {  	v3 =	vld [tilespmem:s2+$0x10]  }
0x2a1: {  	v8 =	vld [tilespmem:s2+$0x20]  }
0x2a2: {  	v9 =	vld [tilespmem:s2+$0x30];
	[tilespmem:s29+$0x200] =	vst v4  }
0x2a3: {  	[tilespmem:s29+$0x210] =	vst v5  }
0x2a4: {  	[tilespmem:s29+$0x220] =	vst v6  }
0x2a5: {  	[tilespmem:s29+$0x230] =	vst v7;
	s4 =	spop (v2sf)  }
0x2a6: {  	v4 =	vld [tilespmem:s4+$0x0]  }
0x2a7: {  	v5 =	vld [tilespmem:s4+$0x10]  }
0x2a8: {  	v6 =	vld [tilespmem:s4+$0x20]  }
0x2a9: {  	v7 =	vld [tilespmem:s4+$0x30];
	[tilespmem:s29+$0x280] =	vst v2  }
0x2aa: {  	[tilespmem:s29+$0x290] =	vst v3  }
0x2ab: {  	[tilespmem:s29+$0x2A0] =	vst v8  }
0x2ac: {  	[tilespmem:s29+$0x2B0] =	vst v9;
	s28 =	spop (v2sf)  }
0x2ad: {  	v2 =	vld [tilespmem:s28+$0x30]  }
0x2ae: {  	v3 =	vld [tilespmem:s28+$0x0]  }
0x2af: {  	v8 =	vld [tilespmem:s28+$0x10]  }
0x2b0: {  	v9 =	vld [tilespmem:s28+$0x20];
	[tilespmem:s29+$0x300] =	vst v4  }
0x2b1: {  	[tilespmem:s29+$0x310] =	vst v5  }
0x2b2: {  	[tilespmem:s29+$0x320] =	vst v6  }
0x2b3: {  	[tilespmem:s29+$0x330] =	vst v7  }
0x2b4: {  	[tilespmem:s29+$0x3B0] =	vst v2  }
0x2b5: {  	[tilespmem:s29+$0x380] =	vst v3  }
0x2b6: {  	[tilespmem:s29+$0x390] =	vst v8  }
0x2b7: {  	[tilespmem:s29+$0x3A0] =	vst v9  }
0x2b8: {  	v2 =	vld [tilespmem:s25+$0x130C0];
	_ =	sdelay $0x4  }
0x2b9: {  	v2 =	vadd.s32 $0x258, v2  }
0x2ba: {  	v2 =	vshll.u32 v2, $0x9  }
0x2bb: {  	v2 =	vshra.s32 v2, $0x2  }
0x2bc: {  	(v2sf) =	vpush v2, $0x0;
	_ =	sdelay $0x3  }
0x2bd: {  	(v2sf) =	vpush v2, $0x1;
	_ =	sdelay $0x6  }
0x2be: {  	(v2sf) =	vpush v2, $0x2;
	_ =	sdelay $0x3  }
0x2bf: {  	s30 =	spop (v2sf)  }
0x2c0: {  	(v2sf) =	vpush v2, $0x3;
	v3 =	vld [tilespmem:s30+$0x0]  }
0x2c1: {  	v4 =	vld [tilespmem:s30+$0x10]  }
0x2c2: {  	v5 =	vld [tilespmem:s30+$0x20]  }
0x2c3: {  	v6 =	vld [tilespmem:s30+$0x30];
	s31 =	spop (v2sf)  }
0x2c4: {  	v7 =	vld [tilespmem:s31+$0x0]  }
0x2c5: {  	v8 =	vld [tilespmem:s31+$0x10]  }
0x2c6: {  	v9 =	vld [tilespmem:s31+$0x20]  }
0x2c7: {  	v10 =	vld [tilespmem:s31+$0x30];
	[tilespmem:$0x1F780] =	vst v3  }
0x2c8: {  	(v2sf) =	vpush v2, $0x4;
	[tilespmem:$0x1F790] =	vst v4  }
0x2c9: {  	[tilespmem:$0x1F7A0] =	vst v5  }
0x2ca: {  	s2 =	spop (v2sf);
	[tilespmem:$0x1F7B0] =	vst v6  }
0x2cb: {  	v3 =	vld [tilespmem:s2+$0x0]  }
0x2cc: {  	v4 =	vld [tilespmem:s2+$0x10]  }
0x2cd: {  	v5 =	vld [tilespmem:s2+$0x20]  }
0x2ce: {  	v6 =	vld [tilespmem:s2+$0x30];
	[tilespmem:$0x1F800] =	vst v7  }
0x2cf: {  	[tilespmem:$0x1F810] =	vst v8;
	s4 =	spop (v2sf);
	(v2sf) =	vpush v2, $0x5  }
0x2d0: {  	[tilespmem:$0x1F820] =	vst v9  }
0x2d1: {  	[tilespmem:$0x1F830] =	vst v10  }
0x2d2: {  	v7 =	vld [tilespmem:s4+$0x0]  }
0x2d3: {  	v8 =	vld [tilespmem:s4+$0x10]  }
0x2d4: {  	v9 =	vld [tilespmem:s4+$0x20]  }
0x2d5: {  	v10 =	vld [tilespmem:s4+$0x30];
	[tilespmem:$0x1F880] =	vst v3  }
0x2d6: {  	[tilespmem:$0x1F890] =	vst v4  }
0x2d7: {  	[tilespmem:$0x1F8A0] =	vst v5;
	s25 =	spop (v2sf);
	(v2sf) =	vpush v2, $0x6  }
0x2d8: {  	[tilespmem:$0x1F8B0] =	vst v6  }
0x2d9: {  	v3 =	vld [tilespmem:s25+$0x0]  }
0x2da: {  	v4 =	vld [tilespmem:s25+$0x10]  }
0x2db: {  	v5 =	vld [tilespmem:s25+$0x20]  }
0x2dc: {  	v6 =	vld [tilespmem:s25+$0x30];
	[tilespmem:$0x1F900] =	vst v7  }
0x2dd: {  	[tilespmem:$0x1F910] =	vst v8  }
0x2de: {  	[tilespmem:$0x1F920] =	vst v9;
	s28 =	spop (v2sf);
	(v2sf) =	vpush v2, $0x7  }
0x2df: {  	[tilespmem:$0x1F930] =	vst v10  }
0x2e0: {  	v7 =	vld [tilespmem:s28+$0x0]  }
0x2e1: {  	v2 =	vld [tilespmem:s28+$0x10]  }
0x2e2: {  	v8 =	vld [tilespmem:s28+$0x20]  }
0x2e3: {  	v9 =	vld [tilespmem:s28+$0x30];
	[tilespmem:$0x1F980] =	vst v3  }
0x2e4: {  	[tilespmem:$0x1F990] =	vst v4  }
0x2e5: {  	[tilespmem:$0x1F9A0] =	vst v5  }
0x2e6: {  	[tilespmem:$0x1F9B0] =	vst v6;
	s29 =	spop (v2sf)  }
0x2e7: {  	v3 =	vld [tilespmem:s29+$0x0]  }
0x2e8: {  	v4 =	vld [tilespmem:s29+$0x10]  }
0x2e9: {  	v5 =	vld [tilespmem:s29+$0x20]  }
0x2ea: {  	v6 =	vld [tilespmem:s29+$0x30];
	[tilespmem:$0x1FA00] =	vst v7  }
0x2eb: {  	[tilespmem:$0x1FA10] =	vst v2  }
0x2ec: {  	[tilespmem:$0x1FA20] =	vst v8  }
0x2ed: {  	[tilespmem:$0x1FA30] =	vst v9;
	s30 =	spop (v2sf)  }
0x2ee: {  	v2 =	vld [tilespmem:s30+$0x0]  }
0x2ef: {  	v7 =	vld [tilespmem:s30+$0x10]  }
0x2f0: {  	v8 =	vld [tilespmem:s30+$0x20]  }
0x2f1: {  	v9 =	vld [tilespmem:s30+$0x30];
	[tilespmem:$0x1FA80] =	vst v3  }
0x2f2: {  	[tilespmem:$0x1FA90] =	vst v4  }
0x2f3: {  	s24 =	sadd.s32 $0x1, s24;
	[tilespmem:$0x1FAA0] =	vst v5  }
0x2f4: {  	p0 =	sne.s32 s24, $0x20;
	[tilespmem:$0x1FAB0] =	vst v6  }
.Ltmp6:
0x2f5: {  	[tilespmem:$0x1FB00] =	vst v2;
	(pc) =	sbr.rel @p0 .LBB2_4-.Ltmp6, $4  }
0x2f6: {  	[tilespmem:$0x1FB10] =	vst v7  }
0x2f7: {  	[tilespmem:$0x1FB20] =	vst v8  }
0x2f8: {  	s31 =	sadd.s32 s9, s26;
	[tilespmem:$0x1FB30] =	vst v9  }
0x2f9: {  	[hbm4b:s31+s6] =	stream.linear.scatter [tilespmem:s21], [sflag:$0x2], $0x6400, $0x38;
	[tilespmem:$0x1FB80] =	vst v63  }
0x2fa: {  	s23 =	sadd.s32 $0x1, s23  }
0x2fb: {  	_ =	swait.ge [sflag:s19], $0x6400;
	p0 =	sne.s32 s23, s12  }
.Ltmp7:
0x2fc: {  	[sflag:s19] =	ssyncset.done $0x0;
	(pc) =	sbr.rel @p0 .LBB2_1-.Ltmp7, $4  }
0x2fd: {  	[sflag:s19] =	ssyncadd.s32 $0xFFFF9C00  }
0x2fe: {  	_ =	swait.ge [sflag:s22], $0x6400  }
0x2ff: {  	[sflag:s22] =	ssyncset.done $0x0  }
0x300: {  	[sflag:s22] =	ssyncadd.s32 $0xFFFF9C00  }
0x301: {  	_ =	sfence.sel $0x180000  }
0x302: {  	[bflag:$0x0] =	sbarrier.arrive $0xFFFF  }
0x303: {  	_ =	strace $0x90000047  }
0x304: {  	s0 =	stileid.u32;
	[bflag:$0x2] =	sbarrier.arrive $0xFFFF  }
0x305: {  	p0 =	sne.s32 s0, $0x0;
	s0 =	rddreg [dreg:$0x5]  }
0x306: {  	s0 =	sadd.s32 @!p0 $0x100000, s0  }
0x307: {  	[sflag:s0] =	ssyncadd.tile.s32 @!p0 $0x1;
	_ =	shalt  }
.Lfunc_end2:
_tile_overlayer_lowered:
.L_overlay_start_2:
0x308: {  	(tag) =	ssettag $0x2  }
0x309: {  	s0 =	rddreg [dreg:$0x0];
	s2 =	stileid.u32  }
0x30a: {  	s1 =	rddreg [dreg:$0x1];
	p0 =	sne.s32 s2, $0x0  }
0x30b: {  	s3 =	rddreg [dreg:$0x2];
	[bflag:$0x3] =	sbarrier.arrive $0xFFFF;
	s2 =	simm.s32 @!p0 $0x1C03  }
0x30c: {  	[timem:s3], [sflag:s2] =	dma.local @!p0 [hbm:s0], s1  }
0x30d: {  	s0 =	simm.s32 @!p0 $0x3  }
0x30e: {  	_ =	swait.ge @!p0 [sflag:s0], s1  }
0x30f: {  	s1 =	ssub.s32 @!p0 $0x0, s1;
	[sflag:s0] =	ssyncset.done @!p0 $0x0  }
0x310: {  	[sflag:s0] =	ssyncadd.s32 @!p0 s1  }
0x311: {  	[bflag:$0x3] =	sbarrier.arrive $0xFFFF  }
0x312: {  	_ =	shalt  }

</sc_bundles>
